<compile_context>
chip_gen: v7x
topology: tpu7x:2x2x1
jax: 0.10.2.dev20260603
libtpu: 0.0.44.dev20260713+nightly
codegen_flags: <defaults>
</compile_context>

<pallas_src>
import functools
import math

import jax
import jax.numpy as jnp
from jax import lax
from jax.experimental import pallas as pl
from jax.experimental.pallas import tpu as pltpu
from jax.experimental.pallas import tpu_sc as plsc

DIM = 64
LANES = 16
CHUNK = 128
GBUF = 4
OBUF = 2
SCALE = math.sqrt(DIM)

ROWS_PER_IT = 4


def _scale_chunk(src, bg, dst, bo):

    def rows(i, carry):
        r0 = i * ROWS_PER_IT
        vals = []
        for dr in range(ROWS_PER_IT):
            for k in range(DIM // LANES):
                sl = pl.ds(k * LANES, LANES)
                vals.append((dr, sl, src[bg, r0 + dr, sl] * SCALE))
        for dr, sl, v in vals:
            dst[bo, r0 + dr, sl] = v
        return carry

    lax.fori_loop(0, CHUNK // ROWS_PER_IT, rows, 0)


@functools.lru_cache(maxsize=None)
def _make_gather(NW, NC, n_chunks, b_per_w, B):
    mesh = plsc.VectorSubcoreMesh(core_axis_name="c", subcore_axis_name="s")

    @functools.partial(
        pl.kernel,
        out_type=jax.ShapeDtypeStruct((B, DIM), jnp.float32),
        mesh=mesh,
        compiler_params=pltpu.CompilerParams(
            use_tc_tiling_on_sc=True, needs_layout_passes=False
        ),
        scratch_types=[
            pltpu.VMEM((n_chunks, CHUNK), jnp.int32),
            pltpu.VMEM((GBUF, CHUNK, 2 * DIM), jnp.float32),
            pltpu.VMEM((OBUF, CHUNK, DIM), jnp.float32),
            pltpu.SemaphoreType.DMA,
            pltpu.SemaphoreType.DMA,
            pltpu.SemaphoreType.DMA,
            pltpu.SemaphoreType.DMA,
            pltpu.SemaphoreType.DMA,
            pltpu.SemaphoreType.DMA,
        ],
    )
    def body(idx_hbm, table_hbm, out_hbm, idx_v, bufg, bufo,
             sg0, sg1, sg2, sg3, so0, so1):
        semg = (sg0, sg1, sg2, sg3)
        semo = (so0, so1)
        wid = lax.axis_index("s") * NC + lax.axis_index("c")
        base = wid * b_per_w
        pltpu.sync_copy(idx_hbm.at[wid], idx_v)

        def g_start(j, b):
            pltpu.async_copy(table_hbm.at[idx_v.at[j]], bufg.at[b], semg[b])

        def g_wait(j, b):
            pltpu.make_async_copy(
                table_hbm.at[idx_v.at[j]], bufg.at[b], semg[b]
            ).wait()

        def o_start(j, b):
            pltpu.async_copy(
                bufo.at[b], out_hbm.at[pl.ds(base + j * CHUNK, CHUNK)], semo[b]
            )

        def o_wait(j, b):
            pltpu.make_async_copy(
                bufo.at[b], out_hbm.at[pl.ds(base + j * CHUNK, CHUNK)], semo[b]
            ).wait()

        for b in range(GBUF):
            g_start(b, b)

        for j in range(GBUF):
            g_wait(j, j % GBUF)
            if j >= OBUF:
                o_wait(j - OBUF, j % OBUF)
            _scale_chunk(bufg, j % GBUF, bufo, j % OBUF)
            g_start(j + GBUF, j % GBUF)
            o_start(j, j % OBUF)

        def outer(i, carry):
            for b in range(GBUF):
                j = i * GBUF + b
                bo = b % OBUF
                g_wait(j, b)
                o_wait(j - OBUF, bo)
                _scale_chunk(bufg, b, bufo, bo)
                g_start(j + GBUF, b)
                o_start(j, bo)
            return carry

        lax.fori_loop(1, n_chunks // GBUF - 1, outer, 0)

        for t in range(GBUF):
            j = n_chunks - GBUF + t
            g_wait(j, j % GBUF)
            o_wait(j - OBUF, (j - OBUF) % OBUF)
            _scale_chunk(bufg, j % GBUF, bufo, j % OBUF)
            o_start(j, j % OBUF)
        for t in range(OBUF):
            j = n_chunks - OBUF + t
            o_wait(j, j % OBUF)

    return body


def kernel(x, table):
    batch, seq = x.shape
    B = batch * seq
    info = plsc.get_sparse_core_info()
    NC, NS = info.num_cores, info.num_subcores
    NW = NC * NS
    b_per_w = B // NW
    n_chunks = b_per_w // CHUNK
    idx = x.reshape(NW, n_chunks, CHUNK).astype(jnp.int32)
    table2 = jnp.pad(table, ((0, 0), (0, DIM)))
    out = _make_gather(NW, NC, n_chunks, b_per_w, B)(idx, table2)
    return out.reshape(batch, seq, DIM)

# --- scband reference (transcript-rebuilt; emitter-appended) ---
"""Pipeline reference for scband-embedding-83494164234634 (READ-ONLY COPY).

The authoritative reference and input builder live on the scoring server;
editing this copy changes nothing except your own understanding.
"""

import jax, jax.numpy as jnp
import numpy as np
import math

VOCAB = 1000000
DIM = 64
BATCH = 4096
SEQ = 200

def setup_inputs(seed: int = 0) -> dict:
    key = jax.random.key(seed)
    k1, k2 = jax.random.split(key)
    x = jax.random.randint(k1, (BATCH, SEQ), 0, VOCAB, dtype=jnp.int64 if jax.config.jax_enable_x64 else jnp.int32)
    table = jax.random.normal(k2, (VOCAB, DIM), dtype=jnp.float32)
    return {"x": x, "table": table}

def reference(x, table):
    sqrt_dim = math.sqrt(DIM)
    emb = jnp.take(table, x, axis=0)
    return emb * sqrt_dim

if __name__ == "__main__":
    import jax
    _d = setup_inputs()
    print(jax.jit(kernel)(*tuple(_d.values())))

</pallas_src>

<mosaic_0001>
#map = affine_map<(d0, d1) -> (0, 0, 0)>
#map1 = affine_map<(d0, d1) -> (0, 0)>
module attributes {stable_mosaic.version = 14 : i64} {
  func.func @body(%arg0: i32, %arg1: i32, %arg2: memref<32x200x128xi32, #tpu.memory_space<hbm>>, %arg3: memref<1000000x128xf32, #tpu.memory_space<hbm>>, %arg4: memref<819200x64xf32, #tpu.memory_space<hbm>>, %arg5: memref<200x128xi32, #tpu.memory_space<vmem>>, %arg6: memref<4x128x128xf32, #tpu.memory_space<vmem>>, %arg7: memref<2x128x64xf32, #tpu.memory_space<vmem>>, %arg8: memref<!tpu.dma_semaphore, #tpu.memory_space<semaphore_mem>>, %arg9: memref<!tpu.dma_semaphore, #tpu.memory_space<semaphore_mem>>, %arg10: memref<!tpu.dma_semaphore, #tpu.memory_space<semaphore_mem>>, %arg11: memref<!tpu.dma_semaphore, #tpu.memory_space<semaphore_mem>>, %arg12: memref<!tpu.dma_semaphore, #tpu.memory_space<semaphore_mem>>, %arg13: memref<!tpu.dma_semaphore, #tpu.memory_space<semaphore_mem>>) attributes {dimension_semantics = [#tpu.dimension_semantics<core_parallel>, #tpu.dimension_semantics<subcore_parallel>], iteration_bounds = array<i64: 2, 16>, scalar_prefetch = 0 : i64, scratch_operands = 9 : i64, tpu.core_type = #tpu.core_type<sc_vector_subcore>, window_params = [{transform_indices = #map}, {transform_indices = #map1}, {transform_indices = #map1}]} {
    %mul3A = arith.constant 2 : i32
    %mul3A_0 = arith.muli %arg1, %mul3A : i32
    %add3A = arith.addi %mul3A_0, %arg0 : i32
    %mul3A_1 = arith.constant 25600 : i32
    %mul3A_2 = arith.muli %add3A, %mul3A_1 : i32
    "tpu.region"() ({
      %run_scoped3A = tpu.sem_alloc : memref<!tpu.dma_semaphore, #tpu.memory_space<semaphore_mem>>
      %dma_start3A_486 = arith.constant 0 : i32
      %dma_start3A_487 = arith.constant 0 : i32
      %dma_start3A_488 = tpu.memref_slice %arg2[%add3A, %dma_start3A_486, %dma_start3A_487] : memref<32x200x128xi32, #tpu.memory_space<hbm>> -> memref<1x200x128xi32, #tpu.memory_space<hbm>>
      %dma_start3A_489 = tpu.memref_squeeze %dma_start3A_488 : memref<1x200x128xi32, #tpu.memory_space<hbm>> -> memref<200x128xi32, #tpu.memory_space<hbm>>
      %dma_start3A_490 = arith.constant 0 : i32
      %dma_start3A_491 = arith.constant 0 : i32
      %dma_start3A_492 = tpu.memref_slice %arg2[%add3A, %dma_start3A_490, %dma_start3A_491] : memref<32x200x128xi32, #tpu.memory_space<hbm>> -> memref<1x200x128xi32, #tpu.memory_space<hbm>>
      %dma_start3A_493 = tpu.memref_squeeze %dma_start3A_492 : memref<1x200x128xi32, #tpu.memory_space<hbm>> -> memref<200x128xi32, #tpu.memory_space<hbm>>
      tpu.enqueue_dma source(%dma_start3A_493 : memref<200x128xi32, #tpu.memory_space<hbm>>) target(%arg5 : memref<200x128xi32, #tpu.memory_space<vmem>>) target_semaphore(%run_scoped3A : memref<!tpu.dma_semaphore, #tpu.memory_space<semaphore_mem>>)
      %dma_wait3A_494 = arith.constant 0 : i32
      %dma_wait3A_495 = arith.constant 0 : i32
      %dma_wait3A_496 = tpu.memref_slice %arg2[%add3A, %dma_wait3A_494, %dma_wait3A_495] : memref<32x200x128xi32, #tpu.memory_space<hbm>> -> memref<1x200x128xi32, #tpu.memory_space<hbm>>
      %dma_wait3A_497 = tpu.memref_squeeze %dma_wait3A_496 : memref<1x200x128xi32, #tpu.memory_space<hbm>> -> memref<200x128xi32, #tpu.memory_space<hbm>>
      %dma_wait3A_498 = arith.constant 0 : i32
      %dma_wait3A_499 = arith.constant 0 : i32
      %dma_wait3A_500 = tpu.memref_slice %arg2[%add3A, %dma_wait3A_498, %dma_wait3A_499] : memref<32x200x128xi32, #tpu.memory_space<hbm>> -> memref<1x200x128xi32, #tpu.memory_space<hbm>>
      %dma_wait3A_501 = tpu.memref_squeeze %dma_wait3A_500 : memref<1x200x128xi32, #tpu.memory_space<hbm>> -> memref<200x128xi32, #tpu.memory_space<hbm>>
      tpu.wait_dma2 semaphore(%run_scoped3A : memref<!tpu.dma_semaphore, #tpu.memory_space<semaphore_mem>>) src(%dma_wait3A_501 : memref<200x128xi32, #tpu.memory_space<hbm>>) dst(%arg5 : memref<200x128xi32, #tpu.memory_space<vmem>>)
      tpu.yield
    }) : () -> ()
    %dma_start3A = arith.constant 0 : i32
    %dma_start3A_3 = arith.constant 0 : i32
    %dma_start3A_4 = arith.constant 0 : i32
    %dma_start3A_5 = arith.constant 0 : i32
    %dma_start3A_6 = tpu.memref_slice %arg6[%dma_start3A_3, %dma_start3A_4, %dma_start3A_5] : memref<4x128x128xf32, #tpu.memory_space<vmem>> -> memref<1x128x128xf32, #tpu.memory_space<vmem>>
    %dma_start3A_7 = tpu.memref_squeeze %dma_start3A_6 : memref<1x128x128xf32, #tpu.memory_space<vmem>> -> memref<128x128xf32, #tpu.memory_space<vmem>>
    %dma_start3A_8 = arith.constant 0 : i32
    %dma_start3A_9 = tpu.memref_slice %arg5[%dma_start3A, %dma_start3A_8] : memref<200x128xi32, #tpu.memory_space<vmem>> -> memref<1x128xi32, #tpu.memory_space<vmem>>
    %dma_start3A_10 = tpu.memref_squeeze %dma_start3A_9 : memref<1x128xi32, #tpu.memory_space<vmem>> -> memref<128xi32, #tpu.memory_space<vmem>>
    %dma_start3A_11 = arith.constant 0 : i32
    %dma_start3A_12 = arith.constant 0 : i32
    %dma_start3A_13 = tpu.memref_slice %arg3[%dma_start3A_11, %dma_start3A_12] : memref<1000000x128xf32, #tpu.memory_space<hbm>> -> memref<1000000x128xf32, #tpu.memory_space<hbm>>
    tpu.enqueue_indirect_dma source(%dma_start3A_13 : memref<1000000x128xf32, #tpu.memory_space<hbm>>) target(%dma_start3A_7 : memref<128x128xf32, #tpu.memory_space<vmem>>) offsets(%dma_start3A_10 : memref<128xi32, #tpu.memory_space<vmem>>) semaphore(%arg8 : memref<!tpu.dma_semaphore, #tpu.memory_space<semaphore_mem>>)
    %dma_start3A_14 = arith.constant 1 : i32
    %dma_start3A_15 = arith.constant 1 : i32
    %dma_start3A_16 = arith.constant 0 : i32
    %dma_start3A_17 = arith.constant 0 : i32
    %dma_start3A_18 = tpu.memref_slice %arg6[%dma_start3A_15, %dma_start3A_16, %dma_start3A_17] : memref<4x128x128xf32, #tpu.memory_space<vmem>> -> memref<1x128x128xf32, #tpu.memory_space<vmem>>
    %dma_start3A_19 = tpu.memref_squeeze %dma_start3A_18 : memref<1x128x128xf32, #tpu.memory_space<vmem>> -> memref<128x128xf32, #tpu.memory_space<vmem>>
    %dma_start3A_20 = arith.constant 0 : i32
    %dma_start3A_21 = tpu.memref_slice %arg5[%dma_start3A_14, %dma_start3A_20] : memref<200x128xi32, #tpu.memory_space<vmem>> -> memref<1x128xi32, #tpu.memory_space<vmem>>
    %dma_start3A_22 = tpu.memref_squeeze %dma_start3A_21 : memref<1x128xi32, #tpu.memory_space<vmem>> -> memref<128xi32, #tpu.memory_space<vmem>>
    %dma_start3A_23 = arith.constant 0 : i32
    %dma_start3A_24 = arith.constant 0 : i32
    %dma_start3A_25 = tpu.memref_slice %arg3[%dma_start3A_23, %dma_start3A_24] : memref<1000000x128xf32, #tpu.memory_space<hbm>> -> memref<1000000x128xf32, #tpu.memory_space<hbm>>
    tpu.enqueue_indirect_dma source(%dma_start3A_25 : memref<1000000x128xf32, #tpu.memory_space<hbm>>) target(%dma_start3A_19 : memref<128x128xf32, #tpu.memory_space<vmem>>) offsets(%dma_start3A_22 : memref<128xi32, #tpu.memory_space<vmem>>) semaphore(%arg9 : memref<!tpu.dma_semaphore, #tpu.memory_space<semaphore_mem>>)
    %dma_start3A_26 = arith.constant 2 : i32
    %dma_start3A_27 = arith.constant 2 : i32
    %dma_start3A_28 = arith.constant 0 : i32
    %dma_start3A_29 = arith.constant 0 : i32
    %dma_start3A_30 = tpu.memref_slice %arg6[%dma_start3A_27, %dma_start3A_28, %dma_start3A_29] : memref<4x128x128xf32, #tpu.memory_space<vmem>> -> memref<1x128x128xf32, #tpu.memory_space<vmem>>
    %dma_start3A_31 = tpu.memref_squeeze %dma_start3A_30 : memref<1x128x128xf32, #tpu.memory_space<vmem>> -> memref<128x128xf32, #tpu.memory_space<vmem>>
    %dma_start3A_32 = arith.constant 0 : i32
    %dma_start3A_33 = tpu.memref_slice %arg5[%dma_start3A_26, %dma_start3A_32] : memref<200x128xi32, #tpu.memory_space<vmem>> -> memref<1x128xi32, #tpu.memory_space<vmem>>
    %dma_start3A_34 = tpu.memref_squeeze %dma_start3A_33 : memref<1x128xi32, #tpu.memory_space<vmem>> -> memref<128xi32, #tpu.memory_space<vmem>>
    %dma_start3A_35 = arith.constant 0 : i32
    %dma_start3A_36 = arith.constant 0 : i32
    %dma_start3A_37 = tpu.memref_slice %arg3[%dma_start3A_35, %dma_start3A_36] : memref<1000000x128xf32, #tpu.memory_space<hbm>> -> memref<1000000x128xf32, #tpu.memory_space<hbm>>
    tpu.enqueue_indirect_dma source(%dma_start3A_37 : memref<1000000x128xf32, #tpu.memory_space<hbm>>) target(%dma_start3A_31 : memref<128x128xf32, #tpu.memory_space<vmem>>) offsets(%dma_start3A_34 : memref<128xi32, #tpu.memory_space<vmem>>) semaphore(%arg10 : memref<!tpu.dma_semaphore, #tpu.memory_space<semaphore_mem>>)
    %dma_start3A_38 = arith.constant 3 : i32
    %dma_start3A_39 = arith.constant 3 : i32
    %dma_start3A_40 = arith.constant 0 : i32
    %dma_start3A_41 = arith.constant 0 : i32
    %dma_start3A_42 = tpu.memref_slice %arg6[%dma_start3A_39, %dma_start3A_40, %dma_start3A_41] : memref<4x128x128xf32, #tpu.memory_space<vmem>> -> memref<1x128x128xf32, #tpu.memory_space<vmem>>
    %dma_start3A_43 = tpu.memref_squeeze %dma_start3A_42 : memref<1x128x128xf32, #tpu.memory_space<vmem>> -> memref<128x128xf32, #tpu.memory_space<vmem>>
    %dma_start3A_44 = arith.constant 0 : i32
    %dma_start3A_45 = tpu.memref_slice %arg5[%dma_start3A_38, %dma_start3A_44] : memref<200x128xi32, #tpu.memory_space<vmem>> -> memref<1x128xi32, #tpu.memory_space<vmem>>
    %dma_start3A_46 = tpu.memref_squeeze %dma_start3A_45 : memref<1x128xi32, #tpu.memory_space<vmem>> -> memref<128xi32, #tpu.memory_space<vmem>>
    %dma_start3A_47 = arith.constant 0 : i32
    %dma_start3A_48 = arith.constant 0 : i32
    %dma_start3A_49 = tpu.memref_slice %arg3[%dma_start3A_47, %dma_start3A_48] : memref<1000000x128xf32, #tpu.memory_space<hbm>> -> memref<1000000x128xf32, #tpu.memory_space<hbm>>
    tpu.enqueue_indirect_dma source(%dma_start3A_49 : memref<1000000x128xf32, #tpu.memory_space<hbm>>) target(%dma_start3A_43 : memref<128x128xf32, #tpu.memory_space<vmem>>) offsets(%dma_start3A_46 : memref<128xi32, #tpu.memory_space<vmem>>) semaphore(%arg11 : memref<!tpu.dma_semaphore, #tpu.memory_space<semaphore_mem>>)
    %dma_wait3A = arith.constant 0 : i32
    %dma_wait3A_50 = arith.constant 0 : i32
    %dma_wait3A_51 = arith.constant 0 : i32
    %dma_wait3A_52 = arith.constant 0 : i32
    %dma_wait3A_53 = tpu.memref_slice %arg6[%dma_wait3A_50, %dma_wait3A_51, %dma_wait3A_52] : memref<4x128x128xf32, #tpu.memory_space<vmem>> -> memref<1x128x128xf32, #tpu.memory_space<vmem>>
    %dma_wait3A_54 = tpu.memref_squeeze %dma_wait3A_53 : memref<1x128x128xf32, #tpu.memory_space<vmem>> -> memref<128x128xf32, #tpu.memory_space<vmem>>
    %dma_wait3A_55 = arith.constant 0 : i32
    %dma_wait3A_56 = tpu.memref_slice %arg5[%dma_wait3A, %dma_wait3A_55] : memref<200x128xi32, #tpu.memory_space<vmem>> -> memref<1x128xi32, #tpu.memory_space<vmem>>
    %dma_wait3A_57 = tpu.memref_squeeze %dma_wait3A_56 : memref<1x128xi32, #tpu.memory_space<vmem>> -> memref<128xi32, #tpu.memory_space<vmem>>
    %dma_wait3A_58 = arith.constant 0 : i32
    %dma_wait3A_59 = arith.constant 0 : i32
    %dma_wait3A_60 = tpu.memref_slice %arg3[%dma_wait3A_58, %dma_wait3A_59] : memref<1000000x128xf32, #tpu.memory_space<hbm>> -> memref<1000000x128xf32, #tpu.memory_space<hbm>>
    tpu.wait_indirect_dma semaphore(%arg8 : memref<!tpu.dma_semaphore, #tpu.memory_space<semaphore_mem>>) src(%dma_wait3A_60 : memref<1000000x128xf32, #tpu.memory_space<hbm>>) dst(%dma_wait3A_54 : memref<128x128xf32, #tpu.memory_space<vmem>>)
    %scan3A = arith.constant 0 : i32
    %scan3A_61 = arith.constant 0 : i32
    %scan3A_62 = arith.constant 32 : i32
    %scan3A_63 = arith.addi %scan3A_61, %scan3A_62 : i32
    %scan3A_64 = arith.constant 1 : i32
    scf.for %scan3A_486 = %scan3A_61 to %scan3A_63 step %scan3A_64  : i32 {
      %mul3A_487 = arith.constant 4 : i32
      %mul3A_488 = arith.muli %scan3A_486, %mul3A_487 : i32
      %add3A_489 = arith.constant 0 : i32
      %add3A_490 = arith.addi %mul3A_488, %add3A_489 : i32
      %get3A = arith.constant 0 : i32
      %get3A_491 = arith.index_cast %get3A : i32 to index
      %get3A_492 = arith.index_cast %add3A_490 : i32 to index
      %get3A_493 = arith.constant 0 : index
      %get3A_494 = tpu.vector_load %arg6[%get3A_491, %get3A_492, %get3A_493] {strides = array<i32>} : memref<4x128x128xf32, #tpu.memory_space<vmem>>, vector<16xf32>,
      %mul3A_495 = arith.constant 8.000000e+00 : f32
      %mul3A_496 = vector.broadcast %mul3A_495 : f32 to vector<16xf32>
      %mul3A_497 = arith.mulf %get3A_494, %mul3A_496 : vector<16xf32>
      %add3A_498 = arith.constant 0 : i32
      %add3A_499 = arith.addi %mul3A_488, %add3A_498 : i32
      %get3A_500 = arith.constant 0 : i32
      %get3A_501 = arith.index_cast %get3A_500 : i32 to index
      %get3A_502 = arith.index_cast %add3A_499 : i32 to index
      %get3A_503 = arith.constant 16 : index
      %get3A_504 = tpu.vector_load %arg6[%get3A_501, %get3A_502, %get3A_503] {strides = array<i32>} : memref<4x128x128xf32, #tpu.memory_space<vmem>>, vector<16xf32>,
      %mul3A_505 = arith.constant 8.000000e+00 : f32
      %mul3A_506 = vector.broadcast %mul3A_505 : f32 to vector<16xf32>
      %mul3A_507 = arith.mulf %get3A_504, %mul3A_506 : vector<16xf32>
      %add3A_508 = arith.constant 0 : i32
      %add3A_509 = arith.addi %mul3A_488, %add3A_508 : i32
      %get3A_510 = arith.constant 0 : i32
      %get3A_511 = arith.index_cast %get3A_510 : i32 to index
      %get3A_512 = arith.index_cast %add3A_509 : i32 to index
      %get3A_513 = arith.constant 32 : index
      %get3A_514 = tpu.vector_load %arg6[%get3A_511, %get3A_512, %get3A_513] {strides = array<i32>} : memref<4x128x128xf32, #tpu.memory_space<vmem>>, vector<16xf32>,
      %mul3A_515 = arith.constant 8.000000e+00 : f32
      %mul3A_516 = vector.broadcast %mul3A_515 : f32 to vector<16xf32>
      %mul3A_517 = arith.mulf %get3A_514, %mul3A_516 : vector<16xf32>
      %add3A_518 = arith.constant 0 : i32
      %add3A_519 = arith.addi %mul3A_488, %add3A_518 : i32
      %get3A_520 = arith.constant 0 : i32
      %get3A_521 = arith.index_cast %get3A_520 : i32 to index
      %get3A_522 = arith.index_cast %add3A_519 : i32 to index
      %get3A_523 = arith.constant 48 : index
      %get3A_524 = tpu.vector_load %arg6[%get3A_521, %get3A_522, %get3A_523] {strides = array<i32>} : memref<4x128x128xf32, #tpu.memory_space<vmem>>, vector<16xf32>,
      %mul3A_525 = arith.constant 8.000000e+00 : f32
      %mul3A_526 = vector.broadcast %mul3A_525 : f32 to vector<16xf32>
      %mul3A_527 = arith.mulf %get3A_524, %mul3A_526 : vector<16xf32>
      %add3A_528 = arith.constant 1 : i32
      %add3A_529 = arith.addi %mul3A_488, %add3A_528 : i32
      %get3A_530 = arith.constant 0 : i32
      %get3A_531 = arith.index_cast %get3A_530 : i32 to index
      %get3A_532 = arith.index_cast %add3A_529 : i32 to index
      %get3A_533 = arith.constant 0 : index
      %get3A_534 = tpu.vector_load %arg6[%get3A_531, %get3A_532, %get3A_533] {strides = array<i32>} : memref<4x128x128xf32, #tpu.memory_space<vmem>>, vector<16xf32>,
      %mul3A_535 = arith.constant 8.000000e+00 : f32
      %mul3A_536 = vector.broadcast %mul3A_535 : f32 to vector<16xf32>
      %mul3A_537 = arith.mulf %get3A_534, %mul3A_536 : vector<16xf32>
      %add3A_538 = arith.constant 1 : i32
      %add3A_539 = arith.addi %mul3A_488, %add3A_538 : i32
      %get3A_540 = arith.constant 0 : i32
      %get3A_541 = arith.index_cast %get3A_540 : i32 to index
      %get3A_542 = arith.index_cast %add3A_539 : i32 to index
      %get3A_543 = arith.constant 16 : index
      %get3A_544 = tpu.vector_load %arg6[%get3A_541, %get3A_542, %get3A_543] {strides = array<i32>} : memref<4x128x128xf32, #tpu.memory_space<vmem>>, vector<16xf32>,
      %mul3A_545 = arith.constant 8.000000e+00 : f32
      %mul3A_546 = vector.broadcast %mul3A_545 : f32 to vector<16xf32>
      %mul3A_547 = arith.mulf %get3A_544, %mul3A_546 : vector<16xf32>
      %add3A_548 = arith.constant 1 : i32
      %add3A_549 = arith.addi %mul3A_488, %add3A_548 : i32
      %get3A_550 = arith.constant 0 : i32
      %get3A_551 = arith.index_cast %get3A_550 : i32 to index
      %get3A_552 = arith.index_cast %add3A_549 : i32 to index
      %get3A_553 = arith.constant 32 : index
      %get3A_554 = tpu.vector_load %arg6[%get3A_551, %get3A_552, %get3A_553] {strides = array<i32>} : memref<4x128x128xf32, #tpu.memory_space<vmem>>, vector<16xf32>,
      %mul3A_555 = arith.constant 8.000000e+00 : f32
      %mul3A_556 = vector.broadcast %mul3A_555 : f32 to vector<16xf32>
      %mul3A_557 = arith.mulf %get3A_554, %mul3A_556 : vector<16xf32>
      %add3A_558 = arith.constant 1 : i32
      %add3A_559 = arith.addi %mul3A_488, %add3A_558 : i32
      %get3A_560 = arith.constant 0 : i32
      %get3A_561 = arith.index_cast %get3A_560 : i32 to index
      %get3A_562 = arith.index_cast %add3A_559 : i32 to index
      %get3A_563 = arith.constant 48 : index
      %get3A_564 = tpu.vector_load %arg6[%get3A_561, %get3A_562, %get3A_563] {strides = array<i32>} : memref<4x128x128xf32, #tpu.memory_space<vmem>>, vector<16xf32>,
      %mul3A_565 = arith.constant 8.000000e+00 : f32
      %mul3A_566 = vector.broadcast %mul3A_565 : f32 to vector<16xf32>
      %mul3A_567 = arith.mulf %get3A_564, %mul3A_566 : vector<16xf32>
      %add3A_568 = arith.constant 2 : i32
      %add3A_569 = arith.addi %mul3A_488, %add3A_568 : i32
      %get3A_570 = arith.constant 0 : i32
      %get3A_571 = arith.index_cast %get3A_570 : i32 to index
      %get3A_572 = arith.index_cast %add3A_569 : i32 to index
      %get3A_573 = arith.constant 0 : index
      %get3A_574 = tpu.vector_load %arg6[%get3A_571, %get3A_572, %get3A_573] {strides = array<i32>} : memref<4x128x128xf32, #tpu.memory_space<vmem>>, vector<16xf32>,
      %mul3A_575 = arith.constant 8.000000e+00 : f32
      %mul3A_576 = vector.broadcast %mul3A_575 : f32 to vector<16xf32>
      %mul3A_577 = arith.mulf %get3A_574, %mul3A_576 : vector<16xf32>
      %add3A_578 = arith.constant 2 : i32
      %add3A_579 = arith.addi %mul3A_488, %add3A_578 : i32
      %get3A_580 = arith.constant 0 : i32
      %get3A_581 = arith.index_cast %get3A_580 : i32 to index
      %get3A_582 = arith.index_cast %add3A_579 : i32 to index
      %get3A_583 = arith.constant 16 : index
      %get3A_584 = tpu.vector_load %arg6[%get3A_581, %get3A_582, %get3A_583] {strides = array<i32>} : memref<4x128x128xf32, #tpu.memory_space<vmem>>, vector<16xf32>,
      %mul3A_585 = arith.constant 8.000000e+00 : f32
      %mul3A_586 = vector.broadcast %mul3A_585 : f32 to vector<16xf32>
      %mul3A_587 = arith.mulf %get3A_584, %mul3A_586 : vector<16xf32>
      %add3A_588 = arith.constant 2 : i32
      %add3A_589 = arith.addi %mul3A_488, %add3A_588 : i32
      %get3A_590 = arith.constant 0 : i32
      %get3A_591 = arith.index_cast %get3A_590 : i32 to index
      %get3A_592 = arith.index_cast %add3A_589 : i32 to index
      %get3A_593 = arith.constant 32 : index
      %get3A_594 = tpu.vector_load %arg6[%get3A_591, %get3A_592, %get3A_593] {strides = array<i32>} : memref<4x128x128xf32, #tpu.memory_space<vmem>>, vector<16xf32>,
      %mul3A_595 = arith.constant 8.000000e+00 : f32
      %mul3A_596 = vector.broadcast %mul3A_595 : f32 to vector<16xf32>
      %mul3A_597 = arith.mulf %get3A_594, %mul3A_596 : vector<16xf32>
      %add3A_598 = arith.constant 2 : i32
      %add3A_599 = arith.addi %mul3A_488, %add3A_598 : i32
      %get3A_600 = arith.constant 0 : i32
      %get3A_601 = arith.index_cast %get3A_600 : i32 to index
      %get3A_602 = arith.index_cast %add3A_599 : i32 to index
      %get3A_603 = arith.constant 48 : index
      %get3A_604 = tpu.vector_load %arg6[%get3A_601, %get3A_602, %get3A_603] {strides = array<i32>} : memref<4x128x128xf32, #tpu.memory_space<vmem>>, vector<16xf32>,
      %mul3A_605 = arith.constant 8.000000e+00 : f32
      %mul3A_606 = vector.broadcast %mul3A_605 : f32 to vector<16xf32>
      %mul3A_607 = arith.mulf %get3A_604, %mul3A_606 : vector<16xf32>
      %add3A_608 = arith.constant 3 : i32
      %add3A_609 = arith.addi %mul3A_488, %add3A_608 : i32
      %get3A_610 = arith.constant 0 : i32
      %get3A_611 = arith.index_cast %get3A_610 : i32 to index
      %get3A_612 = arith.index_cast %add3A_609 : i32 to index
      %get3A_613 = arith.constant 0 : index
      %get3A_614 = tpu.vector_load %arg6[%get3A_611, %get3A_612, %get3A_613] {strides = array<i32>} : memref<4x128x128xf32, #tpu.memory_space<vmem>>, vector<16xf32>,
      %mul3A_615 = arith.constant 8.000000e+00 : f32
      %mul3A_616 = vector.broadcast %mul3A_615 : f32 to vector<16xf32>
      %mul3A_617 = arith.mulf %get3A_614, %mul3A_616 : vector<16xf32>
      %add3A_618 = arith.constant 3 : i32
      %add3A_619 = arith.addi %mul3A_488, %add3A_618 : i32
      %get3A_620 = arith.constant 0 : i32
      %get3A_621 = arith.index_cast %get3A_620 : i32 to index
      %get3A_622 = arith.index_cast %add3A_619 : i32 to index
      %get3A_623 = arith.constant 16 : index
      %get3A_624 = tpu.vector_load %arg6[%get3A_621, %get3A_622, %get3A_623] {strides = array<i32>} : memref<4x128x128xf32, #tpu.memory_space<vmem>>, vector<16xf32>,
      %mul3A_625 = arith.constant 8.000000e+00 : f32
      %mul3A_626 = vector.broadcast %mul3A_625 : f32 to vector<16xf32>
      %mul3A_627 = arith.mulf %get3A_624, %mul3A_626 : vector<16xf32>
      %add3A_628 = arith.constant 3 : i32
      %add3A_629 = arith.addi %mul3A_488, %add3A_628 : i32
      %get3A_630 = arith.constant 0 : i32
      %get3A_631 = arith.index_cast %get3A_630 : i32 to index
      %get3A_632 = arith.index_cast %add3A_629 : i32 to index
      %get3A_633 = arith.constant 32 : index
      %get3A_634 = tpu.vector_load %arg6[%get3A_631, %get3A_632, %get3A_633] {strides = array<i32>} : memref<4x128x128xf32, #tpu.memory_space<vmem>>, vector<16xf32>,
      %mul3A_635 = arith.constant 8.000000e+00 : f32
      %mul3A_636 = vector.broadcast %mul3A_635 : f32 to vector<16xf32>
      %mul3A_637 = arith.mulf %get3A_634, %mul3A_636 : vector<16xf32>
      %add3A_638 = arith.constant 3 : i32
      %add3A_639 = arith.addi %mul3A_488, %add3A_638 : i32
      %get3A_640 = arith.constant 0 : i32
      %get3A_641 = arith.index_cast %get3A_640 : i32 to index
      %get3A_642 = arith.index_cast %add3A_639 : i32 to index
      %get3A_643 = arith.constant 48 : index
      %get3A_644 = tpu.vector_load %arg6[%get3A_641, %get3A_642, %get3A_643] {strides = array<i32>} : memref<4x128x128xf32, #tpu.memory_space<vmem>>, vector<16xf32>,
      %mul3A_645 = arith.constant 8.000000e+00 : f32
      %mul3A_646 = vector.broadcast %mul3A_645 : f32 to vector<16xf32>
      %mul3A_647 = arith.mulf %get3A_644, %mul3A_646 : vector<16xf32>
      %add3A_648 = arith.constant 0 : i32
      %add3A_649 = arith.addi %mul3A_488, %add3A_648 : i32
      %swap3A = arith.constant 0 : i32
      %swap3A_650 = arith.index_cast %swap3A : i32 to index
      %swap3A_651 = arith.index_cast %add3A_649 : i32 to index
      %swap3A_652 = arith.constant 0 : index
      %swap3A_653 = tpu.vector_load %arg7[%swap3A_650, %swap3A_651, %swap3A_652] {strides = array<i32>} : memref<2x128x64xf32, #tpu.memory_space<vmem>>, vector<16xf32>,
      tpu.vector_store %arg7[%swap3A_650, %swap3A_651, %swap3A_652], %mul3A_497 {strides = array<i32>} : memref<2x128x64xf32, #tpu.memory_space<vmem>>, vector<16xf32>,
      %add3A_654 = arith.constant 0 : i32
      %add3A_655 = arith.addi %mul3A_488, %add3A_654 : i32
      %swap3A_656 = arith.constant 0 : i32
      %swap3A_657 = arith.index_cast %swap3A_656 : i32 to index
      %swap3A_658 = arith.index_cast %add3A_655 : i32 to index
      %swap3A_659 = arith.constant 16 : index
      %swap3A_660 = tpu.vector_load %arg7[%swap3A_657, %swap3A_658, %swap3A_659] {strides = array<i32>} : memref<2x128x64xf32, #tpu.memory_space<vmem>>, vector<16xf32>,
      tpu.vector_store %arg7[%swap3A_657, %swap3A_658, %swap3A_659], %mul3A_507 {strides = array<i32>} : memref<2x128x64xf32, #tpu.memory_space<vmem>>, vector<16xf32>,
      %add3A_661 = arith.constant 0 : i32
      %add3A_662 = arith.addi %mul3A_488, %add3A_661 : i32
      %swap3A_663 = arith.constant 0 : i32
      %swap3A_664 = arith.index_cast %swap3A_663 : i32 to index
      %swap3A_665 = arith.index_cast %add3A_662 : i32 to index
      %swap3A_666 = arith.constant 32 : index
      %swap3A_667 = tpu.vector_load %arg7[%swap3A_664, %swap3A_665, %swap3A_666] {strides = array<i32>} : memref<2x128x64xf32, #tpu.memory_space<vmem>>, vector<16xf32>,
      tpu.vector_store %arg7[%swap3A_664, %swap3A_665, %swap3A_666], %mul3A_517 {strides = array<i32>} : memref<2x128x64xf32, #tpu.memory_space<vmem>>, vector<16xf32>,
      %add3A_668 = arith.constant 0 : i32
      %add3A_669 = arith.addi %mul3A_488, %add3A_668 : i32
      %swap3A_670 = arith.constant 0 : i32
      %swap3A_671 = arith.index_cast %swap3A_670 : i32 to index
      %swap3A_672 = arith.index_cast %add3A_669 : i32 to index
      %swap3A_673 = arith.constant 48 : index
      %swap3A_674 = tpu.vector_load %arg7[%swap3A_671, %swap3A_672, %swap3A_673] {strides = array<i32>} : memref<2x128x64xf32, #tpu.memory_space<vmem>>, vector<16xf32>,
      tpu.vector_store %arg7[%swap3A_671, %swap3A_672, %swap3A_673], %mul3A_527 {strides = array<i32>} : memref<2x128x64xf32, #tpu.memory_space<vmem>>, vector<16xf32>,
      %add3A_675 = arith.constant 1 : i32
      %add3A_676 = arith.addi %mul3A_488, %add3A_675 : i32
      %swap3A_677 = arith.constant 0 : i32
      %swap3A_678 = arith.index_cast %swap3A_677 : i32 to index
      %swap3A_679 = arith.index_cast %add3A_676 : i32 to index
      %swap3A_680 = arith.constant 0 : index
      %swap3A_681 = tpu.vector_load %arg7[%swap3A_678, %swap3A_679, %swap3A_680] {strides = array<i32>} : memref<2x128x64xf32, #tpu.memory_space<vmem>>, vector<16xf32>,
      tpu.vector_store %arg7[%swap3A_678, %swap3A_679, %swap3A_680], %mul3A_537 {strides = array<i32>} : memref<2x128x64xf32, #tpu.memory_space<vmem>>, vector<16xf32>,
      %add3A_682 = arith.constant 1 : i32
      %add3A_683 = arith.addi %mul3A_488, %add3A_682 : i32
      %swap3A_684 = arith.constant 0 : i32
      %swap3A_685 = arith.index_cast %swap3A_684 : i32 to index
      %swap3A_686 = arith.index_cast %add3A_683 : i32 to index
      %swap3A_687 = arith.constant 16 : index
      %swap3A_688 = tpu.vector_load %arg7[%swap3A_685, %swap3A_686, %swap3A_687] {strides = array<i32>} : memref<2x128x64xf32, #tpu.memory_space<vmem>>, vector<16xf32>,
      tpu.vector_store %arg7[%swap3A_685, %swap3A_686, %swap3A_687], %mul3A_547 {strides = array<i32>} : memref<2x128x64xf32, #tpu.memory_space<vmem>>, vector<16xf32>,
      %add3A_689 = arith.constant 1 : i32
      %add3A_690 = arith.addi %mul3A_488, %add3A_689 : i32
      %swap3A_691 = arith.constant 0 : i32
      %swap3A_692 = arith.index_cast %swap3A_691 : i32 to index
      %swap3A_693 = arith.index_cast %add3A_690 : i32 to index
      %swap3A_694 = arith.constant 32 : index
      %swap3A_695 = tpu.vector_load %arg7[%swap3A_692, %swap3A_693, %swap3A_694] {strides = array<i32>} : memref<2x128x64xf32, #tpu.memory_space<vmem>>, vector<16xf32>,
      tpu.vector_store %arg7[%swap3A_692, %swap3A_693, %swap3A_694], %mul3A_557 {strides = array<i32>} : memref<2x128x64xf32, #tpu.memory_space<vmem>>, vector<16xf32>,
      %add3A_696 = arith.constant 1 : i32
      %add3A_697 = arith.addi %mul3A_488, %add3A_696 : i32
      %swap3A_698 = arith.constant 0 : i32
      %swap3A_699 = arith.index_cast %swap3A_698 : i32 to index
      %swap3A_700 = arith.index_cast %add3A_697 : i32 to index
      %swap3A_701 = arith.constant 48 : index
      %swap3A_702 = tpu.vector_load %arg7[%swap3A_699, %swap3A_700, %swap3A_701] {strides = array<i32>} : memref<2x128x64xf32, #tpu.memory_space<vmem>>, vector<16xf32>,
      tpu.vector_store %arg7[%swap3A_699, %swap3A_700, %swap3A_701], %mul3A_567 {strides = array<i32>} : memref<2x128x64xf32, #tpu.memory_space<vmem>>, vector<16xf32>,
      %add3A_703 = arith.constant 2 : i32
      %add3A_704 = arith.addi %mul3A_488, %add3A_703 : i32
      %swap3A_705 = arith.constant 0 : i32
      %swap3A_706 = arith.index_cast %swap3A_705 : i32 to index
      %swap3A_707 = arith.index_cast %add3A_704 : i32 to index
      %swap3A_708 = arith.constant 0 : index
      %swap3A_709 = tpu.vector_load %arg7[%swap3A_706, %swap3A_707, %swap3A_708] {strides = array<i32>} : memref<2x128x64xf32, #tpu.memory_space<vmem>>, vector<16xf32>,
      tpu.vector_store %arg7[%swap3A_706, %swap3A_707, %swap3A_708], %mul3A_577 {strides = array<i32>} : memref<2x128x64xf32, #tpu.memory_space<vmem>>, vector<16xf32>,
      %add3A_710 = arith.constant 2 : i32
      %add3A_711 = arith.addi %mul3A_488, %add3A_710 : i32
      %swap3A_712 = arith.constant 0 : i32
      %swap3A_713 = arith.index_cast %swap3A_712 : i32 to index
      %swap3A_714 = arith.index_cast %add3A_711 : i32 to index
      %swap3A_715 = arith.constant 16 : index
      %swap3A_716 = tpu.vector_load %arg7[%swap3A_713, %swap3A_714, %swap3A_715] {strides = array<i32>} : memref<2x128x64xf32, #tpu.memory_space<vmem>>, vector<16xf32>,
      tpu.vector_store %arg7[%swap3A_713, %swap3A_714, %swap3A_715], %mul3A_587 {strides = array<i32>} : memref<2x128x64xf32, #tpu.memory_space<vmem>>, vector<16xf32>,
      %add3A_717 = arith.constant 2 : i32
      %add3A_718 = arith.addi %mul3A_488, %add3A_717 : i32
      %swap3A_719 = arith.constant 0 : i32
      %swap3A_720 = arith.index_cast %swap3A_719 : i32 to index
      %swap3A_721 = arith.index_cast %add3A_718 : i32 to index
      %swap3A_722 = arith.constant 32 : index
      %swap3A_723 = tpu.vector_load %arg7[%swap3A_720, %swap3A_721, %swap3A_722] {strides = array<i32>} : memref<2x128x64xf32, #tpu.memory_space<vmem>>, vector<16xf32>,
      tpu.vector_store %arg7[%swap3A_720, %swap3A_721, %swap3A_722], %mul3A_597 {strides = array<i32>} : memref<2x128x64xf32, #tpu.memory_space<vmem>>, vector<16xf32>,
      %add3A_724 = arith.constant 2 : i32
      %add3A_725 = arith.addi %mul3A_488, %add3A_724 : i32
      %swap3A_726 = arith.constant 0 : i32
      %swap3A_727 = arith.index_cast %swap3A_726 : i32 to index
      %swap3A_728 = arith.index_cast %add3A_725 : i32 to index
      %swap3A_729 = arith.constant 48 : index
      %swap3A_730 = tpu.vector_load %arg7[%swap3A_727, %swap3A_728, %swap3A_729] {strides = array<i32>} : memref<2x128x64xf32, #tpu.memory_space<vmem>>, vector<16xf32>,
      tpu.vector_store %arg7[%swap3A_727, %swap3A_728, %swap3A_729], %mul3A_607 {strides = array<i32>} : memref<2x128x64xf32, #tpu.memory_space<vmem>>, vector<16xf32>,
      %add3A_731 = arith.constant 3 : i32
      %add3A_732 = arith.addi %mul3A_488, %add3A_731 : i32
      %swap3A_733 = arith.constant 0 : i32
      %swap3A_734 = arith.index_cast %swap3A_733 : i32 to index
      %swap3A_735 = arith.index_cast %add3A_732 : i32 to index
      %swap3A_736 = arith.constant 0 : index
      %swap3A_737 = tpu.vector_load %arg7[%swap3A_734, %swap3A_735, %swap3A_736] {strides = array<i32>} : memref<2x128x64xf32, #tpu.memory_space<vmem>>, vector<16xf32>,
      tpu.vector_store %arg7[%swap3A_734, %swap3A_735, %swap3A_736], %mul3A_617 {strides = array<i32>} : memref<2x128x64xf32, #tpu.memory_space<vmem>>, vector<16xf32>,
      %add3A_738 = arith.constant 3 : i32
      %add3A_739 = arith.addi %mul3A_488, %add3A_738 : i32
      %swap3A_740 = arith.constant 0 : i32
      %swap3A_741 = arith.index_cast %swap3A_740 : i32 to index
      %swap3A_742 = arith.index_cast %add3A_739 : i32 to index
      %swap3A_743 = arith.constant 16 : index
      %swap3A_744 = tpu.vector_load %arg7[%swap3A_741, %swap3A_742, %swap3A_743] {strides = array<i32>} : memref<2x128x64xf32, #tpu.memory_space<vmem>>, vector<16xf32>,
      tpu.vector_store %arg7[%swap3A_741, %swap3A_742, %swap3A_743], %mul3A_627 {strides = array<i32>} : memref<2x128x64xf32, #tpu.memory_space<vmem>>, vector<16xf32>,
      %add3A_745 = arith.constant 3 : i32
      %add3A_746 = arith.addi %mul3A_488, %add3A_745 : i32
      %swap3A_747 = arith.constant 0 : i32
      %swap3A_748 = arith.index_cast %swap3A_747 : i32 to index
      %swap3A_749 = arith.index_cast %add3A_746 : i32 to index
      %swap3A_750 = arith.constant 32 : index
      %swap3A_751 = tpu.vector_load %arg7[%swap3A_748, %swap3A_749, %swap3A_750] {strides = array<i32>} : memref<2x128x64xf32, #tpu.memory_space<vmem>>, vector<16xf32>,
      tpu.vector_store %arg7[%swap3A_748, %swap3A_749, %swap3A_750], %mul3A_637 {strides = array<i32>} : memref<2x128x64xf32, #tpu.memory_space<vmem>>, vector<16xf32>,
      %add3A_752 = arith.constant 3 : i32
      %add3A_753 = arith.addi %mul3A_488, %add3A_752 : i32
      %swap3A_754 = arith.constant 0 : i32
      %swap3A_755 = arith.index_cast %swap3A_754 : i32 to index
      %swap3A_756 = arith.index_cast %add3A_753 : i32 to index
      %swap3A_757 = arith.constant 48 : index
      %swap3A_758 = tpu.vector_load %arg7[%swap3A_755, %swap3A_756, %swap3A_757] {strides = array<i32>} : memref<2x128x64xf32, #tpu.memory_space<vmem>>, vector<16xf32>,
      tpu.vector_store %arg7[%swap3A_755, %swap3A_756, %swap3A_757], %mul3A_647 {strides = array<i32>} : memref<2x128x64xf32, #tpu.memory_space<vmem>>, vector<16xf32>,
    }
    %scan3A_65 = arith.constant 32 : i32
    %dma_start3A_66 = arith.constant 4 : i32
    %dma_start3A_67 = arith.constant 0 : i32
    %dma_start3A_68 = arith.constant 0 : i32
    %dma_start3A_69 = arith.constant 0 : i32
    %dma_start3A_70 = tpu.memref_slice %arg6[%dma_start3A_67, %dma_start3A_68, %dma_start3A_69] : memref<4x128x128xf32, #tpu.memory_space<vmem>> -> memref<1x128x128xf32, #tpu.memory_space<vmem>>
    %dma_start3A_71 = tpu.memref_squeeze %dma_start3A_70 : memref<1x128x128xf32, #tpu.memory_space<vmem>> -> memref<128x128xf32, #tpu.memory_space<vmem>>
    %dma_start3A_72 = arith.constant 0 : i32
    %dma_start3A_73 = tpu.memref_slice %arg5[%dma_start3A_66, %dma_start3A_72] : memref<200x128xi32, #tpu.memory_space<vmem>> -> memref<1x128xi32, #tpu.memory_space<vmem>>
    %dma_start3A_74 = tpu.memref_squeeze %dma_start3A_73 : memref<1x128xi32, #tpu.memory_space<vmem>> -> memref<128xi32, #tpu.memory_space<vmem>>
    %dma_start3A_75 = arith.constant 0 : i32
    %dma_start3A_76 = arith.constant 0 : i32
    %dma_start3A_77 = tpu.memref_slice %arg3[%dma_start3A_75, %dma_start3A_76] : memref<1000000x128xf32, #tpu.memory_space<hbm>> -> memref<1000000x128xf32, #tpu.memory_space<hbm>>
    tpu.enqueue_indirect_dma source(%dma_start3A_77 : memref<1000000x128xf32, #tpu.memory_space<hbm>>) target(%dma_start3A_71 : memref<128x128xf32, #tpu.memory_space<vmem>>) offsets(%dma_start3A_74 : memref<128xi32, #tpu.memory_space<vmem>>) semaphore(%arg8 : memref<!tpu.dma_semaphore, #tpu.memory_space<semaphore_mem>>)
    %add3A_78 = arith.constant 0 : i32
    %add3A_79 = arith.addi %mul3A_2, %add3A_78 : i32
    %dma_start3A_80 = arith.constant 0 : i32
    %dma_start3A_81 = arith.constant 0 : i32
    %dma_start3A_82 = arith.constant 0 : i32
    %dma_start3A_83 = tpu.memref_slice %arg7[%dma_start3A_80, %dma_start3A_81, %dma_start3A_82] : memref<2x128x64xf32, #tpu.memory_space<vmem>> -> memref<1x128x64xf32, #tpu.memory_space<vmem>>
    %dma_start3A_84 = tpu.memref_squeeze %dma_start3A_83 : memref<1x128x64xf32, #tpu.memory_space<vmem>> -> memref<128x64xf32, #tpu.memory_space<vmem>>
    %dma_start3A_85 = arith.constant 0 : i32
    %dma_start3A_86 = tpu.memref_slice %arg4[%add3A_79, %dma_start3A_85] : memref<819200x64xf32, #tpu.memory_space<hbm>> -> memref<128x64xf32, #tpu.memory_space<hbm>>
    %dma_start3A_87 = arith.constant 0 : i32
    %dma_start3A_88 = tpu.memref_slice %arg4[%add3A_79, %dma_start3A_87] : memref<819200x64xf32, #tpu.memory_space<hbm>> -> memref<128x64xf32, #tpu.memory_space<hbm>>
    %dma_start3A_89 = arith.constant 0 : i32
    %dma_start3A_90 = arith.constant 0 : i32
    %dma_start3A_91 = tpu.memref_slice %arg7[%dma_start3A_80, %dma_start3A_89, %dma_start3A_90] : memref<2x128x64xf32, #tpu.memory_space<vmem>> -> memref<1x128x64xf32, #tpu.memory_space<vmem>>
    %dma_start3A_92 = tpu.memref_squeeze %dma_start3A_91 : memref<1x128x64xf32, #tpu.memory_space<vmem>> -> memref<128x64xf32, #tpu.memory_space<vmem>>
    tpu.enqueue_dma source(%dma_start3A_92 : memref<128x64xf32, #tpu.memory_space<vmem>>) target(%dma_start3A_88 : memref<128x64xf32, #tpu.memory_space<hbm>>) target_semaphore(%arg12 : memref<!tpu.dma_semaphore, #tpu.memory_space<semaphore_mem>>)
    %dma_wait3A_93 = arith.constant 1 : i32
    %dma_wait3A_94 = arith.constant 1 : i32
    %dma_wait3A_95 = arith.constant 0 : i32
    %dma_wait3A_96 = arith.constant 0 : i32
    %dma_wait3A_97 = tpu.memref_slice %arg6[%dma_wait3A_94, %dma_wait3A_95, %dma_wait3A_96] : memref<4x128x128xf32, #tpu.memory_space<vmem>> -> memref<1x128x128xf32, #tpu.memory_space<vmem>>
    %dma_wait3A_98 = tpu.memref_squeeze %dma_wait3A_97 : memref<1x128x128xf32, #tpu.memory_space<vmem>> -> memref<128x128xf32, #tpu.memory_space<vmem>>
    %dma_wait3A_99 = arith.constant 0 : i32
    %dma_wait3A_100 = tpu.memref_slice %arg5[%dma_wait3A_93, %dma_wait3A_99] : memref<200x128xi32, #tpu.memory_space<vmem>> -> memref<1x128xi32, #tpu.memory_space<vmem>>
    %dma_wait3A_101 = tpu.memref_squeeze %dma_wait3A_100 : memref<1x128xi32, #tpu.memory_space<vmem>> -> memref<128xi32, #tpu.memory_space<vmem>>
    %dma_wait3A_102 = arith.constant 0 : i32
    %dma_wait3A_103 = arith.constant 0 : i32
    %dma_wait3A_104 = tpu.memref_slice %arg3[%dma_wait3A_102, %dma_wait3A_103] : memref<1000000x128xf32, #tpu.memory_space<hbm>> -> memref<1000000x128xf32, #tpu.memory_space<hbm>>
    tpu.wait_indirect_dma semaphore(%arg9 : memref<!tpu.dma_semaphore, #tpu.memory_space<semaphore_mem>>) src(%dma_wait3A_104 : memref<1000000x128xf32, #tpu.memory_space<hbm>>) dst(%dma_wait3A_98 : memref<128x128xf32, #tpu.memory_space<vmem>>)
    %scan3A_105 = arith.constant 0 : i32
    %scan3A_106 = arith.constant 0 : i32
    %scan3A_107 = arith.constant 32 : i32
    %scan3A_108 = arith.addi %scan3A_106, %scan3A_107 : i32
    %scan3A_109 = arith.constant 1 : i32
    scf.for %scan3A_486 = %scan3A_106 to %scan3A_108 step %scan3A_109  : i32 {
      %mul3A_487 = arith.constant 4 : i32
      %mul3A_488 = arith.muli %scan3A_486, %mul3A_487 : i32
      %add3A_489 = arith.constant 0 : i32
      %add3A_490 = arith.addi %mul3A_488, %add3A_489 : i32
      %get3A = arith.constant 1 : i32
      %get3A_491 = arith.index_cast %get3A : i32 to index
      %get3A_492 = arith.index_cast %add3A_490 : i32 to index
      %get3A_493 = arith.constant 0 : index
      %get3A_494 = tpu.vector_load %arg6[%get3A_491, %get3A_492, %get3A_493] {strides = array<i32>} : memref<4x128x128xf32, #tpu.memory_space<vmem>>, vector<16xf32>,
      %mul3A_495 = arith.constant 8.000000e+00 : f32
      %mul3A_496 = vector.broadcast %mul3A_495 : f32 to vector<16xf32>
      %mul3A_497 = arith.mulf %get3A_494, %mul3A_496 : vector<16xf32>
      %add3A_498 = arith.constant 0 : i32
      %add3A_499 = arith.addi %mul3A_488, %add3A_498 : i32
      %get3A_500 = arith.constant 1 : i32
      %get3A_501 = arith.index_cast %get3A_500 : i32 to index
      %get3A_502 = arith.index_cast %add3A_499 : i32 to index
      %get3A_503 = arith.constant 16 : index
      %get3A_504 = tpu.vector_load %arg6[%get3A_501, %get3A_502, %get3A_503] {strides = array<i32>} : memref<4x128x128xf32, #tpu.memory_space<vmem>>, vector<16xf32>,
      %mul3A_505 = arith.constant 8.000000e+00 : f32
      %mul3A_506 = vector.broadcast %mul3A_505 : f32 to vector<16xf32>
      %mul3A_507 = arith.mulf %get3A_504, %mul3A_506 : vector<16xf32>
      %add3A_508 = arith.constant 0 : i32
      %add3A_509 = arith.addi %mul3A_488, %add3A_508 : i32
      %get3A_510 = arith.constant 1 : i32
      %get3A_511 = arith.index_cast %get3A_510 : i32 to index
      %get3A_512 = arith.index_cast %add3A_509 : i32 to index
      %get3A_513 = arith.constant 32 : index
      %get3A_514 = tpu.vector_load %arg6[%get3A_511, %get3A_512, %get3A_513] {strides = array<i32>} : memref<4x128x128xf32, #tpu.memory_space<vmem>>, vector<16xf32>,
      %mul3A_515 = arith.constant 8.000000e+00 : f32
      %mul3A_516 = vector.broadcast %mul3A_515 : f32 to vector<16xf32>
      %mul3A_517 = arith.mulf %get3A_514, %mul3A_516 : vector<16xf32>
      %add3A_518 = arith.constant 0 : i32
      %add3A_519 = arith.addi %mul3A_488, %add3A_518 : i32
      %get3A_520 = arith.constant 1 : i32
      %get3A_521 = arith.index_cast %get3A_520 : i32 to index
      %get3A_522 = arith.index_cast %add3A_519 : i32 to index
      %get3A_523 = arith.constant 48 : index
      %get3A_524 = tpu.vector_load %arg6[%get3A_521, %get3A_522, %get3A_523] {strides = array<i32>} : memref<4x128x128xf32, #tpu.memory_space<vmem>>, vector<16xf32>,
      %mul3A_525 = arith.constant 8.000000e+00 : f32
      %mul3A_526 = vector.broadcast %mul3A_525 : f32 to vector<16xf32>
      %mul3A_527 = arith.mulf %get3A_524, %mul3A_526 : vector<16xf32>
      %add3A_528 = arith.constant 1 : i32
      %add3A_529 = arith.addi %mul3A_488, %add3A_528 : i32
      %get3A_530 = arith.constant 1 : i32
      %get3A_531 = arith.index_cast %get3A_530 : i32 to index
      %get3A_532 = arith.index_cast %add3A_529 : i32 to index
      %get3A_533 = arith.constant 0 : index
      %get3A_534 = tpu.vector_load %arg6[%get3A_531, %get3A_532, %get3A_533] {strides = array<i32>} : memref<4x128x128xf32, #tpu.memory_space<vmem>>, vector<16xf32>,
      %mul3A_535 = arith.constant 8.000000e+00 : f32
      %mul3A_536 = vector.broadcast %mul3A_535 : f32 to vector<16xf32>
      %mul3A_537 = arith.mulf %get3A_534, %mul3A_536 : vector<16xf32>
      %add3A_538 = arith.constant 1 : i32
      %add3A_539 = arith.addi %mul3A_488, %add3A_538 : i32
      %get3A_540 = arith.constant 1 : i32
      %get3A_541 = arith.index_cast %get3A_540 : i32 to index
      %get3A_542 = arith.index_cast %add3A_539 : i32 to index
      %get3A_543 = arith.constant 16 : index
      %get3A_544 = tpu.vector_load %arg6[%get3A_541, %get3A_542, %get3A_543] {strides = array<i32>} : memref<4x128x128xf32, #tpu.memory_space<vmem>>, vector<16xf32>,
      %mul3A_545 = arith.constant 8.000000e+00 : f32
      %mul3A_546 = vector.broadcast %mul3A_545 : f32 to vector<16xf32>
      %mul3A_547 = arith.mulf %get3A_544, %mul3A_546 : vector<16xf32>
      %add3A_548 = arith.constant 1 : i32
      %add3A_549 = arith.addi %mul3A_488, %add3A_548 : i32
      %get3A_550 = arith.constant 1 : i32
      %get3A_551 = arith.index_cast %get3A_550 : i32 to index
      %get3A_552 = arith.index_cast %add3A_549 : i32 to index
      %get3A_553 = arith.constant 32 : index
      %get3A_554 = tpu.vector_load %arg6[%get3A_551, %get3A_552, %get3A_553] {strides = array<i32>} : memref<4x128x128xf32, #tpu.memory_space<vmem>>, vector<16xf32>,
      %mul3A_555 = arith.constant 8.000000e+00 : f32
      %mul3A_556 = vector.broadcast %mul3A_555 : f32 to vector<16xf32>
      %mul3A_557 = arith.mulf %get3A_554, %mul3A_556 : vector<16xf32>
      %add3A_558 = arith.constant 1 : i32
      %add3A_559 = arith.addi %mul3A_488, %add3A_558 : i32
      %get3A_560 = arith.constant 1 : i32
      %get3A_561 = arith.index_cast %get3A_560 : i32 to index
      %get3A_562 = arith.index_cast %add3A_559 : i32 to index
      %get3A_563 = arith.constant 48 : index
      %get3A_564 = tpu.vector_load %arg6[%get3A_561, %get3A_562, %get3A_563] {strides = array<i32>} : memref<4x128x128xf32, #tpu.memory_space<vmem>>, vector<16xf32>,
      %mul3A_565 = arith.constant 8.000000e+00 : f32
      %mul3A_566 = vector.broadcast %mul3A_565 : f32 to vector<16xf32>
      %mul3A_567 = arith.mulf %get3A_564, %mul3A_566 : vector<16xf32>
      %add3A_568 = arith.constant 2 : i32
      %add3A_569 = arith.addi %mul3A_488, %add3A_568 : i32
      %get3A_570 = arith.constant 1 : i32
      %get3A_571 = arith.index_cast %get3A_570 : i32 to index
      %get3A_572 = arith.index_cast %add3A_569 : i32 to index
      %get3A_573 = arith.constant 0 : index
      %get3A_574 = tpu.vector_load %arg6[%get3A_571, %get3A_572, %get3A_573] {strides = array<i32>} : memref<4x128x128xf32, #tpu.memory_space<vmem>>, vector<16xf32>,
      %mul3A_575 = arith.constant 8.000000e+00 : f32
      %mul3A_576 = vector.broadcast %mul3A_575 : f32 to vector<16xf32>
      %mul3A_577 = arith.mulf %get3A_574, %mul3A_576 : vector<16xf32>
      %add3A_578 = arith.constant 2 : i32
      %add3A_579 = arith.addi %mul3A_488, %add3A_578 : i32
      %get3A_580 = arith.constant 1 : i32
      %get3A_581 = arith.index_cast %get3A_580 : i32 to index
      %get3A_582 = arith.index_cast %add3A_579 : i32 to index
      %get3A_583 = arith.constant 16 : index
      %get3A_584 = tpu.vector_load %arg6[%get3A_581, %get3A_582, %get3A_583] {strides = array<i32>} : memref<4x128x128xf32, #tpu.memory_space<vmem>>, vector<16xf32>,
      %mul3A_585 = arith.constant 8.000000e+00 : f32
      %mul3A_586 = vector.broadcast %mul3A_585 : f32 to vector<16xf32>
      %mul3A_587 = arith.mulf %get3A_584, %mul3A_586 : vector<16xf32>
      %add3A_588 = arith.constant 2 : i32
      %add3A_589 = arith.addi %mul3A_488, %add3A_588 : i32
      %get3A_590 = arith.constant 1 : i32
      %get3A_591 = arith.index_cast %get3A_590 : i32 to index
      %get3A_592 = arith.index_cast %add3A_589 : i32 to index
      %get3A_593 = arith.constant 32 : index
      %get3A_594 = tpu.vector_load %arg6[%get3A_591, %get3A_592, %get3A_593] {strides = array<i32>} : memref<4x128x128xf32, #tpu.memory_space<vmem>>, vector<16xf32>,
      %mul3A_595 = arith.constant 8.000000e+00 : f32
      %mul3A_596 = vector.broadcast %mul3A_595 : f32 to vector<16xf32>
      %mul3A_597 = arith.mulf %get3A_594, %mul3A_596 : vector<16xf32>
      %add3A_598 = arith.constant 2 : i32
      %add3A_599 = arith.addi %mul3A_488, %add3A_598 : i32
      %get3A_600 = arith.constant 1 : i32
      %get3A_601 = arith.index_cast %get3A_600 : i32 to index
      %get3A_602 = arith.index_cast %add3A_599 : i32 to index
      %get3A_603 = arith.constant 48 : index
      %get3A_604 = tpu.vector_load %arg6[%get3A_601, %get3A_602, %get3A_603] {strides = array<i32>} : memref<4x128x128xf32, #tpu.memory_space<vmem>>, vector<16xf32>,
      %mul3A_605 = arith.constant 8.000000e+00 : f32
      %mul3A_606 = vector.broadcast %mul3A_605 : f32 to vector<16xf32>
      %mul3A_607 = arith.mulf %get3A_604, %mul3A_606 : vector<16xf32>
      %add3A_608 = arith.constant 3 : i32
      %add3A_609 = arith.addi %mul3A_488, %add3A_608 : i32
      %get3A_610 = arith.constant 1 : i32
      %get3A_611 = arith.index_cast %get3A_610 : i32 to index
      %get3A_612 = arith.index_cast %add3A_609 : i32 to index
      %get3A_613 = arith.constant 0 : index
      %get3A_614 = tpu.vector_load %arg6[%get3A_611, %get3A_612, %get3A_613] {strides = array<i32>} : memref<4x128x128xf32, #tpu.memory_space<vmem>>, vector<16xf32>,
      %mul3A_615 = arith.constant 8.000000e+00 : f32
      %mul3A_616 = vector.broadcast %mul3A_615 : f32 to vector<16xf32>
      %mul3A_617 = arith.mulf %get3A_614, %mul3A_616 : vector<16xf32>
      %add3A_618 = arith.constant 3 : i32
      %add3A_619 = arith.addi %mul3A_488, %add3A_618 : i32
      %get3A_620 = arith.constant 1 : i32
      %get3A_621 = arith.index_cast %get3A_620 : i32 to index
      %get3A_622 = arith.index_cast %add3A_619 : i32 to index
      %get3A_623 = arith.constant 16 : index
      %get3A_624 = tpu.vector_load %arg6[%get3A_621, %get3A_622, %get3A_623] {strides = array<i32>} : memref<4x128x128xf32, #tpu.memory_space<vmem>>, vector<16xf32>,
      %mul3A_625 = arith.constant 8.000000e+00 : f32
      %mul3A_626 = vector.broadcast %mul3A_625 : f32 to vector<16xf32>
      %mul3A_627 = arith.mulf %get3A_624, %mul3A_626 : vector<16xf32>
      %add3A_628 = arith.constant 3 : i32
      %add3A_629 = arith.addi %mul3A_488, %add3A_628 : i32
      %get3A_630 = arith.constant 1 : i32
      %get3A_631 = arith.index_cast %get3A_630 : i32 to index
      %get3A_632 = arith.index_cast %add3A_629 : i32 to index
      %get3A_633 = arith.constant 32 : index
      %get3A_634 = tpu.vector_load %arg6[%get3A_631, %get3A_632, %get3A_633] {strides = array<i32>} : memref<4x128x128xf32, #tpu.memory_space<vmem>>, vector<16xf32>,
      %mul3A_635 = arith.constant 8.000000e+00 : f32
      %mul3A_636 = vector.broadcast %mul3A_635 : f32 to vector<16xf32>
      %mul3A_637 = arith.mulf %get3A_634, %mul3A_636 : vector<16xf32>
      %add3A_638 = arith.constant 3 : i32
      %add3A_639 = arith.addi %mul3A_488, %add3A_638 : i32
      %get3A_640 = arith.constant 1 : i32
      %get3A_641 = arith.index_cast %get3A_640 : i32 to index
      %get3A_642 = arith.index_cast %add3A_639 : i32 to index
      %get3A_643 = arith.constant 48 : index
      %get3A_644 = tpu.vector_load %arg6[%get3A_641, %get3A_642, %get3A_643] {strides = array<i32>} : memref<4x128x128xf32, #tpu.memory_space<vmem>>, vector<16xf32>,
      %mul3A_645 = arith.constant 8.000000e+00 : f32
      %mul3A_646 = vector.broadcast %mul3A_645 : f32 to vector<16xf32>
      %mul3A_647 = arith.mulf %get3A_644, %mul3A_646 : vector<16xf32>
      %add3A_648 = arith.constant 0 : i32
      %add3A_649 = arith.addi %mul3A_488, %add3A_648 : i32
      %swap3A = arith.constant 1 : i32
      %swap3A_650 = arith.index_cast %swap3A : i32 to index
      %swap3A_651 = arith.index_cast %add3A_649 : i32 to index
      %swap3A_652 = arith.constant 0 : index
      %swap3A_653 = tpu.vector_load %arg7[%swap3A_650, %swap3A_651, %swap3A_652] {strides = array<i32>} : memref<2x128x64xf32, #tpu.memory_space<vmem>>, vector<16xf32>,
      tpu.vector_store %arg7[%swap3A_650, %swap3A_651, %swap3A_652], %mul3A_497 {strides = array<i32>} : memref<2x128x64xf32, #tpu.memory_space<vmem>>, vector<16xf32>,
      %add3A_654 = arith.constant 0 : i32
      %add3A_655 = arith.addi %mul3A_488, %add3A_654 : i32
      %swap3A_656 = arith.constant 1 : i32
      %swap3A_657 = arith.index_cast %swap3A_656 : i32 to index
      %swap3A_658 = arith.index_cast %add3A_655 : i32 to index
      %swap3A_659 = arith.constant 16 : index
      %swap3A_660 = tpu.vector_load %arg7[%swap3A_657, %swap3A_658, %swap3A_659] {strides = array<i32>} : memref<2x128x64xf32, #tpu.memory_space<vmem>>, vector<16xf32>,
      tpu.vector_store %arg7[%swap3A_657, %swap3A_658, %swap3A_659], %mul3A_507 {strides = array<i32>} : memref<2x128x64xf32, #tpu.memory_space<vmem>>, vector<16xf32>,
      %add3A_661 = arith.constant 0 : i32
      %add3A_662 = arith.addi %mul3A_488, %add3A_661 : i32
      %swap3A_663 = arith.constant 1 : i32
      %swap3A_664 = arith.index_cast %swap3A_663 : i32 to index
      %swap3A_665 = arith.index_cast %add3A_662 : i32 to index
      %swap3A_666 = arith.constant 32 : index
      %swap3A_667 = tpu.vector_load %arg7[%swap3A_664, %swap3A_665, %swap3A_666] {strides = array<i32>} : memref<2x128x64xf32, #tpu.memory_space<vmem>>, vector<16xf32>,
      tpu.vector_store %arg7[%swap3A_664, %swap3A_665, %swap3A_666], %mul3A_517 {strides = array<i32>} : memref<2x128x64xf32, #tpu.memory_space<vmem>>, vector<16xf32>,
      %add3A_668 = arith.constant 0 : i32
      %add3A_669 = arith.addi %mul3A_488, %add3A_668 : i32
      %swap3A_670 = arith.constant 1 : i32
      %swap3A_671 = arith.index_cast %swap3A_670 : i32 to index
      %swap3A_672 = arith.index_cast %add3A_669 : i32 to index
      %swap3A_673 = arith.constant 48 : index
      %swap3A_674 = tpu.vector_load %arg7[%swap3A_671, %swap3A_672, %swap3A_673] {strides = array<i32>} : memref<2x128x64xf32, #tpu.memory_space<vmem>>, vector<16xf32>,
      tpu.vector_store %arg7[%swap3A_671, %swap3A_672, %swap3A_673], %mul3A_527 {strides = array<i32>} : memref<2x128x64xf32, #tpu.memory_space<vmem>>, vector<16xf32>,
      %add3A_675 = arith.constant 1 : i32
      %add3A_676 = arith.addi %mul3A_488, %add3A_675 : i32
      %swap3A_677 = arith.constant 1 : i32
      %swap3A_678 = arith.index_cast %swap3A_677 : i32 to index
      %swap3A_679 = arith.index_cast %add3A_676 : i32 to index
      %swap3A_680 = arith.constant 0 : index
      %swap3A_681 = tpu.vector_load %arg7[%swap3A_678, %swap3A_679, %swap3A_680] {strides = array<i32>} : memref<2x128x64xf32, #tpu.memory_space<vmem>>, vector<16xf32>,
      tpu.vector_store %arg7[%swap3A_678, %swap3A_679, %swap3A_680], %mul3A_537 {strides = array<i32>} : memref<2x128x64xf32, #tpu.memory_space<vmem>>, vector<16xf32>,
      %add3A_682 = arith.constant 1 : i32
      %add3A_683 = arith.addi %mul3A_488, %add3A_682 : i32
      %swap3A_684 = arith.constant 1 : i32
      %swap3A_685 = arith.index_cast %swap3A_684 : i32 to index
      %swap3A_686 = arith.index_cast %add3A_683 : i32 to index
      %swap3A_687 = arith.constant 16 : index
      %swap3A_688 = tpu.vector_load %arg7[%swap3A_685, %swap3A_686, %swap3A_687] {strides = array<i32>} : memref<2x128x64xf32, #tpu.memory_space<vmem>>, vector<16xf32>,
      tpu.vector_store %arg7[%swap3A_685, %swap3A_686, %swap3A_687], %mul3A_547 {strides = array<i32>} : memref<2x128x64xf32, #tpu.memory_space<vmem>>, vector<16xf32>,
      %add3A_689 = arith.constant 1 : i32
      %add3A_690 = arith.addi %mul3A_488, %add3A_689 : i32
      %swap3A_691 = arith.constant 1 : i32
      %swap3A_692 = arith.index_cast %swap3A_691 : i32 to index
      %swap3A_693 = arith.index_cast %add3A_690 : i32 to index
      %swap3A_694 = arith.constant 32 : index
      %swap3A_695 = tpu.vector_load %arg7[%swap3A_692, %swap3A_693, %swap3A_694] {strides = array<i32>} : memref<2x128x64xf32, #tpu.memory_space<vmem>>, vector<16xf32>,
      tpu.vector_store %arg7[%swap3A_692, %swap3A_693, %swap3A_694], %mul3A_557 {strides = array<i32>} : memref<2x128x64xf32, #tpu.memory_space<vmem>>, vector<16xf32>,
      %add3A_696 = arith.constant 1 : i32
      %add3A_697 = arith.addi %mul3A_488, %add3A_696 : i32
      %swap3A_698 = arith.constant 1 : i32
      %swap3A_699 = arith.index_cast %swap3A_698 : i32 to index
      %swap3A_700 = arith.index_cast %add3A_697 : i32 to index
      %swap3A_701 = arith.constant 48 : index
      %swap3A_702 = tpu.vector_load %arg7[%swap3A_699, %swap3A_700, %swap3A_701] {strides = array<i32>} : memref<2x128x64xf32, #tpu.memory_space<vmem>>, vector<16xf32>,
      tpu.vector_store %arg7[%swap3A_699, %swap3A_700, %swap3A_701], %mul3A_567 {strides = array<i32>} : memref<2x128x64xf32, #tpu.memory_space<vmem>>, vector<16xf32>,
      %add3A_703 = arith.constant 2 : i32
      %add3A_704 = arith.addi %mul3A_488, %add3A_703 : i32
      %swap3A_705 = arith.constant 1 : i32
      %swap3A_706 = arith.index_cast %swap3A_705 : i32 to index
      %swap3A_707 = arith.index_cast %add3A_704 : i32 to index
      %swap3A_708 = arith.constant 0 : index
      %swap3A_709 = tpu.vector_load %arg7[%swap3A_706, %swap3A_707, %swap3A_708] {strides = array<i32>} : memref<2x128x64xf32, #tpu.memory_space<vmem>>, vector<16xf32>,
      tpu.vector_store %arg7[%swap3A_706, %swap3A_707, %swap3A_708], %mul3A_577 {strides = array<i32>} : memref<2x128x64xf32, #tpu.memory_space<vmem>>, vector<16xf32>,
      %add3A_710 = arith.constant 2 : i32
      %add3A_711 = arith.addi %mul3A_488, %add3A_710 : i32
      %swap3A_712 = arith.constant 1 : i32
      %swap3A_713 = arith.index_cast %swap3A_712 : i32 to index
      %swap3A_714 = arith.index_cast %add3A_711 : i32 to index
      %swap3A_715 = arith.constant 16 : index
      %swap3A_716 = tpu.vector_load %arg7[%swap3A_713, %swap3A_714, %swap3A_715] {strides = array<i32>} : memref<2x128x64xf32, #tpu.memory_space<vmem>>, vector<16xf32>,
      tpu.vector_store %arg7[%swap3A_713, %swap3A_714, %swap3A_715], %mul3A_587 {strides = array<i32>} : memref<2x128x64xf32, #tpu.memory_space<vmem>>, vector<16xf32>,
      %add3A_717 = arith.constant 2 : i32
      %add3A_718 = arith.addi %mul3A_488, %add3A_717 : i32
      %swap3A_719 = arith.constant 1 : i32
      %swap3A_720 = arith.index_cast %swap3A_719 : i32 to index
      %swap3A_721 = arith.index_cast %add3A_718 : i32 to index
      %swap3A_722 = arith.constant 32 : index
      %swap3A_723 = tpu.vector_load %arg7[%swap3A_720, %swap3A_721, %swap3A_722] {strides = array<i32>} : memref<2x128x64xf32, #tpu.memory_space<vmem>>, vector<16xf32>,
      tpu.vector_store %arg7[%swap3A_720, %swap3A_721, %swap3A_722], %mul3A_597 {strides = array<i32>} : memref<2x128x64xf32, #tpu.memory_space<vmem>>, vector<16xf32>,
      %add3A_724 = arith.constant 2 : i32
      %add3A_725 = arith.addi %mul3A_488, %add3A_724 : i32
      %swap3A_726 = arith.constant 1 : i32
      %swap3A_727 = arith.index_cast %swap3A_726 : i32 to index
      %swap3A_728 = arith.index_cast %add3A_725 : i32 to index
      %swap3A_729 = arith.constant 48 : index
      %swap3A_730 = tpu.vector_load %arg7[%swap3A_727, %swap3A_728, %swap3A_729] {strides = array<i32>} : memref<2x128x64xf32, #tpu.memory_space<vmem>>, vector<16xf32>,
      tpu.vector_store %arg7[%swap3A_727, %swap3A_728, %swap3A_729], %mul3A_607 {strides = array<i32>} : memref<2x128x64xf32, #tpu.memory_space<vmem>>, vector<16xf32>,
      %add3A_731 = arith.constant 3 : i32
      %add3A_732 = arith.addi %mul3A_488, %add3A_731 : i32
      %swap3A_733 = arith.constant 1 : i32
      %swap3A_734 = arith.index_cast %swap3A_733 : i32 to index
      %swap3A_735 = arith.index_cast %add3A_732 : i32 to index
      %swap3A_736 = arith.constant 0 : index
      %swap3A_737 = tpu.vector_load %arg7[%swap3A_734, %swap3A_735, %swap3A_736] {strides = array<i32>} : memref<2x128x64xf32, #tpu.memory_space<vmem>>, vector<16xf32>,
      tpu.vector_store %arg7[%swap3A_734, %swap3A_735, %swap3A_736], %mul3A_617 {strides = array<i32>} : memref<2x128x64xf32, #tpu.memory_space<vmem>>, vector<16xf32>,
      %add3A_738 = arith.constant 3 : i32
      %add3A_739 = arith.addi %mul3A_488, %add3A_738 : i32
      %swap3A_740 = arith.constant 1 : i32
      %swap3A_741 = arith.index_cast %swap3A_740 : i32 to index
      %swap3A_742 = arith.index_cast %add3A_739 : i32 to index
      %swap3A_743 = arith.constant 16 : index
      %swap3A_744 = tpu.vector_load %arg7[%swap3A_741, %swap3A_742, %swap3A_743] {strides = array<i32>} : memref<2x128x64xf32, #tpu.memory_space<vmem>>, vector<16xf32>,
      tpu.vector_store %arg7[%swap3A_741, %swap3A_742, %swap3A_743], %mul3A_627 {strides = array<i32>} : memref<2x128x64xf32, #tpu.memory_space<vmem>>, vector<16xf32>,
      %add3A_745 = arith.constant 3 : i32
      %add3A_746 = arith.addi %mul3A_488, %add3A_745 : i32
      %swap3A_747 = arith.constant 1 : i32
      %swap3A_748 = arith.index_cast %swap3A_747 : i32 to index
      %swap3A_749 = arith.index_cast %add3A_746 : i32 to index
      %swap3A_750 = arith.constant 32 : index
      %swap3A_751 = tpu.vector_load %arg7[%swap3A_748, %swap3A_749, %swap3A_750] {strides = array<i32>} : memref<2x128x64xf32, #tpu.memory_space<vmem>>, vector<16xf32>,
      tpu.vector_store %arg7[%swap3A_748, %swap3A_749, %swap3A_750], %mul3A_637 {strides = array<i32>} : memref<2x128x64xf32, #tpu.memory_space<vmem>>, vector<16xf32>,
      %add3A_752 = arith.constant 3 : i32
      %add3A_753 = arith.addi %mul3A_488, %add3A_752 : i32
      %swap3A_754 = arith.constant 1 : i32
      %swap3A_755 = arith.index_cast %swap3A_754 : i32 to index
      %swap3A_756 = arith.index_cast %add3A_753 : i32 to index
      %swap3A_757 = arith.constant 48 : index
      %swap3A_758 = tpu.vector_load %arg7[%swap3A_755, %swap3A_756, %swap3A_757] {strides = array<i32>} : memref<2x128x64xf32, #tpu.memory_space<vmem>>, vector<16xf32>,
      tpu.vector_store %arg7[%swap3A_755, %swap3A_756, %swap3A_757], %mul3A_647 {strides = array<i32>} : memref<2x128x64xf32, #tpu.memory_space<vmem>>, vector<16xf32>,
    }
    %scan3A_110 = arith.constant 32 : i32
    %dma_start3A_111 = arith.constant 5 : i32
    %dma_start3A_112 = arith.constant 1 : i32
    %dma_start3A_113 = arith.constant 0 : i32
    %dma_start3A_114 = arith.constant 0 : i32
    %dma_start3A_115 = tpu.memref_slice %arg6[%dma_start3A_112, %dma_start3A_113, %dma_start3A_114] : memref<4x128x128xf32, #tpu.memory_space<vmem>> -> memref<1x128x128xf32, #tpu.memory_space<vmem>>
    %dma_start3A_116 = tpu.memref_squeeze %dma_start3A_115 : memref<1x128x128xf32, #tpu.memory_space<vmem>> -> memref<128x128xf32, #tpu.memory_space<vmem>>
    %dma_start3A_117 = arith.constant 0 : i32
    %dma_start3A_118 = tpu.memref_slice %arg5[%dma_start3A_111, %dma_start3A_117] : memref<200x128xi32, #tpu.memory_space<vmem>> -> memref<1x128xi32, #tpu.memory_space<vmem>>
    %dma_start3A_119 = tpu.memref_squeeze %dma_start3A_118 : memref<1x128xi32, #tpu.memory_space<vmem>> -> memref<128xi32, #tpu.memory_space<vmem>>
    %dma_start3A_120 = arith.constant 0 : i32
    %dma_start3A_121 = arith.constant 0 : i32
    %dma_start3A_122 = tpu.memref_slice %arg3[%dma_start3A_120, %dma_start3A_121] : memref<1000000x128xf32, #tpu.memory_space<hbm>> -> memref<1000000x128xf32, #tpu.memory_space<hbm>>
    tpu.enqueue_indirect_dma source(%dma_start3A_122 : memref<1000000x128xf32, #tpu.memory_space<hbm>>) target(%dma_start3A_116 : memref<128x128xf32, #tpu.memory_space<vmem>>) offsets(%dma_start3A_119 : memref<128xi32, #tpu.memory_space<vmem>>) semaphore(%arg9 : memref<!tpu.dma_semaphore, #tpu.memory_space<semaphore_mem>>)
    %add3A_123 = arith.constant 128 : i32
    %add3A_124 = arith.addi %mul3A_2, %add3A_123 : i32
    %dma_start3A_125 = arith.constant 1 : i32
    %dma_start3A_126 = arith.constant 0 : i32
    %dma_start3A_127 = arith.constant 0 : i32
    %dma_start3A_128 = tpu.memref_slice %arg7[%dma_start3A_125, %dma_start3A_126, %dma_start3A_127] : memref<2x128x64xf32, #tpu.memory_space<vmem>> -> memref<1x128x64xf32, #tpu.memory_space<vmem>>
    %dma_start3A_129 = tpu.memref_squeeze %dma_start3A_128 : memref<1x128x64xf32, #tpu.memory_space<vmem>> -> memref<128x64xf32, #tpu.memory_space<vmem>>
    %dma_start3A_130 = arith.constant 0 : i32
    %dma_start3A_131 = tpu.memref_slice %arg4[%add3A_124, %dma_start3A_130] : memref<819200x64xf32, #tpu.memory_space<hbm>> -> memref<128x64xf32, #tpu.memory_space<hbm>>
    %dma_start3A_132 = arith.constant 0 : i32
    %dma_start3A_133 = tpu.memref_slice %arg4[%add3A_124, %dma_start3A_132] : memref<819200x64xf32, #tpu.memory_space<hbm>> -> memref<128x64xf32, #tpu.memory_space<hbm>>
    %dma_start3A_134 = arith.constant 0 : i32
    %dma_start3A_135 = arith.constant 0 : i32
    %dma_start3A_136 = tpu.memref_slice %arg7[%dma_start3A_125, %dma_start3A_134, %dma_start3A_135] : memref<2x128x64xf32, #tpu.memory_space<vmem>> -> memref<1x128x64xf32, #tpu.memory_space<vmem>>
    %dma_start3A_137 = tpu.memref_squeeze %dma_start3A_136 : memref<1x128x64xf32, #tpu.memory_space<vmem>> -> memref<128x64xf32, #tpu.memory_space<vmem>>
    tpu.enqueue_dma source(%dma_start3A_137 : memref<128x64xf32, #tpu.memory_space<vmem>>) target(%dma_start3A_133 : memref<128x64xf32, #tpu.memory_space<hbm>>) target_semaphore(%arg13 : memref<!tpu.dma_semaphore, #tpu.memory_space<semaphore_mem>>)
    %dma_wait3A_138 = arith.constant 2 : i32
    %dma_wait3A_139 = arith.constant 2 : i32
    %dma_wait3A_140 = arith.constant 0 : i32
    %dma_wait3A_141 = arith.constant 0 : i32
    %dma_wait3A_142 = tpu.memref_slice %arg6[%dma_wait3A_139, %dma_wait3A_140, %dma_wait3A_141] : memref<4x128x128xf32, #tpu.memory_space<vmem>> -> memref<1x128x128xf32, #tpu.memory_space<vmem>>
    %dma_wait3A_143 = tpu.memref_squeeze %dma_wait3A_142 : memref<1x128x128xf32, #tpu.memory_space<vmem>> -> memref<128x128xf32, #tpu.memory_space<vmem>>
    %dma_wait3A_144 = arith.constant 0 : i32
    %dma_wait3A_145 = tpu.memref_slice %arg5[%dma_wait3A_138, %dma_wait3A_144] : memref<200x128xi32, #tpu.memory_space<vmem>> -> memref<1x128xi32, #tpu.memory_space<vmem>>
    %dma_wait3A_146 = tpu.memref_squeeze %dma_wait3A_145 : memref<1x128xi32, #tpu.memory_space<vmem>> -> memref<128xi32, #tpu.memory_space<vmem>>
    %dma_wait3A_147 = arith.constant 0 : i32
    %dma_wait3A_148 = arith.constant 0 : i32
    %dma_wait3A_149 = tpu.memref_slice %arg3[%dma_wait3A_147, %dma_wait3A_148] : memref<1000000x128xf32, #tpu.memory_space<hbm>> -> memref<1000000x128xf32, #tpu.memory_space<hbm>>
    tpu.wait_indirect_dma semaphore(%arg10 : memref<!tpu.dma_semaphore, #tpu.memory_space<semaphore_mem>>) src(%dma_wait3A_149 : memref<1000000x128xf32, #tpu.memory_space<hbm>>) dst(%dma_wait3A_143 : memref<128x128xf32, #tpu.memory_space<vmem>>)
    %add3A_150 = arith.constant 0 : i32
    %add3A_151 = arith.addi %mul3A_2, %add3A_150 : i32
    %dma_wait3A_152 = arith.constant 0 : i32
    %dma_wait3A_153 = arith.constant 0 : i32
    %dma_wait3A_154 = arith.constant 0 : i32
    %dma_wait3A_155 = tpu.memref_slice %arg7[%dma_wait3A_152, %dma_wait3A_153, %dma_wait3A_154] : memref<2x128x64xf32, #tpu.memory_space<vmem>> -> memref<1x128x64xf32, #tpu.memory_space<vmem>>
    %dma_wait3A_156 = tpu.memref_squeeze %dma_wait3A_155 : memref<1x128x64xf32, #tpu.memory_space<vmem>> -> memref<128x64xf32, #tpu.memory_space<vmem>>
    %dma_wait3A_157 = arith.constant 0 : i32
    %dma_wait3A_158 = tpu.memref_slice %arg4[%add3A_151, %dma_wait3A_157] : memref<819200x64xf32, #tpu.memory_space<hbm>> -> memref<128x64xf32, #tpu.memory_space<hbm>>
    %dma_wait3A_159 = arith.constant 0 : i32
    %dma_wait3A_160 = tpu.memref_slice %arg4[%add3A_151, %dma_wait3A_159] : memref<819200x64xf32, #tpu.memory_space<hbm>> -> memref<128x64xf32, #tpu.memory_space<hbm>>
    %dma_wait3A_161 = arith.constant 0 : i32
    %dma_wait3A_162 = arith.constant 0 : i32
    %dma_wait3A_163 = tpu.memref_slice %arg7[%dma_wait3A_152, %dma_wait3A_161, %dma_wait3A_162] : memref<2x128x64xf32, #tpu.memory_space<vmem>> -> memref<1x128x64xf32, #tpu.memory_space<vmem>>
    %dma_wait3A_164 = tpu.memref_squeeze %dma_wait3A_163 : memref<1x128x64xf32, #tpu.memory_space<vmem>> -> memref<128x64xf32, #tpu.memory_space<vmem>>
    tpu.wait_dma2 semaphore(%arg12 : memref<!tpu.dma_semaphore, #tpu.memory_space<semaphore_mem>>) src(%dma_wait3A_164 : memref<128x64xf32, #tpu.memory_space<vmem>>) dst(%dma_wait3A_160 : memref<128x64xf32, #tpu.memory_space<hbm>>)
    %scan3A_165 = arith.constant 0 : i32
    %scan3A_166 = arith.constant 0 : i32
    %scan3A_167 = arith.constant 32 : i32
    %scan3A_168 = arith.addi %scan3A_166, %scan3A_167 : i32
    %scan3A_169 = arith.constant 1 : i32
    scf.for %scan3A_486 = %scan3A_166 to %scan3A_168 step %scan3A_169  : i32 {
      %mul3A_487 = arith.constant 4 : i32
      %mul3A_488 = arith.muli %scan3A_486, %mul3A_487 : i32
      %add3A_489 = arith.constant 0 : i32
      %add3A_490 = arith.addi %mul3A_488, %add3A_489 : i32
      %get3A = arith.constant 2 : i32
      %get3A_491 = arith.index_cast %get3A : i32 to index
      %get3A_492 = arith.index_cast %add3A_490 : i32 to index
      %get3A_493 = arith.constant 0 : index
      %get3A_494 = tpu.vector_load %arg6[%get3A_491, %get3A_492, %get3A_493] {strides = array<i32>} : memref<4x128x128xf32, #tpu.memory_space<vmem>>, vector<16xf32>,
      %mul3A_495 = arith.constant 8.000000e+00 : f32
      %mul3A_496 = vector.broadcast %mul3A_495 : f32 to vector<16xf32>
      %mul3A_497 = arith.mulf %get3A_494, %mul3A_496 : vector<16xf32>
      %add3A_498 = arith.constant 0 : i32
      %add3A_499 = arith.addi %mul3A_488, %add3A_498 : i32
      %get3A_500 = arith.constant 2 : i32
      %get3A_501 = arith.index_cast %get3A_500 : i32 to index
      %get3A_502 = arith.index_cast %add3A_499 : i32 to index
      %get3A_503 = arith.constant 16 : index
      %get3A_504 = tpu.vector_load %arg6[%get3A_501, %get3A_502, %get3A_503] {strides = array<i32>} : memref<4x128x128xf32, #tpu.memory_space<vmem>>, vector<16xf32>,
      %mul3A_505 = arith.constant 8.000000e+00 : f32
      %mul3A_506 = vector.broadcast %mul3A_505 : f32 to vector<16xf32>
      %mul3A_507 = arith.mulf %get3A_504, %mul3A_506 : vector<16xf32>
      %add3A_508 = arith.constant 0 : i32
      %add3A_509 = arith.addi %mul3A_488, %add3A_508 : i32
      %get3A_510 = arith.constant 2 : i32
      %get3A_511 = arith.index_cast %get3A_510 : i32 to index
      %get3A_512 = arith.index_cast %add3A_509 : i32 to index
      %get3A_513 = arith.constant 32 : index
      %get3A_514 = tpu.vector_load %arg6[%get3A_511, %get3A_512, %get3A_513] {strides = array<i32>} : memref<4x128x128xf32, #tpu.memory_space<vmem>>, vector<16xf32>,
      %mul3A_515 = arith.constant 8.000000e+00 : f32
      %mul3A_516 = vector.broadcast %mul3A_515 : f32 to vector<16xf32>
      %mul3A_517 = arith.mulf %get3A_514, %mul3A_516 : vector<16xf32>
      %add3A_518 = arith.constant 0 : i32
      %add3A_519 = arith.addi %mul3A_488, %add3A_518 : i32
      %get3A_520 = arith.constant 2 : i32
      %get3A_521 = arith.index_cast %get3A_520 : i32 to index
      %get3A_522 = arith.index_cast %add3A_519 : i32 to index
      %get3A_523 = arith.constant 48 : index
      %get3A_524 = tpu.vector_load %arg6[%get3A_521, %get3A_522, %get3A_523] {strides = array<i32>} : memref<4x128x128xf32, #tpu.memory_space<vmem>>, vector<16xf32>,
      %mul3A_525 = arith.constant 8.000000e+00 : f32
      %mul3A_526 = vector.broadcast %mul3A_525 : f32 to vector<16xf32>
      %mul3A_527 = arith.mulf %get3A_524, %mul3A_526 : vector<16xf32>
      %add3A_528 = arith.constant 1 : i32
      %add3A_529 = arith.addi %mul3A_488, %add3A_528 : i32
      %get3A_530 = arith.constant 2 : i32
      %get3A_531 = arith.index_cast %get3A_530 : i32 to index
      %get3A_532 = arith.index_cast %add3A_529 : i32 to index
      %get3A_533 = arith.constant 0 : index
      %get3A_534 = tpu.vector_load %arg6[%get3A_531, %get3A_532, %get3A_533] {strides = array<i32>} : memref<4x128x128xf32, #tpu.memory_space<vmem>>, vector<16xf32>,
      %mul3A_535 = arith.constant 8.000000e+00 : f32
      %mul3A_536 = vector.broadcast %mul3A_535 : f32 to vector<16xf32>
      %mul3A_537 = arith.mulf %get3A_534, %mul3A_536 : vector<16xf32>
      %add3A_538 = arith.constant 1 : i32
      %add3A_539 = arith.addi %mul3A_488, %add3A_538 : i32
      %get3A_540 = arith.constant 2 : i32
      %get3A_541 = arith.index_cast %get3A_540 : i32 to index
      %get3A_542 = arith.index_cast %add3A_539 : i32 to index
      %get3A_543 = arith.constant 16 : index
      %get3A_544 = tpu.vector_load %arg6[%get3A_541, %get3A_542, %get3A_543] {strides = array<i32>} : memref<4x128x128xf32, #tpu.memory_space<vmem>>, vector<16xf32>,
      %mul3A_545 = arith.constant 8.000000e+00 : f32
      %mul3A_546 = vector.broadcast %mul3A_545 : f32 to vector<16xf32>
      %mul3A_547 = arith.mulf %get3A_544, %mul3A_546 : vector<16xf32>
      %add3A_548 = arith.constant 1 : i32
      %add3A_549 = arith.addi %mul3A_488, %add3A_548 : i32
      %get3A_550 = arith.constant 2 : i32
      %get3A_551 = arith.index_cast %get3A_550 : i32 to index
      %get3A_552 = arith.index_cast %add3A_549 : i32 to index
      %get3A_553 = arith.constant 32 : index
      %get3A_554 = tpu.vector_load %arg6[%get3A_551, %get3A_552, %get3A_553] {strides = array<i32>} : memref<4x128x128xf32, #tpu.memory_space<vmem>>, vector<16xf32>,
      %mul3A_555 = arith.constant 8.000000e+00 : f32
      %mul3A_556 = vector.broadcast %mul3A_555 : f32 to vector<16xf32>
      %mul3A_557 = arith.mulf %get3A_554, %mul3A_556 : vector<16xf32>
      %add3A_558 = arith.constant 1 : i32
      %add3A_559 = arith.addi %mul3A_488, %add3A_558 : i32
      %get3A_560 = arith.constant 2 : i32
      %get3A_561 = arith.index_cast %get3A_560 : i32 to index
      %get3A_562 = arith.index_cast %add3A_559 : i32 to index
      %get3A_563 = arith.constant 48 : index
      %get3A_564 = tpu.vector_load %arg6[%get3A_561, %get3A_562, %get3A_563] {strides = array<i32>} : memref<4x128x128xf32, #tpu.memory_space<vmem>>, vector<16xf32>,
      %mul3A_565 = arith.constant 8.000000e+00 : f32
      %mul3A_566 = vector.broadcast %mul3A_565 : f32 to vector<16xf32>
      %mul3A_567 = arith.mulf %get3A_564, %mul3A_566 : vector<16xf32>
      %add3A_568 = arith.constant 2 : i32
      %add3A_569 = arith.addi %mul3A_488, %add3A_568 : i32
      %get3A_570 = arith.constant 2 : i32
      %get3A_571 = arith.index_cast %get3A_570 : i32 to index
      %get3A_572 = arith.index_cast %add3A_569 : i32 to index
      %get3A_573 = arith.constant 0 : index
      %get3A_574 = tpu.vector_load %arg6[%get3A_571, %get3A_572, %get3A_573] {strides = array<i32>} : memref<4x128x128xf32, #tpu.memory_space<vmem>>, vector<16xf32>,
      %mul3A_575 = arith.constant 8.000000e+00 : f32
      %mul3A_576 = vector.broadcast %mul3A_575 : f32 to vector<16xf32>
      %mul3A_577 = arith.mulf %get3A_574, %mul3A_576 : vector<16xf32>
      %add3A_578 = arith.constant 2 : i32
      %add3A_579 = arith.addi %mul3A_488, %add3A_578 : i32
      %get3A_580 = arith.constant 2 : i32
      %get3A_581 = arith.index_cast %get3A_580 : i32 to index
      %get3A_582 = arith.index_cast %add3A_579 : i32 to index
      %get3A_583 = arith.constant 16 : index
      %get3A_584 = tpu.vector_load %arg6[%get3A_581, %get3A_582, %get3A_583] {strides = array<i32>} : memref<4x128x128xf32, #tpu.memory_space<vmem>>, vector<16xf32>,
      %mul3A_585 = arith.constant 8.000000e+00 : f32
      %mul3A_586 = vector.broadcast %mul3A_585 : f32 to vector<16xf32>
      %mul3A_587 = arith.mulf %get3A_584, %mul3A_586 : vector<16xf32>
      %add3A_588 = arith.constant 2 : i32
      %add3A_589 = arith.addi %mul3A_488, %add3A_588 : i32
      %get3A_590 = arith.constant 2 : i32
      %get3A_591 = arith.index_cast %get3A_590 : i32 to index
      %get3A_592 = arith.index_cast %add3A_589 : i32 to index
      %get3A_593 = arith.constant 32 : index
      %get3A_594 = tpu.vector_load %arg6[%get3A_591, %get3A_592, %get3A_593] {strides = array<i32>} : memref<4x128x128xf32, #tpu.memory_space<vmem>>, vector<16xf32>,
      %mul3A_595 = arith.constant 8.000000e+00 : f32
      %mul3A_596 = vector.broadcast %mul3A_595 : f32 to vector<16xf32>
      %mul3A_597 = arith.mulf %get3A_594, %mul3A_596 : vector<16xf32>
      %add3A_598 = arith.constant 2 : i32
      %add3A_599 = arith.addi %mul3A_488, %add3A_598 : i32
      %get3A_600 = arith.constant 2 : i32
      %get3A_601 = arith.index_cast %get3A_600 : i32 to index
      %get3A_602 = arith.index_cast %add3A_599 : i32 to index
      %get3A_603 = arith.constant 48 : index
      %get3A_604 = tpu.vector_load %arg6[%get3A_601, %get3A_602, %get3A_603] {strides = array<i32>} : memref<4x128x128xf32, #tpu.memory_space<vmem>>, vector<16xf32>,
      %mul3A_605 = arith.constant 8.000000e+00 : f32
      %mul3A_606 = vector.broadcast %mul3A_605 : f32 to vector<16xf32>
      %mul3A_607 = arith.mulf %get3A_604, %mul3A_606 : vector<16xf32>
      %add3A_608 = arith.constant 3 : i32
      %add3A_609 = arith.addi %mul3A_488, %add3A_608 : i32
      %get3A_610 = arith.constant 2 : i32
      %get3A_611 = arith.index_cast %get3A_610 : i32 to index
      %get3A_612 = arith.index_cast %add3A_609 : i32 to index
      %get3A_613 = arith.constant 0 : index
      %get3A_614 = tpu.vector_load %arg6[%get3A_611, %get3A_612, %get3A_613] {strides = array<i32>} : memref<4x128x128xf32, #tpu.memory_space<vmem>>, vector<16xf32>,
      %mul3A_615 = arith.constant 8.000000e+00 : f32
      %mul3A_616 = vector.broadcast %mul3A_615 : f32 to vector<16xf32>
      %mul3A_617 = arith.mulf %get3A_614, %mul3A_616 : vector<16xf32>
      %add3A_618 = arith.constant 3 : i32
      %add3A_619 = arith.addi %mul3A_488, %add3A_618 : i32
      %get3A_620 = arith.constant 2 : i32
      %get3A_621 = arith.index_cast %get3A_620 : i32 to index
      %get3A_622 = arith.index_cast %add3A_619 : i32 to index
      %get3A_623 = arith.constant 16 : index
      %get3A_624 = tpu.vector_load %arg6[%get3A_621, %get3A_622, %get3A_623] {strides = array<i32>} : memref<4x128x128xf32, #tpu.memory_space<vmem>>, vector<16xf32>,
      %mul3A_625 = arith.constant 8.000000e+00 : f32
      %mul3A_626 = vector.broadcast %mul3A_625 : f32 to vector<16xf32>
      %mul3A_627 = arith.mulf %get3A_624, %mul3A_626 : vector<16xf32>
      %add3A_628 = arith.constant 3 : i32
      %add3A_629 = arith.addi %mul3A_488, %add3A_628 : i32
      %get3A_630 = arith.constant 2 : i32
      %get3A_631 = arith.index_cast %get3A_630 : i32 to index
      %get3A_632 = arith.index_cast %add3A_629 : i32 to index
      %get3A_633 = arith.constant 32 : index
      %get3A_634 = tpu.vector_load %arg6[%get3A_631, %get3A_632, %get3A_633] {strides = array<i32>} : memref<4x128x128xf32, #tpu.memory_space<vmem>>, vector<16xf32>,
      %mul3A_635 = arith.constant 8.000000e+00 : f32
      %mul3A_636 = vector.broadcast %mul3A_635 : f32 to vector<16xf32>
      %mul3A_637 = arith.mulf %get3A_634, %mul3A_636 : vector<16xf32>
      %add3A_638 = arith.constant 3 : i32
      %add3A_639 = arith.addi %mul3A_488, %add3A_638 : i32
      %get3A_640 = arith.constant 2 : i32
      %get3A_641 = arith.index_cast %get3A_640 : i32 to index
      %get3A_642 = arith.index_cast %add3A_639 : i32 to index
      %get3A_643 = arith.constant 48 : index
      %get3A_644 = tpu.vector_load %arg6[%get3A_641, %get3A_642, %get3A_643] {strides = array<i32>} : memref<4x128x128xf32, #tpu.memory_space<vmem>>, vector<16xf32>,
      %mul3A_645 = arith.constant 8.000000e+00 : f32
      %mul3A_646 = vector.broadcast %mul3A_645 : f32 to vector<16xf32>
      %mul3A_647 = arith.mulf %get3A_644, %mul3A_646 : vector<16xf32>
      %add3A_648 = arith.constant 0 : i32
      %add3A_649 = arith.addi %mul3A_488, %add3A_648 : i32
      %swap3A = arith.constant 0 : i32
      %swap3A_650 = arith.index_cast %swap3A : i32 to index
      %swap3A_651 = arith.index_cast %add3A_649 : i32 to index
      %swap3A_652 = arith.constant 0 : index
      %swap3A_653 = tpu.vector_load %arg7[%swap3A_650, %swap3A_651, %swap3A_652] {strides = array<i32>} : memref<2x128x64xf32, #tpu.memory_space<vmem>>, vector<16xf32>,
      tpu.vector_store %arg7[%swap3A_650, %swap3A_651, %swap3A_652], %mul3A_497 {strides = array<i32>} : memref<2x128x64xf32, #tpu.memory_space<vmem>>, vector<16xf32>,
      %add3A_654 = arith.constant 0 : i32
      %add3A_655 = arith.addi %mul3A_488, %add3A_654 : i32
      %swap3A_656 = arith.constant 0 : i32
      %swap3A_657 = arith.index_cast %swap3A_656 : i32 to index
      %swap3A_658 = arith.index_cast %add3A_655 : i32 to index
      %swap3A_659 = arith.constant 16 : index
      %swap3A_660 = tpu.vector_load %arg7[%swap3A_657, %swap3A_658, %swap3A_659] {strides = array<i32>} : memref<2x128x64xf32, #tpu.memory_space<vmem>>, vector<16xf32>,
      tpu.vector_store %arg7[%swap3A_657, %swap3A_658, %swap3A_659], %mul3A_507 {strides = array<i32>} : memref<2x128x64xf32, #tpu.memory_space<vmem>>, vector<16xf32>,
      %add3A_661 = arith.constant 0 : i32
      %add3A_662 = arith.addi %mul3A_488, %add3A_661 : i32
      %swap3A_663 = arith.constant 0 : i32
      %swap3A_664 = arith.index_cast %swap3A_663 : i32 to index
      %swap3A_665 = arith.index_cast %add3A_662 : i32 to index
      %swap3A_666 = arith.constant 32 : index
      %swap3A_667 = tpu.vector_load %arg7[%swap3A_664, %swap3A_665, %swap3A_666] {strides = array<i32>} : memref<2x128x64xf32, #tpu.memory_space<vmem>>, vector<16xf32>,
      tpu.vector_store %arg7[%swap3A_664, %swap3A_665, %swap3A_666], %mul3A_517 {strides = array<i32>} : memref<2x128x64xf32, #tpu.memory_space<vmem>>, vector<16xf32>,
      %add3A_668 = arith.constant 0 : i32
      %add3A_669 = arith.addi %mul3A_488, %add3A_668 : i32
      %swap3A_670 = arith.constant 0 : i32
      %swap3A_671 = arith.index_cast %swap3A_670 : i32 to index
      %swap3A_672 = arith.index_cast %add3A_669 : i32 to index
      %swap3A_673 = arith.constant 48 : index
      %swap3A_674 = tpu.vector_load %arg7[%swap3A_671, %swap3A_672, %swap3A_673] {strides = array<i32>} : memref<2x128x64xf32, #tpu.memory_space<vmem>>, vector<16xf32>,
      tpu.vector_store %arg7[%swap3A_671, %swap3A_672, %swap3A_673], %mul3A_527 {strides = array<i32>} : memref<2x128x64xf32, #tpu.memory_space<vmem>>, vector<16xf32>,
      %add3A_675 = arith.constant 1 : i32
      %add3A_676 = arith.addi %mul3A_488, %add3A_675 : i32
      %swap3A_677 = arith.constant 0 : i32
      %swap3A_678 = arith.index_cast %swap3A_677 : i32 to index
      %swap3A_679 = arith.index_cast %add3A_676 : i32 to index
      %swap3A_680 = arith.constant 0 : index
      %swap3A_681 = tpu.vector_load %arg7[%swap3A_678, %swap3A_679, %swap3A_680] {strides = array<i32>} : memref<2x128x64xf32, #tpu.memory_space<vmem>>, vector<16xf32>,
      tpu.vector_store %arg7[%swap3A_678, %swap3A_679, %swap3A_680], %mul3A_537 {strides = array<i32>} : memref<2x128x64xf32, #tpu.memory_space<vmem>>, vector<16xf32>,
      %add3A_682 = arith.constant 1 : i32
      %add3A_683 = arith.addi %mul3A_488, %add3A_682 : i32
      %swap3A_684 = arith.constant 0 : i32
      %swap3A_685 = arith.index_cast %swap3A_684 : i32 to index
      %swap3A_686 = arith.index_cast %add3A_683 : i32 to index
      %swap3A_687 = arith.constant 16 : index
      %swap3A_688 = tpu.vector_load %arg7[%swap3A_685, %swap3A_686, %swap3A_687] {strides = array<i32>} : memref<2x128x64xf32, #tpu.memory_space<vmem>>, vector<16xf32>,
      tpu.vector_store %arg7[%swap3A_685, %swap3A_686, %swap3A_687], %mul3A_547 {strides = array<i32>} : memref<2x128x64xf32, #tpu.memory_space<vmem>>, vector<16xf32>,
      %add3A_689 = arith.constant 1 : i32
      %add3A_690 = arith.addi %mul3A_488, %add3A_689 : i32
      %swap3A_691 = arith.constant 0 : i32
      %swap3A_692 = arith.index_cast %swap3A_691 : i32 to index
      %swap3A_693 = arith.index_cast %add3A_690 : i32 to index
      %swap3A_694 = arith.constant 32 : index
      %swap3A_695 = tpu.vector_load %arg7[%swap3A_692, %swap3A_693, %swap3A_694] {strides = array<i32>} : memref<2x128x64xf32, #tpu.memory_space<vmem>>, vector<16xf32>,
      tpu.vector_store %arg7[%swap3A_692, %swap3A_693, %swap3A_694], %mul3A_557 {strides = array<i32>} : memref<2x128x64xf32, #tpu.memory_space<vmem>>, vector<16xf32>,
      %add3A_696 = arith.constant 1 : i32
      %add3A_697 = arith.addi %mul3A_488, %add3A_696 : i32
      %swap3A_698 = arith.constant 0 : i32
      %swap3A_699 = arith.index_cast %swap3A_698 : i32 to index
      %swap3A_700 = arith.index_cast %add3A_697 : i32 to index
      %swap3A_701 = arith.constant 48 : index
      %swap3A_702 = tpu.vector_load %arg7[%swap3A_699, %swap3A_700, %swap3A_701] {strides = array<i32>} : memref<2x128x64xf32, #tpu.memory_space<vmem>>, vector<16xf32>,
      tpu.vector_store %arg7[%swap3A_699, %swap3A_700, %swap3A_701], %mul3A_567 {strides = array<i32>} : memref<2x128x64xf32, #tpu.memory_space<vmem>>, vector<16xf32>,
      %add3A_703 = arith.constant 2 : i32
      %add3A_704 = arith.addi %mul3A_488, %add3A_703 : i32
      %swap3A_705 = arith.constant 0 : i32
      %swap3A_706 = arith.index_cast %swap3A_705 : i32 to index
      %swap3A_707 = arith.index_cast %add3A_704 : i32 to index
      %swap3A_708 = arith.constant 0 : index
      %swap3A_709 = tpu.vector_load %arg7[%swap3A_706, %swap3A_707, %swap3A_708] {strides = array<i32>} : memref<2x128x64xf32, #tpu.memory_space<vmem>>, vector<16xf32>,
      tpu.vector_store %arg7[%swap3A_706, %swap3A_707, %swap3A_708], %mul3A_577 {strides = array<i32>} : memref<2x128x64xf32, #tpu.memory_space<vmem>>, vector<16xf32>,
      %add3A_710 = arith.constant 2 : i32
      %add3A_711 = arith.addi %mul3A_488, %add3A_710 : i32
      %swap3A_712 = arith.constant 0 : i32
      %swap3A_713 = arith.index_cast %swap3A_712 : i32 to index
      %swap3A_714 = arith.index_cast %add3A_711 : i32 to index
      %swap3A_715 = arith.constant 16 : index
      %swap3A_716 = tpu.vector_load %arg7[%swap3A_713, %swap3A_714, %swap3A_715] {strides = array<i32>} : memref<2x128x64xf32, #tpu.memory_space<vmem>>, vector<16xf32>,
      tpu.vector_store %arg7[%swap3A_713, %swap3A_714, %swap3A_715], %mul3A_587 {strides = array<i32>} : memref<2x128x64xf32, #tpu.memory_space<vmem>>, vector<16xf32>,
      %add3A_717 = arith.constant 2 : i32
      %add3A_718 = arith.addi %mul3A_488, %add3A_717 : i32
      %swap3A_719 = arith.constant 0 : i32
      %swap3A_720 = arith.index_cast %swap3A_719 : i32 to index
      %swap3A_721 = arith.index_cast %add3A_718 : i32 to index
      %swap3A_722 = arith.constant 32 : index
      %swap3A_723 = tpu.vector_load %arg7[%swap3A_720, %swap3A_721, %swap3A_722] {strides = array<i32>} : memref<2x128x64xf32, #tpu.memory_space<vmem>>, vector<16xf32>,
      tpu.vector_store %arg7[%swap3A_720, %swap3A_721, %swap3A_722], %mul3A_597 {strides = array<i32>} : memref<2x128x64xf32, #tpu.memory_space<vmem>>, vector<16xf32>,
      %add3A_724 = arith.constant 2 : i32
      %add3A_725 = arith.addi %mul3A_488, %add3A_724 : i32
      %swap3A_726 = arith.constant 0 : i32
      %swap3A_727 = arith.index_cast %swap3A_726 : i32 to index
      %swap3A_728 = arith.index_cast %add3A_725 : i32 to index
      %swap3A_729 = arith.constant 48 : index
      %swap3A_730 = tpu.vector_load %arg7[%swap3A_727, %swap3A_728, %swap3A_729] {strides = array<i32>} : memref<2x128x64xf32, #tpu.memory_space<vmem>>, vector<16xf32>,
      tpu.vector_store %arg7[%swap3A_727, %swap3A_728, %swap3A_729], %mul3A_607 {strides = array<i32>} : memref<2x128x64xf32, #tpu.memory_space<vmem>>, vector<16xf32>,
      %add3A_731 = arith.constant 3 : i32
      %add3A_732 = arith.addi %mul3A_488, %add3A_731 : i32
      %swap3A_733 = arith.constant 0 : i32
      %swap3A_734 = arith.index_cast %swap3A_733 : i32 to index
      %swap3A_735 = arith.index_cast %add3A_732 : i32 to index
      %swap3A_736 = arith.constant 0 : index
      %swap3A_737 = tpu.vector_load %arg7[%swap3A_734, %swap3A_735, %swap3A_736] {strides = array<i32>} : memref<2x128x64xf32, #tpu.memory_space<vmem>>, vector<16xf32>,
      tpu.vector_store %arg7[%swap3A_734, %swap3A_735, %swap3A_736], %mul3A_617 {strides = array<i32>} : memref<2x128x64xf32, #tpu.memory_space<vmem>>, vector<16xf32>,
      %add3A_738 = arith.constant 3 : i32
      %add3A_739 = arith.addi %mul3A_488, %add3A_738 : i32
      %swap3A_740 = arith.constant 0 : i32
      %swap3A_741 = arith.index_cast %swap3A_740 : i32 to index
      %swap3A_742 = arith.index_cast %add3A_739 : i32 to index
      %swap3A_743 = arith.constant 16 : index
      %swap3A_744 = tpu.vector_load %arg7[%swap3A_741, %swap3A_742, %swap3A_743] {strides = array<i32>} : memref<2x128x64xf32, #tpu.memory_space<vmem>>, vector<16xf32>,
      tpu.vector_store %arg7[%swap3A_741, %swap3A_742, %swap3A_743], %mul3A_627 {strides = array<i32>} : memref<2x128x64xf32, #tpu.memory_space<vmem>>, vector<16xf32>,
      %add3A_745 = arith.constant 3 : i32
      %add3A_746 = arith.addi %mul3A_488, %add3A_745 : i32
      %swap3A_747 = arith.constant 0 : i32
      %swap3A_748 = arith.index_cast %swap3A_747 : i32 to index
      %swap3A_749 = arith.index_cast %add3A_746 : i32 to index
      %swap3A_750 = arith.constant 32 : index
      %swap3A_751 = tpu.vector_load %arg7[%swap3A_748, %swap3A_749, %swap3A_750] {strides = array<i32>} : memref<2x128x64xf32, #tpu.memory_space<vmem>>, vector<16xf32>,
      tpu.vector_store %arg7[%swap3A_748, %swap3A_749, %swap3A_750], %mul3A_637 {strides = array<i32>} : memref<2x128x64xf32, #tpu.memory_space<vmem>>, vector<16xf32>,
      %add3A_752 = arith.constant 3 : i32
      %add3A_753 = arith.addi %mul3A_488, %add3A_752 : i32
      %swap3A_754 = arith.constant 0 : i32
      %swap3A_755 = arith.index_cast %swap3A_754 : i32 to index
      %swap3A_756 = arith.index_cast %add3A_753 : i32 to index
      %swap3A_757 = arith.constant 48 : index
      %swap3A_758 = tpu.vector_load %arg7[%swap3A_755, %swap3A_756, %swap3A_757] {strides = array<i32>} : memref<2x128x64xf32, #tpu.memory_space<vmem>>, vector<16xf32>,
      tpu.vector_store %arg7[%swap3A_755, %swap3A_756, %swap3A_757], %mul3A_647 {strides = array<i32>} : memref<2x128x64xf32, #tpu.memory_space<vmem>>, vector<16xf32>,
    }
    %scan3A_170 = arith.constant 32 : i32
    %dma_start3A_171 = arith.constant 6 : i32
    %dma_start3A_172 = arith.constant 2 : i32
    %dma_start3A_173 = arith.constant 0 : i32
    %dma_start3A_174 = arith.constant 0 : i32
    %dma_start3A_175 = tpu.memref_slice %arg6[%dma_start3A_172, %dma_start3A_173, %dma_start3A_174] : memref<4x128x128xf32, #tpu.memory_space<vmem>> -> memref<1x128x128xf32, #tpu.memory_space<vmem>>
    %dma_start3A_176 = tpu.memref_squeeze %dma_start3A_175 : memref<1x128x128xf32, #tpu.memory_space<vmem>> -> memref<128x128xf32, #tpu.memory_space<vmem>>
    %dma_start3A_177 = arith.constant 0 : i32
    %dma_start3A_178 = tpu.memref_slice %arg5[%dma_start3A_171, %dma_start3A_177] : memref<200x128xi32, #tpu.memory_space<vmem>> -> memref<1x128xi32, #tpu.memory_space<vmem>>
    %dma_start3A_179 = tpu.memref_squeeze %dma_start3A_178 : memref<1x128xi32, #tpu.memory_space<vmem>> -> memref<128xi32, #tpu.memory_space<vmem>>
    %dma_start3A_180 = arith.constant 0 : i32
    %dma_start3A_181 = arith.constant 0 : i32
    %dma_start3A_182 = tpu.memref_slice %arg3[%dma_start3A_180, %dma_start3A_181] : memref<1000000x128xf32, #tpu.memory_space<hbm>> -> memref<1000000x128xf32, #tpu.memory_space<hbm>>
    tpu.enqueue_indirect_dma source(%dma_start3A_182 : memref<1000000x128xf32, #tpu.memory_space<hbm>>) target(%dma_start3A_176 : memref<128x128xf32, #tpu.memory_space<vmem>>) offsets(%dma_start3A_179 : memref<128xi32, #tpu.memory_space<vmem>>) semaphore(%arg10 : memref<!tpu.dma_semaphore, #tpu.memory_space<semaphore_mem>>)
    %add3A_183 = arith.constant 256 : i32
    %add3A_184 = arith.addi %mul3A_2, %add3A_183 : i32
    %dma_start3A_185 = arith.constant 0 : i32
    %dma_start3A_186 = arith.constant 0 : i32
    %dma_start3A_187 = arith.constant 0 : i32
    %dma_start3A_188 = tpu.memref_slice %arg7[%dma_start3A_185, %dma_start3A_186, %dma_start3A_187] : memref<2x128x64xf32, #tpu.memory_space<vmem>> -> memref<1x128x64xf32, #tpu.memory_space<vmem>>
    %dma_start3A_189 = tpu.memref_squeeze %dma_start3A_188 : memref<1x128x64xf32, #tpu.memory_space<vmem>> -> memref<128x64xf32, #tpu.memory_space<vmem>>
    %dma_start3A_190 = arith.constant 0 : i32
    %dma_start3A_191 = tpu.memref_slice %arg4[%add3A_184, %dma_start3A_190] : memref<819200x64xf32, #tpu.memory_space<hbm>> -> memref<128x64xf32, #tpu.memory_space<hbm>>
    %dma_start3A_192 = arith.constant 0 : i32
    %dma_start3A_193 = tpu.memref_slice %arg4[%add3A_184, %dma_start3A_192] : memref<819200x64xf32, #tpu.memory_space<hbm>> -> memref<128x64xf32, #tpu.memory_space<hbm>>
    %dma_start3A_194 = arith.constant 0 : i32
    %dma_start3A_195 = arith.constant 0 : i32
    %dma_start3A_196 = tpu.memref_slice %arg7[%dma_start3A_185, %dma_start3A_194, %dma_start3A_195] : memref<2x128x64xf32, #tpu.memory_space<vmem>> -> memref<1x128x64xf32, #tpu.memory_space<vmem>>
    %dma_start3A_197 = tpu.memref_squeeze %dma_start3A_196 : memref<1x128x64xf32, #tpu.memory_space<vmem>> -> memref<128x64xf32, #tpu.memory_space<vmem>>
    tpu.enqueue_dma source(%dma_start3A_197 : memref<128x64xf32, #tpu.memory_space<vmem>>) target(%dma_start3A_193 : memref<128x64xf32, #tpu.memory_space<hbm>>) target_semaphore(%arg12 : memref<!tpu.dma_semaphore, #tpu.memory_space<semaphore_mem>>)
    %dma_wait3A_198 = arith.constant 3 : i32
    %dma_wait3A_199 = arith.constant 3 : i32
    %dma_wait3A_200 = arith.constant 0 : i32
    %dma_wait3A_201 = arith.constant 0 : i32
    %dma_wait3A_202 = tpu.memref_slice %arg6[%dma_wait3A_199, %dma_wait3A_200, %dma_wait3A_201] : memref<4x128x128xf32, #tpu.memory_space<vmem>> -> memref<1x128x128xf32, #tpu.memory_space<vmem>>
    %dma_wait3A_203 = tpu.memref_squeeze %dma_wait3A_202 : memref<1x128x128xf32, #tpu.memory_space<vmem>> -> memref<128x128xf32, #tpu.memory_space<vmem>>
    %dma_wait3A_204 = arith.constant 0 : i32
    %dma_wait3A_205 = tpu.memref_slice %arg5[%dma_wait3A_198, %dma_wait3A_204] : memref<200x128xi32, #tpu.memory_space<vmem>> -> memref<1x128xi32, #tpu.memory_space<vmem>>
    %dma_wait3A_206 = tpu.memref_squeeze %dma_wait3A_205 : memref<1x128xi32, #tpu.memory_space<vmem>> -> memref<128xi32, #tpu.memory_space<vmem>>
    %dma_wait3A_207 = arith.constant 0 : i32
    %dma_wait3A_208 = arith.constant 0 : i32
    %dma_wait3A_209 = tpu.memref_slice %arg3[%dma_wait3A_207, %dma_wait3A_208] : memref<1000000x128xf32, #tpu.memory_space<hbm>> -> memref<1000000x128xf32, #tpu.memory_space<hbm>>
    tpu.wait_indirect_dma semaphore(%arg11 : memref<!tpu.dma_semaphore, #tpu.memory_space<semaphore_mem>>) src(%dma_wait3A_209 : memref<1000000x128xf32, #tpu.memory_space<hbm>>) dst(%dma_wait3A_203 : memref<128x128xf32, #tpu.memory_space<vmem>>)
    %add3A_210 = arith.constant 128 : i32
    %add3A_211 = arith.addi %mul3A_2, %add3A_210 : i32
    %dma_wait3A_212 = arith.constant 1 : i32
    %dma_wait3A_213 = arith.constant 0 : i32
    %dma_wait3A_214 = arith.constant 0 : i32
    %dma_wait3A_215 = tpu.memref_slice %arg7[%dma_wait3A_212, %dma_wait3A_213, %dma_wait3A_214] : memref<2x128x64xf32, #tpu.memory_space<vmem>> -> memref<1x128x64xf32, #tpu.memory_space<vmem>>
    %dma_wait3A_216 = tpu.memref_squeeze %dma_wait3A_215 : memref<1x128x64xf32, #tpu.memory_space<vmem>> -> memref<128x64xf32, #tpu.memory_space<vmem>>
    %dma_wait3A_217 = arith.constant 0 : i32
    %dma_wait3A_218 = tpu.memref_slice %arg4[%add3A_211, %dma_wait3A_217] : memref<819200x64xf32, #tpu.memory_space<hbm>> -> memref<128x64xf32, #tpu.memory_space<hbm>>
    %dma_wait3A_219 = arith.constant 0 : i32
    %dma_wait3A_220 = tpu.memref_slice %arg4[%add3A_211, %dma_wait3A_219] : memref<819200x64xf32, #tpu.memory_space<hbm>> -> memref<128x64xf32, #tpu.memory_space<hbm>>
    %dma_wait3A_221 = arith.constant 0 : i32
    %dma_wait3A_222 = arith.constant 0 : i32
    %dma_wait3A_223 = tpu.memref_slice %arg7[%dma_wait3A_212, %dma_wait3A_221, %dma_wait3A_222] : memref<2x128x64xf32, #tpu.memory_space<vmem>> -> memref<1x128x64xf32, #tpu.memory_space<vmem>>
    %dma_wait3A_224 = tpu.memref_squeeze %dma_wait3A_223 : memref<1x128x64xf32, #tpu.memory_space<vmem>> -> memref<128x64xf32, #tpu.memory_space<vmem>>
    tpu.wait_dma2 semaphore(%arg13 : memref<!tpu.dma_semaphore, #tpu.memory_space<semaphore_mem>>) src(%dma_wait3A_224 : memref<128x64xf32, #tpu.memory_space<vmem>>) dst(%dma_wait3A_220 : memref<128x64xf32, #tpu.memory_space<hbm>>)
    %scan3A_225 = arith.constant 0 : i32
    %scan3A_226 = arith.constant 0 : i32
    %scan3A_227 = arith.constant 32 : i32
    %scan3A_228 = arith.addi %scan3A_226, %scan3A_227 : i32
    %scan3A_229 = arith.constant 1 : i32
    scf.for %scan3A_486 = %scan3A_226 to %scan3A_228 step %scan3A_229  : i32 {
      %mul3A_487 = arith.constant 4 : i32
      %mul3A_488 = arith.muli %scan3A_486, %mul3A_487 : i32
      %add3A_489 = arith.constant 0 : i32
      %add3A_490 = arith.addi %mul3A_488, %add3A_489 : i32
      %get3A = arith.constant 3 : i32
      %get3A_491 = arith.index_cast %get3A : i32 to index
      %get3A_492 = arith.index_cast %add3A_490 : i32 to index
      %get3A_493 = arith.constant 0 : index
      %get3A_494 = tpu.vector_load %arg6[%get3A_491, %get3A_492, %get3A_493] {strides = array<i32>} : memref<4x128x128xf32, #tpu.memory_space<vmem>>, vector<16xf32>,
      %mul3A_495 = arith.constant 8.000000e+00 : f32
      %mul3A_496 = vector.broadcast %mul3A_495 : f32 to vector<16xf32>
      %mul3A_497 = arith.mulf %get3A_494, %mul3A_496 : vector<16xf32>
      %add3A_498 = arith.constant 0 : i32
      %add3A_499 = arith.addi %mul3A_488, %add3A_498 : i32
      %get3A_500 = arith.constant 3 : i32
      %get3A_501 = arith.index_cast %get3A_500 : i32 to index
      %get3A_502 = arith.index_cast %add3A_499 : i32 to index
      %get3A_503 = arith.constant 16 : index
      %get3A_504 = tpu.vector_load %arg6[%get3A_501, %get3A_502, %get3A_503] {strides = array<i32>} : memref<4x128x128xf32, #tpu.memory_space<vmem>>, vector<16xf32>,
      %mul3A_505 = arith.constant 8.000000e+00 : f32
      %mul3A_506 = vector.broadcast %mul3A_505 : f32 to vector<16xf32>
      %mul3A_507 = arith.mulf %get3A_504, %mul3A_506 : vector<16xf32>
      %add3A_508 = arith.constant 0 : i32
      %add3A_509 = arith.addi %mul3A_488, %add3A_508 : i32
      %get3A_510 = arith.constant 3 : i32
      %get3A_511 = arith.index_cast %get3A_510 : i32 to index
      %get3A_512 = arith.index_cast %add3A_509 : i32 to index
      %get3A_513 = arith.constant 32 : index
      %get3A_514 = tpu.vector_load %arg6[%get3A_511, %get3A_512, %get3A_513] {strides = array<i32>} : memref<4x128x128xf32, #tpu.memory_space<vmem>>, vector<16xf32>,
      %mul3A_515 = arith.constant 8.000000e+00 : f32
      %mul3A_516 = vector.broadcast %mul3A_515 : f32 to vector<16xf32>
      %mul3A_517 = arith.mulf %get3A_514, %mul3A_516 : vector<16xf32>
      %add3A_518 = arith.constant 0 : i32
      %add3A_519 = arith.addi %mul3A_488, %add3A_518 : i32
      %get3A_520 = arith.constant 3 : i32
      %get3A_521 = arith.index_cast %get3A_520 : i32 to index
      %get3A_522 = arith.index_cast %add3A_519 : i32 to index
      %get3A_523 = arith.constant 48 : index
      %get3A_524 = tpu.vector_load %arg6[%get3A_521, %get3A_522, %get3A_523] {strides = array<i32>} : memref<4x128x128xf32, #tpu.memory_space<vmem>>, vector<16xf32>,
      %mul3A_525 = arith.constant 8.000000e+00 : f32
      %mul3A_526 = vector.broadcast %mul3A_525 : f32 to vector<16xf32>
      %mul3A_527 = arith.mulf %get3A_524, %mul3A_526 : vector<16xf32>
      %add3A_528 = arith.constant 1 : i32
      %add3A_529 = arith.addi %mul3A_488, %add3A_528 : i32
      %get3A_530 = arith.constant 3 : i32
      %get3A_531 = arith.index_cast %get3A_530 : i32 to index
      %get3A_532 = arith.index_cast %add3A_529 : i32 to index
      %get3A_533 = arith.constant 0 : index
      %get3A_534 = tpu.vector_load %arg6[%get3A_531, %get3A_532, %get3A_533] {strides = array<i32>} : memref<4x128x128xf32, #tpu.memory_space<vmem>>, vector<16xf32>,
      %mul3A_535 = arith.constant 8.000000e+00 : f32
      %mul3A_536 = vector.broadcast %mul3A_535 : f32 to vector<16xf32>
      %mul3A_537 = arith.mulf %get3A_534, %mul3A_536 : vector<16xf32>
      %add3A_538 = arith.constant 1 : i32
      %add3A_539 = arith.addi %mul3A_488, %add3A_538 : i32
      %get3A_540 = arith.constant 3 : i32
      %get3A_541 = arith.index_cast %get3A_540 : i32 to index
      %get3A_542 = arith.index_cast %add3A_539 : i32 to index
      %get3A_543 = arith.constant 16 : index
      %get3A_544 = tpu.vector_load %arg6[%get3A_541, %get3A_542, %get3A_543] {strides = array<i32>} : memref<4x128x128xf32, #tpu.memory_space<vmem>>, vector<16xf32>,
      %mul3A_545 = arith.constant 8.000000e+00 : f32
      %mul3A_546 = vector.broadcast %mul3A_545 : f32 to vector<16xf32>
      %mul3A_547 = arith.mulf %get3A_544, %mul3A_546 : vector<16xf32>
      %add3A_548 = arith.constant 1 : i32
      %add3A_549 = arith.addi %mul3A_488, %add3A_548 : i32
      %get3A_550 = arith.constant 3 : i32
      %get3A_551 = arith.index_cast %get3A_550 : i32 to index
      %get3A_552 = arith.index_cast %add3A_549 : i32 to index
      %get3A_553 = arith.constant 32 : index
      %get3A_554 = tpu.vector_load %arg6[%get3A_551, %get3A_552, %get3A_553] {strides = array<i32>} : memref<4x128x128xf32, #tpu.memory_space<vmem>>, vector<16xf32>,
      %mul3A_555 = arith.constant 8.000000e+00 : f32
      %mul3A_556 = vector.broadcast %mul3A_555 : f32 to vector<16xf32>
      %mul3A_557 = arith.mulf %get3A_554, %mul3A_556 : vector<16xf32>
      %add3A_558 = arith.constant 1 : i32
      %add3A_559 = arith.addi %mul3A_488, %add3A_558 : i32
      %get3A_560 = arith.constant 3 : i32
      %get3A_561 = arith.index_cast %get3A_560 : i32 to index
      %get3A_562 = arith.index_cast %add3A_559 : i32 to index
      %get3A_563 = arith.constant 48 : index
      %get3A_564 = tpu.vector_load %arg6[%get3A_561, %get3A_562, %get3A_563] {strides = array<i32>} : memref<4x128x128xf32, #tpu.memory_space<vmem>>, vector<16xf32>,
      %mul3A_565 = arith.constant 8.000000e+00 : f32
      %mul3A_566 = vector.broadcast %mul3A_565 : f32 to vector<16xf32>
      %mul3A_567 = arith.mulf %get3A_564, %mul3A_566 : vector<16xf32>
      %add3A_568 = arith.constant 2 : i32
      %add3A_569 = arith.addi %mul3A_488, %add3A_568 : i32
      %get3A_570 = arith.constant 3 : i32
      %get3A_571 = arith.index_cast %get3A_570 : i32 to index
      %get3A_572 = arith.index_cast %add3A_569 : i32 to index
      %get3A_573 = arith.constant 0 : index
      %get3A_574 = tpu.vector_load %arg6[%get3A_571, %get3A_572, %get3A_573] {strides = array<i32>} : memref<4x128x128xf32, #tpu.memory_space<vmem>>, vector<16xf32>,
      %mul3A_575 = arith.constant 8.000000e+00 : f32
      %mul3A_576 = vector.broadcast %mul3A_575 : f32 to vector<16xf32>
      %mul3A_577 = arith.mulf %get3A_574, %mul3A_576 : vector<16xf32>
      %add3A_578 = arith.constant 2 : i32
      %add3A_579 = arith.addi %mul3A_488, %add3A_578 : i32
      %get3A_580 = arith.constant 3 : i32
      %get3A_581 = arith.index_cast %get3A_580 : i32 to index
      %get3A_582 = arith.index_cast %add3A_579 : i32 to index
      %get3A_583 = arith.constant 16 : index
      %get3A_584 = tpu.vector_load %arg6[%get3A_581, %get3A_582, %get3A_583] {strides = array<i32>} : memref<4x128x128xf32, #tpu.memory_space<vmem>>, vector<16xf32>,
      %mul3A_585 = arith.constant 8.000000e+00 : f32
      %mul3A_586 = vector.broadcast %mul3A_585 : f32 to vector<16xf32>
      %mul3A_587 = arith.mulf %get3A_584, %mul3A_586 : vector<16xf32>
      %add3A_588 = arith.constant 2 : i32
      %add3A_589 = arith.addi %mul3A_488, %add3A_588 : i32
      %get3A_590 = arith.constant 3 : i32
      %get3A_591 = arith.index_cast %get3A_590 : i32 to index
      %get3A_592 = arith.index_cast %add3A_589 : i32 to index
      %get3A_593 = arith.constant 32 : index
      %get3A_594 = tpu.vector_load %arg6[%get3A_591, %get3A_592, %get3A_593] {strides = array<i32>} : memref<4x128x128xf32, #tpu.memory_space<vmem>>, vector<16xf32>,
      %mul3A_595 = arith.constant 8.000000e+00 : f32
      %mul3A_596 = vector.broadcast %mul3A_595 : f32 to vector<16xf32>
      %mul3A_597 = arith.mulf %get3A_594, %mul3A_596 : vector<16xf32>
      %add3A_598 = arith.constant 2 : i32
      %add3A_599 = arith.addi %mul3A_488, %add3A_598 : i32
      %get3A_600 = arith.constant 3 : i32
      %get3A_601 = arith.index_cast %get3A_600 : i32 to index
      %get3A_602 = arith.index_cast %add3A_599 : i32 to index
      %get3A_603 = arith.constant 48 : index
      %get3A_604 = tpu.vector_load %arg6[%get3A_601, %get3A_602, %get3A_603] {strides = array<i32>} : memref<4x128x128xf32, #tpu.memory_space<vmem>>, vector<16xf32>,
      %mul3A_605 = arith.constant 8.000000e+00 : f32
      %mul3A_606 = vector.broadcast %mul3A_605 : f32 to vector<16xf32>
      %mul3A_607 = arith.mulf %get3A_604, %mul3A_606 : vector<16xf32>
      %add3A_608 = arith.constant 3 : i32
      %add3A_609 = arith.addi %mul3A_488, %add3A_608 : i32
      %get3A_610 = arith.constant 3 : i32
      %get3A_611 = arith.index_cast %get3A_610 : i32 to index
      %get3A_612 = arith.index_cast %add3A_609 : i32 to index
      %get3A_613 = arith.constant 0 : index
      %get3A_614 = tpu.vector_load %arg6[%get3A_611, %get3A_612, %get3A_613] {strides = array<i32>} : memref<4x128x128xf32, #tpu.memory_space<vmem>>, vector<16xf32>,
      %mul3A_615 = arith.constant 8.000000e+00 : f32
      %mul3A_616 = vector.broadcast %mul3A_615 : f32 to vector<16xf32>
      %mul3A_617 = arith.mulf %get3A_614, %mul3A_616 : vector<16xf32>
      %add3A_618 = arith.constant 3 : i32
      %add3A_619 = arith.addi %mul3A_488, %add3A_618 : i32
      %get3A_620 = arith.constant 3 : i32
      %get3A_621 = arith.index_cast %get3A_620 : i32 to index
      %get3A_622 = arith.index_cast %add3A_619 : i32 to index
      %get3A_623 = arith.constant 16 : index
      %get3A_624 = tpu.vector_load %arg6[%get3A_621, %get3A_622, %get3A_623] {strides = array<i32>} : memref<4x128x128xf32, #tpu.memory_space<vmem>>, vector<16xf32>,
      %mul3A_625 = arith.constant 8.000000e+00 : f32
      %mul3A_626 = vector.broadcast %mul3A_625 : f32 to vector<16xf32>
      %mul3A_627 = arith.mulf %get3A_624, %mul3A_626 : vector<16xf32>
      %add3A_628 = arith.constant 3 : i32
      %add3A_629 = arith.addi %mul3A_488, %add3A_628 : i32
      %get3A_630 = arith.constant 3 : i32
      %get3A_631 = arith.index_cast %get3A_630 : i32 to index
      %get3A_632 = arith.index_cast %add3A_629 : i32 to index
      %get3A_633 = arith.constant 32 : index
      %get3A_634 = tpu.vector_load %arg6[%get3A_631, %get3A_632, %get3A_633] {strides = array<i32>} : memref<4x128x128xf32, #tpu.memory_space<vmem>>, vector<16xf32>,
      %mul3A_635 = arith.constant 8.000000e+00 : f32
      %mul3A_636 = vector.broadcast %mul3A_635 : f32 to vector<16xf32>
      %mul3A_637 = arith.mulf %get3A_634, %mul3A_636 : vector<16xf32>
      %add3A_638 = arith.constant 3 : i32
      %add3A_639 = arith.addi %mul3A_488, %add3A_638 : i32
      %get3A_640 = arith.constant 3 : i32
      %get3A_641 = arith.index_cast %get3A_640 : i32 to index
      %get3A_642 = arith.index_cast %add3A_639 : i32 to index
      %get3A_643 = arith.constant 48 : index
      %get3A_644 = tpu.vector_load %arg6[%get3A_641, %get3A_642, %get3A_643] {strides = array<i32>} : memref<4x128x128xf32, #tpu.memory_space<vmem>>, vector<16xf32>,
      %mul3A_645 = arith.constant 8.000000e+00 : f32
      %mul3A_646 = vector.broadcast %mul3A_645 : f32 to vector<16xf32>
      %mul3A_647 = arith.mulf %get3A_644, %mul3A_646 : vector<16xf32>
      %add3A_648 = arith.constant 0 : i32
      %add3A_649 = arith.addi %mul3A_488, %add3A_648 : i32
      %swap3A = arith.constant 1 : i32
      %swap3A_650 = arith.index_cast %swap3A : i32 to index
      %swap3A_651 = arith.index_cast %add3A_649 : i32 to index
      %swap3A_652 = arith.constant 0 : index
      %swap3A_653 = tpu.vector_load %arg7[%swap3A_650, %swap3A_651, %swap3A_652] {strides = array<i32>} : memref<2x128x64xf32, #tpu.memory_space<vmem>>, vector<16xf32>,
      tpu.vector_store %arg7[%swap3A_650, %swap3A_651, %swap3A_652], %mul3A_497 {strides = array<i32>} : memref<2x128x64xf32, #tpu.memory_space<vmem>>, vector<16xf32>,
      %add3A_654 = arith.constant 0 : i32
      %add3A_655 = arith.addi %mul3A_488, %add3A_654 : i32
      %swap3A_656 = arith.constant 1 : i32
      %swap3A_657 = arith.index_cast %swap3A_656 : i32 to index
      %swap3A_658 = arith.index_cast %add3A_655 : i32 to index
      %swap3A_659 = arith.constant 16 : index
      %swap3A_660 = tpu.vector_load %arg7[%swap3A_657, %swap3A_658, %swap3A_659] {strides = array<i32>} : memref<2x128x64xf32, #tpu.memory_space<vmem>>, vector<16xf32>,
      tpu.vector_store %arg7[%swap3A_657, %swap3A_658, %swap3A_659], %mul3A_507 {strides = array<i32>} : memref<2x128x64xf32, #tpu.memory_space<vmem>>, vector<16xf32>,
      %add3A_661 = arith.constant 0 : i32
      %add3A_662 = arith.addi %mul3A_488, %add3A_661 : i32
      %swap3A_663 = arith.constant 1 : i32
      %swap3A_664 = arith.index_cast %swap3A_663 : i32 to index
      %swap3A_665 = arith.index_cast %add3A_662 : i32 to index
      %swap3A_666 = arith.constant 32 : index
      %swap3A_667 = tpu.vector_load %arg7[%swap3A_664, %swap3A_665, %swap3A_666] {strides = array<i32>} : memref<2x128x64xf32, #tpu.memory_space<vmem>>, vector<16xf32>,
      tpu.vector_store %arg7[%swap3A_664, %swap3A_665, %swap3A_666], %mul3A_517 {strides = array<i32>} : memref<2x128x64xf32, #tpu.memory_space<vmem>>, vector<16xf32>,
      %add3A_668 = arith.constant 0 : i32
      %add3A_669 = arith.addi %mul3A_488, %add3A_668 : i32
      %swap3A_670 = arith.constant 1 : i32
      %swap3A_671 = arith.index_cast %swap3A_670 : i32 to index
      %swap3A_672 = arith.index_cast %add3A_669 : i32 to index
      %swap3A_673 = arith.constant 48 : index
      %swap3A_674 = tpu.vector_load %arg7[%swap3A_671, %swap3A_672, %swap3A_673] {strides = array<i32>} : memref<2x128x64xf32, #tpu.memory_space<vmem>>, vector<16xf32>,
      tpu.vector_store %arg7[%swap3A_671, %swap3A_672, %swap3A_673], %mul3A_527 {strides = array<i32>} : memref<2x128x64xf32, #tpu.memory_space<vmem>>, vector<16xf32>,
      %add3A_675 = arith.constant 1 : i32
      %add3A_676 = arith.addi %mul3A_488, %add3A_675 : i32
      %swap3A_677 = arith.constant 1 : i32
      %swap3A_678 = arith.index_cast %swap3A_677 : i32 to index
      %swap3A_679 = arith.index_cast %add3A_676 : i32 to index
      %swap3A_680 = arith.constant 0 : index
      %swap3A_681 = tpu.vector_load %arg7[%swap3A_678, %swap3A_679, %swap3A_680] {strides = array<i32>} : memref<2x128x64xf32, #tpu.memory_space<vmem>>, vector<16xf32>,
      tpu.vector_store %arg7[%swap3A_678, %swap3A_679, %swap3A_680], %mul3A_537 {strides = array<i32>} : memref<2x128x64xf32, #tpu.memory_space<vmem>>, vector<16xf32>,
      %add3A_682 = arith.constant 1 : i32
      %add3A_683 = arith.addi %mul3A_488, %add3A_682 : i32
      %swap3A_684 = arith.constant 1 : i32
      %swap3A_685 = arith.index_cast %swap3A_684 : i32 to index
      %swap3A_686 = arith.index_cast %add3A_683 : i32 to index
      %swap3A_687 = arith.constant 16 : index
      %swap3A_688 = tpu.vector_load %arg7[%swap3A_685, %swap3A_686, %swap3A_687] {strides = array<i32>} : memref<2x128x64xf32, #tpu.memory_space<vmem>>, vector<16xf32>,
      tpu.vector_store %arg7[%swap3A_685, %swap3A_686, %swap3A_687], %mul3A_547 {strides = array<i32>} : memref<2x128x64xf32, #tpu.memory_space<vmem>>, vector<16xf32>,
      %add3A_689 = arith.constant 1 : i32
      %add3A_690 = arith.addi %mul3A_488, %add3A_689 : i32
      %swap3A_691 = arith.constant 1 : i32
      %swap3A_692 = arith.index_cast %swap3A_691 : i32 to index
      %swap3A_693 = arith.index_cast %add3A_690 : i32 to index
      %swap3A_694 = arith.constant 32 : index
      %swap3A_695 = tpu.vector_load %arg7[%swap3A_692, %swap3A_693, %swap3A_694] {strides = array<i32>} : memref<2x128x64xf32, #tpu.memory_space<vmem>>, vector<16xf32>,
      tpu.vector_store %arg7[%swap3A_692, %swap3A_693, %swap3A_694], %mul3A_557 {strides = array<i32>} : memref<2x128x64xf32, #tpu.memory_space<vmem>>, vector<16xf32>,
      %add3A_696 = arith.constant 1 : i32
      %add3A_697 = arith.addi %mul3A_488, %add3A_696 : i32
      %swap3A_698 = arith.constant 1 : i32
      %swap3A_699 = arith.index_cast %swap3A_698 : i32 to index
      %swap3A_700 = arith.index_cast %add3A_697 : i32 to index
      %swap3A_701 = arith.constant 48 : index
      %swap3A_702 = tpu.vector_load %arg7[%swap3A_699, %swap3A_700, %swap3A_701] {strides = array<i32>} : memref<2x128x64xf32, #tpu.memory_space<vmem>>, vector<16xf32>,
      tpu.vector_store %arg7[%swap3A_699, %swap3A_700, %swap3A_701], %mul3A_567 {strides = array<i32>} : memref<2x128x64xf32, #tpu.memory_space<vmem>>, vector<16xf32>,
      %add3A_703 = arith.constant 2 : i32
      %add3A_704 = arith.addi %mul3A_488, %add3A_703 : i32
      %swap3A_705 = arith.constant 1 : i32
      %swap3A_706 = arith.index_cast %swap3A_705 : i32 to index
      %swap3A_707 = arith.index_cast %add3A_704 : i32 to index
      %swap3A_708 = arith.constant 0 : index
      %swap3A_709 = tpu.vector_load %arg7[%swap3A_706, %swap3A_707, %swap3A_708] {strides = array<i32>} : memref<2x128x64xf32, #tpu.memory_space<vmem>>, vector<16xf32>,
      tpu.vector_store %arg7[%swap3A_706, %swap3A_707, %swap3A_708], %mul3A_577 {strides = array<i32>} : memref<2x128x64xf32, #tpu.memory_space<vmem>>, vector<16xf32>,
      %add3A_710 = arith.constant 2 : i32
      %add3A_711 = arith.addi %mul3A_488, %add3A_710 : i32
      %swap3A_712 = arith.constant 1 : i32
      %swap3A_713 = arith.index_cast %swap3A_712 : i32 to index
      %swap3A_714 = arith.index_cast %add3A_711 : i32 to index
      %swap3A_715 = arith.constant 16 : index
      %swap3A_716 = tpu.vector_load %arg7[%swap3A_713, %swap3A_714, %swap3A_715] {strides = array<i32>} : memref<2x128x64xf32, #tpu.memory_space<vmem>>, vector<16xf32>,
      tpu.vector_store %arg7[%swap3A_713, %swap3A_714, %swap3A_715], %mul3A_587 {strides = array<i32>} : memref<2x128x64xf32, #tpu.memory_space<vmem>>, vector<16xf32>,
      %add3A_717 = arith.constant 2 : i32
      %add3A_718 = arith.addi %mul3A_488, %add3A_717 : i32
      %swap3A_719 = arith.constant 1 : i32
      %swap3A_720 = arith.index_cast %swap3A_719 : i32 to index
      %swap3A_721 = arith.index_cast %add3A_718 : i32 to index
      %swap3A_722 = arith.constant 32 : index
      %swap3A_723 = tpu.vector_load %arg7[%swap3A_720, %swap3A_721, %swap3A_722] {strides = array<i32>} : memref<2x128x64xf32, #tpu.memory_space<vmem>>, vector<16xf32>,
      tpu.vector_store %arg7[%swap3A_720, %swap3A_721, %swap3A_722], %mul3A_597 {strides = array<i32>} : memref<2x128x64xf32, #tpu.memory_space<vmem>>, vector<16xf32>,
      %add3A_724 = arith.constant 2 : i32
      %add3A_725 = arith.addi %mul3A_488, %add3A_724 : i32
      %swap3A_726 = arith.constant 1 : i32
      %swap3A_727 = arith.index_cast %swap3A_726 : i32 to index
      %swap3A_728 = arith.index_cast %add3A_725 : i32 to index
      %swap3A_729 = arith.constant 48 : index
      %swap3A_730 = tpu.vector_load %arg7[%swap3A_727, %swap3A_728, %swap3A_729] {strides = array<i32>} : memref<2x128x64xf32, #tpu.memory_space<vmem>>, vector<16xf32>,
      tpu.vector_store %arg7[%swap3A_727, %swap3A_728, %swap3A_729], %mul3A_607 {strides = array<i32>} : memref<2x128x64xf32, #tpu.memory_space<vmem>>, vector<16xf32>,
      %add3A_731 = arith.constant 3 : i32
      %add3A_732 = arith.addi %mul3A_488, %add3A_731 : i32
      %swap3A_733 = arith.constant 1 : i32
      %swap3A_734 = arith.index_cast %swap3A_733 : i32 to index
      %swap3A_735 = arith.index_cast %add3A_732 : i32 to index
      %swap3A_736 = arith.constant 0 : index
      %swap3A_737 = tpu.vector_load %arg7[%swap3A_734, %swap3A_735, %swap3A_736] {strides = array<i32>} : memref<2x128x64xf32, #tpu.memory_space<vmem>>, vector<16xf32>,
      tpu.vector_store %arg7[%swap3A_734, %swap3A_735, %swap3A_736], %mul3A_617 {strides = array<i32>} : memref<2x128x64xf32, #tpu.memory_space<vmem>>, vector<16xf32>,
      %add3A_738 = arith.constant 3 : i32
      %add3A_739 = arith.addi %mul3A_488, %add3A_738 : i32
      %swap3A_740 = arith.constant 1 : i32
      %swap3A_741 = arith.index_cast %swap3A_740 : i32 to index
      %swap3A_742 = arith.index_cast %add3A_739 : i32 to index
      %swap3A_743 = arith.constant 16 : index
      %swap3A_744 = tpu.vector_load %arg7[%swap3A_741, %swap3A_742, %swap3A_743] {strides = array<i32>} : memref<2x128x64xf32, #tpu.memory_space<vmem>>, vector<16xf32>,
      tpu.vector_store %arg7[%swap3A_741, %swap3A_742, %swap3A_743], %mul3A_627 {strides = array<i32>} : memref<2x128x64xf32, #tpu.memory_space<vmem>>, vector<16xf32>,
      %add3A_745 = arith.constant 3 : i32
      %add3A_746 = arith.addi %mul3A_488, %add3A_745 : i32
      %swap3A_747 = arith.constant 1 : i32
      %swap3A_748 = arith.index_cast %swap3A_747 : i32 to index
      %swap3A_749 = arith.index_cast %add3A_746 : i32 to index
      %swap3A_750 = arith.constant 32 : index
      %swap3A_751 = tpu.vector_load %arg7[%swap3A_748, %swap3A_749, %swap3A_750] {strides = array<i32>} : memref<2x128x64xf32, #tpu.memory_space<vmem>>, vector<16xf32>,
      tpu.vector_store %arg7[%swap3A_748, %swap3A_749, %swap3A_750], %mul3A_637 {strides = array<i32>} : memref<2x128x64xf32, #tpu.memory_space<vmem>>, vector<16xf32>,
      %add3A_752 = arith.constant 3 : i32
      %add3A_753 = arith.addi %mul3A_488, %add3A_752 : i32
      %swap3A_754 = arith.constant 1 : i32
      %swap3A_755 = arith.index_cast %swap3A_754 : i32 to index
      %swap3A_756 = arith.index_cast %add3A_753 : i32 to index
      %swap3A_757 = arith.constant 48 : index
      %swap3A_758 = tpu.vector_load %arg7[%swap3A_755, %swap3A_756, %swap3A_757] {strides = array<i32>} : memref<2x128x64xf32, #tpu.memory_space<vmem>>, vector<16xf32>,
      tpu.vector_store %arg7[%swap3A_755, %swap3A_756, %swap3A_757], %mul3A_647 {strides = array<i32>} : memref<2x128x64xf32, #tpu.memory_space<vmem>>, vector<16xf32>,
    }
    %scan3A_230 = arith.constant 32 : i32
    %dma_start3A_231 = arith.constant 7 : i32
    %dma_start3A_232 = arith.constant 3 : i32
    %dma_start3A_233 = arith.constant 0 : i32
    %dma_start3A_234 = arith.constant 0 : i32
    %dma_start3A_235 = tpu.memref_slice %arg6[%dma_start3A_232, %dma_start3A_233, %dma_start3A_234] : memref<4x128x128xf32, #tpu.memory_space<vmem>> -> memref<1x128x128xf32, #tpu.memory_space<vmem>>
    %dma_start3A_236 = tpu.memref_squeeze %dma_start3A_235 : memref<1x128x128xf32, #tpu.memory_space<vmem>> -> memref<128x128xf32, #tpu.memory_space<vmem>>
    %dma_start3A_237 = arith.constant 0 : i32
    %dma_start3A_238 = tpu.memref_slice %arg5[%dma_start3A_231, %dma_start3A_237] : memref<200x128xi32, #tpu.memory_space<vmem>> -> memref<1x128xi32, #tpu.memory_space<vmem>>
    %dma_start3A_239 = tpu.memref_squeeze %dma_start3A_238 : memref<1x128xi32, #tpu.memory_space<vmem>> -> memref<128xi32, #tpu.memory_space<vmem>>
    %dma_start3A_240 = arith.constant 0 : i32
    %dma_start3A_241 = arith.constant 0 : i32
    %dma_start3A_242 = tpu.memref_slice %arg3[%dma_start3A_240, %dma_start3A_241] : memref<1000000x128xf32, #tpu.memory_space<hbm>> -> memref<1000000x128xf32, #tpu.memory_space<hbm>>
    tpu.enqueue_indirect_dma source(%dma_start3A_242 : memref<1000000x128xf32, #tpu.memory_space<hbm>>) target(%dma_start3A_236 : memref<128x128xf32, #tpu.memory_space<vmem>>) offsets(%dma_start3A_239 : memref<128xi32, #tpu.memory_space<vmem>>) semaphore(%arg11 : memref<!tpu.dma_semaphore, #tpu.memory_space<semaphore_mem>>)
    %add3A_243 = arith.constant 384 : i32
    %add3A_244 = arith.addi %mul3A_2, %add3A_243 : i32
    %dma_start3A_245 = arith.constant 1 : i32
    %dma_start3A_246 = arith.constant 0 : i32
    %dma_start3A_247 = arith.constant 0 : i32
    %dma_start3A_248 = tpu.memref_slice %arg7[%dma_start3A_245, %dma_start3A_246, %dma_start3A_247] : memref<2x128x64xf32, #tpu.memory_space<vmem>> -> memref<1x128x64xf32, #tpu.memory_space<vmem>>
    %dma_start3A_249 = tpu.memref_squeeze %dma_start3A_248 : memref<1x128x64xf32, #tpu.memory_space<vmem>> -> memref<128x64xf32, #tpu.memory_space<vmem>>
    %dma_start3A_250 = arith.constant 0 : i32
    %dma_start3A_251 = tpu.memref_slice %arg4[%add3A_244, %dma_start3A_250] : memref<819200x64xf32, #tpu.memory_space<hbm>> -> memref<128x64xf32, #tpu.memory_space<hbm>>
    %dma_start3A_252 = arith.constant 0 : i32
    %dma_start3A_253 = tpu.memref_slice %arg4[%add3A_244, %dma_start3A_252] : memref<819200x64xf32, #tpu.memory_space<hbm>> -> memref<128x64xf32, #tpu.memory_space<hbm>>
    %dma_start3A_254 = arith.constant 0 : i32
    %dma_start3A_255 = arith.constant 0 : i32
    %dma_start3A_256 = tpu.memref_slice %arg7[%dma_start3A_245, %dma_start3A_254, %dma_start3A_255] : memref<2x128x64xf32, #tpu.memory_space<vmem>> -> memref<1x128x64xf32, #tpu.memory_space<vmem>>
    %dma_start3A_257 = tpu.memref_squeeze %dma_start3A_256 : memref<1x128x64xf32, #tpu.memory_space<vmem>> -> memref<128x64xf32, #tpu.memory_space<vmem>>
    tpu.enqueue_dma source(%dma_start3A_257 : memref<128x64xf32, #tpu.memory_space<vmem>>) target(%dma_start3A_253 : memref<128x64xf32, #tpu.memory_space<hbm>>) target_semaphore(%arg13 : memref<!tpu.dma_semaphore, #tpu.memory_space<semaphore_mem>>)
    %scan3A_258 = arith.constant 0 : i32
    %scan3A_259 = arith.constant 1 : i32
    %scan3A_260 = arith.constant 48 : i32
    %scan3A_261 = arith.addi %scan3A_259, %scan3A_260 : i32
    %scan3A_262 = arith.constant 1 : i32
    scf.for %scan3A_486 = %scan3A_259 to %scan3A_261 step %scan3A_262  : i32 {
      %mul3A_487 = arith.constant 4 : i32
      %mul3A_488 = arith.muli %scan3A_486, %mul3A_487 : i32
      %add3A_489 = arith.constant 0 : i32
      %add3A_490 = arith.addi %mul3A_488, %add3A_489 : i32
      %dma_wait3A_491 = arith.constant 0 : i32
      %dma_wait3A_492 = arith.constant 0 : i32
      %dma_wait3A_493 = arith.constant 0 : i32
      %dma_wait3A_494 = tpu.memref_slice %arg6[%dma_wait3A_491, %dma_wait3A_492, %dma_wait3A_493] : memref<4x128x128xf32, #tpu.memory_space<vmem>> -> memref<1x128x128xf32, #tpu.memory_space<vmem>>
      %dma_wait3A_495 = tpu.memref_squeeze %dma_wait3A_494 : memref<1x128x128xf32, #tpu.memory_space<vmem>> -> memref<128x128xf32, #tpu.memory_space<vmem>>
      %dma_wait3A_496 = arith.constant 0 : i32
      %dma_wait3A_497 = tpu.memref_slice %arg5[%add3A_490, %dma_wait3A_496] : memref<200x128xi32, #tpu.memory_space<vmem>> -> memref<1x128xi32, #tpu.memory_space<vmem>>
      %dma_wait3A_498 = tpu.memref_squeeze %dma_wait3A_497 : memref<1x128xi32, #tpu.memory_space<vmem>> -> memref<128xi32, #tpu.memory_space<vmem>>
      %dma_wait3A_499 = arith.constant 0 : i32
      %dma_wait3A_500 = arith.constant 0 : i32
      %dma_wait3A_501 = tpu.memref_slice %arg3[%dma_wait3A_499, %dma_wait3A_500] : memref<1000000x128xf32, #tpu.memory_space<hbm>> -> memref<1000000x128xf32, #tpu.memory_space<hbm>>
      tpu.wait_indirect_dma semaphore(%arg8 : memref<!tpu.dma_semaphore, #tpu.memory_space<semaphore_mem>>) src(%dma_wait3A_501 : memref<1000000x128xf32, #tpu.memory_space<hbm>>) dst(%dma_wait3A_495 : memref<128x128xf32, #tpu.memory_space<vmem>>)
      %sub3A = arith.constant 2 : i32
      %sub3A_502 = arith.subi %add3A_490, %sub3A : i32
      %mul3A_503 = arith.constant 128 : i32
      %mul3A_504 = arith.muli %sub3A_502, %mul3A_503 : i32
      %add3A_505 = arith.addi %mul3A_2, %mul3A_504 : i32
      %dma_wait3A_506 = arith.constant 0 : i32
      %dma_wait3A_507 = arith.constant 0 : i32
      %dma_wait3A_508 = arith.constant 0 : i32
      %dma_wait3A_509 = tpu.memref_slice %arg7[%dma_wait3A_506, %dma_wait3A_507, %dma_wait3A_508] : memref<2x128x64xf32, #tpu.memory_space<vmem>> -> memref<1x128x64xf32, #tpu.memory_space<vmem>>
      %dma_wait3A_510 = tpu.memref_squeeze %dma_wait3A_509 : memref<1x128x64xf32, #tpu.memory_space<vmem>> -> memref<128x64xf32, #tpu.memory_space<vmem>>
      %dma_wait3A_511 = arith.constant 0 : i32
      %dma_wait3A_512 = tpu.memref_slice %arg4[%add3A_505, %dma_wait3A_511] : memref<819200x64xf32, #tpu.memory_space<hbm>> -> memref<128x64xf32, #tpu.memory_space<hbm>>
      %dma_wait3A_513 = arith.constant 0 : i32
      %dma_wait3A_514 = tpu.memref_slice %arg4[%add3A_505, %dma_wait3A_513] : memref<819200x64xf32, #tpu.memory_space<hbm>> -> memref<128x64xf32, #tpu.memory_space<hbm>>
      %dma_wait3A_515 = arith.constant 0 : i32
      %dma_wait3A_516 = arith.constant 0 : i32
      %dma_wait3A_517 = tpu.memref_slice %arg7[%dma_wait3A_506, %dma_wait3A_515, %dma_wait3A_516] : memref<2x128x64xf32, #tpu.memory_space<vmem>> -> memref<1x128x64xf32, #tpu.memory_space<vmem>>
      %dma_wait3A_518 = tpu.memref_squeeze %dma_wait3A_517 : memref<1x128x64xf32, #tpu.memory_space<vmem>> -> memref<128x64xf32, #tpu.memory_space<vmem>>
      tpu.wait_dma2 semaphore(%arg12 : memref<!tpu.dma_semaphore, #tpu.memory_space<semaphore_mem>>) src(%dma_wait3A_518 : memref<128x64xf32, #tpu.memory_space<vmem>>) dst(%dma_wait3A_514 : memref<128x64xf32, #tpu.memory_space<hbm>>)
      %scan3A_519 = arith.constant 0 : i32
      %scan3A_520 = arith.constant 0 : i32
      %scan3A_521 = arith.constant 32 : i32
      %scan3A_522 = arith.addi %scan3A_520, %scan3A_521 : i32
      %scan3A_523 = arith.constant 1 : i32
      scf.for %scan3A_758 = %scan3A_520 to %scan3A_522 step %scan3A_523  : i32 {
        %mul3A_759 = arith.constant 4 : i32
        %mul3A_760 = arith.muli %scan3A_758, %mul3A_759 : i32
        %add3A_761 = arith.constant 0 : i32
        %add3A_762 = arith.addi %mul3A_760, %add3A_761 : i32
        %get3A = arith.constant 0 : i32
        %get3A_763 = arith.index_cast %get3A : i32 to index
        %get3A_764 = arith.index_cast %add3A_762 : i32 to index
        %get3A_765 = arith.constant 0 : index
        %get3A_766 = tpu.vector_load %arg6[%get3A_763, %get3A_764, %get3A_765] {strides = array<i32>} : memref<4x128x128xf32, #tpu.memory_space<vmem>>, vector<16xf32>,
        %mul3A_767 = arith.constant 8.000000e+00 : f32
        %mul3A_768 = vector.broadcast %mul3A_767 : f32 to vector<16xf32>
        %mul3A_769 = arith.mulf %get3A_766, %mul3A_768 : vector<16xf32>
        %add3A_770 = arith.constant 0 : i32
        %add3A_771 = arith.addi %mul3A_760, %add3A_770 : i32
        %get3A_772 = arith.constant 0 : i32
        %get3A_773 = arith.index_cast %get3A_772 : i32 to index
        %get3A_774 = arith.index_cast %add3A_771 : i32 to index
        %get3A_775 = arith.constant 16 : index
        %get3A_776 = tpu.vector_load %arg6[%get3A_773, %get3A_774, %get3A_775] {strides = array<i32>} : memref<4x128x128xf32, #tpu.memory_space<vmem>>, vector<16xf32>,
        %mul3A_777 = arith.constant 8.000000e+00 : f32
        %mul3A_778 = vector.broadcast %mul3A_777 : f32 to vector<16xf32>
        %mul3A_779 = arith.mulf %get3A_776, %mul3A_778 : vector<16xf32>
        %add3A_780 = arith.constant 0 : i32
        %add3A_781 = arith.addi %mul3A_760, %add3A_780 : i32
        %get3A_782 = arith.constant 0 : i32
        %get3A_783 = arith.index_cast %get3A_782 : i32 to index
        %get3A_784 = arith.index_cast %add3A_781 : i32 to index
        %get3A_785 = arith.constant 32 : index
        %get3A_786 = tpu.vector_load %arg6[%get3A_783, %get3A_784, %get3A_785] {strides = array<i32>} : memref<4x128x128xf32, #tpu.memory_space<vmem>>, vector<16xf32>,
        %mul3A_787 = arith.constant 8.000000e+00 : f32
        %mul3A_788 = vector.broadcast %mul3A_787 : f32 to vector<16xf32>
        %mul3A_789 = arith.mulf %get3A_786, %mul3A_788 : vector<16xf32>
        %add3A_790 = arith.constant 0 : i32
        %add3A_791 = arith.addi %mul3A_760, %add3A_790 : i32
        %get3A_792 = arith.constant 0 : i32
        %get3A_793 = arith.index_cast %get3A_792 : i32 to index
        %get3A_794 = arith.index_cast %add3A_791 : i32 to index
        %get3A_795 = arith.constant 48 : index
        %get3A_796 = tpu.vector_load %arg6[%get3A_793, %get3A_794, %get3A_795] {strides = array<i32>} : memref<4x128x128xf32, #tpu.memory_space<vmem>>, vector<16xf32>,
        %mul3A_797 = arith.constant 8.000000e+00 : f32
        %mul3A_798 = vector.broadcast %mul3A_797 : f32 to vector<16xf32>
        %mul3A_799 = arith.mulf %get3A_796, %mul3A_798 : vector<16xf32>
        %add3A_800 = arith.constant 1 : i32
        %add3A_801 = arith.addi %mul3A_760, %add3A_800 : i32
        %get3A_802 = arith.constant 0 : i32
        %get3A_803 = arith.index_cast %get3A_802 : i32 to index
        %get3A_804 = arith.index_cast %add3A_801 : i32 to index
        %get3A_805 = arith.constant 0 : index
        %get3A_806 = tpu.vector_load %arg6[%get3A_803, %get3A_804, %get3A_805] {strides = array<i32>} : memref<4x128x128xf32, #tpu.memory_space<vmem>>, vector<16xf32>,
        %mul3A_807 = arith.constant 8.000000e+00 : f32
        %mul3A_808 = vector.broadcast %mul3A_807 : f32 to vector<16xf32>
        %mul3A_809 = arith.mulf %get3A_806, %mul3A_808 : vector<16xf32>
        %add3A_810 = arith.constant 1 : i32
        %add3A_811 = arith.addi %mul3A_760, %add3A_810 : i32
        %get3A_812 = arith.constant 0 : i32
        %get3A_813 = arith.index_cast %get3A_812 : i32 to index
        %get3A_814 = arith.index_cast %add3A_811 : i32 to index
        %get3A_815 = arith.constant 16 : index
        %get3A_816 = tpu.vector_load %arg6[%get3A_813, %get3A_814, %get3A_815] {strides = array<i32>} : memref<4x128x128xf32, #tpu.memory_space<vmem>>, vector<16xf32>,
        %mul3A_817 = arith.constant 8.000000e+00 : f32
        %mul3A_818 = vector.broadcast %mul3A_817 : f32 to vector<16xf32>
        %mul3A_819 = arith.mulf %get3A_816, %mul3A_818 : vector<16xf32>
        %add3A_820 = arith.constant 1 : i32
        %add3A_821 = arith.addi %mul3A_760, %add3A_820 : i32
        %get3A_822 = arith.constant 0 : i32
        %get3A_823 = arith.index_cast %get3A_822 : i32 to index
        %get3A_824 = arith.index_cast %add3A_821 : i32 to index
        %get3A_825 = arith.constant 32 : index
        %get3A_826 = tpu.vector_load %arg6[%get3A_823, %get3A_824, %get3A_825] {strides = array<i32>} : memref<4x128x128xf32, #tpu.memory_space<vmem>>, vector<16xf32>,
        %mul3A_827 = arith.constant 8.000000e+00 : f32
        %mul3A_828 = vector.broadcast %mul3A_827 : f32 to vector<16xf32>
        %mul3A_829 = arith.mulf %get3A_826, %mul3A_828 : vector<16xf32>
        %add3A_830 = arith.constant 1 : i32
        %add3A_831 = arith.addi %mul3A_760, %add3A_830 : i32
        %get3A_832 = arith.constant 0 : i32
        %get3A_833 = arith.index_cast %get3A_832 : i32 to index
        %get3A_834 = arith.index_cast %add3A_831 : i32 to index
        %get3A_835 = arith.constant 48 : index
        %get3A_836 = tpu.vector_load %arg6[%get3A_833, %get3A_834, %get3A_835] {strides = array<i32>} : memref<4x128x128xf32, #tpu.memory_space<vmem>>, vector<16xf32>,
        %mul3A_837 = arith.constant 8.000000e+00 : f32
        %mul3A_838 = vector.broadcast %mul3A_837 : f32 to vector<16xf32>
        %mul3A_839 = arith.mulf %get3A_836, %mul3A_838 : vector<16xf32>
        %add3A_840 = arith.constant 2 : i32
        %add3A_841 = arith.addi %mul3A_760, %add3A_840 : i32
        %get3A_842 = arith.constant 0 : i32
        %get3A_843 = arith.index_cast %get3A_842 : i32 to index
        %get3A_844 = arith.index_cast %add3A_841 : i32 to index
        %get3A_845 = arith.constant 0 : index
        %get3A_846 = tpu.vector_load %arg6[%get3A_843, %get3A_844, %get3A_845] {strides = array<i32>} : memref<4x128x128xf32, #tpu.memory_space<vmem>>, vector<16xf32>,
        %mul3A_847 = arith.constant 8.000000e+00 : f32
        %mul3A_848 = vector.broadcast %mul3A_847 : f32 to vector<16xf32>
        %mul3A_849 = arith.mulf %get3A_846, %mul3A_848 : vector<16xf32>
        %add3A_850 = arith.constant 2 : i32
        %add3A_851 = arith.addi %mul3A_760, %add3A_850 : i32
        %get3A_852 = arith.constant 0 : i32
        %get3A_853 = arith.index_cast %get3A_852 : i32 to index
        %get3A_854 = arith.index_cast %add3A_851 : i32 to index
        %get3A_855 = arith.constant 16 : index
        %get3A_856 = tpu.vector_load %arg6[%get3A_853, %get3A_854, %get3A_855] {strides = array<i32>} : memref<4x128x128xf32, #tpu.memory_space<vmem>>, vector<16xf32>,
        %mul3A_857 = arith.constant 8.000000e+00 : f32
        %mul3A_858 = vector.broadcast %mul3A_857 : f32 to vector<16xf32>
        %mul3A_859 = arith.mulf %get3A_856, %mul3A_858 : vector<16xf32>
        %add3A_860 = arith.constant 2 : i32
        %add3A_861 = arith.addi %mul3A_760, %add3A_860 : i32
        %get3A_862 = arith.constant 0 : i32
        %get3A_863 = arith.index_cast %get3A_862 : i32 to index
        %get3A_864 = arith.index_cast %add3A_861 : i32 to index
        %get3A_865 = arith.constant 32 : index
        %get3A_866 = tpu.vector_load %arg6[%get3A_863, %get3A_864, %get3A_865] {strides = array<i32>} : memref<4x128x128xf32, #tpu.memory_space<vmem>>, vector<16xf32>,
        %mul3A_867 = arith.constant 8.000000e+00 : f32
        %mul3A_868 = vector.broadcast %mul3A_867 : f32 to vector<16xf32>
        %mul3A_869 = arith.mulf %get3A_866, %mul3A_868 : vector<16xf32>
        %add3A_870 = arith.constant 2 : i32
        %add3A_871 = arith.addi %mul3A_760, %add3A_870 : i32
        %get3A_872 = arith.constant 0 : i32
        %get3A_873 = arith.index_cast %get3A_872 : i32 to index
        %get3A_874 = arith.index_cast %add3A_871 : i32 to index
        %get3A_875 = arith.constant 48 : index
        %get3A_876 = tpu.vector_load %arg6[%get3A_873, %get3A_874, %get3A_875] {strides = array<i32>} : memref<4x128x128xf32, #tpu.memory_space<vmem>>, vector<16xf32>,
        %mul3A_877 = arith.constant 8.000000e+00 : f32
        %mul3A_878 = vector.broadcast %mul3A_877 : f32 to vector<16xf32>
        %mul3A_879 = arith.mulf %get3A_876, %mul3A_878 : vector<16xf32>
        %add3A_880 = arith.constant 3 : i32
        %add3A_881 = arith.addi %mul3A_760, %add3A_880 : i32
        %get3A_882 = arith.constant 0 : i32
        %get3A_883 = arith.index_cast %get3A_882 : i32 to index
        %get3A_884 = arith.index_cast %add3A_881 : i32 to index
        %get3A_885 = arith.constant 0 : index
        %get3A_886 = tpu.vector_load %arg6[%get3A_883, %get3A_884, %get3A_885] {strides = array<i32>} : memref<4x128x128xf32, #tpu.memory_space<vmem>>, vector<16xf32>,
        %mul3A_887 = arith.constant 8.000000e+00 : f32
        %mul3A_888 = vector.broadcast %mul3A_887 : f32 to vector<16xf32>
        %mul3A_889 = arith.mulf %get3A_886, %mul3A_888 : vector<16xf32>
        %add3A_890 = arith.constant 3 : i32
        %add3A_891 = arith.addi %mul3A_760, %add3A_890 : i32
        %get3A_892 = arith.constant 0 : i32
        %get3A_893 = arith.index_cast %get3A_892 : i32 to index
        %get3A_894 = arith.index_cast %add3A_891 : i32 to index
        %get3A_895 = arith.constant 16 : index
        %get3A_896 = tpu.vector_load %arg6[%get3A_893, %get3A_894, %get3A_895] {strides = array<i32>} : memref<4x128x128xf32, #tpu.memory_space<vmem>>, vector<16xf32>,
        %mul3A_897 = arith.constant 8.000000e+00 : f32
        %mul3A_898 = vector.broadcast %mul3A_897 : f32 to vector<16xf32>
        %mul3A_899 = arith.mulf %get3A_896, %mul3A_898 : vector<16xf32>
        %add3A_900 = arith.constant 3 : i32
        %add3A_901 = arith.addi %mul3A_760, %add3A_900 : i32
        %get3A_902 = arith.constant 0 : i32
        %get3A_903 = arith.index_cast %get3A_902 : i32 to index
        %get3A_904 = arith.index_cast %add3A_901 : i32 to index
        %get3A_905 = arith.constant 32 : index
        %get3A_906 = tpu.vector_load %arg6[%get3A_903, %get3A_904, %get3A_905] {strides = array<i32>} : memref<4x128x128xf32, #tpu.memory_space<vmem>>, vector<16xf32>,
        %mul3A_907 = arith.constant 8.000000e+00 : f32
        %mul3A_908 = vector.broadcast %mul3A_907 : f32 to vector<16xf32>
        %mul3A_909 = arith.mulf %get3A_906, %mul3A_908 : vector<16xf32>
        %add3A_910 = arith.constant 3 : i32
        %add3A_911 = arith.addi %mul3A_760, %add3A_910 : i32
        %get3A_912 = arith.constant 0 : i32
        %get3A_913 = arith.index_cast %get3A_912 : i32 to index
        %get3A_914 = arith.index_cast %add3A_911 : i32 to index
        %get3A_915 = arith.constant 48 : index
        %get3A_916 = tpu.vector_load %arg6[%get3A_913, %get3A_914, %get3A_915] {strides = array<i32>} : memref<4x128x128xf32, #tpu.memory_space<vmem>>, vector<16xf32>,
        %mul3A_917 = arith.constant 8.000000e+00 : f32
        %mul3A_918 = vector.broadcast %mul3A_917 : f32 to vector<16xf32>
        %mul3A_919 = arith.mulf %get3A_916, %mul3A_918 : vector<16xf32>
        %add3A_920 = arith.constant 0 : i32
        %add3A_921 = arith.addi %mul3A_760, %add3A_920 : i32
        %swap3A = arith.constant 0 : i32
        %swap3A_922 = arith.index_cast %swap3A : i32 to index
        %swap3A_923 = arith.index_cast %add3A_921 : i32 to index
        %swap3A_924 = arith.constant 0 : index
        %swap3A_925 = tpu.vector_load %arg7[%swap3A_922, %swap3A_923, %swap3A_924] {strides = array<i32>} : memref<2x128x64xf32, #tpu.memory_space<vmem>>, vector<16xf32>,
        tpu.vector_store %arg7[%swap3A_922, %swap3A_923, %swap3A_924], %mul3A_769 {strides = array<i32>} : memref<2x128x64xf32, #tpu.memory_space<vmem>>, vector<16xf32>,
        %add3A_926 = arith.constant 0 : i32
        %add3A_927 = arith.addi %mul3A_760, %add3A_926 : i32
        %swap3A_928 = arith.constant 0 : i32
        %swap3A_929 = arith.index_cast %swap3A_928 : i32 to index
        %swap3A_930 = arith.index_cast %add3A_927 : i32 to index
        %swap3A_931 = arith.constant 16 : index
        %swap3A_932 = tpu.vector_load %arg7[%swap3A_929, %swap3A_930, %swap3A_931] {strides = array<i32>} : memref<2x128x64xf32, #tpu.memory_space<vmem>>, vector<16xf32>,
        tpu.vector_store %arg7[%swap3A_929, %swap3A_930, %swap3A_931], %mul3A_779 {strides = array<i32>} : memref<2x128x64xf32, #tpu.memory_space<vmem>>, vector<16xf32>,
        %add3A_933 = arith.constant 0 : i32
        %add3A_934 = arith.addi %mul3A_760, %add3A_933 : i32
        %swap3A_935 = arith.constant 0 : i32
        %swap3A_936 = arith.index_cast %swap3A_935 : i32 to index
        %swap3A_937 = arith.index_cast %add3A_934 : i32 to index
        %swap3A_938 = arith.constant 32 : index
        %swap3A_939 = tpu.vector_load %arg7[%swap3A_936, %swap3A_937, %swap3A_938] {strides = array<i32>} : memref<2x128x64xf32, #tpu.memory_space<vmem>>, vector<16xf32>,
        tpu.vector_store %arg7[%swap3A_936, %swap3A_937, %swap3A_938], %mul3A_789 {strides = array<i32>} : memref<2x128x64xf32, #tpu.memory_space<vmem>>, vector<16xf32>,
        %add3A_940 = arith.constant 0 : i32
        %add3A_941 = arith.addi %mul3A_760, %add3A_940 : i32
        %swap3A_942 = arith.constant 0 : i32
        %swap3A_943 = arith.index_cast %swap3A_942 : i32 to index
        %swap3A_944 = arith.index_cast %add3A_941 : i32 to index
        %swap3A_945 = arith.constant 48 : index
        %swap3A_946 = tpu.vector_load %arg7[%swap3A_943, %swap3A_944, %swap3A_945] {strides = array<i32>} : memref<2x128x64xf32, #tpu.memory_space<vmem>>, vector<16xf32>,
        tpu.vector_store %arg7[%swap3A_943, %swap3A_944, %swap3A_945], %mul3A_799 {strides = array<i32>} : memref<2x128x64xf32, #tpu.memory_space<vmem>>, vector<16xf32>,
        %add3A_947 = arith.constant 1 : i32
        %add3A_948 = arith.addi %mul3A_760, %add3A_947 : i32
        %swap3A_949 = arith.constant 0 : i32
        %swap3A_950 = arith.index_cast %swap3A_949 : i32 to index
        %swap3A_951 = arith.index_cast %add3A_948 : i32 to index
        %swap3A_952 = arith.constant 0 : index
        %swap3A_953 = tpu.vector_load %arg7[%swap3A_950, %swap3A_951, %swap3A_952] {strides = array<i32>} : memref<2x128x64xf32, #tpu.memory_space<vmem>>, vector<16xf32>,
        tpu.vector_store %arg7[%swap3A_950, %swap3A_951, %swap3A_952], %mul3A_809 {strides = array<i32>} : memref<2x128x64xf32, #tpu.memory_space<vmem>>, vector<16xf32>,
        %add3A_954 = arith.constant 1 : i32
        %add3A_955 = arith.addi %mul3A_760, %add3A_954 : i32
        %swap3A_956 = arith.constant 0 : i32
        %swap3A_957 = arith.index_cast %swap3A_956 : i32 to index
        %swap3A_958 = arith.index_cast %add3A_955 : i32 to index
        %swap3A_959 = arith.constant 16 : index
        %swap3A_960 = tpu.vector_load %arg7[%swap3A_957, %swap3A_958, %swap3A_959] {strides = array<i32>} : memref<2x128x64xf32, #tpu.memory_space<vmem>>, vector<16xf32>,
        tpu.vector_store %arg7[%swap3A_957, %swap3A_958, %swap3A_959], %mul3A_819 {strides = array<i32>} : memref<2x128x64xf32, #tpu.memory_space<vmem>>, vector<16xf32>,
        %add3A_961 = arith.constant 1 : i32
        %add3A_962 = arith.addi %mul3A_760, %add3A_961 : i32
        %swap3A_963 = arith.constant 0 : i32
        %swap3A_964 = arith.index_cast %swap3A_963 : i32 to index
        %swap3A_965 = arith.index_cast %add3A_962 : i32 to index
        %swap3A_966 = arith.constant 32 : index
        %swap3A_967 = tpu.vector_load %arg7[%swap3A_964, %swap3A_965, %swap3A_966] {strides = array<i32>} : memref<2x128x64xf32, #tpu.memory_space<vmem>>, vector<16xf32>,
        tpu.vector_store %arg7[%swap3A_964, %swap3A_965, %swap3A_966], %mul3A_829 {strides = array<i32>} : memref<2x128x64xf32, #tpu.memory_space<vmem>>, vector<16xf32>,
        %add3A_968 = arith.constant 1 : i32
        %add3A_969 = arith.addi %mul3A_760, %add3A_968 : i32
        %swap3A_970 = arith.constant 0 : i32
        %swap3A_971 = arith.index_cast %swap3A_970 : i32 to index
        %swap3A_972 = arith.index_cast %add3A_969 : i32 to index
        %swap3A_973 = arith.constant 48 : index
        %swap3A_974 = tpu.vector_load %arg7[%swap3A_971, %swap3A_972, %swap3A_973] {strides = array<i32>} : memref<2x128x64xf32, #tpu.memory_space<vmem>>, vector<16xf32>,
        tpu.vector_store %arg7[%swap3A_971, %swap3A_972, %swap3A_973], %mul3A_839 {strides = array<i32>} : memref<2x128x64xf32, #tpu.memory_space<vmem>>, vector<16xf32>,
        %add3A_975 = arith.constant 2 : i32
        %add3A_976 = arith.addi %mul3A_760, %add3A_975 : i32
        %swap3A_977 = arith.constant 0 : i32
        %swap3A_978 = arith.index_cast %swap3A_977 : i32 to index
        %swap3A_979 = arith.index_cast %add3A_976 : i32 to index
        %swap3A_980 = arith.constant 0 : index
        %swap3A_981 = tpu.vector_load %arg7[%swap3A_978, %swap3A_979, %swap3A_980] {strides = array<i32>} : memref<2x128x64xf32, #tpu.memory_space<vmem>>, vector<16xf32>,
        tpu.vector_store %arg7[%swap3A_978, %swap3A_979, %swap3A_980], %mul3A_849 {strides = array<i32>} : memref<2x128x64xf32, #tpu.memory_space<vmem>>, vector<16xf32>,
        %add3A_982 = arith.constant 2 : i32
        %add3A_983 = arith.addi %mul3A_760, %add3A_982 : i32
        %swap3A_984 = arith.constant 0 : i32
        %swap3A_985 = arith.index_cast %swap3A_984 : i32 to index
        %swap3A_986 = arith.index_cast %add3A_983 : i32 to index
        %swap3A_987 = arith.constant 16 : index
        %swap3A_988 = tpu.vector_load %arg7[%swap3A_985, %swap3A_986, %swap3A_987] {strides = array<i32>} : memref<2x128x64xf32, #tpu.memory_space<vmem>>, vector<16xf32>,
        tpu.vector_store %arg7[%swap3A_985, %swap3A_986, %swap3A_987], %mul3A_859 {strides = array<i32>} : memref<2x128x64xf32, #tpu.memory_space<vmem>>, vector<16xf32>,
        %add3A_989 = arith.constant 2 : i32
        %add3A_990 = arith.addi %mul3A_760, %add3A_989 : i32
        %swap3A_991 = arith.constant 0 : i32
        %swap3A_992 = arith.index_cast %swap3A_991 : i32 to index
        %swap3A_993 = arith.index_cast %add3A_990 : i32 to index
        %swap3A_994 = arith.constant 32 : index
        %swap3A_995 = tpu.vector_load %arg7[%swap3A_992, %swap3A_993, %swap3A_994] {strides = array<i32>} : memref<2x128x64xf32, #tpu.memory_space<vmem>>, vector<16xf32>,
        tpu.vector_store %arg7[%swap3A_992, %swap3A_993, %swap3A_994], %mul3A_869 {strides = array<i32>} : memref<2x128x64xf32, #tpu.memory_space<vmem>>, vector<16xf32>,
        %add3A_996 = arith.constant 2 : i32
        %add3A_997 = arith.addi %mul3A_760, %add3A_996 : i32
        %swap3A_998 = arith.constant 0 : i32
        %swap3A_999 = arith.index_cast %swap3A_998 : i32 to index
        %swap3A_1000 = arith.index_cast %add3A_997 : i32 to index
        %swap3A_1001 = arith.constant 48 : index
        %swap3A_1002 = tpu.vector_load %arg7[%swap3A_999, %swap3A_1000, %swap3A_1001] {strides = array<i32>} : memref<2x128x64xf32, #tpu.memory_space<vmem>>, vector<16xf32>,
        tpu.vector_store %arg7[%swap3A_999, %swap3A_1000, %swap3A_1001], %mul3A_879 {strides = array<i32>} : memref<2x128x64xf32, #tpu.memory_space<vmem>>, vector<16xf32>,
        %add3A_1003 = arith.constant 3 : i32
        %add3A_1004 = arith.addi %mul3A_760, %add3A_1003 : i32
        %swap3A_1005 = arith.constant 0 : i32
        %swap3A_1006 = arith.index_cast %swap3A_1005 : i32 to index
        %swap3A_1007 = arith.index_cast %add3A_1004 : i32 to index
        %swap3A_1008 = arith.constant 0 : index
        %swap3A_1009 = tpu.vector_load %arg7[%swap3A_1006, %swap3A_1007, %swap3A_1008] {strides = array<i32>} : memref<2x128x64xf32, #tpu.memory_space<vmem>>, vector<16xf32>,
        tpu.vector_store %arg7[%swap3A_1006, %swap3A_1007, %swap3A_1008], %mul3A_889 {strides = array<i32>} : memref<2x128x64xf32, #tpu.memory_space<vmem>>, vector<16xf32>,
        %add3A_1010 = arith.constant 3 : i32
        %add3A_1011 = arith.addi %mul3A_760, %add3A_1010 : i32
        %swap3A_1012 = arith.constant 0 : i32
        %swap3A_1013 = arith.index_cast %swap3A_1012 : i32 to index
        %swap3A_1014 = arith.index_cast %add3A_1011 : i32 to index
        %swap3A_1015 = arith.constant 16 : index
        %swap3A_1016 = tpu.vector_load %arg7[%swap3A_1013, %swap3A_1014, %swap3A_1015] {strides = array<i32>} : memref<2x128x64xf32, #tpu.memory_space<vmem>>, vector<16xf32>,
        tpu.vector_store %arg7[%swap3A_1013, %swap3A_1014, %swap3A_1015], %mul3A_899 {strides = array<i32>} : memref<2x128x64xf32, #tpu.memory_space<vmem>>, vector<16xf32>,
        %add3A_1017 = arith.constant 3 : i32
        %add3A_1018 = arith.addi %mul3A_760, %add3A_1017 : i32
        %swap3A_1019 = arith.constant 0 : i32
        %swap3A_1020 = arith.index_cast %swap3A_1019 : i32 to index
        %swap3A_1021 = arith.index_cast %add3A_1018 : i32 to index
        %swap3A_1022 = arith.constant 32 : index
        %swap3A_1023 = tpu.vector_load %arg7[%swap3A_1020, %swap3A_1021, %swap3A_1022] {strides = array<i32>} : memref<2x128x64xf32, #tpu.memory_space<vmem>>, vector<16xf32>,
        tpu.vector_store %arg7[%swap3A_1020, %swap3A_1021, %swap3A_1022], %mul3A_909 {strides = array<i32>} : memref<2x128x64xf32, #tpu.memory_space<vmem>>, vector<16xf32>,
        %add3A_1024 = arith.constant 3 : i32
        %add3A_1025 = arith.addi %mul3A_760, %add3A_1024 : i32
        %swap3A_1026 = arith.constant 0 : i32
        %swap3A_1027 = arith.index_cast %swap3A_1026 : i32 to index
        %swap3A_1028 = arith.index_cast %add3A_1025 : i32 to index
        %swap3A_1029 = arith.constant 48 : index
        %swap3A_1030 = tpu.vector_load %arg7[%swap3A_1027, %swap3A_1028, %swap3A_1029] {strides = array<i32>} : memref<2x128x64xf32, #tpu.memory_space<vmem>>, vector<16xf32>,
        tpu.vector_store %arg7[%swap3A_1027, %swap3A_1028, %swap3A_1029], %mul3A_919 {strides = array<i32>} : memref<2x128x64xf32, #tpu.memory_space<vmem>>, vector<16xf32>,
      }
      %scan3A_524 = arith.constant 32 : i32
      %add3A_525 = arith.constant 4 : i32
      %add3A_526 = arith.addi %add3A_490, %add3A_525 : i32
      %dma_start3A_527 = arith.constant 0 : i32
      %dma_start3A_528 = arith.constant 0 : i32
      %dma_start3A_529 = arith.constant 0 : i32
      %dma_start3A_530 = tpu.memref_slice %arg6[%dma_start3A_527, %dma_start3A_528, %dma_start3A_529] : memref<4x128x128xf32, #tpu.memory_space<vmem>> -> memref<1x128x128xf32, #tpu.memory_space<vmem>>
      %dma_start3A_531 = tpu.memref_squeeze %dma_start3A_530 : memref<1x128x128xf32, #tpu.memory_space<vmem>> -> memref<128x128xf32, #tpu.memory_space<vmem>>
      %dma_start3A_532 = arith.constant 0 : i32
      %dma_start3A_533 = tpu.memref_slice %arg5[%add3A_526, %dma_start3A_532] : memref<200x128xi32, #tpu.memory_space<vmem>> -> memref<1x128xi32, #tpu.memory_space<vmem>>
      %dma_start3A_534 = tpu.memref_squeeze %dma_start3A_533 : memref<1x128xi32, #tpu.memory_space<vmem>> -> memref<128xi32, #tpu.memory_space<vmem>>
      %dma_start3A_535 = arith.constant 0 : i32
      %dma_start3A_536 = arith.constant 0 : i32
      %dma_start3A_537 = tpu.memref_slice %arg3[%dma_start3A_535, %dma_start3A_536] : memref<1000000x128xf32, #tpu.memory_space<hbm>> -> memref<1000000x128xf32, #tpu.memory_space<hbm>>
      tpu.enqueue_indirect_dma source(%dma_start3A_537 : memref<1000000x128xf32, #tpu.memory_space<hbm>>) target(%dma_start3A_531 : memref<128x128xf32, #tpu.memory_space<vmem>>) offsets(%dma_start3A_534 : memref<128xi32, #tpu.memory_space<vmem>>) semaphore(%arg8 : memref<!tpu.dma_semaphore, #tpu.memory_space<semaphore_mem>>)
      %mul3A_538 = arith.constant 128 : i32
      %mul3A_539 = arith.muli %add3A_490, %mul3A_538 : i32
      %add3A_540 = arith.addi %mul3A_2, %mul3A_539 : i32
      %dma_start3A_541 = arith.constant 0 : i32
      %dma_start3A_542 = arith.constant 0 : i32
      %dma_start3A_543 = arith.constant 0 : i32
      %dma_start3A_544 = tpu.memref_slice %arg7[%dma_start3A_541, %dma_start3A_542, %dma_start3A_543] : memref<2x128x64xf32, #tpu.memory_space<vmem>> -> memref<1x128x64xf32, #tpu.memory_space<vmem>>
      %dma_start3A_545 = tpu.memref_squeeze %dma_start3A_544 : memref<1x128x64xf32, #tpu.memory_space<vmem>> -> memref<128x64xf32, #tpu.memory_space<vmem>>
      %dma_start3A_546 = arith.constant 0 : i32
      %dma_start3A_547 = tpu.memref_slice %arg4[%add3A_540, %dma_start3A_546] : memref<819200x64xf32, #tpu.memory_space<hbm>> -> memref<128x64xf32, #tpu.memory_space<hbm>>
      %dma_start3A_548 = arith.constant 0 : i32
      %dma_start3A_549 = tpu.memref_slice %arg4[%add3A_540, %dma_start3A_548] : memref<819200x64xf32, #tpu.memory_space<hbm>> -> memref<128x64xf32, #tpu.memory_space<hbm>>
      %dma_start3A_550 = arith.constant 0 : i32
      %dma_start3A_551 = arith.constant 0 : i32
      %dma_start3A_552 = tpu.memref_slice %arg7[%dma_start3A_541, %dma_start3A_550, %dma_start3A_551] : memref<2x128x64xf32, #tpu.memory_space<vmem>> -> memref<1x128x64xf32, #tpu.memory_space<vmem>>
      %dma_start3A_553 = tpu.memref_squeeze %dma_start3A_552 : memref<1x128x64xf32, #tpu.memory_space<vmem>> -> memref<128x64xf32, #tpu.memory_space<vmem>>
      tpu.enqueue_dma source(%dma_start3A_553 : memref<128x64xf32, #tpu.memory_space<vmem>>) target(%dma_start3A_549 : memref<128x64xf32, #tpu.memory_space<hbm>>) target_semaphore(%arg12 : memref<!tpu.dma_semaphore, #tpu.memory_space<semaphore_mem>>)
      %mul3A_554 = arith.constant 4 : i32
      %mul3A_555 = arith.muli %scan3A_486, %mul3A_554 : i32
      %add3A_556 = arith.constant 1 : i32
      %add3A_557 = arith.addi %mul3A_555, %add3A_556 : i32
      %dma_wait3A_558 = arith.constant 1 : i32
      %dma_wait3A_559 = arith.constant 0 : i32
      %dma_wait3A_560 = arith.constant 0 : i32
      %dma_wait3A_561 = tpu.memref_slice %arg6[%dma_wait3A_558, %dma_wait3A_559, %dma_wait3A_560] : memref<4x128x128xf32, #tpu.memory_space<vmem>> -> memref<1x128x128xf32, #tpu.memory_space<vmem>>
      %dma_wait3A_562 = tpu.memref_squeeze %dma_wait3A_561 : memref<1x128x128xf32, #tpu.memory_space<vmem>> -> memref<128x128xf32, #tpu.memory_space<vmem>>
      %dma_wait3A_563 = arith.constant 0 : i32
      %dma_wait3A_564 = tpu.memref_slice %arg5[%add3A_557, %dma_wait3A_563] : memref<200x128xi32, #tpu.memory_space<vmem>> -> memref<1x128xi32, #tpu.memory_space<vmem>>
      %dma_wait3A_565 = tpu.memref_squeeze %dma_wait3A_564 : memref<1x128xi32, #tpu.memory_space<vmem>> -> memref<128xi32, #tpu.memory_space<vmem>>
      %dma_wait3A_566 = arith.constant 0 : i32
      %dma_wait3A_567 = arith.constant 0 : i32
      %dma_wait3A_568 = tpu.memref_slice %arg3[%dma_wait3A_566, %dma_wait3A_567] : memref<1000000x128xf32, #tpu.memory_space<hbm>> -> memref<1000000x128xf32, #tpu.memory_space<hbm>>
      tpu.wait_indirect_dma semaphore(%arg9 : memref<!tpu.dma_semaphore, #tpu.memory_space<semaphore_mem>>) src(%dma_wait3A_568 : memref<1000000x128xf32, #tpu.memory_space<hbm>>) dst(%dma_wait3A_562 : memref<128x128xf32, #tpu.memory_space<vmem>>)
      %sub3A_569 = arith.constant 2 : i32
      %sub3A_570 = arith.subi %add3A_557, %sub3A_569 : i32
      %mul3A_571 = arith.constant 128 : i32
      %mul3A_572 = arith.muli %sub3A_570, %mul3A_571 : i32
      %add3A_573 = arith.addi %mul3A_2, %mul3A_572 : i32
      %dma_wait3A_574 = arith.constant 1 : i32
      %dma_wait3A_575 = arith.constant 0 : i32
      %dma_wait3A_576 = arith.constant 0 : i32
      %dma_wait3A_577 = tpu.memref_slice %arg7[%dma_wait3A_574, %dma_wait3A_575, %dma_wait3A_576] : memref<2x128x64xf32, #tpu.memory_space<vmem>> -> memref<1x128x64xf32, #tpu.memory_space<vmem>>
      %dma_wait3A_578 = tpu.memref_squeeze %dma_wait3A_577 : memref<1x128x64xf32, #tpu.memory_space<vmem>> -> memref<128x64xf32, #tpu.memory_space<vmem>>
      %dma_wait3A_579 = arith.constant 0 : i32
      %dma_wait3A_580 = tpu.memref_slice %arg4[%add3A_573, %dma_wait3A_579] : memref<819200x64xf32, #tpu.memory_space<hbm>> -> memref<128x64xf32, #tpu.memory_space<hbm>>
      %dma_wait3A_581 = arith.constant 0 : i32
      %dma_wait3A_582 = tpu.memref_slice %arg4[%add3A_573, %dma_wait3A_581] : memref<819200x64xf32, #tpu.memory_space<hbm>> -> memref<128x64xf32, #tpu.memory_space<hbm>>
      %dma_wait3A_583 = arith.constant 0 : i32
      %dma_wait3A_584 = arith.constant 0 : i32
      %dma_wait3A_585 = tpu.memref_slice %arg7[%dma_wait3A_574, %dma_wait3A_583, %dma_wait3A_584] : memref<2x128x64xf32, #tpu.memory_space<vmem>> -> memref<1x128x64xf32, #tpu.memory_space<vmem>>
      %dma_wait3A_586 = tpu.memref_squeeze %dma_wait3A_585 : memref<1x128x64xf32, #tpu.memory_space<vmem>> -> memref<128x64xf32, #tpu.memory_space<vmem>>
      tpu.wait_dma2 semaphore(%arg13 : memref<!tpu.dma_semaphore, #tpu.memory_space<semaphore_mem>>) src(%dma_wait3A_586 : memref<128x64xf32, #tpu.memory_space<vmem>>) dst(%dma_wait3A_582 : memref<128x64xf32, #tpu.memory_space<hbm>>)
      %scan3A_587 = arith.constant 0 : i32
      %scan3A_588 = arith.constant 0 : i32
      %scan3A_589 = arith.constant 32 : i32
      %scan3A_590 = arith.addi %scan3A_588, %scan3A_589 : i32
      %scan3A_591 = arith.constant 1 : i32
      scf.for %scan3A_758 = %scan3A_588 to %scan3A_590 step %scan3A_591  : i32 {
        %mul3A_759 = arith.constant 4 : i32
        %mul3A_760 = arith.muli %scan3A_758, %mul3A_759 : i32
        %add3A_761 = arith.constant 0 : i32
        %add3A_762 = arith.addi %mul3A_760, %add3A_761 : i32
        %get3A = arith.constant 1 : i32
        %get3A_763 = arith.index_cast %get3A : i32 to index
        %get3A_764 = arith.index_cast %add3A_762 : i32 to index
        %get3A_765 = arith.constant 0 : index
        %get3A_766 = tpu.vector_load %arg6[%get3A_763, %get3A_764, %get3A_765] {strides = array<i32>} : memref<4x128x128xf32, #tpu.memory_space<vmem>>, vector<16xf32>,
        %mul3A_767 = arith.constant 8.000000e+00 : f32
        %mul3A_768 = vector.broadcast %mul3A_767 : f32 to vector<16xf32>
        %mul3A_769 = arith.mulf %get3A_766, %mul3A_768 : vector<16xf32>
        %add3A_770 = arith.constant 0 : i32
        %add3A_771 = arith.addi %mul3A_760, %add3A_770 : i32
        %get3A_772 = arith.constant 1 : i32
        %get3A_773 = arith.index_cast %get3A_772 : i32 to index
        %get3A_774 = arith.index_cast %add3A_771 : i32 to index
        %get3A_775 = arith.constant 16 : index
        %get3A_776 = tpu.vector_load %arg6[%get3A_773, %get3A_774, %get3A_775] {strides = array<i32>} : memref<4x128x128xf32, #tpu.memory_space<vmem>>, vector<16xf32>,
        %mul3A_777 = arith.constant 8.000000e+00 : f32
        %mul3A_778 = vector.broadcast %mul3A_777 : f32 to vector<16xf32>
        %mul3A_779 = arith.mulf %get3A_776, %mul3A_778 : vector<16xf32>
        %add3A_780 = arith.constant 0 : i32
        %add3A_781 = arith.addi %mul3A_760, %add3A_780 : i32
        %get3A_782 = arith.constant 1 : i32
        %get3A_783 = arith.index_cast %get3A_782 : i32 to index
        %get3A_784 = arith.index_cast %add3A_781 : i32 to index
        %get3A_785 = arith.constant 32 : index
        %get3A_786 = tpu.vector_load %arg6[%get3A_783, %get3A_784, %get3A_785] {strides = array<i32>} : memref<4x128x128xf32, #tpu.memory_space<vmem>>, vector<16xf32>,
        %mul3A_787 = arith.constant 8.000000e+00 : f32
        %mul3A_788 = vector.broadcast %mul3A_787 : f32 to vector<16xf32>
        %mul3A_789 = arith.mulf %get3A_786, %mul3A_788 : vector<16xf32>
        %add3A_790 = arith.constant 0 : i32
        %add3A_791 = arith.addi %mul3A_760, %add3A_790 : i32
        %get3A_792 = arith.constant 1 : i32
        %get3A_793 = arith.index_cast %get3A_792 : i32 to index
        %get3A_794 = arith.index_cast %add3A_791 : i32 to index
        %get3A_795 = arith.constant 48 : index
        %get3A_796 = tpu.vector_load %arg6[%get3A_793, %get3A_794, %get3A_795] {strides = array<i32>} : memref<4x128x128xf32, #tpu.memory_space<vmem>>, vector<16xf32>,
        %mul3A_797 = arith.constant 8.000000e+00 : f32
        %mul3A_798 = vector.broadcast %mul3A_797 : f32 to vector<16xf32>
        %mul3A_799 = arith.mulf %get3A_796, %mul3A_798 : vector<16xf32>
        %add3A_800 = arith.constant 1 : i32
        %add3A_801 = arith.addi %mul3A_760, %add3A_800 : i32
        %get3A_802 = arith.constant 1 : i32
        %get3A_803 = arith.index_cast %get3A_802 : i32 to index
        %get3A_804 = arith.index_cast %add3A_801 : i32 to index
        %get3A_805 = arith.constant 0 : index
        %get3A_806 = tpu.vector_load %arg6[%get3A_803, %get3A_804, %get3A_805] {strides = array<i32>} : memref<4x128x128xf32, #tpu.memory_space<vmem>>, vector<16xf32>,
        %mul3A_807 = arith.constant 8.000000e+00 : f32
        %mul3A_808 = vector.broadcast %mul3A_807 : f32 to vector<16xf32>
        %mul3A_809 = arith.mulf %get3A_806, %mul3A_808 : vector<16xf32>
        %add3A_810 = arith.constant 1 : i32
        %add3A_811 = arith.addi %mul3A_760, %add3A_810 : i32
        %get3A_812 = arith.constant 1 : i32
        %get3A_813 = arith.index_cast %get3A_812 : i32 to index
        %get3A_814 = arith.index_cast %add3A_811 : i32 to index
        %get3A_815 = arith.constant 16 : index
        %get3A_816 = tpu.vector_load %arg6[%get3A_813, %get3A_814, %get3A_815] {strides = array<i32>} : memref<4x128x128xf32, #tpu.memory_space<vmem>>, vector<16xf32>,
        %mul3A_817 = arith.constant 8.000000e+00 : f32
        %mul3A_818 = vector.broadcast %mul3A_817 : f32 to vector<16xf32>
        %mul3A_819 = arith.mulf %get3A_816, %mul3A_818 : vector<16xf32>
        %add3A_820 = arith.constant 1 : i32
        %add3A_821 = arith.addi %mul3A_760, %add3A_820 : i32
        %get3A_822 = arith.constant 1 : i32
        %get3A_823 = arith.index_cast %get3A_822 : i32 to index
        %get3A_824 = arith.index_cast %add3A_821 : i32 to index
        %get3A_825 = arith.constant 32 : index
        %get3A_826 = tpu.vector_load %arg6[%get3A_823, %get3A_824, %get3A_825] {strides = array<i32>} : memref<4x128x128xf32, #tpu.memory_space<vmem>>, vector<16xf32>,
        %mul3A_827 = arith.constant 8.000000e+00 : f32
        %mul3A_828 = vector.broadcast %mul3A_827 : f32 to vector<16xf32>
        %mul3A_829 = arith.mulf %get3A_826, %mul3A_828 : vector<16xf32>
        %add3A_830 = arith.constant 1 : i32
        %add3A_831 = arith.addi %mul3A_760, %add3A_830 : i32
        %get3A_832 = arith.constant 1 : i32
        %get3A_833 = arith.index_cast %get3A_832 : i32 to index
        %get3A_834 = arith.index_cast %add3A_831 : i32 to index
        %get3A_835 = arith.constant 48 : index
        %get3A_836 = tpu.vector_load %arg6[%get3A_833, %get3A_834, %get3A_835] {strides = array<i32>} : memref<4x128x128xf32, #tpu.memory_space<vmem>>, vector<16xf32>,
        %mul3A_837 = arith.constant 8.000000e+00 : f32
        %mul3A_838 = vector.broadcast %mul3A_837 : f32 to vector<16xf32>
        %mul3A_839 = arith.mulf %get3A_836, %mul3A_838 : vector<16xf32>
        %add3A_840 = arith.constant 2 : i32
        %add3A_841 = arith.addi %mul3A_760, %add3A_840 : i32
        %get3A_842 = arith.constant 1 : i32
        %get3A_843 = arith.index_cast %get3A_842 : i32 to index
        %get3A_844 = arith.index_cast %add3A_841 : i32 to index
        %get3A_845 = arith.constant 0 : index
        %get3A_846 = tpu.vector_load %arg6[%get3A_843, %get3A_844, %get3A_845] {strides = array<i32>} : memref<4x128x128xf32, #tpu.memory_space<vmem>>, vector<16xf32>,
        %mul3A_847 = arith.constant 8.000000e+00 : f32
        %mul3A_848 = vector.broadcast %mul3A_847 : f32 to vector<16xf32>
        %mul3A_849 = arith.mulf %get3A_846, %mul3A_848 : vector<16xf32>
        %add3A_850 = arith.constant 2 : i32
        %add3A_851 = arith.addi %mul3A_760, %add3A_850 : i32
        %get3A_852 = arith.constant 1 : i32
        %get3A_853 = arith.index_cast %get3A_852 : i32 to index
        %get3A_854 = arith.index_cast %add3A_851 : i32 to index
        %get3A_855 = arith.constant 16 : index
        %get3A_856 = tpu.vector_load %arg6[%get3A_853, %get3A_854, %get3A_855] {strides = array<i32>} : memref<4x128x128xf32, #tpu.memory_space<vmem>>, vector<16xf32>,
        %mul3A_857 = arith.constant 8.000000e+00 : f32
        %mul3A_858 = vector.broadcast %mul3A_857 : f32 to vector<16xf32>
        %mul3A_859 = arith.mulf %get3A_856, %mul3A_858 : vector<16xf32>
        %add3A_860 = arith.constant 2 : i32
        %add3A_861 = arith.addi %mul3A_760, %add3A_860 : i32
        %get3A_862 = arith.constant 1 : i32
        %get3A_863 = arith.index_cast %get3A_862 : i32 to index
        %get3A_864 = arith.index_cast %add3A_861 : i32 to index
        %get3A_865 = arith.constant 32 : index
        %get3A_866 = tpu.vector_load %arg6[%get3A_863, %get3A_864, %get3A_865] {strides = array<i32>} : memref<4x128x128xf32, #tpu.memory_space<vmem>>, vector<16xf32>,
        %mul3A_867 = arith.constant 8.000000e+00 : f32
        %mul3A_868 = vector.broadcast %mul3A_867 : f32 to vector<16xf32>
        %mul3A_869 = arith.mulf %get3A_866, %mul3A_868 : vector<16xf32>
        %add3A_870 = arith.constant 2 : i32
        %add3A_871 = arith.addi %mul3A_760, %add3A_870 : i32
        %get3A_872 = arith.constant 1 : i32
        %get3A_873 = arith.index_cast %get3A_872 : i32 to index
        %get3A_874 = arith.index_cast %add3A_871 : i32 to index
        %get3A_875 = arith.constant 48 : index
        %get3A_876 = tpu.vector_load %arg6[%get3A_873, %get3A_874, %get3A_875] {strides = array<i32>} : memref<4x128x128xf32, #tpu.memory_space<vmem>>, vector<16xf32>,
        %mul3A_877 = arith.constant 8.000000e+00 : f32
        %mul3A_878 = vector.broadcast %mul3A_877 : f32 to vector<16xf32>
        %mul3A_879 = arith.mulf %get3A_876, %mul3A_878 : vector<16xf32>
        %add3A_880 = arith.constant 3 : i32
        %add3A_881 = arith.addi %mul3A_760, %add3A_880 : i32
        %get3A_882 = arith.constant 1 : i32
        %get3A_883 = arith.index_cast %get3A_882 : i32 to index
        %get3A_884 = arith.index_cast %add3A_881 : i32 to index
        %get3A_885 = arith.constant 0 : index
        %get3A_886 = tpu.vector_load %arg6[%get3A_883, %get3A_884, %get3A_885] {strides = array<i32>} : memref<4x128x128xf32, #tpu.memory_space<vmem>>, vector<16xf32>,
        %mul3A_887 = arith.constant 8.000000e+00 : f32
        %mul3A_888 = vector.broadcast %mul3A_887 : f32 to vector<16xf32>
        %mul3A_889 = arith.mulf %get3A_886, %mul3A_888 : vector<16xf32>
        %add3A_890 = arith.constant 3 : i32
        %add3A_891 = arith.addi %mul3A_760, %add3A_890 : i32
        %get3A_892 = arith.constant 1 : i32
        %get3A_893 = arith.index_cast %get3A_892 : i32 to index
        %get3A_894 = arith.index_cast %add3A_891 : i32 to index
        %get3A_895 = arith.constant 16 : index
        %get3A_896 = tpu.vector_load %arg6[%get3A_893, %get3A_894, %get3A_895] {strides = array<i32>} : memref<4x128x128xf32, #tpu.memory_space<vmem>>, vector<16xf32>,
        %mul3A_897 = arith.constant 8.000000e+00 : f32
        %mul3A_898 = vector.broadcast %mul3A_897 : f32 to vector<16xf32>
        %mul3A_899 = arith.mulf %get3A_896, %mul3A_898 : vector<16xf32>
        %add3A_900 = arith.constant 3 : i32
        %add3A_901 = arith.addi %mul3A_760, %add3A_900 : i32
        %get3A_902 = arith.constant 1 : i32
        %get3A_903 = arith.index_cast %get3A_902 : i32 to index
        %get3A_904 = arith.index_cast %add3A_901 : i32 to index
        %get3A_905 = arith.constant 32 : index
        %get3A_906 = tpu.vector_load %arg6[%get3A_903, %get3A_904, %get3A_905] {strides = array<i32>} : memref<4x128x128xf32, #tpu.memory_space<vmem>>, vector<16xf32>,
        %mul3A_907 = arith.constant 8.000000e+00 : f32
        %mul3A_908 = vector.broadcast %mul3A_907 : f32 to vector<16xf32>
        %mul3A_909 = arith.mulf %get3A_906, %mul3A_908 : vector<16xf32>
        %add3A_910 = arith.constant 3 : i32
        %add3A_911 = arith.addi %mul3A_760, %add3A_910 : i32
        %get3A_912 = arith.constant 1 : i32
        %get3A_913 = arith.index_cast %get3A_912 : i32 to index
        %get3A_914 = arith.index_cast %add3A_911 : i32 to index
        %get3A_915 = arith.constant 48 : index
        %get3A_916 = tpu.vector_load %arg6[%get3A_913, %get3A_914, %get3A_915] {strides = array<i32>} : memref<4x128x128xf32, #tpu.memory_space<vmem>>, vector<16xf32>,
        %mul3A_917 = arith.constant 8.000000e+00 : f32
        %mul3A_918 = vector.broadcast %mul3A_917 : f32 to vector<16xf32>
        %mul3A_919 = arith.mulf %get3A_916, %mul3A_918 : vector<16xf32>
        %add3A_920 = arith.constant 0 : i32
        %add3A_921 = arith.addi %mul3A_760, %add3A_920 : i32
        %swap3A = arith.constant 1 : i32
        %swap3A_922 = arith.index_cast %swap3A : i32 to index
        %swap3A_923 = arith.index_cast %add3A_921 : i32 to index
        %swap3A_924 = arith.constant 0 : index
        %swap3A_925 = tpu.vector_load %arg7[%swap3A_922, %swap3A_923, %swap3A_924] {strides = array<i32>} : memref<2x128x64xf32, #tpu.memory_space<vmem>>, vector<16xf32>,
        tpu.vector_store %arg7[%swap3A_922, %swap3A_923, %swap3A_924], %mul3A_769 {strides = array<i32>} : memref<2x128x64xf32, #tpu.memory_space<vmem>>, vector<16xf32>,
        %add3A_926 = arith.constant 0 : i32
        %add3A_927 = arith.addi %mul3A_760, %add3A_926 : i32
        %swap3A_928 = arith.constant 1 : i32
        %swap3A_929 = arith.index_cast %swap3A_928 : i32 to index
        %swap3A_930 = arith.index_cast %add3A_927 : i32 to index
        %swap3A_931 = arith.constant 16 : index
        %swap3A_932 = tpu.vector_load %arg7[%swap3A_929, %swap3A_930, %swap3A_931] {strides = array<i32>} : memref<2x128x64xf32, #tpu.memory_space<vmem>>, vector<16xf32>,
        tpu.vector_store %arg7[%swap3A_929, %swap3A_930, %swap3A_931], %mul3A_779 {strides = array<i32>} : memref<2x128x64xf32, #tpu.memory_space<vmem>>, vector<16xf32>,
        %add3A_933 = arith.constant 0 : i32
        %add3A_934 = arith.addi %mul3A_760, %add3A_933 : i32
        %swap3A_935 = arith.constant 1 : i32
        %swap3A_936 = arith.index_cast %swap3A_935 : i32 to index
        %swap3A_937 = arith.index_cast %add3A_934 : i32 to index
        %swap3A_938 = arith.constant 32 : index
        %swap3A_939 = tpu.vector_load %arg7[%swap3A_936, %swap3A_937, %swap3A_938] {strides = array<i32>} : memref<2x128x64xf32, #tpu.memory_space<vmem>>, vector<16xf32>,
        tpu.vector_store %arg7[%swap3A_936, %swap3A_937, %swap3A_938], %mul3A_789 {strides = array<i32>} : memref<2x128x64xf32, #tpu.memory_space<vmem>>, vector<16xf32>,
        %add3A_940 = arith.constant 0 : i32
        %add3A_941 = arith.addi %mul3A_760, %add3A_940 : i32
        %swap3A_942 = arith.constant 1 : i32
        %swap3A_943 = arith.index_cast %swap3A_942 : i32 to index
        %swap3A_944 = arith.index_cast %add3A_941 : i32 to index
        %swap3A_945 = arith.constant 48 : index
        %swap3A_946 = tpu.vector_load %arg7[%swap3A_943, %swap3A_944, %swap3A_945] {strides = array<i32>} : memref<2x128x64xf32, #tpu.memory_space<vmem>>, vector<16xf32>,
        tpu.vector_store %arg7[%swap3A_943, %swap3A_944, %swap3A_945], %mul3A_799 {strides = array<i32>} : memref<2x128x64xf32, #tpu.memory_space<vmem>>, vector<16xf32>,
        %add3A_947 = arith.constant 1 : i32
        %add3A_948 = arith.addi %mul3A_760, %add3A_947 : i32
        %swap3A_949 = arith.constant 1 : i32
        %swap3A_950 = arith.index_cast %swap3A_949 : i32 to index
        %swap3A_951 = arith.index_cast %add3A_948 : i32 to index
        %swap3A_952 = arith.constant 0 : index
        %swap3A_953 = tpu.vector_load %arg7[%swap3A_950, %swap3A_951, %swap3A_952] {strides = array<i32>} : memref<2x128x64xf32, #tpu.memory_space<vmem>>, vector<16xf32>,
        tpu.vector_store %arg7[%swap3A_950, %swap3A_951, %swap3A_952], %mul3A_809 {strides = array<i32>} : memref<2x128x64xf32, #tpu.memory_space<vmem>>, vector<16xf32>,
        %add3A_954 = arith.constant 1 : i32
        %add3A_955 = arith.addi %mul3A_760, %add3A_954 : i32
        %swap3A_956 = arith.constant 1 : i32
        %swap3A_957 = arith.index_cast %swap3A_956 : i32 to index
        %swap3A_958 = arith.index_cast %add3A_955 : i32 to index
        %swap3A_959 = arith.constant 16 : index
        %swap3A_960 = tpu.vector_load %arg7[%swap3A_957, %swap3A_958, %swap3A_959] {strides = array<i32>} : memref<2x128x64xf32, #tpu.memory_space<vmem>>, vector<16xf32>,
        tpu.vector_store %arg7[%swap3A_957, %swap3A_958, %swap3A_959], %mul3A_819 {strides = array<i32>} : memref<2x128x64xf32, #tpu.memory_space<vmem>>, vector<16xf32>,
        %add3A_961 = arith.constant 1 : i32
        %add3A_962 = arith.addi %mul3A_760, %add3A_961 : i32
        %swap3A_963 = arith.constant 1 : i32
        %swap3A_964 = arith.index_cast %swap3A_963 : i32 to index
        %swap3A_965 = arith.index_cast %add3A_962 : i32 to index
        %swap3A_966 = arith.constant 32 : index
        %swap3A_967 = tpu.vector_load %arg7[%swap3A_964, %swap3A_965, %swap3A_966] {strides = array<i32>} : memref<2x128x64xf32, #tpu.memory_space<vmem>>, vector<16xf32>,
        tpu.vector_store %arg7[%swap3A_964, %swap3A_965, %swap3A_966], %mul3A_829 {strides = array<i32>} : memref<2x128x64xf32, #tpu.memory_space<vmem>>, vector<16xf32>,
        %add3A_968 = arith.constant 1 : i32
        %add3A_969 = arith.addi %mul3A_760, %add3A_968 : i32
        %swap3A_970 = arith.constant 1 : i32
        %swap3A_971 = arith.index_cast %swap3A_970 : i32 to index
        %swap3A_972 = arith.index_cast %add3A_969 : i32 to index
        %swap3A_973 = arith.constant 48 : index
        %swap3A_974 = tpu.vector_load %arg7[%swap3A_971, %swap3A_972, %swap3A_973] {strides = array<i32>} : memref<2x128x64xf32, #tpu.memory_space<vmem>>, vector<16xf32>,
        tpu.vector_store %arg7[%swap3A_971, %swap3A_972, %swap3A_973], %mul3A_839 {strides = array<i32>} : memref<2x128x64xf32, #tpu.memory_space<vmem>>, vector<16xf32>,
        %add3A_975 = arith.constant 2 : i32
        %add3A_976 = arith.addi %mul3A_760, %add3A_975 : i32
        %swap3A_977 = arith.constant 1 : i32
        %swap3A_978 = arith.index_cast %swap3A_977 : i32 to index
        %swap3A_979 = arith.index_cast %add3A_976 : i32 to index
        %swap3A_980 = arith.constant 0 : index
        %swap3A_981 = tpu.vector_load %arg7[%swap3A_978, %swap3A_979, %swap3A_980] {strides = array<i32>} : memref<2x128x64xf32, #tpu.memory_space<vmem>>, vector<16xf32>,
        tpu.vector_store %arg7[%swap3A_978, %swap3A_979, %swap3A_980], %mul3A_849 {strides = array<i32>} : memref<2x128x64xf32, #tpu.memory_space<vmem>>, vector<16xf32>,
        %add3A_982 = arith.constant 2 : i32
        %add3A_983 = arith.addi %mul3A_760, %add3A_982 : i32
        %swap3A_984 = arith.constant 1 : i32
        %swap3A_985 = arith.index_cast %swap3A_984 : i32 to index
        %swap3A_986 = arith.index_cast %add3A_983 : i32 to index
        %swap3A_987 = arith.constant 16 : index
        %swap3A_988 = tpu.vector_load %arg7[%swap3A_985, %swap3A_986, %swap3A_987] {strides = array<i32>} : memref<2x128x64xf32, #tpu.memory_space<vmem>>, vector<16xf32>,
        tpu.vector_store %arg7[%swap3A_985, %swap3A_986, %swap3A_987], %mul3A_859 {strides = array<i32>} : memref<2x128x64xf32, #tpu.memory_space<vmem>>, vector<16xf32>,
        %add3A_989 = arith.constant 2 : i32
        %add3A_990 = arith.addi %mul3A_760, %add3A_989 : i32
        %swap3A_991 = arith.constant 1 : i32
        %swap3A_992 = arith.index_cast %swap3A_991 : i32 to index
        %swap3A_993 = arith.index_cast %add3A_990 : i32 to index
        %swap3A_994 = arith.constant 32 : index
        %swap3A_995 = tpu.vector_load %arg7[%swap3A_992, %swap3A_993, %swap3A_994] {strides = array<i32>} : memref<2x128x64xf32, #tpu.memory_space<vmem>>, vector<16xf32>,
        tpu.vector_store %arg7[%swap3A_992, %swap3A_993, %swap3A_994], %mul3A_869 {strides = array<i32>} : memref<2x128x64xf32, #tpu.memory_space<vmem>>, vector<16xf32>,
        %add3A_996 = arith.constant 2 : i32
        %add3A_997 = arith.addi %mul3A_760, %add3A_996 : i32
        %swap3A_998 = arith.constant 1 : i32
        %swap3A_999 = arith.index_cast %swap3A_998 : i32 to index
        %swap3A_1000 = arith.index_cast %add3A_997 : i32 to index
        %swap3A_1001 = arith.constant 48 : index
        %swap3A_1002 = tpu.vector_load %arg7[%swap3A_999, %swap3A_1000, %swap3A_1001] {strides = array<i32>} : memref<2x128x64xf32, #tpu.memory_space<vmem>>, vector<16xf32>,
        tpu.vector_store %arg7[%swap3A_999, %swap3A_1000, %swap3A_1001], %mul3A_879 {strides = array<i32>} : memref<2x128x64xf32, #tpu.memory_space<vmem>>, vector<16xf32>,
        %add3A_1003 = arith.constant 3 : i32
        %add3A_1004 = arith.addi %mul3A_760, %add3A_1003 : i32
        %swap3A_1005 = arith.constant 1 : i32
        %swap3A_1006 = arith.index_cast %swap3A_1005 : i32 to index
        %swap3A_1007 = arith.index_cast %add3A_1004 : i32 to index
        %swap3A_1008 = arith.constant 0 : index
        %swap3A_1009 = tpu.vector_load %arg7[%swap3A_1006, %swap3A_1007, %swap3A_1008] {strides = array<i32>} : memref<2x128x64xf32, #tpu.memory_space<vmem>>, vector<16xf32>,
        tpu.vector_store %arg7[%swap3A_1006, %swap3A_1007, %swap3A_1008], %mul3A_889 {strides = array<i32>} : memref<2x128x64xf32, #tpu.memory_space<vmem>>, vector<16xf32>,
        %add3A_1010 = arith.constant 3 : i32
        %add3A_1011 = arith.addi %mul3A_760, %add3A_1010 : i32
        %swap3A_1012 = arith.constant 1 : i32
        %swap3A_1013 = arith.index_cast %swap3A_1012 : i32 to index
        %swap3A_1014 = arith.index_cast %add3A_1011 : i32 to index
        %swap3A_1015 = arith.constant 16 : index
        %swap3A_1016 = tpu.vector_load %arg7[%swap3A_1013, %swap3A_1014, %swap3A_1015] {strides = array<i32>} : memref<2x128x64xf32, #tpu.memory_space<vmem>>, vector<16xf32>,
        tpu.vector_store %arg7[%swap3A_1013, %swap3A_1014, %swap3A_1015], %mul3A_899 {strides = array<i32>} : memref<2x128x64xf32, #tpu.memory_space<vmem>>, vector<16xf32>,
        %add3A_1017 = arith.constant 3 : i32
        %add3A_1018 = arith.addi %mul3A_760, %add3A_1017 : i32
        %swap3A_1019 = arith.constant 1 : i32
        %swap3A_1020 = arith.index_cast %swap3A_1019 : i32 to index
        %swap3A_1021 = arith.index_cast %add3A_1018 : i32 to index
        %swap3A_1022 = arith.constant 32 : index
        %swap3A_1023 = tpu.vector_load %arg7[%swap3A_1020, %swap3A_1021, %swap3A_1022] {strides = array<i32>} : memref<2x128x64xf32, #tpu.memory_space<vmem>>, vector<16xf32>,
        tpu.vector_store %arg7[%swap3A_1020, %swap3A_1021, %swap3A_1022], %mul3A_909 {strides = array<i32>} : memref<2x128x64xf32, #tpu.memory_space<vmem>>, vector<16xf32>,
        %add3A_1024 = arith.constant 3 : i32
        %add3A_1025 = arith.addi %mul3A_760, %add3A_1024 : i32
        %swap3A_1026 = arith.constant 1 : i32
        %swap3A_1027 = arith.index_cast %swap3A_1026 : i32 to index
        %swap3A_1028 = arith.index_cast %add3A_1025 : i32 to index
        %swap3A_1029 = arith.constant 48 : index
        %swap3A_1030 = tpu.vector_load %arg7[%swap3A_1027, %swap3A_1028, %swap3A_1029] {strides = array<i32>} : memref<2x128x64xf32, #tpu.memory_space<vmem>>, vector<16xf32>,
        tpu.vector_store %arg7[%swap3A_1027, %swap3A_1028, %swap3A_1029], %mul3A_919 {strides = array<i32>} : memref<2x128x64xf32, #tpu.memory_space<vmem>>, vector<16xf32>,
      }
      %scan3A_592 = arith.constant 32 : i32
      %add3A_593 = arith.constant 4 : i32
      %add3A_594 = arith.addi %add3A_557, %add3A_593 : i32
      %dma_start3A_595 = arith.constant 1 : i32
      %dma_start3A_596 = arith.constant 0 : i32
      %dma_start3A_597 = arith.constant 0 : i32
      %dma_start3A_598 = tpu.memref_slice %arg6[%dma_start3A_595, %dma_start3A_596, %dma_start3A_597] : memref<4x128x128xf32, #tpu.memory_space<vmem>> -> memref<1x128x128xf32, #tpu.memory_space<vmem>>
      %dma_start3A_599 = tpu.memref_squeeze %dma_start3A_598 : memref<1x128x128xf32, #tpu.memory_space<vmem>> -> memref<128x128xf32, #tpu.memory_space<vmem>>
      %dma_start3A_600 = arith.constant 0 : i32
      %dma_start3A_601 = tpu.memref_slice %arg5[%add3A_594, %dma_start3A_600] : memref<200x128xi32, #tpu.memory_space<vmem>> -> memref<1x128xi32, #tpu.memory_space<vmem>>
      %dma_start3A_602 = tpu.memref_squeeze %dma_start3A_601 : memref<1x128xi32, #tpu.memory_space<vmem>> -> memref<128xi32, #tpu.memory_space<vmem>>
      %dma_start3A_603 = arith.constant 0 : i32
      %dma_start3A_604 = arith.constant 0 : i32
      %dma_start3A_605 = tpu.memref_slice %arg3[%dma_start3A_603, %dma_start3A_604] : memref<1000000x128xf32, #tpu.memory_space<hbm>> -> memref<1000000x128xf32, #tpu.memory_space<hbm>>
      tpu.enqueue_indirect_dma source(%dma_start3A_605 : memref<1000000x128xf32, #tpu.memory_space<hbm>>) target(%dma_start3A_599 : memref<128x128xf32, #tpu.memory_space<vmem>>) offsets(%dma_start3A_602 : memref<128xi32, #tpu.memory_space<vmem>>) semaphore(%arg9 : memref<!tpu.dma_semaphore, #tpu.memory_space<semaphore_mem>>)
      %mul3A_606 = arith.constant 128 : i32
      %mul3A_607 = arith.muli %add3A_557, %mul3A_606 : i32
      %add3A_608 = arith.addi %mul3A_2, %mul3A_607 : i32
      %dma_start3A_609 = arith.constant 1 : i32
      %dma_start3A_610 = arith.constant 0 : i32
      %dma_start3A_611 = arith.constant 0 : i32
      %dma_start3A_612 = tpu.memref_slice %arg7[%dma_start3A_609, %dma_start3A_610, %dma_start3A_611] : memref<2x128x64xf32, #tpu.memory_space<vmem>> -> memref<1x128x64xf32, #tpu.memory_space<vmem>>
      %dma_start3A_613 = tpu.memref_squeeze %dma_start3A_612 : memref<1x128x64xf32, #tpu.memory_space<vmem>> -> memref<128x64xf32, #tpu.memory_space<vmem>>
      %dma_start3A_614 = arith.constant 0 : i32
      %dma_start3A_615 = tpu.memref_slice %arg4[%add3A_608, %dma_start3A_614] : memref<819200x64xf32, #tpu.memory_space<hbm>> -> memref<128x64xf32, #tpu.memory_space<hbm>>
      %dma_start3A_616 = arith.constant 0 : i32
      %dma_start3A_617 = tpu.memref_slice %arg4[%add3A_608, %dma_start3A_616] : memref<819200x64xf32, #tpu.memory_space<hbm>> -> memref<128x64xf32, #tpu.memory_space<hbm>>
      %dma_start3A_618 = arith.constant 0 : i32
      %dma_start3A_619 = arith.constant 0 : i32
      %dma_start3A_620 = tpu.memref_slice %arg7[%dma_start3A_609, %dma_start3A_618, %dma_start3A_619] : memref<2x128x64xf32, #tpu.memory_space<vmem>> -> memref<1x128x64xf32, #tpu.memory_space<vmem>>
      %dma_start3A_621 = tpu.memref_squeeze %dma_start3A_620 : memref<1x128x64xf32, #tpu.memory_space<vmem>> -> memref<128x64xf32, #tpu.memory_space<vmem>>
      tpu.enqueue_dma source(%dma_start3A_621 : memref<128x64xf32, #tpu.memory_space<vmem>>) target(%dma_start3A_617 : memref<128x64xf32, #tpu.memory_space<hbm>>) target_semaphore(%arg13 : memref<!tpu.dma_semaphore, #tpu.memory_space<semaphore_mem>>)
      %mul3A_622 = arith.constant 4 : i32
      %mul3A_623 = arith.muli %scan3A_486, %mul3A_622 : i32
      %add3A_624 = arith.constant 2 : i32
      %add3A_625 = arith.addi %mul3A_623, %add3A_624 : i32
      %dma_wait3A_626 = arith.constant 2 : i32
      %dma_wait3A_627 = arith.constant 0 : i32
      %dma_wait3A_628 = arith.constant 0 : i32
      %dma_wait3A_629 = tpu.memref_slice %arg6[%dma_wait3A_626, %dma_wait3A_627, %dma_wait3A_628] : memref<4x128x128xf32, #tpu.memory_space<vmem>> -> memref<1x128x128xf32, #tpu.memory_space<vmem>>
      %dma_wait3A_630 = tpu.memref_squeeze %dma_wait3A_629 : memref<1x128x128xf32, #tpu.memory_space<vmem>> -> memref<128x128xf32, #tpu.memory_space<vmem>>
      %dma_wait3A_631 = arith.constant 0 : i32
      %dma_wait3A_632 = tpu.memref_slice %arg5[%add3A_625, %dma_wait3A_631] : memref<200x128xi32, #tpu.memory_space<vmem>> -> memref<1x128xi32, #tpu.memory_space<vmem>>
      %dma_wait3A_633 = tpu.memref_squeeze %dma_wait3A_632 : memref<1x128xi32, #tpu.memory_space<vmem>> -> memref<128xi32, #tpu.memory_space<vmem>>
      %dma_wait3A_634 = arith.constant 0 : i32
      %dma_wait3A_635 = arith.constant 0 : i32
      %dma_wait3A_636 = tpu.memref_slice %arg3[%dma_wait3A_634, %dma_wait3A_635] : memref<1000000x128xf32, #tpu.memory_space<hbm>> -> memref<1000000x128xf32, #tpu.memory_space<hbm>>
      tpu.wait_indirect_dma semaphore(%arg10 : memref<!tpu.dma_semaphore, #tpu.memory_space<semaphore_mem>>) src(%dma_wait3A_636 : memref<1000000x128xf32, #tpu.memory_space<hbm>>) dst(%dma_wait3A_630 : memref<128x128xf32, #tpu.memory_space<vmem>>)
      %sub3A_637 = arith.constant 2 : i32
      %sub3A_638 = arith.subi %add3A_625, %sub3A_637 : i32
      %mul3A_639 = arith.constant 128 : i32
      %mul3A_640 = arith.muli %sub3A_638, %mul3A_639 : i32
      %add3A_641 = arith.addi %mul3A_2, %mul3A_640 : i32
      %dma_wait3A_642 = arith.constant 0 : i32
      %dma_wait3A_643 = arith.constant 0 : i32
      %dma_wait3A_644 = arith.constant 0 : i32
      %dma_wait3A_645 = tpu.memref_slice %arg7[%dma_wait3A_642, %dma_wait3A_643, %dma_wait3A_644] : memref<2x128x64xf32, #tpu.memory_space<vmem>> -> memref<1x128x64xf32, #tpu.memory_space<vmem>>
      %dma_wait3A_646 = tpu.memref_squeeze %dma_wait3A_645 : memref<1x128x64xf32, #tpu.memory_space<vmem>> -> memref<128x64xf32, #tpu.memory_space<vmem>>
      %dma_wait3A_647 = arith.constant 0 : i32
      %dma_wait3A_648 = tpu.memref_slice %arg4[%add3A_641, %dma_wait3A_647] : memref<819200x64xf32, #tpu.memory_space<hbm>> -> memref<128x64xf32, #tpu.memory_space<hbm>>
      %dma_wait3A_649 = arith.constant 0 : i32
      %dma_wait3A_650 = tpu.memref_slice %arg4[%add3A_641, %dma_wait3A_649] : memref<819200x64xf32, #tpu.memory_space<hbm>> -> memref<128x64xf32, #tpu.memory_space<hbm>>
      %dma_wait3A_651 = arith.constant 0 : i32
      %dma_wait3A_652 = arith.constant 0 : i32
      %dma_wait3A_653 = tpu.memref_slice %arg7[%dma_wait3A_642, %dma_wait3A_651, %dma_wait3A_652] : memref<2x128x64xf32, #tpu.memory_space<vmem>> -> memref<1x128x64xf32, #tpu.memory_space<vmem>>
      %dma_wait3A_654 = tpu.memref_squeeze %dma_wait3A_653 : memref<1x128x64xf32, #tpu.memory_space<vmem>> -> memref<128x64xf32, #tpu.memory_space<vmem>>
      tpu.wait_dma2 semaphore(%arg12 : memref<!tpu.dma_semaphore, #tpu.memory_space<semaphore_mem>>) src(%dma_wait3A_654 : memref<128x64xf32, #tpu.memory_space<vmem>>) dst(%dma_wait3A_650 : memref<128x64xf32, #tpu.memory_space<hbm>>)
      %scan3A_655 = arith.constant 0 : i32
      %scan3A_656 = arith.constant 0 : i32
      %scan3A_657 = arith.constant 32 : i32
      %scan3A_658 = arith.addi %scan3A_656, %scan3A_657 : i32
      %scan3A_659 = arith.constant 1 : i32
      scf.for %scan3A_758 = %scan3A_656 to %scan3A_658 step %scan3A_659  : i32 {
        %mul3A_759 = arith.constant 4 : i32
        %mul3A_760 = arith.muli %scan3A_758, %mul3A_759 : i32
        %add3A_761 = arith.constant 0 : i32
        %add3A_762 = arith.addi %mul3A_760, %add3A_761 : i32
        %get3A = arith.constant 2 : i32
        %get3A_763 = arith.index_cast %get3A : i32 to index
        %get3A_764 = arith.index_cast %add3A_762 : i32 to index
        %get3A_765 = arith.constant 0 : index
        %get3A_766 = tpu.vector_load %arg6[%get3A_763, %get3A_764, %get3A_765] {strides = array<i32>} : memref<4x128x128xf32, #tpu.memory_space<vmem>>, vector<16xf32>,
        %mul3A_767 = arith.constant 8.000000e+00 : f32
        %mul3A_768 = vector.broadcast %mul3A_767 : f32 to vector<16xf32>
        %mul3A_769 = arith.mulf %get3A_766, %mul3A_768 : vector<16xf32>
        %add3A_770 = arith.constant 0 : i32
        %add3A_771 = arith.addi %mul3A_760, %add3A_770 : i32
        %get3A_772 = arith.constant 2 : i32
        %get3A_773 = arith.index_cast %get3A_772 : i32 to index
        %get3A_774 = arith.index_cast %add3A_771 : i32 to index
        %get3A_775 = arith.constant 16 : index
        %get3A_776 = tpu.vector_load %arg6[%get3A_773, %get3A_774, %get3A_775] {strides = array<i32>} : memref<4x128x128xf32, #tpu.memory_space<vmem>>, vector<16xf32>,
        %mul3A_777 = arith.constant 8.000000e+00 : f32
        %mul3A_778 = vector.broadcast %mul3A_777 : f32 to vector<16xf32>
        %mul3A_779 = arith.mulf %get3A_776, %mul3A_778 : vector<16xf32>
        %add3A_780 = arith.constant 0 : i32
        %add3A_781 = arith.addi %mul3A_760, %add3A_780 : i32
        %get3A_782 = arith.constant 2 : i32
        %get3A_783 = arith.index_cast %get3A_782 : i32 to index
        %get3A_784 = arith.index_cast %add3A_781 : i32 to index
        %get3A_785 = arith.constant 32 : index
        %get3A_786 = tpu.vector_load %arg6[%get3A_783, %get3A_784, %get3A_785] {strides = array<i32>} : memref<4x128x128xf32, #tpu.memory_space<vmem>>, vector<16xf32>,
        %mul3A_787 = arith.constant 8.000000e+00 : f32
        %mul3A_788 = vector.broadcast %mul3A_787 : f32 to vector<16xf32>
        %mul3A_789 = arith.mulf %get3A_786, %mul3A_788 : vector<16xf32>
        %add3A_790 = arith.constant 0 : i32
        %add3A_791 = arith.addi %mul3A_760, %add3A_790 : i32
        %get3A_792 = arith.constant 2 : i32
        %get3A_793 = arith.index_cast %get3A_792 : i32 to index
        %get3A_794 = arith.index_cast %add3A_791 : i32 to index
        %get3A_795 = arith.constant 48 : index
        %get3A_796 = tpu.vector_load %arg6[%get3A_793, %get3A_794, %get3A_795] {strides = array<i32>} : memref<4x128x128xf32, #tpu.memory_space<vmem>>, vector<16xf32>,
        %mul3A_797 = arith.constant 8.000000e+00 : f32
        %mul3A_798 = vector.broadcast %mul3A_797 : f32 to vector<16xf32>
        %mul3A_799 = arith.mulf %get3A_796, %mul3A_798 : vector<16xf32>
        %add3A_800 = arith.constant 1 : i32
        %add3A_801 = arith.addi %mul3A_760, %add3A_800 : i32
        %get3A_802 = arith.constant 2 : i32
        %get3A_803 = arith.index_cast %get3A_802 : i32 to index
        %get3A_804 = arith.index_cast %add3A_801 : i32 to index
        %get3A_805 = arith.constant 0 : index
        %get3A_806 = tpu.vector_load %arg6[%get3A_803, %get3A_804, %get3A_805] {strides = array<i32>} : memref<4x128x128xf32, #tpu.memory_space<vmem>>, vector<16xf32>,
        %mul3A_807 = arith.constant 8.000000e+00 : f32
        %mul3A_808 = vector.broadcast %mul3A_807 : f32 to vector<16xf32>
        %mul3A_809 = arith.mulf %get3A_806, %mul3A_808 : vector<16xf32>
        %add3A_810 = arith.constant 1 : i32
        %add3A_811 = arith.addi %mul3A_760, %add3A_810 : i32
        %get3A_812 = arith.constant 2 : i32
        %get3A_813 = arith.index_cast %get3A_812 : i32 to index
        %get3A_814 = arith.index_cast %add3A_811 : i32 to index
        %get3A_815 = arith.constant 16 : index
        %get3A_816 = tpu.vector_load %arg6[%get3A_813, %get3A_814, %get3A_815] {strides = array<i32>} : memref<4x128x128xf32, #tpu.memory_space<vmem>>, vector<16xf32>,
        %mul3A_817 = arith.constant 8.000000e+00 : f32
        %mul3A_818 = vector.broadcast %mul3A_817 : f32 to vector<16xf32>
        %mul3A_819 = arith.mulf %get3A_816, %mul3A_818 : vector<16xf32>
        %add3A_820 = arith.constant 1 : i32
        %add3A_821 = arith.addi %mul3A_760, %add3A_820 : i32
        %get3A_822 = arith.constant 2 : i32
        %get3A_823 = arith.index_cast %get3A_822 : i32 to index
        %get3A_824 = arith.index_cast %add3A_821 : i32 to index
        %get3A_825 = arith.constant 32 : index
        %get3A_826 = tpu.vector_load %arg6[%get3A_823, %get3A_824, %get3A_825] {strides = array<i32>} : memref<4x128x128xf32, #tpu.memory_space<vmem>>, vector<16xf32>,
        %mul3A_827 = arith.constant 8.000000e+00 : f32
        %mul3A_828 = vector.broadcast %mul3A_827 : f32 to vector<16xf32>
        %mul3A_829 = arith.mulf %get3A_826, %mul3A_828 : vector<16xf32>
        %add3A_830 = arith.constant 1 : i32
        %add3A_831 = arith.addi %mul3A_760, %add3A_830 : i32
        %get3A_832 = arith.constant 2 : i32
        %get3A_833 = arith.index_cast %get3A_832 : i32 to index
        %get3A_834 = arith.index_cast %add3A_831 : i32 to index
        %get3A_835 = arith.constant 48 : index
        %get3A_836 = tpu.vector_load %arg6[%get3A_833, %get3A_834, %get3A_835] {strides = array<i32>} : memref<4x128x128xf32, #tpu.memory_space<vmem>>, vector<16xf32>,
        %mul3A_837 = arith.constant 8.000000e+00 : f32
        %mul3A_838 = vector.broadcast %mul3A_837 : f32 to vector<16xf32>
        %mul3A_839 = arith.mulf %get3A_836, %mul3A_838 : vector<16xf32>
        %add3A_840 = arith.constant 2 : i32
        %add3A_841 = arith.addi %mul3A_760, %add3A_840 : i32
        %get3A_842 = arith.constant 2 : i32
        %get3A_843 = arith.index_cast %get3A_842 : i32 to index
        %get3A_844 = arith.index_cast %add3A_841 : i32 to index
        %get3A_845 = arith.constant 0 : index
        %get3A_846 = tpu.vector_load %arg6[%get3A_843, %get3A_844, %get3A_845] {strides = array<i32>} : memref<4x128x128xf32, #tpu.memory_space<vmem>>, vector<16xf32>,
        %mul3A_847 = arith.constant 8.000000e+00 : f32
        %mul3A_848 = vector.broadcast %mul3A_847 : f32 to vector<16xf32>
        %mul3A_849 = arith.mulf %get3A_846, %mul3A_848 : vector<16xf32>
        %add3A_850 = arith.constant 2 : i32
        %add3A_851 = arith.addi %mul3A_760, %add3A_850 : i32
        %get3A_852 = arith.constant 2 : i32
        %get3A_853 = arith.index_cast %get3A_852 : i32 to index
        %get3A_854 = arith.index_cast %add3A_851 : i32 to index
        %get3A_855 = arith.constant 16 : index
        %get3A_856 = tpu.vector_load %arg6[%get3A_853, %get3A_854, %get3A_855] {strides = array<i32>} : memref<4x128x128xf32, #tpu.memory_space<vmem>>, vector<16xf32>,
        %mul3A_857 = arith.constant 8.000000e+00 : f32
        %mul3A_858 = vector.broadcast %mul3A_857 : f32 to vector<16xf32>
        %mul3A_859 = arith.mulf %get3A_856, %mul3A_858 : vector<16xf32>
        %add3A_860 = arith.constant 2 : i32
        %add3A_861 = arith.addi %mul3A_760, %add3A_860 : i32
        %get3A_862 = arith.constant 2 : i32
        %get3A_863 = arith.index_cast %get3A_862 : i32 to index
        %get3A_864 = arith.index_cast %add3A_861 : i32 to index
        %get3A_865 = arith.constant 32 : index
        %get3A_866 = tpu.vector_load %arg6[%get3A_863, %get3A_864, %get3A_865] {strides = array<i32>} : memref<4x128x128xf32, #tpu.memory_space<vmem>>, vector<16xf32>,
        %mul3A_867 = arith.constant 8.000000e+00 : f32
        %mul3A_868 = vector.broadcast %mul3A_867 : f32 to vector<16xf32>
        %mul3A_869 = arith.mulf %get3A_866, %mul3A_868 : vector<16xf32>
        %add3A_870 = arith.constant 2 : i32
        %add3A_871 = arith.addi %mul3A_760, %add3A_870 : i32
        %get3A_872 = arith.constant 2 : i32
        %get3A_873 = arith.index_cast %get3A_872 : i32 to index
        %get3A_874 = arith.index_cast %add3A_871 : i32 to index
        %get3A_875 = arith.constant 48 : index
        %get3A_876 = tpu.vector_load %arg6[%get3A_873, %get3A_874, %get3A_875] {strides = array<i32>} : memref<4x128x128xf32, #tpu.memory_space<vmem>>, vector<16xf32>,
        %mul3A_877 = arith.constant 8.000000e+00 : f32
        %mul3A_878 = vector.broadcast %mul3A_877 : f32 to vector<16xf32>
        %mul3A_879 = arith.mulf %get3A_876, %mul3A_878 : vector<16xf32>
        %add3A_880 = arith.constant 3 : i32
        %add3A_881 = arith.addi %mul3A_760, %add3A_880 : i32
        %get3A_882 = arith.constant 2 : i32
        %get3A_883 = arith.index_cast %get3A_882 : i32 to index
        %get3A_884 = arith.index_cast %add3A_881 : i32 to index
        %get3A_885 = arith.constant 0 : index
        %get3A_886 = tpu.vector_load %arg6[%get3A_883, %get3A_884, %get3A_885] {strides = array<i32>} : memref<4x128x128xf32, #tpu.memory_space<vmem>>, vector<16xf32>,
        %mul3A_887 = arith.constant 8.000000e+00 : f32
        %mul3A_888 = vector.broadcast %mul3A_887 : f32 to vector<16xf32>
        %mul3A_889 = arith.mulf %get3A_886, %mul3A_888 : vector<16xf32>
        %add3A_890 = arith.constant 3 : i32
        %add3A_891 = arith.addi %mul3A_760, %add3A_890 : i32
        %get3A_892 = arith.constant 2 : i32
        %get3A_893 = arith.index_cast %get3A_892 : i32 to index
        %get3A_894 = arith.index_cast %add3A_891 : i32 to index
        %get3A_895 = arith.constant 16 : index
        %get3A_896 = tpu.vector_load %arg6[%get3A_893, %get3A_894, %get3A_895] {strides = array<i32>} : memref<4x128x128xf32, #tpu.memory_space<vmem>>, vector<16xf32>,
        %mul3A_897 = arith.constant 8.000000e+00 : f32
        %mul3A_898 = vector.broadcast %mul3A_897 : f32 to vector<16xf32>
        %mul3A_899 = arith.mulf %get3A_896, %mul3A_898 : vector<16xf32>
        %add3A_900 = arith.constant 3 : i32
        %add3A_901 = arith.addi %mul3A_760, %add3A_900 : i32
        %get3A_902 = arith.constant 2 : i32
        %get3A_903 = arith.index_cast %get3A_902 : i32 to index
        %get3A_904 = arith.index_cast %add3A_901 : i32 to index
        %get3A_905 = arith.constant 32 : index
        %get3A_906 = tpu.vector_load %arg6[%get3A_903, %get3A_904, %get3A_905] {strides = array<i32>} : memref<4x128x128xf32, #tpu.memory_space<vmem>>, vector<16xf32>,
        %mul3A_907 = arith.constant 8.000000e+00 : f32
        %mul3A_908 = vector.broadcast %mul3A_907 : f32 to vector<16xf32>
        %mul3A_909 = arith.mulf %get3A_906, %mul3A_908 : vector<16xf32>
        %add3A_910 = arith.constant 3 : i32
        %add3A_911 = arith.addi %mul3A_760, %add3A_910 : i32
        %get3A_912 = arith.constant 2 : i32
        %get3A_913 = arith.index_cast %get3A_912 : i32 to index
        %get3A_914 = arith.index_cast %add3A_911 : i32 to index
        %get3A_915 = arith.constant 48 : index
        %get3A_916 = tpu.vector_load %arg6[%get3A_913, %get3A_914, %get3A_915] {strides = array<i32>} : memref<4x128x128xf32, #tpu.memory_space<vmem>>, vector<16xf32>,
        %mul3A_917 = arith.constant 8.000000e+00 : f32
        %mul3A_918 = vector.broadcast %mul3A_917 : f32 to vector<16xf32>
        %mul3A_919 = arith.mulf %get3A_916, %mul3A_918 : vector<16xf32>
        %add3A_920 = arith.constant 0 : i32
        %add3A_921 = arith.addi %mul3A_760, %add3A_920 : i32
        %swap3A = arith.constant 0 : i32
        %swap3A_922 = arith.index_cast %swap3A : i32 to index
        %swap3A_923 = arith.index_cast %add3A_921 : i32 to index
        %swap3A_924 = arith.constant 0 : index
        %swap3A_925 = tpu.vector_load %arg7[%swap3A_922, %swap3A_923, %swap3A_924] {strides = array<i32>} : memref<2x128x64xf32, #tpu.memory_space<vmem>>, vector<16xf32>,
        tpu.vector_store %arg7[%swap3A_922, %swap3A_923, %swap3A_924], %mul3A_769 {strides = array<i32>} : memref<2x128x64xf32, #tpu.memory_space<vmem>>, vector<16xf32>,
        %add3A_926 = arith.constant 0 : i32
        %add3A_927 = arith.addi %mul3A_760, %add3A_926 : i32
        %swap3A_928 = arith.constant 0 : i32
        %swap3A_929 = arith.index_cast %swap3A_928 : i32 to index
        %swap3A_930 = arith.index_cast %add3A_927 : i32 to index
        %swap3A_931 = arith.constant 16 : index
        %swap3A_932 = tpu.vector_load %arg7[%swap3A_929, %swap3A_930, %swap3A_931] {strides = array<i32>} : memref<2x128x64xf32, #tpu.memory_space<vmem>>, vector<16xf32>,
        tpu.vector_store %arg7[%swap3A_929, %swap3A_930, %swap3A_931], %mul3A_779 {strides = array<i32>} : memref<2x128x64xf32, #tpu.memory_space<vmem>>, vector<16xf32>,
        %add3A_933 = arith.constant 0 : i32
        %add3A_934 = arith.addi %mul3A_760, %add3A_933 : i32
        %swap3A_935 = arith.constant 0 : i32
        %swap3A_936 = arith.index_cast %swap3A_935 : i32 to index
        %swap3A_937 = arith.index_cast %add3A_934 : i32 to index
        %swap3A_938 = arith.constant 32 : index
        %swap3A_939 = tpu.vector_load %arg7[%swap3A_936, %swap3A_937, %swap3A_938] {strides = array<i32>} : memref<2x128x64xf32, #tpu.memory_space<vmem>>, vector<16xf32>,
        tpu.vector_store %arg7[%swap3A_936, %swap3A_937, %swap3A_938], %mul3A_789 {strides = array<i32>} : memref<2x128x64xf32, #tpu.memory_space<vmem>>, vector<16xf32>,
        %add3A_940 = arith.constant 0 : i32
        %add3A_941 = arith.addi %mul3A_760, %add3A_940 : i32
        %swap3A_942 = arith.constant 0 : i32
        %swap3A_943 = arith.index_cast %swap3A_942 : i32 to index
        %swap3A_944 = arith.index_cast %add3A_941 : i32 to index
        %swap3A_945 = arith.constant 48 : index
        %swap3A_946 = tpu.vector_load %arg7[%swap3A_943, %swap3A_944, %swap3A_945] {strides = array<i32>} : memref<2x128x64xf32, #tpu.memory_space<vmem>>, vector<16xf32>,
        tpu.vector_store %arg7[%swap3A_943, %swap3A_944, %swap3A_945], %mul3A_799 {strides = array<i32>} : memref<2x128x64xf32, #tpu.memory_space<vmem>>, vector<16xf32>,
        %add3A_947 = arith.constant 1 : i32
        %add3A_948 = arith.addi %mul3A_760, %add3A_947 : i32
        %swap3A_949 = arith.constant 0 : i32
        %swap3A_950 = arith.index_cast %swap3A_949 : i32 to index
        %swap3A_951 = arith.index_cast %add3A_948 : i32 to index
        %swap3A_952 = arith.constant 0 : index
        %swap3A_953 = tpu.vector_load %arg7[%swap3A_950, %swap3A_951, %swap3A_952] {strides = array<i32>} : memref<2x128x64xf32, #tpu.memory_space<vmem>>, vector<16xf32>,
        tpu.vector_store %arg7[%swap3A_950, %swap3A_951, %swap3A_952], %mul3A_809 {strides = array<i32>} : memref<2x128x64xf32, #tpu.memory_space<vmem>>, vector<16xf32>,
        %add3A_954 = arith.constant 1 : i32
        %add3A_955 = arith.addi %mul3A_760, %add3A_954 : i32
        %swap3A_956 = arith.constant 0 : i32
        %swap3A_957 = arith.index_cast %swap3A_956 : i32 to index
        %swap3A_958 = arith.index_cast %add3A_955 : i32 to index
        %swap3A_959 = arith.constant 16 : index
        %swap3A_960 = tpu.vector_load %arg7[%swap3A_957, %swap3A_958, %swap3A_959] {strides = array<i32>} : memref<2x128x64xf32, #tpu.memory_space<vmem>>, vector<16xf32>,
        tpu.vector_store %arg7[%swap3A_957, %swap3A_958, %swap3A_959], %mul3A_819 {strides = array<i32>} : memref<2x128x64xf32, #tpu.memory_space<vmem>>, vector<16xf32>,
        %add3A_961 = arith.constant 1 : i32
        %add3A_962 = arith.addi %mul3A_760, %add3A_961 : i32
        %swap3A_963 = arith.constant 0 : i32
        %swap3A_964 = arith.index_cast %swap3A_963 : i32 to index
        %swap3A_965 = arith.index_cast %add3A_962 : i32 to index
        %swap3A_966 = arith.constant 32 : index
        %swap3A_967 = tpu.vector_load %arg7[%swap3A_964, %swap3A_965, %swap3A_966] {strides = array<i32>} : memref<2x128x64xf32, #tpu.memory_space<vmem>>, vector<16xf32>,
        tpu.vector_store %arg7[%swap3A_964, %swap3A_965, %swap3A_966], %mul3A_829 {strides = array<i32>} : memref<2x128x64xf32, #tpu.memory_space<vmem>>, vector<16xf32>,
        %add3A_968 = arith.constant 1 : i32
        %add3A_969 = arith.addi %mul3A_760, %add3A_968 : i32
        %swap3A_970 = arith.constant 0 : i32
        %swap3A_971 = arith.index_cast %swap3A_970 : i32 to index
        %swap3A_972 = arith.index_cast %add3A_969 : i32 to index
        %swap3A_973 = arith.constant 48 : index
        %swap3A_974 = tpu.vector_load %arg7[%swap3A_971, %swap3A_972, %swap3A_973] {strides = array<i32>} : memref<2x128x64xf32, #tpu.memory_space<vmem>>, vector<16xf32>,
        tpu.vector_store %arg7[%swap3A_971, %swap3A_972, %swap3A_973], %mul3A_839 {strides = array<i32>} : memref<2x128x64xf32, #tpu.memory_space<vmem>>, vector<16xf32>,
        %add3A_975 = arith.constant 2 : i32
        %add3A_976 = arith.addi %mul3A_760, %add3A_975 : i32
        %swap3A_977 = arith.constant 0 : i32
        %swap3A_978 = arith.index_cast %swap3A_977 : i32 to index
        %swap3A_979 = arith.index_cast %add3A_976 : i32 to index
        %swap3A_980 = arith.constant 0 : index
        %swap3A_981 = tpu.vector_load %arg7[%swap3A_978, %swap3A_979, %swap3A_980] {strides = array<i32>} : memref<2x128x64xf32, #tpu.memory_space<vmem>>, vector<16xf32>,
        tpu.vector_store %arg7[%swap3A_978, %swap3A_979, %swap3A_980], %mul3A_849 {strides = array<i32>} : memref<2x128x64xf32, #tpu.memory_space<vmem>>, vector<16xf32>,
        %add3A_982 = arith.constant 2 : i32
        %add3A_983 = arith.addi %mul3A_760, %add3A_982 : i32
        %swap3A_984 = arith.constant 0 : i32
        %swap3A_985 = arith.index_cast %swap3A_984 : i32 to index
        %swap3A_986 = arith.index_cast %add3A_983 : i32 to index
        %swap3A_987 = arith.constant 16 : index
        %swap3A_988 = tpu.vector_load %arg7[%swap3A_985, %swap3A_986, %swap3A_987] {strides = array<i32>} : memref<2x128x64xf32, #tpu.memory_space<vmem>>, vector<16xf32>,
        tpu.vector_store %arg7[%swap3A_985, %swap3A_986, %swap3A_987], %mul3A_859 {strides = array<i32>} : memref<2x128x64xf32, #tpu.memory_space<vmem>>, vector<16xf32>,
        %add3A_989 = arith.constant 2 : i32
        %add3A_990 = arith.addi %mul3A_760, %add3A_989 : i32
        %swap3A_991 = arith.constant 0 : i32
        %swap3A_992 = arith.index_cast %swap3A_991 : i32 to index
        %swap3A_993 = arith.index_cast %add3A_990 : i32 to index
        %swap3A_994 = arith.constant 32 : index
        %swap3A_995 = tpu.vector_load %arg7[%swap3A_992, %swap3A_993, %swap3A_994] {strides = array<i32>} : memref<2x128x64xf32, #tpu.memory_space<vmem>>, vector<16xf32>,
        tpu.vector_store %arg7[%swap3A_992, %swap3A_993, %swap3A_994], %mul3A_869 {strides = array<i32>} : memref<2x128x64xf32, #tpu.memory_space<vmem>>, vector<16xf32>,
        %add3A_996 = arith.constant 2 : i32
        %add3A_997 = arith.addi %mul3A_760, %add3A_996 : i32
        %swap3A_998 = arith.constant 0 : i32
        %swap3A_999 = arith.index_cast %swap3A_998 : i32 to index
        %swap3A_1000 = arith.index_cast %add3A_997 : i32 to index
        %swap3A_1001 = arith.constant 48 : index
        %swap3A_1002 = tpu.vector_load %arg7[%swap3A_999, %swap3A_1000, %swap3A_1001] {strides = array<i32>} : memref<2x128x64xf32, #tpu.memory_space<vmem>>, vector<16xf32>,
        tpu.vector_store %arg7[%swap3A_999, %swap3A_1000, %swap3A_1001], %mul3A_879 {strides = array<i32>} : memref<2x128x64xf32, #tpu.memory_space<vmem>>, vector<16xf32>,
        %add3A_1003 = arith.constant 3 : i32
        %add3A_1004 = arith.addi %mul3A_760, %add3A_1003 : i32
        %swap3A_1005 = arith.constant 0 : i32
        %swap3A_1006 = arith.index_cast %swap3A_1005 : i32 to index
        %swap3A_1007 = arith.index_cast %add3A_1004 : i32 to index
        %swap3A_1008 = arith.constant 0 : index
        %swap3A_1009 = tpu.vector_load %arg7[%swap3A_1006, %swap3A_1007, %swap3A_1008] {strides = array<i32>} : memref<2x128x64xf32, #tpu.memory_space<vmem>>, vector<16xf32>,
        tpu.vector_store %arg7[%swap3A_1006, %swap3A_1007, %swap3A_1008], %mul3A_889 {strides = array<i32>} : memref<2x128x64xf32, #tpu.memory_space<vmem>>, vector<16xf32>,
        %add3A_1010 = arith.constant 3 : i32
        %add3A_1011 = arith.addi %mul3A_760, %add3A_1010 : i32
        %swap3A_1012 = arith.constant 0 : i32
        %swap3A_1013 = arith.index_cast %swap3A_1012 : i32 to index
        %swap3A_1014 = arith.index_cast %add3A_1011 : i32 to index
        %swap3A_1015 = arith.constant 16 : index
        %swap3A_1016 = tpu.vector_load %arg7[%swap3A_1013, %swap3A_1014, %swap3A_1015] {strides = array<i32>} : memref<2x128x64xf32, #tpu.memory_space<vmem>>, vector<16xf32>,
        tpu.vector_store %arg7[%swap3A_1013, %swap3A_1014, %swap3A_1015], %mul3A_899 {strides = array<i32>} : memref<2x128x64xf32, #tpu.memory_space<vmem>>, vector<16xf32>,
        %add3A_1017 = arith.constant 3 : i32
        %add3A_1018 = arith.addi %mul3A_760, %add3A_1017 : i32
        %swap3A_1019 = arith.constant 0 : i32
        %swap3A_1020 = arith.index_cast %swap3A_1019 : i32 to index
        %swap3A_1021 = arith.index_cast %add3A_1018 : i32 to index
        %swap3A_1022 = arith.constant 32 : index
        %swap3A_1023 = tpu.vector_load %arg7[%swap3A_1020, %swap3A_1021, %swap3A_1022] {strides = array<i32>} : memref<2x128x64xf32, #tpu.memory_space<vmem>>, vector<16xf32>,
        tpu.vector_store %arg7[%swap3A_1020, %swap3A_1021, %swap3A_1022], %mul3A_909 {strides = array<i32>} : memref<2x128x64xf32, #tpu.memory_space<vmem>>, vector<16xf32>,
        %add3A_1024 = arith.constant 3 : i32
        %add3A_1025 = arith.addi %mul3A_760, %add3A_1024 : i32
        %swap3A_1026 = arith.constant 0 : i32
        %swap3A_1027 = arith.index_cast %swap3A_1026 : i32 to index
        %swap3A_1028 = arith.index_cast %add3A_1025 : i32 to index
        %swap3A_1029 = arith.constant 48 : index
        %swap3A_1030 = tpu.vector_load %arg7[%swap3A_1027, %swap3A_1028, %swap3A_1029] {strides = array<i32>} : memref<2x128x64xf32, #tpu.memory_space<vmem>>, vector<16xf32>,
        tpu.vector_store %arg7[%swap3A_1027, %swap3A_1028, %swap3A_1029], %mul3A_919 {strides = array<i32>} : memref<2x128x64xf32, #tpu.memory_space<vmem>>, vector<16xf32>,
      }
      %scan3A_660 = arith.constant 32 : i32
      %add3A_661 = arith.constant 4 : i32
      %add3A_662 = arith.addi %add3A_625, %add3A_661 : i32
      %dma_start3A_663 = arith.constant 2 : i32
      %dma_start3A_664 = arith.constant 0 : i32
      %dma_start3A_665 = arith.constant 0 : i32
      %dma_start3A_666 = tpu.memref_slice %arg6[%dma_start3A_663, %dma_start3A_664, %dma_start3A_665] : memref<4x128x128xf32, #tpu.memory_space<vmem>> -> memref<1x128x128xf32, #tpu.memory_space<vmem>>
      %dma_start3A_667 = tpu.memref_squeeze %dma_start3A_666 : memref<1x128x128xf32, #tpu.memory_space<vmem>> -> memref<128x128xf32, #tpu.memory_space<vmem>>
      %dma_start3A_668 = arith.constant 0 : i32
      %dma_start3A_669 = tpu.memref_slice %arg5[%add3A_662, %dma_start3A_668] : memref<200x128xi32, #tpu.memory_space<vmem>> -> memref<1x128xi32, #tpu.memory_space<vmem>>
      %dma_start3A_670 = tpu.memref_squeeze %dma_start3A_669 : memref<1x128xi32, #tpu.memory_space<vmem>> -> memref<128xi32, #tpu.memory_space<vmem>>
      %dma_start3A_671 = arith.constant 0 : i32
      %dma_start3A_672 = arith.constant 0 : i32
      %dma_start3A_673 = tpu.memref_slice %arg3[%dma_start3A_671, %dma_start3A_672] : memref<1000000x128xf32, #tpu.memory_space<hbm>> -> memref<1000000x128xf32, #tpu.memory_space<hbm>>
      tpu.enqueue_indirect_dma source(%dma_start3A_673 : memref<1000000x128xf32, #tpu.memory_space<hbm>>) target(%dma_start3A_667 : memref<128x128xf32, #tpu.memory_space<vmem>>) offsets(%dma_start3A_670 : memref<128xi32, #tpu.memory_space<vmem>>) semaphore(%arg10 : memref<!tpu.dma_semaphore, #tpu.memory_space<semaphore_mem>>)
      %mul3A_674 = arith.constant 128 : i32
      %mul3A_675 = arith.muli %add3A_625, %mul3A_674 : i32
      %add3A_676 = arith.addi %mul3A_2, %mul3A_675 : i32
      %dma_start3A_677 = arith.constant 0 : i32
      %dma_start3A_678 = arith.constant 0 : i32
      %dma_start3A_679 = arith.constant 0 : i32
      %dma_start3A_680 = tpu.memref_slice %arg7[%dma_start3A_677, %dma_start3A_678, %dma_start3A_679] : memref<2x128x64xf32, #tpu.memory_space<vmem>> -> memref<1x128x64xf32, #tpu.memory_space<vmem>>
      %dma_start3A_681 = tpu.memref_squeeze %dma_start3A_680 : memref<1x128x64xf32, #tpu.memory_space<vmem>> -> memref<128x64xf32, #tpu.memory_space<vmem>>
      %dma_start3A_682 = arith.constant 0 : i32
      %dma_start3A_683 = tpu.memref_slice %arg4[%add3A_676, %dma_start3A_682] : memref<819200x64xf32, #tpu.memory_space<hbm>> -> memref<128x64xf32, #tpu.memory_space<hbm>>
      %dma_start3A_684 = arith.constant 0 : i32
      %dma_start3A_685 = tpu.memref_slice %arg4[%add3A_676, %dma_start3A_684] : memref<819200x64xf32, #tpu.memory_space<hbm>> -> memref<128x64xf32, #tpu.memory_space<hbm>>
      %dma_start3A_686 = arith.constant 0 : i32
      %dma_start3A_687 = arith.constant 0 : i32
      %dma_start3A_688 = tpu.memref_slice %arg7[%dma_start3A_677, %dma_start3A_686, %dma_start3A_687] : memref<2x128x64xf32, #tpu.memory_space<vmem>> -> memref<1x128x64xf32, #tpu.memory_space<vmem>>
      %dma_start3A_689 = tpu.memref_squeeze %dma_start3A_688 : memref<1x128x64xf32, #tpu.memory_space<vmem>> -> memref<128x64xf32, #tpu.memory_space<vmem>>
      tpu.enqueue_dma source(%dma_start3A_689 : memref<128x64xf32, #tpu.memory_space<vmem>>) target(%dma_start3A_685 : memref<128x64xf32, #tpu.memory_space<hbm>>) target_semaphore(%arg12 : memref<!tpu.dma_semaphore, #tpu.memory_space<semaphore_mem>>)
      %mul3A_690 = arith.constant 4 : i32
      %mul3A_691 = arith.muli %scan3A_486, %mul3A_690 : i32
      %add3A_692 = arith.constant 3 : i32
      %add3A_693 = arith.addi %mul3A_691, %add3A_692 : i32
      %dma_wait3A_694 = arith.constant 3 : i32
      %dma_wait3A_695 = arith.constant 0 : i32
      %dma_wait3A_696 = arith.constant 0 : i32
      %dma_wait3A_697 = tpu.memref_slice %arg6[%dma_wait3A_694, %dma_wait3A_695, %dma_wait3A_696] : memref<4x128x128xf32, #tpu.memory_space<vmem>> -> memref<1x128x128xf32, #tpu.memory_space<vmem>>
      %dma_wait3A_698 = tpu.memref_squeeze %dma_wait3A_697 : memref<1x128x128xf32, #tpu.memory_space<vmem>> -> memref<128x128xf32, #tpu.memory_space<vmem>>
      %dma_wait3A_699 = arith.constant 0 : i32
      %dma_wait3A_700 = tpu.memref_slice %arg5[%add3A_693, %dma_wait3A_699] : memref<200x128xi32, #tpu.memory_space<vmem>> -> memref<1x128xi32, #tpu.memory_space<vmem>>
      %dma_wait3A_701 = tpu.memref_squeeze %dma_wait3A_700 : memref<1x128xi32, #tpu.memory_space<vmem>> -> memref<128xi32, #tpu.memory_space<vmem>>
      %dma_wait3A_702 = arith.constant 0 : i32
      %dma_wait3A_703 = arith.constant 0 : i32
      %dma_wait3A_704 = tpu.memref_slice %arg3[%dma_wait3A_702, %dma_wait3A_703] : memref<1000000x128xf32, #tpu.memory_space<hbm>> -> memref<1000000x128xf32, #tpu.memory_space<hbm>>
      tpu.wait_indirect_dma semaphore(%arg11 : memref<!tpu.dma_semaphore, #tpu.memory_space<semaphore_mem>>) src(%dma_wait3A_704 : memref<1000000x128xf32, #tpu.memory_space<hbm>>) dst(%dma_wait3A_698 : memref<128x128xf32, #tpu.memory_space<vmem>>)
      %sub3A_705 = arith.constant 2 : i32
      %sub3A_706 = arith.subi %add3A_693, %sub3A_705 : i32
      %mul3A_707 = arith.constant 128 : i32
      %mul3A_708 = arith.muli %sub3A_706, %mul3A_707 : i32
      %add3A_709 = arith.addi %mul3A_2, %mul3A_708 : i32
      %dma_wait3A_710 = arith.constant 1 : i32
      %dma_wait3A_711 = arith.constant 0 : i32
      %dma_wait3A_712 = arith.constant 0 : i32
      %dma_wait3A_713 = tpu.memref_slice %arg7[%dma_wait3A_710, %dma_wait3A_711, %dma_wait3A_712] : memref<2x128x64xf32, #tpu.memory_space<vmem>> -> memref<1x128x64xf32, #tpu.memory_space<vmem>>
      %dma_wait3A_714 = tpu.memref_squeeze %dma_wait3A_713 : memref<1x128x64xf32, #tpu.memory_space<vmem>> -> memref<128x64xf32, #tpu.memory_space<vmem>>
      %dma_wait3A_715 = arith.constant 0 : i32
      %dma_wait3A_716 = tpu.memref_slice %arg4[%add3A_709, %dma_wait3A_715] : memref<819200x64xf32, #tpu.memory_space<hbm>> -> memref<128x64xf32, #tpu.memory_space<hbm>>
      %dma_wait3A_717 = arith.constant 0 : i32
      %dma_wait3A_718 = tpu.memref_slice %arg4[%add3A_709, %dma_wait3A_717] : memref<819200x64xf32, #tpu.memory_space<hbm>> -> memref<128x64xf32, #tpu.memory_space<hbm>>
      %dma_wait3A_719 = arith.constant 0 : i32
      %dma_wait3A_720 = arith.constant 0 : i32
      %dma_wait3A_721 = tpu.memref_slice %arg7[%dma_wait3A_710, %dma_wait3A_719, %dma_wait3A_720] : memref<2x128x64xf32, #tpu.memory_space<vmem>> -> memref<1x128x64xf32, #tpu.memory_space<vmem>>
      %dma_wait3A_722 = tpu.memref_squeeze %dma_wait3A_721 : memref<1x128x64xf32, #tpu.memory_space<vmem>> -> memref<128x64xf32, #tpu.memory_space<vmem>>
      tpu.wait_dma2 semaphore(%arg13 : memref<!tpu.dma_semaphore, #tpu.memory_space<semaphore_mem>>) src(%dma_wait3A_722 : memref<128x64xf32, #tpu.memory_space<vmem>>) dst(%dma_wait3A_718 : memref<128x64xf32, #tpu.memory_space<hbm>>)
      %scan3A_723 = arith.constant 0 : i32
      %scan3A_724 = arith.constant 0 : i32
      %scan3A_725 = arith.constant 32 : i32
      %scan3A_726 = arith.addi %scan3A_724, %scan3A_725 : i32
      %scan3A_727 = arith.constant 1 : i32
      scf.for %scan3A_758 = %scan3A_724 to %scan3A_726 step %scan3A_727  : i32 {
        %mul3A_759 = arith.constant 4 : i32
        %mul3A_760 = arith.muli %scan3A_758, %mul3A_759 : i32
        %add3A_761 = arith.constant 0 : i32
        %add3A_762 = arith.addi %mul3A_760, %add3A_761 : i32
        %get3A = arith.constant 3 : i32
        %get3A_763 = arith.index_cast %get3A : i32 to index
        %get3A_764 = arith.index_cast %add3A_762 : i32 to index
        %get3A_765 = arith.constant 0 : index
        %get3A_766 = tpu.vector_load %arg6[%get3A_763, %get3A_764, %get3A_765] {strides = array<i32>} : memref<4x128x128xf32, #tpu.memory_space<vmem>>, vector<16xf32>,
        %mul3A_767 = arith.constant 8.000000e+00 : f32
        %mul3A_768 = vector.broadcast %mul3A_767 : f32 to vector<16xf32>
        %mul3A_769 = arith.mulf %get3A_766, %mul3A_768 : vector<16xf32>
        %add3A_770 = arith.constant 0 : i32
        %add3A_771 = arith.addi %mul3A_760, %add3A_770 : i32
        %get3A_772 = arith.constant 3 : i32
        %get3A_773 = arith.index_cast %get3A_772 : i32 to index
        %get3A_774 = arith.index_cast %add3A_771 : i32 to index
        %get3A_775 = arith.constant 16 : index
        %get3A_776 = tpu.vector_load %arg6[%get3A_773, %get3A_774, %get3A_775] {strides = array<i32>} : memref<4x128x128xf32, #tpu.memory_space<vmem>>, vector<16xf32>,
        %mul3A_777 = arith.constant 8.000000e+00 : f32
        %mul3A_778 = vector.broadcast %mul3A_777 : f32 to vector<16xf32>
        %mul3A_779 = arith.mulf %get3A_776, %mul3A_778 : vector<16xf32>
        %add3A_780 = arith.constant 0 : i32
        %add3A_781 = arith.addi %mul3A_760, %add3A_780 : i32
        %get3A_782 = arith.constant 3 : i32
        %get3A_783 = arith.index_cast %get3A_782 : i32 to index
        %get3A_784 = arith.index_cast %add3A_781 : i32 to index
        %get3A_785 = arith.constant 32 : index
        %get3A_786 = tpu.vector_load %arg6[%get3A_783, %get3A_784, %get3A_785] {strides = array<i32>} : memref<4x128x128xf32, #tpu.memory_space<vmem>>, vector<16xf32>,
        %mul3A_787 = arith.constant 8.000000e+00 : f32
        %mul3A_788 = vector.broadcast %mul3A_787 : f32 to vector<16xf32>
        %mul3A_789 = arith.mulf %get3A_786, %mul3A_788 : vector<16xf32>
        %add3A_790 = arith.constant 0 : i32
        %add3A_791 = arith.addi %mul3A_760, %add3A_790 : i32
        %get3A_792 = arith.constant 3 : i32
        %get3A_793 = arith.index_cast %get3A_792 : i32 to index
        %get3A_794 = arith.index_cast %add3A_791 : i32 to index
        %get3A_795 = arith.constant 48 : index
        %get3A_796 = tpu.vector_load %arg6[%get3A_793, %get3A_794, %get3A_795] {strides = array<i32>} : memref<4x128x128xf32, #tpu.memory_space<vmem>>, vector<16xf32>,
        %mul3A_797 = arith.constant 8.000000e+00 : f32
        %mul3A_798 = vector.broadcast %mul3A_797 : f32 to vector<16xf32>
        %mul3A_799 = arith.mulf %get3A_796, %mul3A_798 : vector<16xf32>
        %add3A_800 = arith.constant 1 : i32
        %add3A_801 = arith.addi %mul3A_760, %add3A_800 : i32
        %get3A_802 = arith.constant 3 : i32
        %get3A_803 = arith.index_cast %get3A_802 : i32 to index
        %get3A_804 = arith.index_cast %add3A_801 : i32 to index
        %get3A_805 = arith.constant 0 : index
        %get3A_806 = tpu.vector_load %arg6[%get3A_803, %get3A_804, %get3A_805] {strides = array<i32>} : memref<4x128x128xf32, #tpu.memory_space<vmem>>, vector<16xf32>,
        %mul3A_807 = arith.constant 8.000000e+00 : f32
        %mul3A_808 = vector.broadcast %mul3A_807 : f32 to vector<16xf32>
        %mul3A_809 = arith.mulf %get3A_806, %mul3A_808 : vector<16xf32>
        %add3A_810 = arith.constant 1 : i32
        %add3A_811 = arith.addi %mul3A_760, %add3A_810 : i32
        %get3A_812 = arith.constant 3 : i32
        %get3A_813 = arith.index_cast %get3A_812 : i32 to index
        %get3A_814 = arith.index_cast %add3A_811 : i32 to index
        %get3A_815 = arith.constant 16 : index
        %get3A_816 = tpu.vector_load %arg6[%get3A_813, %get3A_814, %get3A_815] {strides = array<i32>} : memref<4x128x128xf32, #tpu.memory_space<vmem>>, vector<16xf32>,
        %mul3A_817 = arith.constant 8.000000e+00 : f32
        %mul3A_818 = vector.broadcast %mul3A_817 : f32 to vector<16xf32>
        %mul3A_819 = arith.mulf %get3A_816, %mul3A_818 : vector<16xf32>
        %add3A_820 = arith.constant 1 : i32
        %add3A_821 = arith.addi %mul3A_760, %add3A_820 : i32
        %get3A_822 = arith.constant 3 : i32
        %get3A_823 = arith.index_cast %get3A_822 : i32 to index
        %get3A_824 = arith.index_cast %add3A_821 : i32 to index
        %get3A_825 = arith.constant 32 : index
        %get3A_826 = tpu.vector_load %arg6[%get3A_823, %get3A_824, %get3A_825] {strides = array<i32>} : memref<4x128x128xf32, #tpu.memory_space<vmem>>, vector<16xf32>,
        %mul3A_827 = arith.constant 8.000000e+00 : f32
        %mul3A_828 = vector.broadcast %mul3A_827 : f32 to vector<16xf32>
        %mul3A_829 = arith.mulf %get3A_826, %mul3A_828 : vector<16xf32>
        %add3A_830 = arith.constant 1 : i32
        %add3A_831 = arith.addi %mul3A_760, %add3A_830 : i32
        %get3A_832 = arith.constant 3 : i32
        %get3A_833 = arith.index_cast %get3A_832 : i32 to index
        %get3A_834 = arith.index_cast %add3A_831 : i32 to index
        %get3A_835 = arith.constant 48 : index
        %get3A_836 = tpu.vector_load %arg6[%get3A_833, %get3A_834, %get3A_835] {strides = array<i32>} : memref<4x128x128xf32, #tpu.memory_space<vmem>>, vector<16xf32>,
        %mul3A_837 = arith.constant 8.000000e+00 : f32
        %mul3A_838 = vector.broadcast %mul3A_837 : f32 to vector<16xf32>
        %mul3A_839 = arith.mulf %get3A_836, %mul3A_838 : vector<16xf32>
        %add3A_840 = arith.constant 2 : i32
        %add3A_841 = arith.addi %mul3A_760, %add3A_840 : i32
        %get3A_842 = arith.constant 3 : i32
        %get3A_843 = arith.index_cast %get3A_842 : i32 to index
        %get3A_844 = arith.index_cast %add3A_841 : i32 to index
        %get3A_845 = arith.constant 0 : index
        %get3A_846 = tpu.vector_load %arg6[%get3A_843, %get3A_844, %get3A_845] {strides = array<i32>} : memref<4x128x128xf32, #tpu.memory_space<vmem>>, vector<16xf32>,
        %mul3A_847 = arith.constant 8.000000e+00 : f32
        %mul3A_848 = vector.broadcast %mul3A_847 : f32 to vector<16xf32>
        %mul3A_849 = arith.mulf %get3A_846, %mul3A_848 : vector<16xf32>
        %add3A_850 = arith.constant 2 : i32
        %add3A_851 = arith.addi %mul3A_760, %add3A_850 : i32
        %get3A_852 = arith.constant 3 : i32
        %get3A_853 = arith.index_cast %get3A_852 : i32 to index
        %get3A_854 = arith.index_cast %add3A_851 : i32 to index
        %get3A_855 = arith.constant 16 : index
        %get3A_856 = tpu.vector_load %arg6[%get3A_853, %get3A_854, %get3A_855] {strides = array<i32>} : memref<4x128x128xf32, #tpu.memory_space<vmem>>, vector<16xf32>,
        %mul3A_857 = arith.constant 8.000000e+00 : f32
        %mul3A_858 = vector.broadcast %mul3A_857 : f32 to vector<16xf32>
        %mul3A_859 = arith.mulf %get3A_856, %mul3A_858 : vector<16xf32>
        %add3A_860 = arith.constant 2 : i32
        %add3A_861 = arith.addi %mul3A_760, %add3A_860 : i32
        %get3A_862 = arith.constant 3 : i32
        %get3A_863 = arith.index_cast %get3A_862 : i32 to index
        %get3A_864 = arith.index_cast %add3A_861 : i32 to index
        %get3A_865 = arith.constant 32 : index
        %get3A_866 = tpu.vector_load %arg6[%get3A_863, %get3A_864, %get3A_865] {strides = array<i32>} : memref<4x128x128xf32, #tpu.memory_space<vmem>>, vector<16xf32>,
        %mul3A_867 = arith.constant 8.000000e+00 : f32
        %mul3A_868 = vector.broadcast %mul3A_867 : f32 to vector<16xf32>
        %mul3A_869 = arith.mulf %get3A_866, %mul3A_868 : vector<16xf32>
        %add3A_870 = arith.constant 2 : i32
        %add3A_871 = arith.addi %mul3A_760, %add3A_870 : i32
        %get3A_872 = arith.constant 3 : i32
        %get3A_873 = arith.index_cast %get3A_872 : i32 to index
        %get3A_874 = arith.index_cast %add3A_871 : i32 to index
        %get3A_875 = arith.constant 48 : index
        %get3A_876 = tpu.vector_load %arg6[%get3A_873, %get3A_874, %get3A_875] {strides = array<i32>} : memref<4x128x128xf32, #tpu.memory_space<vmem>>, vector<16xf32>,
        %mul3A_877 = arith.constant 8.000000e+00 : f32
        %mul3A_878 = vector.broadcast %mul3A_877 : f32 to vector<16xf32>
        %mul3A_879 = arith.mulf %get3A_876, %mul3A_878 : vector<16xf32>
        %add3A_880 = arith.constant 3 : i32
        %add3A_881 = arith.addi %mul3A_760, %add3A_880 : i32
        %get3A_882 = arith.constant 3 : i32
        %get3A_883 = arith.index_cast %get3A_882 : i32 to index
        %get3A_884 = arith.index_cast %add3A_881 : i32 to index
        %get3A_885 = arith.constant 0 : index
        %get3A_886 = tpu.vector_load %arg6[%get3A_883, %get3A_884, %get3A_885] {strides = array<i32>} : memref<4x128x128xf32, #tpu.memory_space<vmem>>, vector<16xf32>,
        %mul3A_887 = arith.constant 8.000000e+00 : f32
        %mul3A_888 = vector.broadcast %mul3A_887 : f32 to vector<16xf32>
        %mul3A_889 = arith.mulf %get3A_886, %mul3A_888 : vector<16xf32>
        %add3A_890 = arith.constant 3 : i32
        %add3A_891 = arith.addi %mul3A_760, %add3A_890 : i32
        %get3A_892 = arith.constant 3 : i32
        %get3A_893 = arith.index_cast %get3A_892 : i32 to index
        %get3A_894 = arith.index_cast %add3A_891 : i32 to index
        %get3A_895 = arith.constant 16 : index
        %get3A_896 = tpu.vector_load %arg6[%get3A_893, %get3A_894, %get3A_895] {strides = array<i32>} : memref<4x128x128xf32, #tpu.memory_space<vmem>>, vector<16xf32>,
        %mul3A_897 = arith.constant 8.000000e+00 : f32
        %mul3A_898 = vector.broadcast %mul3A_897 : f32 to vector<16xf32>
        %mul3A_899 = arith.mulf %get3A_896, %mul3A_898 : vector<16xf32>
        %add3A_900 = arith.constant 3 : i32
        %add3A_901 = arith.addi %mul3A_760, %add3A_900 : i32
        %get3A_902 = arith.constant 3 : i32
        %get3A_903 = arith.index_cast %get3A_902 : i32 to index
        %get3A_904 = arith.index_cast %add3A_901 : i32 to index
        %get3A_905 = arith.constant 32 : index
        %get3A_906 = tpu.vector_load %arg6[%get3A_903, %get3A_904, %get3A_905] {strides = array<i32>} : memref<4x128x128xf32, #tpu.memory_space<vmem>>, vector<16xf32>,
        %mul3A_907 = arith.constant 8.000000e+00 : f32
        %mul3A_908 = vector.broadcast %mul3A_907 : f32 to vector<16xf32>
        %mul3A_909 = arith.mulf %get3A_906, %mul3A_908 : vector<16xf32>
        %add3A_910 = arith.constant 3 : i32
        %add3A_911 = arith.addi %mul3A_760, %add3A_910 : i32
        %get3A_912 = arith.constant 3 : i32
        %get3A_913 = arith.index_cast %get3A_912 : i32 to index
        %get3A_914 = arith.index_cast %add3A_911 : i32 to index
        %get3A_915 = arith.constant 48 : index
        %get3A_916 = tpu.vector_load %arg6[%get3A_913, %get3A_914, %get3A_915] {strides = array<i32>} : memref<4x128x128xf32, #tpu.memory_space<vmem>>, vector<16xf32>,
        %mul3A_917 = arith.constant 8.000000e+00 : f32
        %mul3A_918 = vector.broadcast %mul3A_917 : f32 to vector<16xf32>
        %mul3A_919 = arith.mulf %get3A_916, %mul3A_918 : vector<16xf32>
        %add3A_920 = arith.constant 0 : i32
        %add3A_921 = arith.addi %mul3A_760, %add3A_920 : i32
        %swap3A = arith.constant 1 : i32
        %swap3A_922 = arith.index_cast %swap3A : i32 to index
        %swap3A_923 = arith.index_cast %add3A_921 : i32 to index
        %swap3A_924 = arith.constant 0 : index
        %swap3A_925 = tpu.vector_load %arg7[%swap3A_922, %swap3A_923, %swap3A_924] {strides = array<i32>} : memref<2x128x64xf32, #tpu.memory_space<vmem>>, vector<16xf32>,
        tpu.vector_store %arg7[%swap3A_922, %swap3A_923, %swap3A_924], %mul3A_769 {strides = array<i32>} : memref<2x128x64xf32, #tpu.memory_space<vmem>>, vector<16xf32>,
        %add3A_926 = arith.constant 0 : i32
        %add3A_927 = arith.addi %mul3A_760, %add3A_926 : i32
        %swap3A_928 = arith.constant 1 : i32
        %swap3A_929 = arith.index_cast %swap3A_928 : i32 to index
        %swap3A_930 = arith.index_cast %add3A_927 : i32 to index
        %swap3A_931 = arith.constant 16 : index
        %swap3A_932 = tpu.vector_load %arg7[%swap3A_929, %swap3A_930, %swap3A_931] {strides = array<i32>} : memref<2x128x64xf32, #tpu.memory_space<vmem>>, vector<16xf32>,
        tpu.vector_store %arg7[%swap3A_929, %swap3A_930, %swap3A_931], %mul3A_779 {strides = array<i32>} : memref<2x128x64xf32, #tpu.memory_space<vmem>>, vector<16xf32>,
        %add3A_933 = arith.constant 0 : i32
        %add3A_934 = arith.addi %mul3A_760, %add3A_933 : i32
        %swap3A_935 = arith.constant 1 : i32
        %swap3A_936 = arith.index_cast %swap3A_935 : i32 to index
        %swap3A_937 = arith.index_cast %add3A_934 : i32 to index
        %swap3A_938 = arith.constant 32 : index
        %swap3A_939 = tpu.vector_load %arg7[%swap3A_936, %swap3A_937, %swap3A_938] {strides = array<i32>} : memref<2x128x64xf32, #tpu.memory_space<vmem>>, vector<16xf32>,
        tpu.vector_store %arg7[%swap3A_936, %swap3A_937, %swap3A_938], %mul3A_789 {strides = array<i32>} : memref<2x128x64xf32, #tpu.memory_space<vmem>>, vector<16xf32>,
        %add3A_940 = arith.constant 0 : i32
        %add3A_941 = arith.addi %mul3A_760, %add3A_940 : i32
        %swap3A_942 = arith.constant 1 : i32
        %swap3A_943 = arith.index_cast %swap3A_942 : i32 to index
        %swap3A_944 = arith.index_cast %add3A_941 : i32 to index
        %swap3A_945 = arith.constant 48 : index
        %swap3A_946 = tpu.vector_load %arg7[%swap3A_943, %swap3A_944, %swap3A_945] {strides = array<i32>} : memref<2x128x64xf32, #tpu.memory_space<vmem>>, vector<16xf32>,
        tpu.vector_store %arg7[%swap3A_943, %swap3A_944, %swap3A_945], %mul3A_799 {strides = array<i32>} : memref<2x128x64xf32, #tpu.memory_space<vmem>>, vector<16xf32>,
        %add3A_947 = arith.constant 1 : i32
        %add3A_948 = arith.addi %mul3A_760, %add3A_947 : i32
        %swap3A_949 = arith.constant 1 : i32
        %swap3A_950 = arith.index_cast %swap3A_949 : i32 to index
        %swap3A_951 = arith.index_cast %add3A_948 : i32 to index
        %swap3A_952 = arith.constant 0 : index
        %swap3A_953 = tpu.vector_load %arg7[%swap3A_950, %swap3A_951, %swap3A_952] {strides = array<i32>} : memref<2x128x64xf32, #tpu.memory_space<vmem>>, vector<16xf32>,
        tpu.vector_store %arg7[%swap3A_950, %swap3A_951, %swap3A_952], %mul3A_809 {strides = array<i32>} : memref<2x128x64xf32, #tpu.memory_space<vmem>>, vector<16xf32>,
        %add3A_954 = arith.constant 1 : i32
        %add3A_955 = arith.addi %mul3A_760, %add3A_954 : i32
        %swap3A_956 = arith.constant 1 : i32
        %swap3A_957 = arith.index_cast %swap3A_956 : i32 to index
        %swap3A_958 = arith.index_cast %add3A_955 : i32 to index
        %swap3A_959 = arith.constant 16 : index
        %swap3A_960 = tpu.vector_load %arg7[%swap3A_957, %swap3A_958, %swap3A_959] {strides = array<i32>} : memref<2x128x64xf32, #tpu.memory_space<vmem>>, vector<16xf32>,
        tpu.vector_store %arg7[%swap3A_957, %swap3A_958, %swap3A_959], %mul3A_819 {strides = array<i32>} : memref<2x128x64xf32, #tpu.memory_space<vmem>>, vector<16xf32>,
        %add3A_961 = arith.constant 1 : i32
        %add3A_962 = arith.addi %mul3A_760, %add3A_961 : i32
        %swap3A_963 = arith.constant 1 : i32
        %swap3A_964 = arith.index_cast %swap3A_963 : i32 to index
        %swap3A_965 = arith.index_cast %add3A_962 : i32 to index
        %swap3A_966 = arith.constant 32 : index
        %swap3A_967 = tpu.vector_load %arg7[%swap3A_964, %swap3A_965, %swap3A_966] {strides = array<i32>} : memref<2x128x64xf32, #tpu.memory_space<vmem>>, vector<16xf32>,
        tpu.vector_store %arg7[%swap3A_964, %swap3A_965, %swap3A_966], %mul3A_829 {strides = array<i32>} : memref<2x128x64xf32, #tpu.memory_space<vmem>>, vector<16xf32>,
        %add3A_968 = arith.constant 1 : i32
        %add3A_969 = arith.addi %mul3A_760, %add3A_968 : i32
        %swap3A_970 = arith.constant 1 : i32
        %swap3A_971 = arith.index_cast %swap3A_970 : i32 to index
        %swap3A_972 = arith.index_cast %add3A_969 : i32 to index
        %swap3A_973 = arith.constant 48 : index
        %swap3A_974 = tpu.vector_load %arg7[%swap3A_971, %swap3A_972, %swap3A_973] {strides = array<i32>} : memref<2x128x64xf32, #tpu.memory_space<vmem>>, vector<16xf32>,
        tpu.vector_store %arg7[%swap3A_971, %swap3A_972, %swap3A_973], %mul3A_839 {strides = array<i32>} : memref<2x128x64xf32, #tpu.memory_space<vmem>>, vector<16xf32>,
        %add3A_975 = arith.constant 2 : i32
        %add3A_976 = arith.addi %mul3A_760, %add3A_975 : i32
        %swap3A_977 = arith.constant 1 : i32
        %swap3A_978 = arith.index_cast %swap3A_977 : i32 to index
        %swap3A_979 = arith.index_cast %add3A_976 : i32 to index
        %swap3A_980 = arith.constant 0 : index
        %swap3A_981 = tpu.vector_load %arg7[%swap3A_978, %swap3A_979, %swap3A_980] {strides = array<i32>} : memref<2x128x64xf32, #tpu.memory_space<vmem>>, vector<16xf32>,
        tpu.vector_store %arg7[%swap3A_978, %swap3A_979, %swap3A_980], %mul3A_849 {strides = array<i32>} : memref<2x128x64xf32, #tpu.memory_space<vmem>>, vector<16xf32>,
        %add3A_982 = arith.constant 2 : i32
        %add3A_983 = arith.addi %mul3A_760, %add3A_982 : i32
        %swap3A_984 = arith.constant 1 : i32
        %swap3A_985 = arith.index_cast %swap3A_984 : i32 to index
        %swap3A_986 = arith.index_cast %add3A_983 : i32 to index
        %swap3A_987 = arith.constant 16 : index
        %swap3A_988 = tpu.vector_load %arg7[%swap3A_985, %swap3A_986, %swap3A_987] {strides = array<i32>} : memref<2x128x64xf32, #tpu.memory_space<vmem>>, vector<16xf32>,
        tpu.vector_store %arg7[%swap3A_985, %swap3A_986, %swap3A_987], %mul3A_859 {strides = array<i32>} : memref<2x128x64xf32, #tpu.memory_space<vmem>>, vector<16xf32>,
        %add3A_989 = arith.constant 2 : i32
        %add3A_990 = arith.addi %mul3A_760, %add3A_989 : i32
        %swap3A_991 = arith.constant 1 : i32
        %swap3A_992 = arith.index_cast %swap3A_991 : i32 to index
        %swap3A_993 = arith.index_cast %add3A_990 : i32 to index
        %swap3A_994 = arith.constant 32 : index
        %swap3A_995 = tpu.vector_load %arg7[%swap3A_992, %swap3A_993, %swap3A_994] {strides = array<i32>} : memref<2x128x64xf32, #tpu.memory_space<vmem>>, vector<16xf32>,
        tpu.vector_store %arg7[%swap3A_992, %swap3A_993, %swap3A_994], %mul3A_869 {strides = array<i32>} : memref<2x128x64xf32, #tpu.memory_space<vmem>>, vector<16xf32>,
        %add3A_996 = arith.constant 2 : i32
        %add3A_997 = arith.addi %mul3A_760, %add3A_996 : i32
        %swap3A_998 = arith.constant 1 : i32
        %swap3A_999 = arith.index_cast %swap3A_998 : i32 to index
        %swap3A_1000 = arith.index_cast %add3A_997 : i32 to index
        %swap3A_1001 = arith.constant 48 : index
        %swap3A_1002 = tpu.vector_load %arg7[%swap3A_999, %swap3A_1000, %swap3A_1001] {strides = array<i32>} : memref<2x128x64xf32, #tpu.memory_space<vmem>>, vector<16xf32>,
        tpu.vector_store %arg7[%swap3A_999, %swap3A_1000, %swap3A_1001], %mul3A_879 {strides = array<i32>} : memref<2x128x64xf32, #tpu.memory_space<vmem>>, vector<16xf32>,
        %add3A_1003 = arith.constant 3 : i32
        %add3A_1004 = arith.addi %mul3A_760, %add3A_1003 : i32
        %swap3A_1005 = arith.constant 1 : i32
        %swap3A_1006 = arith.index_cast %swap3A_1005 : i32 to index
        %swap3A_1007 = arith.index_cast %add3A_1004 : i32 to index
        %swap3A_1008 = arith.constant 0 : index
        %swap3A_1009 = tpu.vector_load %arg7[%swap3A_1006, %swap3A_1007, %swap3A_1008] {strides = array<i32>} : memref<2x128x64xf32, #tpu.memory_space<vmem>>, vector<16xf32>,
        tpu.vector_store %arg7[%swap3A_1006, %swap3A_1007, %swap3A_1008], %mul3A_889 {strides = array<i32>} : memref<2x128x64xf32, #tpu.memory_space<vmem>>, vector<16xf32>,
        %add3A_1010 = arith.constant 3 : i32
        %add3A_1011 = arith.addi %mul3A_760, %add3A_1010 : i32
        %swap3A_1012 = arith.constant 1 : i32
        %swap3A_1013 = arith.index_cast %swap3A_1012 : i32 to index
        %swap3A_1014 = arith.index_cast %add3A_1011 : i32 to index
        %swap3A_1015 = arith.constant 16 : index
        %swap3A_1016 = tpu.vector_load %arg7[%swap3A_1013, %swap3A_1014, %swap3A_1015] {strides = array<i32>} : memref<2x128x64xf32, #tpu.memory_space<vmem>>, vector<16xf32>,
        tpu.vector_store %arg7[%swap3A_1013, %swap3A_1014, %swap3A_1015], %mul3A_899 {strides = array<i32>} : memref<2x128x64xf32, #tpu.memory_space<vmem>>, vector<16xf32>,
        %add3A_1017 = arith.constant 3 : i32
        %add3A_1018 = arith.addi %mul3A_760, %add3A_1017 : i32
        %swap3A_1019 = arith.constant 1 : i32
        %swap3A_1020 = arith.index_cast %swap3A_1019 : i32 to index
        %swap3A_1021 = arith.index_cast %add3A_1018 : i32 to index
        %swap3A_1022 = arith.constant 32 : index
        %swap3A_1023 = tpu.vector_load %arg7[%swap3A_1020, %swap3A_1021, %swap3A_1022] {strides = array<i32>} : memref<2x128x64xf32, #tpu.memory_space<vmem>>, vector<16xf32>,
        tpu.vector_store %arg7[%swap3A_1020, %swap3A_1021, %swap3A_1022], %mul3A_909 {strides = array<i32>} : memref<2x128x64xf32, #tpu.memory_space<vmem>>, vector<16xf32>,
        %add3A_1024 = arith.constant 3 : i32
        %add3A_1025 = arith.addi %mul3A_760, %add3A_1024 : i32
        %swap3A_1026 = arith.constant 1 : i32
        %swap3A_1027 = arith.index_cast %swap3A_1026 : i32 to index
        %swap3A_1028 = arith.index_cast %add3A_1025 : i32 to index
        %swap3A_1029 = arith.constant 48 : index
        %swap3A_1030 = tpu.vector_load %arg7[%swap3A_1027, %swap3A_1028, %swap3A_1029] {strides = array<i32>} : memref<2x128x64xf32, #tpu.memory_space<vmem>>, vector<16xf32>,
        tpu.vector_store %arg7[%swap3A_1027, %swap3A_1028, %swap3A_1029], %mul3A_919 {strides = array<i32>} : memref<2x128x64xf32, #tpu.memory_space<vmem>>, vector<16xf32>,
      }
      %scan3A_728 = arith.constant 32 : i32
      %add3A_729 = arith.constant 4 : i32
      %add3A_730 = arith.addi %add3A_693, %add3A_729 : i32
      %dma_start3A_731 = arith.constant 3 : i32
      %dma_start3A_732 = arith.constant 0 : i32
      %dma_start3A_733 = arith.constant 0 : i32
      %dma_start3A_734 = tpu.memref_slice %arg6[%dma_start3A_731, %dma_start3A_732, %dma_start3A_733] : memref<4x128x128xf32, #tpu.memory_space<vmem>> -> memref<1x128x128xf32, #tpu.memory_space<vmem>>
      %dma_start3A_735 = tpu.memref_squeeze %dma_start3A_734 : memref<1x128x128xf32, #tpu.memory_space<vmem>> -> memref<128x128xf32, #tpu.memory_space<vmem>>
      %dma_start3A_736 = arith.constant 0 : i32
      %dma_start3A_737 = tpu.memref_slice %arg5[%add3A_730, %dma_start3A_736] : memref<200x128xi32, #tpu.memory_space<vmem>> -> memref<1x128xi32, #tpu.memory_space<vmem>>
      %dma_start3A_738 = tpu.memref_squeeze %dma_start3A_737 : memref<1x128xi32, #tpu.memory_space<vmem>> -> memref<128xi32, #tpu.memory_space<vmem>>
      %dma_start3A_739 = arith.constant 0 : i32
      %dma_start3A_740 = arith.constant 0 : i32
      %dma_start3A_741 = tpu.memref_slice %arg3[%dma_start3A_739, %dma_start3A_740] : memref<1000000x128xf32, #tpu.memory_space<hbm>> -> memref<1000000x128xf32, #tpu.memory_space<hbm>>
      tpu.enqueue_indirect_dma source(%dma_start3A_741 : memref<1000000x128xf32, #tpu.memory_space<hbm>>) target(%dma_start3A_735 : memref<128x128xf32, #tpu.memory_space<vmem>>) offsets(%dma_start3A_738 : memref<128xi32, #tpu.memory_space<vmem>>) semaphore(%arg11 : memref<!tpu.dma_semaphore, #tpu.memory_space<semaphore_mem>>)
      %mul3A_742 = arith.constant 128 : i32
      %mul3A_743 = arith.muli %add3A_693, %mul3A_742 : i32
      %add3A_744 = arith.addi %mul3A_2, %mul3A_743 : i32
      %dma_start3A_745 = arith.constant 1 : i32
      %dma_start3A_746 = arith.constant 0 : i32
      %dma_start3A_747 = arith.constant 0 : i32
      %dma_start3A_748 = tpu.memref_slice %arg7[%dma_start3A_745, %dma_start3A_746, %dma_start3A_747] : memref<2x128x64xf32, #tpu.memory_space<vmem>> -> memref<1x128x64xf32, #tpu.memory_space<vmem>>
      %dma_start3A_749 = tpu.memref_squeeze %dma_start3A_748 : memref<1x128x64xf32, #tpu.memory_space<vmem>> -> memref<128x64xf32, #tpu.memory_space<vmem>>
      %dma_start3A_750 = arith.constant 0 : i32
      %dma_start3A_751 = tpu.memref_slice %arg4[%add3A_744, %dma_start3A_750] : memref<819200x64xf32, #tpu.memory_space<hbm>> -> memref<128x64xf32, #tpu.memory_space<hbm>>
      %dma_start3A_752 = arith.constant 0 : i32
      %dma_start3A_753 = tpu.memref_slice %arg4[%add3A_744, %dma_start3A_752] : memref<819200x64xf32, #tpu.memory_space<hbm>> -> memref<128x64xf32, #tpu.memory_space<hbm>>
      %dma_start3A_754 = arith.constant 0 : i32
      %dma_start3A_755 = arith.constant 0 : i32
      %dma_start3A_756 = tpu.memref_slice %arg7[%dma_start3A_745, %dma_start3A_754, %dma_start3A_755] : memref<2x128x64xf32, #tpu.memory_space<vmem>> -> memref<1x128x64xf32, #tpu.memory_space<vmem>>
      %dma_start3A_757 = tpu.memref_squeeze %dma_start3A_756 : memref<1x128x64xf32, #tpu.memory_space<vmem>> -> memref<128x64xf32, #tpu.memory_space<vmem>>
      tpu.enqueue_dma source(%dma_start3A_757 : memref<128x64xf32, #tpu.memory_space<vmem>>) target(%dma_start3A_753 : memref<128x64xf32, #tpu.memory_space<hbm>>) target_semaphore(%arg13 : memref<!tpu.dma_semaphore, #tpu.memory_space<semaphore_mem>>)
    }
    %scan3A_263 = arith.constant 48 : i32
    %dma_wait3A_264 = arith.constant 196 : i32
    %dma_wait3A_265 = arith.constant 0 : i32
    %dma_wait3A_266 = arith.constant 0 : i32
    %dma_wait3A_267 = arith.constant 0 : i32
    %dma_wait3A_268 = tpu.memref_slice %arg6[%dma_wait3A_265, %dma_wait3A_266, %dma_wait3A_267] : memref<4x128x128xf32, #tpu.memory_space<vmem>> -> memref<1x128x128xf32, #tpu.memory_space<vmem>>
    %dma_wait3A_269 = tpu.memref_squeeze %dma_wait3A_268 : memref<1x128x128xf32, #tpu.memory_space<vmem>> -> memref<128x128xf32, #tpu.memory_space<vmem>>
    %dma_wait3A_270 = arith.constant 0 : i32
    %dma_wait3A_271 = tpu.memref_slice %arg5[%dma_wait3A_264, %dma_wait3A_270] : memref<200x128xi32, #tpu.memory_space<vmem>> -> memref<1x128xi32, #tpu.memory_space<vmem>>
    %dma_wait3A_272 = tpu.memref_squeeze %dma_wait3A_271 : memref<1x128xi32, #tpu.memory_space<vmem>> -> memref<128xi32, #tpu.memory_space<vmem>>
    %dma_wait3A_273 = arith.constant 0 : i32
    %dma_wait3A_274 = arith.constant 0 : i32
    %dma_wait3A_275 = tpu.memref_slice %arg3[%dma_wait3A_273, %dma_wait3A_274] : memref<1000000x128xf32, #tpu.memory_space<hbm>> -> memref<1000000x128xf32, #tpu.memory_space<hbm>>
    tpu.wait_indirect_dma semaphore(%arg8 : memref<!tpu.dma_semaphore, #tpu.memory_space<semaphore_mem>>) src(%dma_wait3A_275 : memref<1000000x128xf32, #tpu.memory_space<hbm>>) dst(%dma_wait3A_269 : memref<128x128xf32, #tpu.memory_space<vmem>>)
    %add3A_276 = arith.constant 24832 : i32
    %add3A_277 = arith.addi %mul3A_2, %add3A_276 : i32
    %dma_wait3A_278 = arith.constant 0 : i32
    %dma_wait3A_279 = arith.constant 0 : i32
    %dma_wait3A_280 = arith.constant 0 : i32
    %dma_wait3A_281 = tpu.memref_slice %arg7[%dma_wait3A_278, %dma_wait3A_279, %dma_wait3A_280] : memref<2x128x64xf32, #tpu.memory_space<vmem>> -> memref<1x128x64xf32, #tpu.memory_space<vmem>>
    %dma_wait3A_282 = tpu.memref_squeeze %dma_wait3A_281 : memref<1x128x64xf32, #tpu.memory_space<vmem>> -> memref<128x64xf32, #tpu.memory_space<vmem>>
    %dma_wait3A_283 = arith.constant 0 : i32
    %dma_wait3A_284 = tpu.memref_slice %arg4[%add3A_277, %dma_wait3A_283] : memref<819200x64xf32, #tpu.memory_space<hbm>> -> memref<128x64xf32, #tpu.memory_space<hbm>>
    %dma_wait3A_285 = arith.constant 0 : i32
    %dma_wait3A_286 = tpu.memref_slice %arg4[%add3A_277, %dma_wait3A_285] : memref<819200x64xf32, #tpu.memory_space<hbm>> -> memref<128x64xf32, #tpu.memory_space<hbm>>
    %dma_wait3A_287 = arith.constant 0 : i32
    %dma_wait3A_288 = arith.constant 0 : i32
    %dma_wait3A_289 = tpu.memref_slice %arg7[%dma_wait3A_278, %dma_wait3A_287, %dma_wait3A_288] : memref<2x128x64xf32, #tpu.memory_space<vmem>> -> memref<1x128x64xf32, #tpu.memory_space<vmem>>
    %dma_wait3A_290 = tpu.memref_squeeze %dma_wait3A_289 : memref<1x128x64xf32, #tpu.memory_space<vmem>> -> memref<128x64xf32, #tpu.memory_space<vmem>>
    tpu.wait_dma2 semaphore(%arg12 : memref<!tpu.dma_semaphore, #tpu.memory_space<semaphore_mem>>) src(%dma_wait3A_290 : memref<128x64xf32, #tpu.memory_space<vmem>>) dst(%dma_wait3A_286 : memref<128x64xf32, #tpu.memory_space<hbm>>)
    %scan3A_291 = arith.constant 0 : i32
    %scan3A_292 = arith.constant 0 : i32
    %scan3A_293 = arith.constant 32 : i32
    %scan3A_294 = arith.addi %scan3A_292, %scan3A_293 : i32
    %scan3A_295 = arith.constant 1 : i32
    scf.for %scan3A_486 = %scan3A_292 to %scan3A_294 step %scan3A_295  : i32 {
      %mul3A_487 = arith.constant 4 : i32
      %mul3A_488 = arith.muli %scan3A_486, %mul3A_487 : i32
      %add3A_489 = arith.constant 0 : i32
      %add3A_490 = arith.addi %mul3A_488, %add3A_489 : i32
      %get3A = arith.constant 0 : i32
      %get3A_491 = arith.index_cast %get3A : i32 to index
      %get3A_492 = arith.index_cast %add3A_490 : i32 to index
      %get3A_493 = arith.constant 0 : index
      %get3A_494 = tpu.vector_load %arg6[%get3A_491, %get3A_492, %get3A_493] {strides = array<i32>} : memref<4x128x128xf32, #tpu.memory_space<vmem>>, vector<16xf32>,
      %mul3A_495 = arith.constant 8.000000e+00 : f32
      %mul3A_496 = vector.broadcast %mul3A_495 : f32 to vector<16xf32>
      %mul3A_497 = arith.mulf %get3A_494, %mul3A_496 : vector<16xf32>
      %add3A_498 = arith.constant 0 : i32
      %add3A_499 = arith.addi %mul3A_488, %add3A_498 : i32
      %get3A_500 = arith.constant 0 : i32
      %get3A_501 = arith.index_cast %get3A_500 : i32 to index
      %get3A_502 = arith.index_cast %add3A_499 : i32 to index
      %get3A_503 = arith.constant 16 : index
      %get3A_504 = tpu.vector_load %arg6[%get3A_501, %get3A_502, %get3A_503] {strides = array<i32>} : memref<4x128x128xf32, #tpu.memory_space<vmem>>, vector<16xf32>,
      %mul3A_505 = arith.constant 8.000000e+00 : f32
      %mul3A_506 = vector.broadcast %mul3A_505 : f32 to vector<16xf32>
      %mul3A_507 = arith.mulf %get3A_504, %mul3A_506 : vector<16xf32>
      %add3A_508 = arith.constant 0 : i32
      %add3A_509 = arith.addi %mul3A_488, %add3A_508 : i32
      %get3A_510 = arith.constant 0 : i32
      %get3A_511 = arith.index_cast %get3A_510 : i32 to index
      %get3A_512 = arith.index_cast %add3A_509 : i32 to index
      %get3A_513 = arith.constant 32 : index
      %get3A_514 = tpu.vector_load %arg6[%get3A_511, %get3A_512, %get3A_513] {strides = array<i32>} : memref<4x128x128xf32, #tpu.memory_space<vmem>>, vector<16xf32>,
      %mul3A_515 = arith.constant 8.000000e+00 : f32
      %mul3A_516 = vector.broadcast %mul3A_515 : f32 to vector<16xf32>
      %mul3A_517 = arith.mulf %get3A_514, %mul3A_516 : vector<16xf32>
      %add3A_518 = arith.constant 0 : i32
      %add3A_519 = arith.addi %mul3A_488, %add3A_518 : i32
      %get3A_520 = arith.constant 0 : i32
      %get3A_521 = arith.index_cast %get3A_520 : i32 to index
      %get3A_522 = arith.index_cast %add3A_519 : i32 to index
      %get3A_523 = arith.constant 48 : index
      %get3A_524 = tpu.vector_load %arg6[%get3A_521, %get3A_522, %get3A_523] {strides = array<i32>} : memref<4x128x128xf32, #tpu.memory_space<vmem>>, vector<16xf32>,
      %mul3A_525 = arith.constant 8.000000e+00 : f32
      %mul3A_526 = vector.broadcast %mul3A_525 : f32 to vector<16xf32>
      %mul3A_527 = arith.mulf %get3A_524, %mul3A_526 : vector<16xf32>
      %add3A_528 = arith.constant 1 : i32
      %add3A_529 = arith.addi %mul3A_488, %add3A_528 : i32
      %get3A_530 = arith.constant 0 : i32
      %get3A_531 = arith.index_cast %get3A_530 : i32 to index
      %get3A_532 = arith.index_cast %add3A_529 : i32 to index
      %get3A_533 = arith.constant 0 : index
      %get3A_534 = tpu.vector_load %arg6[%get3A_531, %get3A_532, %get3A_533] {strides = array<i32>} : memref<4x128x128xf32, #tpu.memory_space<vmem>>, vector<16xf32>,
      %mul3A_535 = arith.constant 8.000000e+00 : f32
      %mul3A_536 = vector.broadcast %mul3A_535 : f32 to vector<16xf32>
      %mul3A_537 = arith.mulf %get3A_534, %mul3A_536 : vector<16xf32>
      %add3A_538 = arith.constant 1 : i32
      %add3A_539 = arith.addi %mul3A_488, %add3A_538 : i32
      %get3A_540 = arith.constant 0 : i32
      %get3A_541 = arith.index_cast %get3A_540 : i32 to index
      %get3A_542 = arith.index_cast %add3A_539 : i32 to index
      %get3A_543 = arith.constant 16 : index
      %get3A_544 = tpu.vector_load %arg6[%get3A_541, %get3A_542, %get3A_543] {strides = array<i32>} : memref<4x128x128xf32, #tpu.memory_space<vmem>>, vector<16xf32>,
      %mul3A_545 = arith.constant 8.000000e+00 : f32
      %mul3A_546 = vector.broadcast %mul3A_545 : f32 to vector<16xf32>
      %mul3A_547 = arith.mulf %get3A_544, %mul3A_546 : vector<16xf32>
      %add3A_548 = arith.constant 1 : i32
      %add3A_549 = arith.addi %mul3A_488, %add3A_548 : i32
      %get3A_550 = arith.constant 0 : i32
      %get3A_551 = arith.index_cast %get3A_550 : i32 to index
      %get3A_552 = arith.index_cast %add3A_549 : i32 to index
      %get3A_553 = arith.constant 32 : index
      %get3A_554 = tpu.vector_load %arg6[%get3A_551, %get3A_552, %get3A_553] {strides = array<i32>} : memref<4x128x128xf32, #tpu.memory_space<vmem>>, vector<16xf32>,
      %mul3A_555 = arith.constant 8.000000e+00 : f32
      %mul3A_556 = vector.broadcast %mul3A_555 : f32 to vector<16xf32>
      %mul3A_557 = arith.mulf %get3A_554, %mul3A_556 : vector<16xf32>
      %add3A_558 = arith.constant 1 : i32
      %add3A_559 = arith.addi %mul3A_488, %add3A_558 : i32
      %get3A_560 = arith.constant 0 : i32
      %get3A_561 = arith.index_cast %get3A_560 : i32 to index
      %get3A_562 = arith.index_cast %add3A_559 : i32 to index
      %get3A_563 = arith.constant 48 : index
      %get3A_564 = tpu.vector_load %arg6[%get3A_561, %get3A_562, %get3A_563] {strides = array<i32>} : memref<4x128x128xf32, #tpu.memory_space<vmem>>, vector<16xf32>,
      %mul3A_565 = arith.constant 8.000000e+00 : f32
      %mul3A_566 = vector.broadcast %mul3A_565 : f32 to vector<16xf32>
      %mul3A_567 = arith.mulf %get3A_564, %mul3A_566 : vector<16xf32>
      %add3A_568 = arith.constant 2 : i32
      %add3A_569 = arith.addi %mul3A_488, %add3A_568 : i32
      %get3A_570 = arith.constant 0 : i32
      %get3A_571 = arith.index_cast %get3A_570 : i32 to index
      %get3A_572 = arith.index_cast %add3A_569 : i32 to index
      %get3A_573 = arith.constant 0 : index
      %get3A_574 = tpu.vector_load %arg6[%get3A_571, %get3A_572, %get3A_573] {strides = array<i32>} : memref<4x128x128xf32, #tpu.memory_space<vmem>>, vector<16xf32>,
      %mul3A_575 = arith.constant 8.000000e+00 : f32
      %mul3A_576 = vector.broadcast %mul3A_575 : f32 to vector<16xf32>
      %mul3A_577 = arith.mulf %get3A_574, %mul3A_576 : vector<16xf32>
      %add3A_578 = arith.constant 2 : i32
      %add3A_579 = arith.addi %mul3A_488, %add3A_578 : i32
      %get3A_580 = arith.constant 0 : i32
      %get3A_581 = arith.index_cast %get3A_580 : i32 to index
      %get3A_582 = arith.index_cast %add3A_579 : i32 to index
      %get3A_583 = arith.constant 16 : index
      %get3A_584 = tpu.vector_load %arg6[%get3A_581, %get3A_582, %get3A_583] {strides = array<i32>} : memref<4x128x128xf32, #tpu.memory_space<vmem>>, vector<16xf32>,
      %mul3A_585 = arith.constant 8.000000e+00 : f32
      %mul3A_586 = vector.broadcast %mul3A_585 : f32 to vector<16xf32>
      %mul3A_587 = arith.mulf %get3A_584, %mul3A_586 : vector<16xf32>
      %add3A_588 = arith.constant 2 : i32
      %add3A_589 = arith.addi %mul3A_488, %add3A_588 : i32
      %get3A_590 = arith.constant 0 : i32
      %get3A_591 = arith.index_cast %get3A_590 : i32 to index
      %get3A_592 = arith.index_cast %add3A_589 : i32 to index
      %get3A_593 = arith.constant 32 : index
      %get3A_594 = tpu.vector_load %arg6[%get3A_591, %get3A_592, %get3A_593] {strides = array<i32>} : memref<4x128x128xf32, #tpu.memory_space<vmem>>, vector<16xf32>,
      %mul3A_595 = arith.constant 8.000000e+00 : f32
      %mul3A_596 = vector.broadcast %mul3A_595 : f32 to vector<16xf32>
      %mul3A_597 = arith.mulf %get3A_594, %mul3A_596 : vector<16xf32>
      %add3A_598 = arith.constant 2 : i32
      %add3A_599 = arith.addi %mul3A_488, %add3A_598 : i32
      %get3A_600 = arith.constant 0 : i32
      %get3A_601 = arith.index_cast %get3A_600 : i32 to index
      %get3A_602 = arith.index_cast %add3A_599 : i32 to index
      %get3A_603 = arith.constant 48 : index
      %get3A_604 = tpu.vector_load %arg6[%get3A_601, %get3A_602, %get3A_603] {strides = array<i32>} : memref<4x128x128xf32, #tpu.memory_space<vmem>>, vector<16xf32>,
      %mul3A_605 = arith.constant 8.000000e+00 : f32
      %mul3A_606 = vector.broadcast %mul3A_605 : f32 to vector<16xf32>
      %mul3A_607 = arith.mulf %get3A_604, %mul3A_606 : vector<16xf32>
      %add3A_608 = arith.constant 3 : i32
      %add3A_609 = arith.addi %mul3A_488, %add3A_608 : i32
      %get3A_610 = arith.constant 0 : i32
      %get3A_611 = arith.index_cast %get3A_610 : i32 to index
      %get3A_612 = arith.index_cast %add3A_609 : i32 to index
      %get3A_613 = arith.constant 0 : index
      %get3A_614 = tpu.vector_load %arg6[%get3A_611, %get3A_612, %get3A_613] {strides = array<i32>} : memref<4x128x128xf32, #tpu.memory_space<vmem>>, vector<16xf32>,
      %mul3A_615 = arith.constant 8.000000e+00 : f32
      %mul3A_616 = vector.broadcast %mul3A_615 : f32 to vector<16xf32>
      %mul3A_617 = arith.mulf %get3A_614, %mul3A_616 : vector<16xf32>
      %add3A_618 = arith.constant 3 : i32
      %add3A_619 = arith.addi %mul3A_488, %add3A_618 : i32
      %get3A_620 = arith.constant 0 : i32
      %get3A_621 = arith.index_cast %get3A_620 : i32 to index
      %get3A_622 = arith.index_cast %add3A_619 : i32 to index
      %get3A_623 = arith.constant 16 : index
      %get3A_624 = tpu.vector_load %arg6[%get3A_621, %get3A_622, %get3A_623] {strides = array<i32>} : memref<4x128x128xf32, #tpu.memory_space<vmem>>, vector<16xf32>,
      %mul3A_625 = arith.constant 8.000000e+00 : f32
      %mul3A_626 = vector.broadcast %mul3A_625 : f32 to vector<16xf32>
      %mul3A_627 = arith.mulf %get3A_624, %mul3A_626 : vector<16xf32>
      %add3A_628 = arith.constant 3 : i32
      %add3A_629 = arith.addi %mul3A_488, %add3A_628 : i32
      %get3A_630 = arith.constant 0 : i32
      %get3A_631 = arith.index_cast %get3A_630 : i32 to index
      %get3A_632 = arith.index_cast %add3A_629 : i32 to index
      %get3A_633 = arith.constant 32 : index
      %get3A_634 = tpu.vector_load %arg6[%get3A_631, %get3A_632, %get3A_633] {strides = array<i32>} : memref<4x128x128xf32, #tpu.memory_space<vmem>>, vector<16xf32>,
      %mul3A_635 = arith.constant 8.000000e+00 : f32
      %mul3A_636 = vector.broadcast %mul3A_635 : f32 to vector<16xf32>
      %mul3A_637 = arith.mulf %get3A_634, %mul3A_636 : vector<16xf32>
      %add3A_638 = arith.constant 3 : i32
      %add3A_639 = arith.addi %mul3A_488, %add3A_638 : i32
      %get3A_640 = arith.constant 0 : i32
      %get3A_641 = arith.index_cast %get3A_640 : i32 to index
      %get3A_642 = arith.index_cast %add3A_639 : i32 to index
      %get3A_643 = arith.constant 48 : index
      %get3A_644 = tpu.vector_load %arg6[%get3A_641, %get3A_642, %get3A_643] {strides = array<i32>} : memref<4x128x128xf32, #tpu.memory_space<vmem>>, vector<16xf32>,
      %mul3A_645 = arith.constant 8.000000e+00 : f32
      %mul3A_646 = vector.broadcast %mul3A_645 : f32 to vector<16xf32>
      %mul3A_647 = arith.mulf %get3A_644, %mul3A_646 : vector<16xf32>
      %add3A_648 = arith.constant 0 : i32
      %add3A_649 = arith.addi %mul3A_488, %add3A_648 : i32
      %swap3A = arith.constant 0 : i32
      %swap3A_650 = arith.index_cast %swap3A : i32 to index
      %swap3A_651 = arith.index_cast %add3A_649 : i32 to index
      %swap3A_652 = arith.constant 0 : index
      %swap3A_653 = tpu.vector_load %arg7[%swap3A_650, %swap3A_651, %swap3A_652] {strides = array<i32>} : memref<2x128x64xf32, #tpu.memory_space<vmem>>, vector<16xf32>,
      tpu.vector_store %arg7[%swap3A_650, %swap3A_651, %swap3A_652], %mul3A_497 {strides = array<i32>} : memref<2x128x64xf32, #tpu.memory_space<vmem>>, vector<16xf32>,
      %add3A_654 = arith.constant 0 : i32
      %add3A_655 = arith.addi %mul3A_488, %add3A_654 : i32
      %swap3A_656 = arith.constant 0 : i32
      %swap3A_657 = arith.index_cast %swap3A_656 : i32 to index
      %swap3A_658 = arith.index_cast %add3A_655 : i32 to index
      %swap3A_659 = arith.constant 16 : index
      %swap3A_660 = tpu.vector_load %arg7[%swap3A_657, %swap3A_658, %swap3A_659] {strides = array<i32>} : memref<2x128x64xf32, #tpu.memory_space<vmem>>, vector<16xf32>,
      tpu.vector_store %arg7[%swap3A_657, %swap3A_658, %swap3A_659], %mul3A_507 {strides = array<i32>} : memref<2x128x64xf32, #tpu.memory_space<vmem>>, vector<16xf32>,
      %add3A_661 = arith.constant 0 : i32
      %add3A_662 = arith.addi %mul3A_488, %add3A_661 : i32
      %swap3A_663 = arith.constant 0 : i32
      %swap3A_664 = arith.index_cast %swap3A_663 : i32 to index
      %swap3A_665 = arith.index_cast %add3A_662 : i32 to index
      %swap3A_666 = arith.constant 32 : index
      %swap3A_667 = tpu.vector_load %arg7[%swap3A_664, %swap3A_665, %swap3A_666] {strides = array<i32>} : memref<2x128x64xf32, #tpu.memory_space<vmem>>, vector<16xf32>,
      tpu.vector_store %arg7[%swap3A_664, %swap3A_665, %swap3A_666], %mul3A_517 {strides = array<i32>} : memref<2x128x64xf32, #tpu.memory_space<vmem>>, vector<16xf32>,
      %add3A_668 = arith.constant 0 : i32
      %add3A_669 = arith.addi %mul3A_488, %add3A_668 : i32
      %swap3A_670 = arith.constant 0 : i32
      %swap3A_671 = arith.index_cast %swap3A_670 : i32 to index
      %swap3A_672 = arith.index_cast %add3A_669 : i32 to index
      %swap3A_673 = arith.constant 48 : index
      %swap3A_674 = tpu.vector_load %arg7[%swap3A_671, %swap3A_672, %swap3A_673] {strides = array<i32>} : memref<2x128x64xf32, #tpu.memory_space<vmem>>, vector<16xf32>,
      tpu.vector_store %arg7[%swap3A_671, %swap3A_672, %swap3A_673], %mul3A_527 {strides = array<i32>} : memref<2x128x64xf32, #tpu.memory_space<vmem>>, vector<16xf32>,
      %add3A_675 = arith.constant 1 : i32
      %add3A_676 = arith.addi %mul3A_488, %add3A_675 : i32
      %swap3A_677 = arith.constant 0 : i32
      %swap3A_678 = arith.index_cast %swap3A_677 : i32 to index
      %swap3A_679 = arith.index_cast %add3A_676 : i32 to index
      %swap3A_680 = arith.constant 0 : index
      %swap3A_681 = tpu.vector_load %arg7[%swap3A_678, %swap3A_679, %swap3A_680] {strides = array<i32>} : memref<2x128x64xf32, #tpu.memory_space<vmem>>, vector<16xf32>,
      tpu.vector_store %arg7[%swap3A_678, %swap3A_679, %swap3A_680], %mul3A_537 {strides = array<i32>} : memref<2x128x64xf32, #tpu.memory_space<vmem>>, vector<16xf32>,
      %add3A_682 = arith.constant 1 : i32
      %add3A_683 = arith.addi %mul3A_488, %add3A_682 : i32
      %swap3A_684 = arith.constant 0 : i32
      %swap3A_685 = arith.index_cast %swap3A_684 : i32 to index
      %swap3A_686 = arith.index_cast %add3A_683 : i32 to index
      %swap3A_687 = arith.constant 16 : index
      %swap3A_688 = tpu.vector_load %arg7[%swap3A_685, %swap3A_686, %swap3A_687] {strides = array<i32>} : memref<2x128x64xf32, #tpu.memory_space<vmem>>, vector<16xf32>,
      tpu.vector_store %arg7[%swap3A_685, %swap3A_686, %swap3A_687], %mul3A_547 {strides = array<i32>} : memref<2x128x64xf32, #tpu.memory_space<vmem>>, vector<16xf32>,
      %add3A_689 = arith.constant 1 : i32
      %add3A_690 = arith.addi %mul3A_488, %add3A_689 : i32
      %swap3A_691 = arith.constant 0 : i32
      %swap3A_692 = arith.index_cast %swap3A_691 : i32 to index
      %swap3A_693 = arith.index_cast %add3A_690 : i32 to index
      %swap3A_694 = arith.constant 32 : index
      %swap3A_695 = tpu.vector_load %arg7[%swap3A_692, %swap3A_693, %swap3A_694] {strides = array<i32>} : memref<2x128x64xf32, #tpu.memory_space<vmem>>, vector<16xf32>,
      tpu.vector_store %arg7[%swap3A_692, %swap3A_693, %swap3A_694], %mul3A_557 {strides = array<i32>} : memref<2x128x64xf32, #tpu.memory_space<vmem>>, vector<16xf32>,
      %add3A_696 = arith.constant 1 : i32
      %add3A_697 = arith.addi %mul3A_488, %add3A_696 : i32
      %swap3A_698 = arith.constant 0 : i32
      %swap3A_699 = arith.index_cast %swap3A_698 : i32 to index
      %swap3A_700 = arith.index_cast %add3A_697 : i32 to index
      %swap3A_701 = arith.constant 48 : index
      %swap3A_702 = tpu.vector_load %arg7[%swap3A_699, %swap3A_700, %swap3A_701] {strides = array<i32>} : memref<2x128x64xf32, #tpu.memory_space<vmem>>, vector<16xf32>,
      tpu.vector_store %arg7[%swap3A_699, %swap3A_700, %swap3A_701], %mul3A_567 {strides = array<i32>} : memref<2x128x64xf32, #tpu.memory_space<vmem>>, vector<16xf32>,
      %add3A_703 = arith.constant 2 : i32
      %add3A_704 = arith.addi %mul3A_488, %add3A_703 : i32
      %swap3A_705 = arith.constant 0 : i32
      %swap3A_706 = arith.index_cast %swap3A_705 : i32 to index
      %swap3A_707 = arith.index_cast %add3A_704 : i32 to index
      %swap3A_708 = arith.constant 0 : index
      %swap3A_709 = tpu.vector_load %arg7[%swap3A_706, %swap3A_707, %swap3A_708] {strides = array<i32>} : memref<2x128x64xf32, #tpu.memory_space<vmem>>, vector<16xf32>,
      tpu.vector_store %arg7[%swap3A_706, %swap3A_707, %swap3A_708], %mul3A_577 {strides = array<i32>} : memref<2x128x64xf32, #tpu.memory_space<vmem>>, vector<16xf32>,
      %add3A_710 = arith.constant 2 : i32
      %add3A_711 = arith.addi %mul3A_488, %add3A_710 : i32
      %swap3A_712 = arith.constant 0 : i32
      %swap3A_713 = arith.index_cast %swap3A_712 : i32 to index
      %swap3A_714 = arith.index_cast %add3A_711 : i32 to index
      %swap3A_715 = arith.constant 16 : index
      %swap3A_716 = tpu.vector_load %arg7[%swap3A_713, %swap3A_714, %swap3A_715] {strides = array<i32>} : memref<2x128x64xf32, #tpu.memory_space<vmem>>, vector<16xf32>,
      tpu.vector_store %arg7[%swap3A_713, %swap3A_714, %swap3A_715], %mul3A_587 {strides = array<i32>} : memref<2x128x64xf32, #tpu.memory_space<vmem>>, vector<16xf32>,
      %add3A_717 = arith.constant 2 : i32
      %add3A_718 = arith.addi %mul3A_488, %add3A_717 : i32
      %swap3A_719 = arith.constant 0 : i32
      %swap3A_720 = arith.index_cast %swap3A_719 : i32 to index
      %swap3A_721 = arith.index_cast %add3A_718 : i32 to index
      %swap3A_722 = arith.constant 32 : index
      %swap3A_723 = tpu.vector_load %arg7[%swap3A_720, %swap3A_721, %swap3A_722] {strides = array<i32>} : memref<2x128x64xf32, #tpu.memory_space<vmem>>, vector<16xf32>,
      tpu.vector_store %arg7[%swap3A_720, %swap3A_721, %swap3A_722], %mul3A_597 {strides = array<i32>} : memref<2x128x64xf32, #tpu.memory_space<vmem>>, vector<16xf32>,
      %add3A_724 = arith.constant 2 : i32
      %add3A_725 = arith.addi %mul3A_488, %add3A_724 : i32
      %swap3A_726 = arith.constant 0 : i32
      %swap3A_727 = arith.index_cast %swap3A_726 : i32 to index
      %swap3A_728 = arith.index_cast %add3A_725 : i32 to index
      %swap3A_729 = arith.constant 48 : index
      %swap3A_730 = tpu.vector_load %arg7[%swap3A_727, %swap3A_728, %swap3A_729] {strides = array<i32>} : memref<2x128x64xf32, #tpu.memory_space<vmem>>, vector<16xf32>,
      tpu.vector_store %arg7[%swap3A_727, %swap3A_728, %swap3A_729], %mul3A_607 {strides = array<i32>} : memref<2x128x64xf32, #tpu.memory_space<vmem>>, vector<16xf32>,
      %add3A_731 = arith.constant 3 : i32
      %add3A_732 = arith.addi %mul3A_488, %add3A_731 : i32
      %swap3A_733 = arith.constant 0 : i32
      %swap3A_734 = arith.index_cast %swap3A_733 : i32 to index
      %swap3A_735 = arith.index_cast %add3A_732 : i32 to index
      %swap3A_736 = arith.constant 0 : index
      %swap3A_737 = tpu.vector_load %arg7[%swap3A_734, %swap3A_735, %swap3A_736] {strides = array<i32>} : memref<2x128x64xf32, #tpu.memory_space<vmem>>, vector<16xf32>,
      tpu.vector_store %arg7[%swap3A_734, %swap3A_735, %swap3A_736], %mul3A_617 {strides = array<i32>} : memref<2x128x64xf32, #tpu.memory_space<vmem>>, vector<16xf32>,
      %add3A_738 = arith.constant 3 : i32
      %add3A_739 = arith.addi %mul3A_488, %add3A_738 : i32
      %swap3A_740 = arith.constant 0 : i32
      %swap3A_741 = arith.index_cast %swap3A_740 : i32 to index
      %swap3A_742 = arith.index_cast %add3A_739 : i32 to index
      %swap3A_743 = arith.constant 16 : index
      %swap3A_744 = tpu.vector_load %arg7[%swap3A_741, %swap3A_742, %swap3A_743] {strides = array<i32>} : memref<2x128x64xf32, #tpu.memory_space<vmem>>, vector<16xf32>,
      tpu.vector_store %arg7[%swap3A_741, %swap3A_742, %swap3A_743], %mul3A_627 {strides = array<i32>} : memref<2x128x64xf32, #tpu.memory_space<vmem>>, vector<16xf32>,
      %add3A_745 = arith.constant 3 : i32
      %add3A_746 = arith.addi %mul3A_488, %add3A_745 : i32
      %swap3A_747 = arith.constant 0 : i32
      %swap3A_748 = arith.index_cast %swap3A_747 : i32 to index
      %swap3A_749 = arith.index_cast %add3A_746 : i32 to index
      %swap3A_750 = arith.constant 32 : index
      %swap3A_751 = tpu.vector_load %arg7[%swap3A_748, %swap3A_749, %swap3A_750] {strides = array<i32>} : memref<2x128x64xf32, #tpu.memory_space<vmem>>, vector<16xf32>,
      tpu.vector_store %arg7[%swap3A_748, %swap3A_749, %swap3A_750], %mul3A_637 {strides = array<i32>} : memref<2x128x64xf32, #tpu.memory_space<vmem>>, vector<16xf32>,
      %add3A_752 = arith.constant 3 : i32
      %add3A_753 = arith.addi %mul3A_488, %add3A_752 : i32
      %swap3A_754 = arith.constant 0 : i32
      %swap3A_755 = arith.index_cast %swap3A_754 : i32 to index
      %swap3A_756 = arith.index_cast %add3A_753 : i32 to index
      %swap3A_757 = arith.constant 48 : index
      %swap3A_758 = tpu.vector_load %arg7[%swap3A_755, %swap3A_756, %swap3A_757] {strides = array<i32>} : memref<2x128x64xf32, #tpu.memory_space<vmem>>, vector<16xf32>,
      tpu.vector_store %arg7[%swap3A_755, %swap3A_756, %swap3A_757], %mul3A_647 {strides = array<i32>} : memref<2x128x64xf32, #tpu.memory_space<vmem>>, vector<16xf32>,
    }
    %scan3A_296 = arith.constant 32 : i32
    %add3A_297 = arith.constant 25088 : i32
    %add3A_298 = arith.addi %mul3A_2, %add3A_297 : i32
    %dma_start3A_299 = arith.constant 0 : i32
    %dma_start3A_300 = arith.constant 0 : i32
    %dma_start3A_301 = arith.constant 0 : i32
    %dma_start3A_302 = tpu.memref_slice %arg7[%dma_start3A_299, %dma_start3A_300, %dma_start3A_301] : memref<2x128x64xf32, #tpu.memory_space<vmem>> -> memref<1x128x64xf32, #tpu.memory_space<vmem>>
    %dma_start3A_303 = tpu.memref_squeeze %dma_start3A_302 : memref<1x128x64xf32, #tpu.memory_space<vmem>> -> memref<128x64xf32, #tpu.memory_space<vmem>>
    %dma_start3A_304 = arith.constant 0 : i32
    %dma_start3A_305 = tpu.memref_slice %arg4[%add3A_298, %dma_start3A_304] : memref<819200x64xf32, #tpu.memory_space<hbm>> -> memref<128x64xf32, #tpu.memory_space<hbm>>
    %dma_start3A_306 = arith.constant 0 : i32
    %dma_start3A_307 = tpu.memref_slice %arg4[%add3A_298, %dma_start3A_306] : memref<819200x64xf32, #tpu.memory_space<hbm>> -> memref<128x64xf32, #tpu.memory_space<hbm>>
    %dma_start3A_308 = arith.constant 0 : i32
    %dma_start3A_309 = arith.constant 0 : i32
    %dma_start3A_310 = tpu.memref_slice %arg7[%dma_start3A_299, %dma_start3A_308, %dma_start3A_309] : memref<2x128x64xf32, #tpu.memory_space<vmem>> -> memref<1x128x64xf32, #tpu.memory_space<vmem>>
    %dma_start3A_311 = tpu.memref_squeeze %dma_start3A_310 : memref<1x128x64xf32, #tpu.memory_space<vmem>> -> memref<128x64xf32, #tpu.memory_space<vmem>>
    tpu.enqueue_dma source(%dma_start3A_311 : memref<128x64xf32, #tpu.memory_space<vmem>>) target(%dma_start3A_307 : memref<128x64xf32, #tpu.memory_space<hbm>>) target_semaphore(%arg12 : memref<!tpu.dma_semaphore, #tpu.memory_space<semaphore_mem>>)
    %dma_wait3A_312 = arith.constant 197 : i32
    %dma_wait3A_313 = arith.constant 1 : i32
    %dma_wait3A_314 = arith.constant 0 : i32
    %dma_wait3A_315 = arith.constant 0 : i32
    %dma_wait3A_316 = tpu.memref_slice %arg6[%dma_wait3A_313, %dma_wait3A_314, %dma_wait3A_315] : memref<4x128x128xf32, #tpu.memory_space<vmem>> -> memref<1x128x128xf32, #tpu.memory_space<vmem>>
    %dma_wait3A_317 = tpu.memref_squeeze %dma_wait3A_316 : memref<1x128x128xf32, #tpu.memory_space<vmem>> -> memref<128x128xf32, #tpu.memory_space<vmem>>
    %dma_wait3A_318 = arith.constant 0 : i32
    %dma_wait3A_319 = tpu.memref_slice %arg5[%dma_wait3A_312, %dma_wait3A_318] : memref<200x128xi32, #tpu.memory_space<vmem>> -> memref<1x128xi32, #tpu.memory_space<vmem>>
    %dma_wait3A_320 = tpu.memref_squeeze %dma_wait3A_319 : memref<1x128xi32, #tpu.memory_space<vmem>> -> memref<128xi32, #tpu.memory_space<vmem>>
    %dma_wait3A_321 = arith.constant 0 : i32
    %dma_wait3A_322 = arith.constant 0 : i32
    %dma_wait3A_323 = tpu.memref_slice %arg3[%dma_wait3A_321, %dma_wait3A_322] : memref<1000000x128xf32, #tpu.memory_space<hbm>> -> memref<1000000x128xf32, #tpu.memory_space<hbm>>
    tpu.wait_indirect_dma semaphore(%arg9 : memref<!tpu.dma_semaphore, #tpu.memory_space<semaphore_mem>>) src(%dma_wait3A_323 : memref<1000000x128xf32, #tpu.memory_space<hbm>>) dst(%dma_wait3A_317 : memref<128x128xf32, #tpu.memory_space<vmem>>)
    %add3A_324 = arith.constant 24960 : i32
    %add3A_325 = arith.addi %mul3A_2, %add3A_324 : i32
    %dma_wait3A_326 = arith.constant 1 : i32
    %dma_wait3A_327 = arith.constant 0 : i32
    %dma_wait3A_328 = arith.constant 0 : i32
    %dma_wait3A_329 = tpu.memref_slice %arg7[%dma_wait3A_326, %dma_wait3A_327, %dma_wait3A_328] : memref<2x128x64xf32, #tpu.memory_space<vmem>> -> memref<1x128x64xf32, #tpu.memory_space<vmem>>
    %dma_wait3A_330 = tpu.memref_squeeze %dma_wait3A_329 : memref<1x128x64xf32, #tpu.memory_space<vmem>> -> memref<128x64xf32, #tpu.memory_space<vmem>>
    %dma_wait3A_331 = arith.constant 0 : i32
    %dma_wait3A_332 = tpu.memref_slice %arg4[%add3A_325, %dma_wait3A_331] : memref<819200x64xf32, #tpu.memory_space<hbm>> -> memref<128x64xf32, #tpu.memory_space<hbm>>
    %dma_wait3A_333 = arith.constant 0 : i32
    %dma_wait3A_334 = tpu.memref_slice %arg4[%add3A_325, %dma_wait3A_333] : memref<819200x64xf32, #tpu.memory_space<hbm>> -> memref<128x64xf32, #tpu.memory_space<hbm>>
    %dma_wait3A_335 = arith.constant 0 : i32
    %dma_wait3A_336 = arith.constant 0 : i32
    %dma_wait3A_337 = tpu.memref_slice %arg7[%dma_wait3A_326, %dma_wait3A_335, %dma_wait3A_336] : memref<2x128x64xf32, #tpu.memory_space<vmem>> -> memref<1x128x64xf32, #tpu.memory_space<vmem>>
    %dma_wait3A_338 = tpu.memref_squeeze %dma_wait3A_337 : memref<1x128x64xf32, #tpu.memory_space<vmem>> -> memref<128x64xf32, #tpu.memory_space<vmem>>
    tpu.wait_dma2 semaphore(%arg13 : memref<!tpu.dma_semaphore, #tpu.memory_space<semaphore_mem>>) src(%dma_wait3A_338 : memref<128x64xf32, #tpu.memory_space<vmem>>) dst(%dma_wait3A_334 : memref<128x64xf32, #tpu.memory_space<hbm>>)
    %scan3A_339 = arith.constant 0 : i32
    %scan3A_340 = arith.constant 0 : i32
    %scan3A_341 = arith.constant 32 : i32
    %scan3A_342 = arith.addi %scan3A_340, %scan3A_341 : i32
    %scan3A_343 = arith.constant 1 : i32
    scf.for %scan3A_486 = %scan3A_340 to %scan3A_342 step %scan3A_343  : i32 {
      %mul3A_487 = arith.constant 4 : i32
      %mul3A_488 = arith.muli %scan3A_486, %mul3A_487 : i32
      %add3A_489 = arith.constant 0 : i32
      %add3A_490 = arith.addi %mul3A_488, %add3A_489 : i32
      %get3A = arith.constant 1 : i32
      %get3A_491 = arith.index_cast %get3A : i32 to index
      %get3A_492 = arith.index_cast %add3A_490 : i32 to index
      %get3A_493 = arith.constant 0 : index
      %get3A_494 = tpu.vector_load %arg6[%get3A_491, %get3A_492, %get3A_493] {strides = array<i32>} : memref<4x128x128xf32, #tpu.memory_space<vmem>>, vector<16xf32>,
      %mul3A_495 = arith.constant 8.000000e+00 : f32
      %mul3A_496 = vector.broadcast %mul3A_495 : f32 to vector<16xf32>
      %mul3A_497 = arith.mulf %get3A_494, %mul3A_496 : vector<16xf32>
      %add3A_498 = arith.constant 0 : i32
      %add3A_499 = arith.addi %mul3A_488, %add3A_498 : i32
      %get3A_500 = arith.constant 1 : i32
      %get3A_501 = arith.index_cast %get3A_500 : i32 to index
      %get3A_502 = arith.index_cast %add3A_499 : i32 to index
      %get3A_503 = arith.constant 16 : index
      %get3A_504 = tpu.vector_load %arg6[%get3A_501, %get3A_502, %get3A_503] {strides = array<i32>} : memref<4x128x128xf32, #tpu.memory_space<vmem>>, vector<16xf32>,
      %mul3A_505 = arith.constant 8.000000e+00 : f32
      %mul3A_506 = vector.broadcast %mul3A_505 : f32 to vector<16xf32>
      %mul3A_507 = arith.mulf %get3A_504, %mul3A_506 : vector<16xf32>
      %add3A_508 = arith.constant 0 : i32
      %add3A_509 = arith.addi %mul3A_488, %add3A_508 : i32
      %get3A_510 = arith.constant 1 : i32
      %get3A_511 = arith.index_cast %get3A_510 : i32 to index
      %get3A_512 = arith.index_cast %add3A_509 : i32 to index
      %get3A_513 = arith.constant 32 : index
      %get3A_514 = tpu.vector_load %arg6[%get3A_511, %get3A_512, %get3A_513] {strides = array<i32>} : memref<4x128x128xf32, #tpu.memory_space<vmem>>, vector<16xf32>,
      %mul3A_515 = arith.constant 8.000000e+00 : f32
      %mul3A_516 = vector.broadcast %mul3A_515 : f32 to vector<16xf32>
      %mul3A_517 = arith.mulf %get3A_514, %mul3A_516 : vector<16xf32>
      %add3A_518 = arith.constant 0 : i32
      %add3A_519 = arith.addi %mul3A_488, %add3A_518 : i32
      %get3A_520 = arith.constant 1 : i32
      %get3A_521 = arith.index_cast %get3A_520 : i32 to index
      %get3A_522 = arith.index_cast %add3A_519 : i32 to index
      %get3A_523 = arith.constant 48 : index
      %get3A_524 = tpu.vector_load %arg6[%get3A_521, %get3A_522, %get3A_523] {strides = array<i32>} : memref<4x128x128xf32, #tpu.memory_space<vmem>>, vector<16xf32>,
      %mul3A_525 = arith.constant 8.000000e+00 : f32
      %mul3A_526 = vector.broadcast %mul3A_525 : f32 to vector<16xf32>
      %mul3A_527 = arith.mulf %get3A_524, %mul3A_526 : vector<16xf32>
      %add3A_528 = arith.constant 1 : i32
      %add3A_529 = arith.addi %mul3A_488, %add3A_528 : i32
      %get3A_530 = arith.constant 1 : i32
      %get3A_531 = arith.index_cast %get3A_530 : i32 to index
      %get3A_532 = arith.index_cast %add3A_529 : i32 to index
      %get3A_533 = arith.constant 0 : index
      %get3A_534 = tpu.vector_load %arg6[%get3A_531, %get3A_532, %get3A_533] {strides = array<i32>} : memref<4x128x128xf32, #tpu.memory_space<vmem>>, vector<16xf32>,
      %mul3A_535 = arith.constant 8.000000e+00 : f32
      %mul3A_536 = vector.broadcast %mul3A_535 : f32 to vector<16xf32>
      %mul3A_537 = arith.mulf %get3A_534, %mul3A_536 : vector<16xf32>
      %add3A_538 = arith.constant 1 : i32
      %add3A_539 = arith.addi %mul3A_488, %add3A_538 : i32
      %get3A_540 = arith.constant 1 : i32
      %get3A_541 = arith.index_cast %get3A_540 : i32 to index
      %get3A_542 = arith.index_cast %add3A_539 : i32 to index
      %get3A_543 = arith.constant 16 : index
      %get3A_544 = tpu.vector_load %arg6[%get3A_541, %get3A_542, %get3A_543] {strides = array<i32>} : memref<4x128x128xf32, #tpu.memory_space<vmem>>, vector<16xf32>,
      %mul3A_545 = arith.constant 8.000000e+00 : f32
      %mul3A_546 = vector.broadcast %mul3A_545 : f32 to vector<16xf32>
      %mul3A_547 = arith.mulf %get3A_544, %mul3A_546 : vector<16xf32>
      %add3A_548 = arith.constant 1 : i32
      %add3A_549 = arith.addi %mul3A_488, %add3A_548 : i32
      %get3A_550 = arith.constant 1 : i32
      %get3A_551 = arith.index_cast %get3A_550 : i32 to index
      %get3A_552 = arith.index_cast %add3A_549 : i32 to index
      %get3A_553 = arith.constant 32 : index
      %get3A_554 = tpu.vector_load %arg6[%get3A_551, %get3A_552, %get3A_553] {strides = array<i32>} : memref<4x128x128xf32, #tpu.memory_space<vmem>>, vector<16xf32>,
      %mul3A_555 = arith.constant 8.000000e+00 : f32
      %mul3A_556 = vector.broadcast %mul3A_555 : f32 to vector<16xf32>
      %mul3A_557 = arith.mulf %get3A_554, %mul3A_556 : vector<16xf32>
      %add3A_558 = arith.constant 1 : i32
      %add3A_559 = arith.addi %mul3A_488, %add3A_558 : i32
      %get3A_560 = arith.constant 1 : i32
      %get3A_561 = arith.index_cast %get3A_560 : i32 to index
      %get3A_562 = arith.index_cast %add3A_559 : i32 to index
      %get3A_563 = arith.constant 48 : index
      %get3A_564 = tpu.vector_load %arg6[%get3A_561, %get3A_562, %get3A_563] {strides = array<i32>} : memref<4x128x128xf32, #tpu.memory_space<vmem>>, vector<16xf32>,
      %mul3A_565 = arith.constant 8.000000e+00 : f32
      %mul3A_566 = vector.broadcast %mul3A_565 : f32 to vector<16xf32>
      %mul3A_567 = arith.mulf %get3A_564, %mul3A_566 : vector<16xf32>
      %add3A_568 = arith.constant 2 : i32
      %add3A_569 = arith.addi %mul3A_488, %add3A_568 : i32
      %get3A_570 = arith.constant 1 : i32
      %get3A_571 = arith.index_cast %get3A_570 : i32 to index
      %get3A_572 = arith.index_cast %add3A_569 : i32 to index
      %get3A_573 = arith.constant 0 : index
      %get3A_574 = tpu.vector_load %arg6[%get3A_571, %get3A_572, %get3A_573] {strides = array<i32>} : memref<4x128x128xf32, #tpu.memory_space<vmem>>, vector<16xf32>,
      %mul3A_575 = arith.constant 8.000000e+00 : f32
      %mul3A_576 = vector.broadcast %mul3A_575 : f32 to vector<16xf32>
      %mul3A_577 = arith.mulf %get3A_574, %mul3A_576 : vector<16xf32>
      %add3A_578 = arith.constant 2 : i32
      %add3A_579 = arith.addi %mul3A_488, %add3A_578 : i32
      %get3A_580 = arith.constant 1 : i32
      %get3A_581 = arith.index_cast %get3A_580 : i32 to index
      %get3A_582 = arith.index_cast %add3A_579 : i32 to index
      %get3A_583 = arith.constant 16 : index
      %get3A_584 = tpu.vector_load %arg6[%get3A_581, %get3A_582, %get3A_583] {strides = array<i32>} : memref<4x128x128xf32, #tpu.memory_space<vmem>>, vector<16xf32>,
      %mul3A_585 = arith.constant 8.000000e+00 : f32
      %mul3A_586 = vector.broadcast %mul3A_585 : f32 to vector<16xf32>
      %mul3A_587 = arith.mulf %get3A_584, %mul3A_586 : vector<16xf32>
      %add3A_588 = arith.constant 2 : i32
      %add3A_589 = arith.addi %mul3A_488, %add3A_588 : i32
      %get3A_590 = arith.constant 1 : i32
      %get3A_591 = arith.index_cast %get3A_590 : i32 to index
      %get3A_592 = arith.index_cast %add3A_589 : i32 to index
      %get3A_593 = arith.constant 32 : index
      %get3A_594 = tpu.vector_load %arg6[%get3A_591, %get3A_592, %get3A_593] {strides = array<i32>} : memref<4x128x128xf32, #tpu.memory_space<vmem>>, vector<16xf32>,
      %mul3A_595 = arith.constant 8.000000e+00 : f32
      %mul3A_596 = vector.broadcast %mul3A_595 : f32 to vector<16xf32>
      %mul3A_597 = arith.mulf %get3A_594, %mul3A_596 : vector<16xf32>
      %add3A_598 = arith.constant 2 : i32
      %add3A_599 = arith.addi %mul3A_488, %add3A_598 : i32
      %get3A_600 = arith.constant 1 : i32
      %get3A_601 = arith.index_cast %get3A_600 : i32 to index
      %get3A_602 = arith.index_cast %add3A_599 : i32 to index
      %get3A_603 = arith.constant 48 : index
      %get3A_604 = tpu.vector_load %arg6[%get3A_601, %get3A_602, %get3A_603] {strides = array<i32>} : memref<4x128x128xf32, #tpu.memory_space<vmem>>, vector<16xf32>,
      %mul3A_605 = arith.constant 8.000000e+00 : f32
      %mul3A_606 = vector.broadcast %mul3A_605 : f32 to vector<16xf32>
      %mul3A_607 = arith.mulf %get3A_604, %mul3A_606 : vector<16xf32>
      %add3A_608 = arith.constant 3 : i32
      %add3A_609 = arith.addi %mul3A_488, %add3A_608 : i32
      %get3A_610 = arith.constant 1 : i32
      %get3A_611 = arith.index_cast %get3A_610 : i32 to index
      %get3A_612 = arith.index_cast %add3A_609 : i32 to index
      %get3A_613 = arith.constant 0 : index
      %get3A_614 = tpu.vector_load %arg6[%get3A_611, %get3A_612, %get3A_613] {strides = array<i32>} : memref<4x128x128xf32, #tpu.memory_space<vmem>>, vector<16xf32>,
      %mul3A_615 = arith.constant 8.000000e+00 : f32
      %mul3A_616 = vector.broadcast %mul3A_615 : f32 to vector<16xf32>
      %mul3A_617 = arith.mulf %get3A_614, %mul3A_616 : vector<16xf32>
      %add3A_618 = arith.constant 3 : i32
      %add3A_619 = arith.addi %mul3A_488, %add3A_618 : i32
      %get3A_620 = arith.constant 1 : i32
      %get3A_621 = arith.index_cast %get3A_620 : i32 to index
      %get3A_622 = arith.index_cast %add3A_619 : i32 to index
      %get3A_623 = arith.constant 16 : index
      %get3A_624 = tpu.vector_load %arg6[%get3A_621, %get3A_622, %get3A_623] {strides = array<i32>} : memref<4x128x128xf32, #tpu.memory_space<vmem>>, vector<16xf32>,
      %mul3A_625 = arith.constant 8.000000e+00 : f32
      %mul3A_626 = vector.broadcast %mul3A_625 : f32 to vector<16xf32>
      %mul3A_627 = arith.mulf %get3A_624, %mul3A_626 : vector<16xf32>
      %add3A_628 = arith.constant 3 : i32
      %add3A_629 = arith.addi %mul3A_488, %add3A_628 : i32
      %get3A_630 = arith.constant 1 : i32
      %get3A_631 = arith.index_cast %get3A_630 : i32 to index
      %get3A_632 = arith.index_cast %add3A_629 : i32 to index
      %get3A_633 = arith.constant 32 : index
      %get3A_634 = tpu.vector_load %arg6[%get3A_631, %get3A_632, %get3A_633] {strides = array<i32>} : memref<4x128x128xf32, #tpu.memory_space<vmem>>, vector<16xf32>,
      %mul3A_635 = arith.constant 8.000000e+00 : f32
      %mul3A_636 = vector.broadcast %mul3A_635 : f32 to vector<16xf32>
      %mul3A_637 = arith.mulf %get3A_634, %mul3A_636 : vector<16xf32>
      %add3A_638 = arith.constant 3 : i32
      %add3A_639 = arith.addi %mul3A_488, %add3A_638 : i32
      %get3A_640 = arith.constant 1 : i32
      %get3A_641 = arith.index_cast %get3A_640 : i32 to index
      %get3A_642 = arith.index_cast %add3A_639 : i32 to index
      %get3A_643 = arith.constant 48 : index
      %get3A_644 = tpu.vector_load %arg6[%get3A_641, %get3A_642, %get3A_643] {strides = array<i32>} : memref<4x128x128xf32, #tpu.memory_space<vmem>>, vector<16xf32>,
      %mul3A_645 = arith.constant 8.000000e+00 : f32
      %mul3A_646 = vector.broadcast %mul3A_645 : f32 to vector<16xf32>
      %mul3A_647 = arith.mulf %get3A_644, %mul3A_646 : vector<16xf32>
      %add3A_648 = arith.constant 0 : i32
      %add3A_649 = arith.addi %mul3A_488, %add3A_648 : i32
      %swap3A = arith.constant 1 : i32
      %swap3A_650 = arith.index_cast %swap3A : i32 to index
      %swap3A_651 = arith.index_cast %add3A_649 : i32 to index
      %swap3A_652 = arith.constant 0 : index
      %swap3A_653 = tpu.vector_load %arg7[%swap3A_650, %swap3A_651, %swap3A_652] {strides = array<i32>} : memref<2x128x64xf32, #tpu.memory_space<vmem>>, vector<16xf32>,
      tpu.vector_store %arg7[%swap3A_650, %swap3A_651, %swap3A_652], %mul3A_497 {strides = array<i32>} : memref<2x128x64xf32, #tpu.memory_space<vmem>>, vector<16xf32>,
      %add3A_654 = arith.constant 0 : i32
      %add3A_655 = arith.addi %mul3A_488, %add3A_654 : i32
      %swap3A_656 = arith.constant 1 : i32
      %swap3A_657 = arith.index_cast %swap3A_656 : i32 to index
      %swap3A_658 = arith.index_cast %add3A_655 : i32 to index
      %swap3A_659 = arith.constant 16 : index
      %swap3A_660 = tpu.vector_load %arg7[%swap3A_657, %swap3A_658, %swap3A_659] {strides = array<i32>} : memref<2x128x64xf32, #tpu.memory_space<vmem>>, vector<16xf32>,
      tpu.vector_store %arg7[%swap3A_657, %swap3A_658, %swap3A_659], %mul3A_507 {strides = array<i32>} : memref<2x128x64xf32, #tpu.memory_space<vmem>>, vector<16xf32>,
      %add3A_661 = arith.constant 0 : i32
      %add3A_662 = arith.addi %mul3A_488, %add3A_661 : i32
      %swap3A_663 = arith.constant 1 : i32
      %swap3A_664 = arith.index_cast %swap3A_663 : i32 to index
      %swap3A_665 = arith.index_cast %add3A_662 : i32 to index
      %swap3A_666 = arith.constant 32 : index
      %swap3A_667 = tpu.vector_load %arg7[%swap3A_664, %swap3A_665, %swap3A_666] {strides = array<i32>} : memref<2x128x64xf32, #tpu.memory_space<vmem>>, vector<16xf32>,
      tpu.vector_store %arg7[%swap3A_664, %swap3A_665, %swap3A_666], %mul3A_517 {strides = array<i32>} : memref<2x128x64xf32, #tpu.memory_space<vmem>>, vector<16xf32>,
      %add3A_668 = arith.constant 0 : i32
      %add3A_669 = arith.addi %mul3A_488, %add3A_668 : i32
      %swap3A_670 = arith.constant 1 : i32
      %swap3A_671 = arith.index_cast %swap3A_670 : i32 to index
      %swap3A_672 = arith.index_cast %add3A_669 : i32 to index
      %swap3A_673 = arith.constant 48 : index
      %swap3A_674 = tpu.vector_load %arg7[%swap3A_671, %swap3A_672, %swap3A_673] {strides = array<i32>} : memref<2x128x64xf32, #tpu.memory_space<vmem>>, vector<16xf32>,
      tpu.vector_store %arg7[%swap3A_671, %swap3A_672, %swap3A_673], %mul3A_527 {strides = array<i32>} : memref<2x128x64xf32, #tpu.memory_space<vmem>>, vector<16xf32>,
      %add3A_675 = arith.constant 1 : i32
      %add3A_676 = arith.addi %mul3A_488, %add3A_675 : i32
      %swap3A_677 = arith.constant 1 : i32
      %swap3A_678 = arith.index_cast %swap3A_677 : i32 to index
      %swap3A_679 = arith.index_cast %add3A_676 : i32 to index
      %swap3A_680 = arith.constant 0 : index
      %swap3A_681 = tpu.vector_load %arg7[%swap3A_678, %swap3A_679, %swap3A_680] {strides = array<i32>} : memref<2x128x64xf32, #tpu.memory_space<vmem>>, vector<16xf32>,
      tpu.vector_store %arg7[%swap3A_678, %swap3A_679, %swap3A_680], %mul3A_537 {strides = array<i32>} : memref<2x128x64xf32, #tpu.memory_space<vmem>>, vector<16xf32>,
      %add3A_682 = arith.constant 1 : i32
      %add3A_683 = arith.addi %mul3A_488, %add3A_682 : i32
      %swap3A_684 = arith.constant 1 : i32
      %swap3A_685 = arith.index_cast %swap3A_684 : i32 to index
      %swap3A_686 = arith.index_cast %add3A_683 : i32 to index
      %swap3A_687 = arith.constant 16 : index
      %swap3A_688 = tpu.vector_load %arg7[%swap3A_685, %swap3A_686, %swap3A_687] {strides = array<i32>} : memref<2x128x64xf32, #tpu.memory_space<vmem>>, vector<16xf32>,
      tpu.vector_store %arg7[%swap3A_685, %swap3A_686, %swap3A_687], %mul3A_547 {strides = array<i32>} : memref<2x128x64xf32, #tpu.memory_space<vmem>>, vector<16xf32>,
      %add3A_689 = arith.constant 1 : i32
      %add3A_690 = arith.addi %mul3A_488, %add3A_689 : i32
      %swap3A_691 = arith.constant 1 : i32
      %swap3A_692 = arith.index_cast %swap3A_691 : i32 to index
      %swap3A_693 = arith.index_cast %add3A_690 : i32 to index
      %swap3A_694 = arith.constant 32 : index
      %swap3A_695 = tpu.vector_load %arg7[%swap3A_692, %swap3A_693, %swap3A_694] {strides = array<i32>} : memref<2x128x64xf32, #tpu.memory_space<vmem>>, vector<16xf32>,
      tpu.vector_store %arg7[%swap3A_692, %swap3A_693, %swap3A_694], %mul3A_557 {strides = array<i32>} : memref<2x128x64xf32, #tpu.memory_space<vmem>>, vector<16xf32>,
      %add3A_696 = arith.constant 1 : i32
      %add3A_697 = arith.addi %mul3A_488, %add3A_696 : i32
      %swap3A_698 = arith.constant 1 : i32
      %swap3A_699 = arith.index_cast %swap3A_698 : i32 to index
      %swap3A_700 = arith.index_cast %add3A_697 : i32 to index
      %swap3A_701 = arith.constant 48 : index
      %swap3A_702 = tpu.vector_load %arg7[%swap3A_699, %swap3A_700, %swap3A_701] {strides = array<i32>} : memref<2x128x64xf32, #tpu.memory_space<vmem>>, vector<16xf32>,
      tpu.vector_store %arg7[%swap3A_699, %swap3A_700, %swap3A_701], %mul3A_567 {strides = array<i32>} : memref<2x128x64xf32, #tpu.memory_space<vmem>>, vector<16xf32>,
      %add3A_703 = arith.constant 2 : i32
      %add3A_704 = arith.addi %mul3A_488, %add3A_703 : i32
      %swap3A_705 = arith.constant 1 : i32
      %swap3A_706 = arith.index_cast %swap3A_705 : i32 to index
      %swap3A_707 = arith.index_cast %add3A_704 : i32 to index
      %swap3A_708 = arith.constant 0 : index
      %swap3A_709 = tpu.vector_load %arg7[%swap3A_706, %swap3A_707, %swap3A_708] {strides = array<i32>} : memref<2x128x64xf32, #tpu.memory_space<vmem>>, vector<16xf32>,
      tpu.vector_store %arg7[%swap3A_706, %swap3A_707, %swap3A_708], %mul3A_577 {strides = array<i32>} : memref<2x128x64xf32, #tpu.memory_space<vmem>>, vector<16xf32>,
      %add3A_710 = arith.constant 2 : i32
      %add3A_711 = arith.addi %mul3A_488, %add3A_710 : i32
      %swap3A_712 = arith.constant 1 : i32
      %swap3A_713 = arith.index_cast %swap3A_712 : i32 to index
      %swap3A_714 = arith.index_cast %add3A_711 : i32 to index
      %swap3A_715 = arith.constant 16 : index
      %swap3A_716 = tpu.vector_load %arg7[%swap3A_713, %swap3A_714, %swap3A_715] {strides = array<i32>} : memref<2x128x64xf32, #tpu.memory_space<vmem>>, vector<16xf32>,
      tpu.vector_store %arg7[%swap3A_713, %swap3A_714, %swap3A_715], %mul3A_587 {strides = array<i32>} : memref<2x128x64xf32, #tpu.memory_space<vmem>>, vector<16xf32>,
      %add3A_717 = arith.constant 2 : i32
      %add3A_718 = arith.addi %mul3A_488, %add3A_717 : i32
      %swap3A_719 = arith.constant 1 : i32
      %swap3A_720 = arith.index_cast %swap3A_719 : i32 to index
      %swap3A_721 = arith.index_cast %add3A_718 : i32 to index
      %swap3A_722 = arith.constant 32 : index
      %swap3A_723 = tpu.vector_load %arg7[%swap3A_720, %swap3A_721, %swap3A_722] {strides = array<i32>} : memref<2x128x64xf32, #tpu.memory_space<vmem>>, vector<16xf32>,
      tpu.vector_store %arg7[%swap3A_720, %swap3A_721, %swap3A_722], %mul3A_597 {strides = array<i32>} : memref<2x128x64xf32, #tpu.memory_space<vmem>>, vector<16xf32>,
      %add3A_724 = arith.constant 2 : i32
      %add3A_725 = arith.addi %mul3A_488, %add3A_724 : i32
      %swap3A_726 = arith.constant 1 : i32
      %swap3A_727 = arith.index_cast %swap3A_726 : i32 to index
      %swap3A_728 = arith.index_cast %add3A_725 : i32 to index
      %swap3A_729 = arith.constant 48 : index
      %swap3A_730 = tpu.vector_load %arg7[%swap3A_727, %swap3A_728, %swap3A_729] {strides = array<i32>} : memref<2x128x64xf32, #tpu.memory_space<vmem>>, vector<16xf32>,
      tpu.vector_store %arg7[%swap3A_727, %swap3A_728, %swap3A_729], %mul3A_607 {strides = array<i32>} : memref<2x128x64xf32, #tpu.memory_space<vmem>>, vector<16xf32>,
      %add3A_731 = arith.constant 3 : i32
      %add3A_732 = arith.addi %mul3A_488, %add3A_731 : i32
      %swap3A_733 = arith.constant 1 : i32
      %swap3A_734 = arith.index_cast %swap3A_733 : i32 to index
      %swap3A_735 = arith.index_cast %add3A_732 : i32 to index
      %swap3A_736 = arith.constant 0 : index
      %swap3A_737 = tpu.vector_load %arg7[%swap3A_734, %swap3A_735, %swap3A_736] {strides = array<i32>} : memref<2x128x64xf32, #tpu.memory_space<vmem>>, vector<16xf32>,
      tpu.vector_store %arg7[%swap3A_734, %swap3A_735, %swap3A_736], %mul3A_617 {strides = array<i32>} : memref<2x128x64xf32, #tpu.memory_space<vmem>>, vector<16xf32>,
      %add3A_738 = arith.constant 3 : i32
      %add3A_739 = arith.addi %mul3A_488, %add3A_738 : i32
      %swap3A_740 = arith.constant 1 : i32
      %swap3A_741 = arith.index_cast %swap3A_740 : i32 to index
      %swap3A_742 = arith.index_cast %add3A_739 : i32 to index
      %swap3A_743 = arith.constant 16 : index
      %swap3A_744 = tpu.vector_load %arg7[%swap3A_741, %swap3A_742, %swap3A_743] {strides = array<i32>} : memref<2x128x64xf32, #tpu.memory_space<vmem>>, vector<16xf32>,
      tpu.vector_store %arg7[%swap3A_741, %swap3A_742, %swap3A_743], %mul3A_627 {strides = array<i32>} : memref<2x128x64xf32, #tpu.memory_space<vmem>>, vector<16xf32>,
      %add3A_745 = arith.constant 3 : i32
      %add3A_746 = arith.addi %mul3A_488, %add3A_745 : i32
      %swap3A_747 = arith.constant 1 : i32
      %swap3A_748 = arith.index_cast %swap3A_747 : i32 to index
      %swap3A_749 = arith.index_cast %add3A_746 : i32 to index
      %swap3A_750 = arith.constant 32 : index
      %swap3A_751 = tpu.vector_load %arg7[%swap3A_748, %swap3A_749, %swap3A_750] {strides = array<i32>} : memref<2x128x64xf32, #tpu.memory_space<vmem>>, vector<16xf32>,
      tpu.vector_store %arg7[%swap3A_748, %swap3A_749, %swap3A_750], %mul3A_637 {strides = array<i32>} : memref<2x128x64xf32, #tpu.memory_space<vmem>>, vector<16xf32>,
      %add3A_752 = arith.constant 3 : i32
      %add3A_753 = arith.addi %mul3A_488, %add3A_752 : i32
      %swap3A_754 = arith.constant 1 : i32
      %swap3A_755 = arith.index_cast %swap3A_754 : i32 to index
      %swap3A_756 = arith.index_cast %add3A_753 : i32 to index
      %swap3A_757 = arith.constant 48 : index
      %swap3A_758 = tpu.vector_load %arg7[%swap3A_755, %swap3A_756, %swap3A_757] {strides = array<i32>} : memref<2x128x64xf32, #tpu.memory_space<vmem>>, vector<16xf32>,
      tpu.vector_store %arg7[%swap3A_755, %swap3A_756, %swap3A_757], %mul3A_647 {strides = array<i32>} : memref<2x128x64xf32, #tpu.memory_space<vmem>>, vector<16xf32>,
    }
    %scan3A_344 = arith.constant 32 : i32
    %add3A_345 = arith.constant 25216 : i32
    %add3A_346 = arith.addi %mul3A_2, %add3A_345 : i32
    %dma_start3A_347 = arith.constant 1 : i32
    %dma_start3A_348 = arith.constant 0 : i32
    %dma_start3A_349 = arith.constant 0 : i32
    %dma_start3A_350 = tpu.memref_slice %arg7[%dma_start3A_347, %dma_start3A_348, %dma_start3A_349] : memref<2x128x64xf32, #tpu.memory_space<vmem>> -> memref<1x128x64xf32, #tpu.memory_space<vmem>>
    %dma_start3A_351 = tpu.memref_squeeze %dma_start3A_350 : memref<1x128x64xf32, #tpu.memory_space<vmem>> -> memref<128x64xf32, #tpu.memory_space<vmem>>
    %dma_start3A_352 = arith.constant 0 : i32
    %dma_start3A_353 = tpu.memref_slice %arg4[%add3A_346, %dma_start3A_352] : memref<819200x64xf32, #tpu.memory_space<hbm>> -> memref<128x64xf32, #tpu.memory_space<hbm>>
    %dma_start3A_354 = arith.constant 0 : i32
    %dma_start3A_355 = tpu.memref_slice %arg4[%add3A_346, %dma_start3A_354] : memref<819200x64xf32, #tpu.memory_space<hbm>> -> memref<128x64xf32, #tpu.memory_space<hbm>>
    %dma_start3A_356 = arith.constant 0 : i32
    %dma_start3A_357 = arith.constant 0 : i32
    %dma_start3A_358 = tpu.memref_slice %arg7[%dma_start3A_347, %dma_start3A_356, %dma_start3A_357] : memref<2x128x64xf32, #tpu.memory_space<vmem>> -> memref<1x128x64xf32, #tpu.memory_space<vmem>>
    %dma_start3A_359 = tpu.memref_squeeze %dma_start3A_358 : memref<1x128x64xf32, #tpu.memory_space<vmem>> -> memref<128x64xf32, #tpu.memory_space<vmem>>
    tpu.enqueue_dma source(%dma_start3A_359 : memref<128x64xf32, #tpu.memory_space<vmem>>) target(%dma_start3A_355 : memref<128x64xf32, #tpu.memory_space<hbm>>) target_semaphore(%arg13 : memref<!tpu.dma_semaphore, #tpu.memory_space<semaphore_mem>>)
    %dma_wait3A_360 = arith.constant 198 : i32
    %dma_wait3A_361 = arith.constant 2 : i32
    %dma_wait3A_362 = arith.constant 0 : i32
    %dma_wait3A_363 = arith.constant 0 : i32
    %dma_wait3A_364 = tpu.memref_slice %arg6[%dma_wait3A_361, %dma_wait3A_362, %dma_wait3A_363] : memref<4x128x128xf32, #tpu.memory_space<vmem>> -> memref<1x128x128xf32, #tpu.memory_space<vmem>>
    %dma_wait3A_365 = tpu.memref_squeeze %dma_wait3A_364 : memref<1x128x128xf32, #tpu.memory_space<vmem>> -> memref<128x128xf32, #tpu.memory_space<vmem>>
    %dma_wait3A_366 = arith.constant 0 : i32
    %dma_wait3A_367 = tpu.memref_slice %arg5[%dma_wait3A_360, %dma_wait3A_366] : memref<200x128xi32, #tpu.memory_space<vmem>> -> memref<1x128xi32, #tpu.memory_space<vmem>>
    %dma_wait3A_368 = tpu.memref_squeeze %dma_wait3A_367 : memref<1x128xi32, #tpu.memory_space<vmem>> -> memref<128xi32, #tpu.memory_space<vmem>>
    %dma_wait3A_369 = arith.constant 0 : i32
    %dma_wait3A_370 = arith.constant 0 : i32
    %dma_wait3A_371 = tpu.memref_slice %arg3[%dma_wait3A_369, %dma_wait3A_370] : memref<1000000x128xf32, #tpu.memory_space<hbm>> -> memref<1000000x128xf32, #tpu.memory_space<hbm>>
    tpu.wait_indirect_dma semaphore(%arg10 : memref<!tpu.dma_semaphore, #tpu.memory_space<semaphore_mem>>) src(%dma_wait3A_371 : memref<1000000x128xf32, #tpu.memory_space<hbm>>) dst(%dma_wait3A_365 : memref<128x128xf32, #tpu.memory_space<vmem>>)
    %add3A_372 = arith.constant 25088 : i32
    %add3A_373 = arith.addi %mul3A_2, %add3A_372 : i32
    %dma_wait3A_374 = arith.constant 0 : i32
    %dma_wait3A_375 = arith.constant 0 : i32
    %dma_wait3A_376 = arith.constant 0 : i32
    %dma_wait3A_377 = tpu.memref_slice %arg7[%dma_wait3A_374, %dma_wait3A_375, %dma_wait3A_376] : memref<2x128x64xf32, #tpu.memory_space<vmem>> -> memref<1x128x64xf32, #tpu.memory_space<vmem>>
    %dma_wait3A_378 = tpu.memref_squeeze %dma_wait3A_377 : memref<1x128x64xf32, #tpu.memory_space<vmem>> -> memref<128x64xf32, #tpu.memory_space<vmem>>
    %dma_wait3A_379 = arith.constant 0 : i32
    %dma_wait3A_380 = tpu.memref_slice %arg4[%add3A_373, %dma_wait3A_379] : memref<819200x64xf32, #tpu.memory_space<hbm>> -> memref<128x64xf32, #tpu.memory_space<hbm>>
    %dma_wait3A_381 = arith.constant 0 : i32
    %dma_wait3A_382 = tpu.memref_slice %arg4[%add3A_373, %dma_wait3A_381] : memref<819200x64xf32, #tpu.memory_space<hbm>> -> memref<128x64xf32, #tpu.memory_space<hbm>>
    %dma_wait3A_383 = arith.constant 0 : i32
    %dma_wait3A_384 = arith.constant 0 : i32
    %dma_wait3A_385 = tpu.memref_slice %arg7[%dma_wait3A_374, %dma_wait3A_383, %dma_wait3A_384] : memref<2x128x64xf32, #tpu.memory_space<vmem>> -> memref<1x128x64xf32, #tpu.memory_space<vmem>>
    %dma_wait3A_386 = tpu.memref_squeeze %dma_wait3A_385 : memref<1x128x64xf32, #tpu.memory_space<vmem>> -> memref<128x64xf32, #tpu.memory_space<vmem>>
    tpu.wait_dma2 semaphore(%arg12 : memref<!tpu.dma_semaphore, #tpu.memory_space<semaphore_mem>>) src(%dma_wait3A_386 : memref<128x64xf32, #tpu.memory_space<vmem>>) dst(%dma_wait3A_382 : memref<128x64xf32, #tpu.memory_space<hbm>>)
    %scan3A_387 = arith.constant 0 : i32
    %scan3A_388 = arith.constant 0 : i32
    %scan3A_389 = arith.constant 32 : i32
    %scan3A_390 = arith.addi %scan3A_388, %scan3A_389 : i32
    %scan3A_391 = arith.constant 1 : i32
    scf.for %scan3A_486 = %scan3A_388 to %scan3A_390 step %scan3A_391  : i32 {
      %mul3A_487 = arith.constant 4 : i32
      %mul3A_488 = arith.muli %scan3A_486, %mul3A_487 : i32
      %add3A_489 = arith.constant 0 : i32
      %add3A_490 = arith.addi %mul3A_488, %add3A_489 : i32
      %get3A = arith.constant 2 : i32
      %get3A_491 = arith.index_cast %get3A : i32 to index
      %get3A_492 = arith.index_cast %add3A_490 : i32 to index
      %get3A_493 = arith.constant 0 : index
      %get3A_494 = tpu.vector_load %arg6[%get3A_491, %get3A_492, %get3A_493] {strides = array<i32>} : memref<4x128x128xf32, #tpu.memory_space<vmem>>, vector<16xf32>,
      %mul3A_495 = arith.constant 8.000000e+00 : f32
      %mul3A_496 = vector.broadcast %mul3A_495 : f32 to vector<16xf32>
      %mul3A_497 = arith.mulf %get3A_494, %mul3A_496 : vector<16xf32>
      %add3A_498 = arith.constant 0 : i32
      %add3A_499 = arith.addi %mul3A_488, %add3A_498 : i32
      %get3A_500 = arith.constant 2 : i32
      %get3A_501 = arith.index_cast %get3A_500 : i32 to index
      %get3A_502 = arith.index_cast %add3A_499 : i32 to index
      %get3A_503 = arith.constant 16 : index
      %get3A_504 = tpu.vector_load %arg6[%get3A_501, %get3A_502, %get3A_503] {strides = array<i32>} : memref<4x128x128xf32, #tpu.memory_space<vmem>>, vector<16xf32>,
      %mul3A_505 = arith.constant 8.000000e+00 : f32
      %mul3A_506 = vector.broadcast %mul3A_505 : f32 to vector<16xf32>
      %mul3A_507 = arith.mulf %get3A_504, %mul3A_506 : vector<16xf32>
      %add3A_508 = arith.constant 0 : i32
      %add3A_509 = arith.addi %mul3A_488, %add3A_508 : i32
      %get3A_510 = arith.constant 2 : i32
      %get3A_511 = arith.index_cast %get3A_510 : i32 to index
      %get3A_512 = arith.index_cast %add3A_509 : i32 to index
      %get3A_513 = arith.constant 32 : index
      %get3A_514 = tpu.vector_load %arg6[%get3A_511, %get3A_512, %get3A_513] {strides = array<i32>} : memref<4x128x128xf32, #tpu.memory_space<vmem>>, vector<16xf32>,
      %mul3A_515 = arith.constant 8.000000e+00 : f32
      %mul3A_516 = vector.broadcast %mul3A_515 : f32 to vector<16xf32>
      %mul3A_517 = arith.mulf %get3A_514, %mul3A_516 : vector<16xf32>
      %add3A_518 = arith.constant 0 : i32
      %add3A_519 = arith.addi %mul3A_488, %add3A_518 : i32
      %get3A_520 = arith.constant 2 : i32
      %get3A_521 = arith.index_cast %get3A_520 : i32 to index
      %get3A_522 = arith.index_cast %add3A_519 : i32 to index
      %get3A_523 = arith.constant 48 : index
      %get3A_524 = tpu.vector_load %arg6[%get3A_521, %get3A_522, %get3A_523] {strides = array<i32>} : memref<4x128x128xf32, #tpu.memory_space<vmem>>, vector<16xf32>,
      %mul3A_525 = arith.constant 8.000000e+00 : f32
      %mul3A_526 = vector.broadcast %mul3A_525 : f32 to vector<16xf32>
      %mul3A_527 = arith.mulf %get3A_524, %mul3A_526 : vector<16xf32>
      %add3A_528 = arith.constant 1 : i32
      %add3A_529 = arith.addi %mul3A_488, %add3A_528 : i32
      %get3A_530 = arith.constant 2 : i32
      %get3A_531 = arith.index_cast %get3A_530 : i32 to index
      %get3A_532 = arith.index_cast %add3A_529 : i32 to index
      %get3A_533 = arith.constant 0 : index
      %get3A_534 = tpu.vector_load %arg6[%get3A_531, %get3A_532, %get3A_533] {strides = array<i32>} : memref<4x128x128xf32, #tpu.memory_space<vmem>>, vector<16xf32>,
      %mul3A_535 = arith.constant 8.000000e+00 : f32
      %mul3A_536 = vector.broadcast %mul3A_535 : f32 to vector<16xf32>
      %mul3A_537 = arith.mulf %get3A_534, %mul3A_536 : vector<16xf32>
      %add3A_538 = arith.constant 1 : i32
      %add3A_539 = arith.addi %mul3A_488, %add3A_538 : i32
      %get3A_540 = arith.constant 2 : i32
      %get3A_541 = arith.index_cast %get3A_540 : i32 to index
      %get3A_542 = arith.index_cast %add3A_539 : i32 to index
      %get3A_543 = arith.constant 16 : index
      %get3A_544 = tpu.vector_load %arg6[%get3A_541, %get3A_542, %get3A_543] {strides = array<i32>} : memref<4x128x128xf32, #tpu.memory_space<vmem>>, vector<16xf32>,
      %mul3A_545 = arith.constant 8.000000e+00 : f32
      %mul3A_546 = vector.broadcast %mul3A_545 : f32 to vector<16xf32>
      %mul3A_547 = arith.mulf %get3A_544, %mul3A_546 : vector<16xf32>
      %add3A_548 = arith.constant 1 : i32
      %add3A_549 = arith.addi %mul3A_488, %add3A_548 : i32
      %get3A_550 = arith.constant 2 : i32
      %get3A_551 = arith.index_cast %get3A_550 : i32 to index
      %get3A_552 = arith.index_cast %add3A_549 : i32 to index
      %get3A_553 = arith.constant 32 : index
      %get3A_554 = tpu.vector_load %arg6[%get3A_551, %get3A_552, %get3A_553] {strides = array<i32>} : memref<4x128x128xf32, #tpu.memory_space<vmem>>, vector<16xf32>,
      %mul3A_555 = arith.constant 8.000000e+00 : f32
      %mul3A_556 = vector.broadcast %mul3A_555 : f32 to vector<16xf32>
      %mul3A_557 = arith.mulf %get3A_554, %mul3A_556 : vector<16xf32>
      %add3A_558 = arith.constant 1 : i32
      %add3A_559 = arith.addi %mul3A_488, %add3A_558 : i32
      %get3A_560 = arith.constant 2 : i32
      %get3A_561 = arith.index_cast %get3A_560 : i32 to index
      %get3A_562 = arith.index_cast %add3A_559 : i32 to index
      %get3A_563 = arith.constant 48 : index
      %get3A_564 = tpu.vector_load %arg6[%get3A_561, %get3A_562, %get3A_563] {strides = array<i32>} : memref<4x128x128xf32, #tpu.memory_space<vmem>>, vector<16xf32>,
      %mul3A_565 = arith.constant 8.000000e+00 : f32
      %mul3A_566 = vector.broadcast %mul3A_565 : f32 to vector<16xf32>
      %mul3A_567 = arith.mulf %get3A_564, %mul3A_566 : vector<16xf32>
      %add3A_568 = arith.constant 2 : i32
      %add3A_569 = arith.addi %mul3A_488, %add3A_568 : i32
      %get3A_570 = arith.constant 2 : i32
      %get3A_571 = arith.index_cast %get3A_570 : i32 to index
      %get3A_572 = arith.index_cast %add3A_569 : i32 to index
      %get3A_573 = arith.constant 0 : index
      %get3A_574 = tpu.vector_load %arg6[%get3A_571, %get3A_572, %get3A_573] {strides = array<i32>} : memref<4x128x128xf32, #tpu.memory_space<vmem>>, vector<16xf32>,
      %mul3A_575 = arith.constant 8.000000e+00 : f32
      %mul3A_576 = vector.broadcast %mul3A_575 : f32 to vector<16xf32>
      %mul3A_577 = arith.mulf %get3A_574, %mul3A_576 : vector<16xf32>
      %add3A_578 = arith.constant 2 : i32
      %add3A_579 = arith.addi %mul3A_488, %add3A_578 : i32
      %get3A_580 = arith.constant 2 : i32
      %get3A_581 = arith.index_cast %get3A_580 : i32 to index
      %get3A_582 = arith.index_cast %add3A_579 : i32 to index
      %get3A_583 = arith.constant 16 : index
      %get3A_584 = tpu.vector_load %arg6[%get3A_581, %get3A_582, %get3A_583] {strides = array<i32>} : memref<4x128x128xf32, #tpu.memory_space<vmem>>, vector<16xf32>,
      %mul3A_585 = arith.constant 8.000000e+00 : f32
      %mul3A_586 = vector.broadcast %mul3A_585 : f32 to vector<16xf32>
      %mul3A_587 = arith.mulf %get3A_584, %mul3A_586 : vector<16xf32>
      %add3A_588 = arith.constant 2 : i32
      %add3A_589 = arith.addi %mul3A_488, %add3A_588 : i32
      %get3A_590 = arith.constant 2 : i32
      %get3A_591 = arith.index_cast %get3A_590 : i32 to index
      %get3A_592 = arith.index_cast %add3A_589 : i32 to index
      %get3A_593 = arith.constant 32 : index
      %get3A_594 = tpu.vector_load %arg6[%get3A_591, %get3A_592, %get3A_593] {strides = array<i32>} : memref<4x128x128xf32, #tpu.memory_space<vmem>>, vector<16xf32>,
      %mul3A_595 = arith.constant 8.000000e+00 : f32
      %mul3A_596 = vector.broadcast %mul3A_595 : f32 to vector<16xf32>
      %mul3A_597 = arith.mulf %get3A_594, %mul3A_596 : vector<16xf32>
      %add3A_598 = arith.constant 2 : i32
      %add3A_599 = arith.addi %mul3A_488, %add3A_598 : i32
      %get3A_600 = arith.constant 2 : i32
      %get3A_601 = arith.index_cast %get3A_600 : i32 to index
      %get3A_602 = arith.index_cast %add3A_599 : i32 to index
      %get3A_603 = arith.constant 48 : index
      %get3A_604 = tpu.vector_load %arg6[%get3A_601, %get3A_602, %get3A_603] {strides = array<i32>} : memref<4x128x128xf32, #tpu.memory_space<vmem>>, vector<16xf32>,
      %mul3A_605 = arith.constant 8.000000e+00 : f32
      %mul3A_606 = vector.broadcast %mul3A_605 : f32 to vector<16xf32>
      %mul3A_607 = arith.mulf %get3A_604, %mul3A_606 : vector<16xf32>
      %add3A_608 = arith.constant 3 : i32
      %add3A_609 = arith.addi %mul3A_488, %add3A_608 : i32
      %get3A_610 = arith.constant 2 : i32
      %get3A_611 = arith.index_cast %get3A_610 : i32 to index
      %get3A_612 = arith.index_cast %add3A_609 : i32 to index
      %get3A_613 = arith.constant 0 : index
      %get3A_614 = tpu.vector_load %arg6[%get3A_611, %get3A_612, %get3A_613] {strides = array<i32>} : memref<4x128x128xf32, #tpu.memory_space<vmem>>, vector<16xf32>,
      %mul3A_615 = arith.constant 8.000000e+00 : f32
      %mul3A_616 = vector.broadcast %mul3A_615 : f32 to vector<16xf32>
      %mul3A_617 = arith.mulf %get3A_614, %mul3A_616 : vector<16xf32>
      %add3A_618 = arith.constant 3 : i32
      %add3A_619 = arith.addi %mul3A_488, %add3A_618 : i32
      %get3A_620 = arith.constant 2 : i32
      %get3A_621 = arith.index_cast %get3A_620 : i32 to index
      %get3A_622 = arith.index_cast %add3A_619 : i32 to index
      %get3A_623 = arith.constant 16 : index
      %get3A_624 = tpu.vector_load %arg6[%get3A_621, %get3A_622, %get3A_623] {strides = array<i32>} : memref<4x128x128xf32, #tpu.memory_space<vmem>>, vector<16xf32>,
      %mul3A_625 = arith.constant 8.000000e+00 : f32
      %mul3A_626 = vector.broadcast %mul3A_625 : f32 to vector<16xf32>
      %mul3A_627 = arith.mulf %get3A_624, %mul3A_626 : vector<16xf32>
      %add3A_628 = arith.constant 3 : i32
      %add3A_629 = arith.addi %mul3A_488, %add3A_628 : i32
      %get3A_630 = arith.constant 2 : i32
      %get3A_631 = arith.index_cast %get3A_630 : i32 to index
      %get3A_632 = arith.index_cast %add3A_629 : i32 to index
      %get3A_633 = arith.constant 32 : index
      %get3A_634 = tpu.vector_load %arg6[%get3A_631, %get3A_632, %get3A_633] {strides = array<i32>} : memref<4x128x128xf32, #tpu.memory_space<vmem>>, vector<16xf32>,
      %mul3A_635 = arith.constant 8.000000e+00 : f32
      %mul3A_636 = vector.broadcast %mul3A_635 : f32 to vector<16xf32>
      %mul3A_637 = arith.mulf %get3A_634, %mul3A_636 : vector<16xf32>
      %add3A_638 = arith.constant 3 : i32
      %add3A_639 = arith.addi %mul3A_488, %add3A_638 : i32
      %get3A_640 = arith.constant 2 : i32
      %get3A_641 = arith.index_cast %get3A_640 : i32 to index
      %get3A_642 = arith.index_cast %add3A_639 : i32 to index
      %get3A_643 = arith.constant 48 : index
      %get3A_644 = tpu.vector_load %arg6[%get3A_641, %get3A_642, %get3A_643] {strides = array<i32>} : memref<4x128x128xf32, #tpu.memory_space<vmem>>, vector<16xf32>,
      %mul3A_645 = arith.constant 8.000000e+00 : f32
      %mul3A_646 = vector.broadcast %mul3A_645 : f32 to vector<16xf32>
      %mul3A_647 = arith.mulf %get3A_644, %mul3A_646 : vector<16xf32>
      %add3A_648 = arith.constant 0 : i32
      %add3A_649 = arith.addi %mul3A_488, %add3A_648 : i32
      %swap3A = arith.constant 0 : i32
      %swap3A_650 = arith.index_cast %swap3A : i32 to index
      %swap3A_651 = arith.index_cast %add3A_649 : i32 to index
      %swap3A_652 = arith.constant 0 : index
      %swap3A_653 = tpu.vector_load %arg7[%swap3A_650, %swap3A_651, %swap3A_652] {strides = array<i32>} : memref<2x128x64xf32, #tpu.memory_space<vmem>>, vector<16xf32>,
      tpu.vector_store %arg7[%swap3A_650, %swap3A_651, %swap3A_652], %mul3A_497 {strides = array<i32>} : memref<2x128x64xf32, #tpu.memory_space<vmem>>, vector<16xf32>,
      %add3A_654 = arith.constant 0 : i32
      %add3A_655 = arith.addi %mul3A_488, %add3A_654 : i32
      %swap3A_656 = arith.constant 0 : i32
      %swap3A_657 = arith.index_cast %swap3A_656 : i32 to index
      %swap3A_658 = arith.index_cast %add3A_655 : i32 to index
      %swap3A_659 = arith.constant 16 : index
      %swap3A_660 = tpu.vector_load %arg7[%swap3A_657, %swap3A_658, %swap3A_659] {strides = array<i32>} : memref<2x128x64xf32, #tpu.memory_space<vmem>>, vector<16xf32>,
      tpu.vector_store %arg7[%swap3A_657, %swap3A_658, %swap3A_659], %mul3A_507 {strides = array<i32>} : memref<2x128x64xf32, #tpu.memory_space<vmem>>, vector<16xf32>,
      %add3A_661 = arith.constant 0 : i32
      %add3A_662 = arith.addi %mul3A_488, %add3A_661 : i32
      %swap3A_663 = arith.constant 0 : i32
      %swap3A_664 = arith.index_cast %swap3A_663 : i32 to index
      %swap3A_665 = arith.index_cast %add3A_662 : i32 to index
      %swap3A_666 = arith.constant 32 : index
      %swap3A_667 = tpu.vector_load %arg7[%swap3A_664, %swap3A_665, %swap3A_666] {strides = array<i32>} : memref<2x128x64xf32, #tpu.memory_space<vmem>>, vector<16xf32>,
      tpu.vector_store %arg7[%swap3A_664, %swap3A_665, %swap3A_666], %mul3A_517 {strides = array<i32>} : memref<2x128x64xf32, #tpu.memory_space<vmem>>, vector<16xf32>,
      %add3A_668 = arith.constant 0 : i32
      %add3A_669 = arith.addi %mul3A_488, %add3A_668 : i32
      %swap3A_670 = arith.constant 0 : i32
      %swap3A_671 = arith.index_cast %swap3A_670 : i32 to index
      %swap3A_672 = arith.index_cast %add3A_669 : i32 to index
      %swap3A_673 = arith.constant 48 : index
      %swap3A_674 = tpu.vector_load %arg7[%swap3A_671, %swap3A_672, %swap3A_673] {strides = array<i32>} : memref<2x128x64xf32, #tpu.memory_space<vmem>>, vector<16xf32>,
      tpu.vector_store %arg7[%swap3A_671, %swap3A_672, %swap3A_673], %mul3A_527 {strides = array<i32>} : memref<2x128x64xf32, #tpu.memory_space<vmem>>, vector<16xf32>,
      %add3A_675 = arith.constant 1 : i32
      %add3A_676 = arith.addi %mul3A_488, %add3A_675 : i32
      %swap3A_677 = arith.constant 0 : i32
      %swap3A_678 = arith.index_cast %swap3A_677 : i32 to index
      %swap3A_679 = arith.index_cast %add3A_676 : i32 to index
      %swap3A_680 = arith.constant 0 : index
      %swap3A_681 = tpu.vector_load %arg7[%swap3A_678, %swap3A_679, %swap3A_680] {strides = array<i32>} : memref<2x128x64xf32, #tpu.memory_space<vmem>>, vector<16xf32>,
      tpu.vector_store %arg7[%swap3A_678, %swap3A_679, %swap3A_680], %mul3A_537 {strides = array<i32>} : memref<2x128x64xf32, #tpu.memory_space<vmem>>, vector<16xf32>,
      %add3A_682 = arith.constant 1 : i32
      %add3A_683 = arith.addi %mul3A_488, %add3A_682 : i32
      %swap3A_684 = arith.constant 0 : i32
      %swap3A_685 = arith.index_cast %swap3A_684 : i32 to index
      %swap3A_686 = arith.index_cast %add3A_683 : i32 to index
      %swap3A_687 = arith.constant 16 : index
      %swap3A_688 = tpu.vector_load %arg7[%swap3A_685, %swap3A_686, %swap3A_687] {strides = array<i32>} : memref<2x128x64xf32, #tpu.memory_space<vmem>>, vector<16xf32>,
      tpu.vector_store %arg7[%swap3A_685, %swap3A_686, %swap3A_687], %mul3A_547 {strides = array<i32>} : memref<2x128x64xf32, #tpu.memory_space<vmem>>, vector<16xf32>,
      %add3A_689 = arith.constant 1 : i32
      %add3A_690 = arith.addi %mul3A_488, %add3A_689 : i32
      %swap3A_691 = arith.constant 0 : i32
      %swap3A_692 = arith.index_cast %swap3A_691 : i32 to index
      %swap3A_693 = arith.index_cast %add3A_690 : i32 to index
      %swap3A_694 = arith.constant 32 : index
      %swap3A_695 = tpu.vector_load %arg7[%swap3A_692, %swap3A_693, %swap3A_694] {strides = array<i32>} : memref<2x128x64xf32, #tpu.memory_space<vmem>>, vector<16xf32>,
      tpu.vector_store %arg7[%swap3A_692, %swap3A_693, %swap3A_694], %mul3A_557 {strides = array<i32>} : memref<2x128x64xf32, #tpu.memory_space<vmem>>, vector<16xf32>,
      %add3A_696 = arith.constant 1 : i32
      %add3A_697 = arith.addi %mul3A_488, %add3A_696 : i32
      %swap3A_698 = arith.constant 0 : i32
      %swap3A_699 = arith.index_cast %swap3A_698 : i32 to index
      %swap3A_700 = arith.index_cast %add3A_697 : i32 to index
      %swap3A_701 = arith.constant 48 : index
      %swap3A_702 = tpu.vector_load %arg7[%swap3A_699, %swap3A_700, %swap3A_701] {strides = array<i32>} : memref<2x128x64xf32, #tpu.memory_space<vmem>>, vector<16xf32>,
      tpu.vector_store %arg7[%swap3A_699, %swap3A_700, %swap3A_701], %mul3A_567 {strides = array<i32>} : memref<2x128x64xf32, #tpu.memory_space<vmem>>, vector<16xf32>,
      %add3A_703 = arith.constant 2 : i32
      %add3A_704 = arith.addi %mul3A_488, %add3A_703 : i32
      %swap3A_705 = arith.constant 0 : i32
      %swap3A_706 = arith.index_cast %swap3A_705 : i32 to index
      %swap3A_707 = arith.index_cast %add3A_704 : i32 to index
      %swap3A_708 = arith.constant 0 : index
      %swap3A_709 = tpu.vector_load %arg7[%swap3A_706, %swap3A_707, %swap3A_708] {strides = array<i32>} : memref<2x128x64xf32, #tpu.memory_space<vmem>>, vector<16xf32>,
      tpu.vector_store %arg7[%swap3A_706, %swap3A_707, %swap3A_708], %mul3A_577 {strides = array<i32>} : memref<2x128x64xf32, #tpu.memory_space<vmem>>, vector<16xf32>,
      %add3A_710 = arith.constant 2 : i32
      %add3A_711 = arith.addi %mul3A_488, %add3A_710 : i32
      %swap3A_712 = arith.constant 0 : i32
      %swap3A_713 = arith.index_cast %swap3A_712 : i32 to index
      %swap3A_714 = arith.index_cast %add3A_711 : i32 to index
      %swap3A_715 = arith.constant 16 : index
      %swap3A_716 = tpu.vector_load %arg7[%swap3A_713, %swap3A_714, %swap3A_715] {strides = array<i32>} : memref<2x128x64xf32, #tpu.memory_space<vmem>>, vector<16xf32>,
      tpu.vector_store %arg7[%swap3A_713, %swap3A_714, %swap3A_715], %mul3A_587 {strides = array<i32>} : memref<2x128x64xf32, #tpu.memory_space<vmem>>, vector<16xf32>,
      %add3A_717 = arith.constant 2 : i32
      %add3A_718 = arith.addi %mul3A_488, %add3A_717 : i32
      %swap3A_719 = arith.constant 0 : i32
      %swap3A_720 = arith.index_cast %swap3A_719 : i32 to index
      %swap3A_721 = arith.index_cast %add3A_718 : i32 to index
      %swap3A_722 = arith.constant 32 : index
      %swap3A_723 = tpu.vector_load %arg7[%swap3A_720, %swap3A_721, %swap3A_722] {strides = array<i32>} : memref<2x128x64xf32, #tpu.memory_space<vmem>>, vector<16xf32>,
      tpu.vector_store %arg7[%swap3A_720, %swap3A_721, %swap3A_722], %mul3A_597 {strides = array<i32>} : memref<2x128x64xf32, #tpu.memory_space<vmem>>, vector<16xf32>,
      %add3A_724 = arith.constant 2 : i32
      %add3A_725 = arith.addi %mul3A_488, %add3A_724 : i32
      %swap3A_726 = arith.constant 0 : i32
      %swap3A_727 = arith.index_cast %swap3A_726 : i32 to index
      %swap3A_728 = arith.index_cast %add3A_725 : i32 to index
      %swap3A_729 = arith.constant 48 : index
      %swap3A_730 = tpu.vector_load %arg7[%swap3A_727, %swap3A_728, %swap3A_729] {strides = array<i32>} : memref<2x128x64xf32, #tpu.memory_space<vmem>>, vector<16xf32>,
      tpu.vector_store %arg7[%swap3A_727, %swap3A_728, %swap3A_729], %mul3A_607 {strides = array<i32>} : memref<2x128x64xf32, #tpu.memory_space<vmem>>, vector<16xf32>,
      %add3A_731 = arith.constant 3 : i32
      %add3A_732 = arith.addi %mul3A_488, %add3A_731 : i32
      %swap3A_733 = arith.constant 0 : i32
      %swap3A_734 = arith.index_cast %swap3A_733 : i32 to index
      %swap3A_735 = arith.index_cast %add3A_732 : i32 to index
      %swap3A_736 = arith.constant 0 : index
      %swap3A_737 = tpu.vector_load %arg7[%swap3A_734, %swap3A_735, %swap3A_736] {strides = array<i32>} : memref<2x128x64xf32, #tpu.memory_space<vmem>>, vector<16xf32>,
      tpu.vector_store %arg7[%swap3A_734, %swap3A_735, %swap3A_736], %mul3A_617 {strides = array<i32>} : memref<2x128x64xf32, #tpu.memory_space<vmem>>, vector<16xf32>,
      %add3A_738 = arith.constant 3 : i32
      %add3A_739 = arith.addi %mul3A_488, %add3A_738 : i32
      %swap3A_740 = arith.constant 0 : i32
      %swap3A_741 = arith.index_cast %swap3A_740 : i32 to index
      %swap3A_742 = arith.index_cast %add3A_739 : i32 to index
      %swap3A_743 = arith.constant 16 : index
      %swap3A_744 = tpu.vector_load %arg7[%swap3A_741, %swap3A_742, %swap3A_743] {strides = array<i32>} : memref<2x128x64xf32, #tpu.memory_space<vmem>>, vector<16xf32>,
      tpu.vector_store %arg7[%swap3A_741, %swap3A_742, %swap3A_743], %mul3A_627 {strides = array<i32>} : memref<2x128x64xf32, #tpu.memory_space<vmem>>, vector<16xf32>,
      %add3A_745 = arith.constant 3 : i32
      %add3A_746 = arith.addi %mul3A_488, %add3A_745 : i32
      %swap3A_747 = arith.constant 0 : i32
      %swap3A_748 = arith.index_cast %swap3A_747 : i32 to index
      %swap3A_749 = arith.index_cast %add3A_746 : i32 to index
      %swap3A_750 = arith.constant 32 : index
      %swap3A_751 = tpu.vector_load %arg7[%swap3A_748, %swap3A_749, %swap3A_750] {strides = array<i32>} : memref<2x128x64xf32, #tpu.memory_space<vmem>>, vector<16xf32>,
      tpu.vector_store %arg7[%swap3A_748, %swap3A_749, %swap3A_750], %mul3A_637 {strides = array<i32>} : memref<2x128x64xf32, #tpu.memory_space<vmem>>, vector<16xf32>,
      %add3A_752 = arith.constant 3 : i32
      %add3A_753 = arith.addi %mul3A_488, %add3A_752 : i32
      %swap3A_754 = arith.constant 0 : i32
      %swap3A_755 = arith.index_cast %swap3A_754 : i32 to index
      %swap3A_756 = arith.index_cast %add3A_753 : i32 to index
      %swap3A_757 = arith.constant 48 : index
      %swap3A_758 = tpu.vector_load %arg7[%swap3A_755, %swap3A_756, %swap3A_757] {strides = array<i32>} : memref<2x128x64xf32, #tpu.memory_space<vmem>>, vector<16xf32>,
      tpu.vector_store %arg7[%swap3A_755, %swap3A_756, %swap3A_757], %mul3A_647 {strides = array<i32>} : memref<2x128x64xf32, #tpu.memory_space<vmem>>, vector<16xf32>,
    }
    %scan3A_392 = arith.constant 32 : i32
    %add3A_393 = arith.constant 25344 : i32
    %add3A_394 = arith.addi %mul3A_2, %add3A_393 : i32
    %dma_start3A_395 = arith.constant 0 : i32
    %dma_start3A_396 = arith.constant 0 : i32
    %dma_start3A_397 = arith.constant 0 : i32
    %dma_start3A_398 = tpu.memref_slice %arg7[%dma_start3A_395, %dma_start3A_396, %dma_start3A_397] : memref<2x128x64xf32, #tpu.memory_space<vmem>> -> memref<1x128x64xf32, #tpu.memory_space<vmem>>
    %dma_start3A_399 = tpu.memref_squeeze %dma_start3A_398 : memref<1x128x64xf32, #tpu.memory_space<vmem>> -> memref<128x64xf32, #tpu.memory_space<vmem>>
    %dma_start3A_400 = arith.constant 0 : i32
    %dma_start3A_401 = tpu.memref_slice %arg4[%add3A_394, %dma_start3A_400] : memref<819200x64xf32, #tpu.memory_space<hbm>> -> memref<128x64xf32, #tpu.memory_space<hbm>>
    %dma_start3A_402 = arith.constant 0 : i32
    %dma_start3A_403 = tpu.memref_slice %arg4[%add3A_394, %dma_start3A_402] : memref<819200x64xf32, #tpu.memory_space<hbm>> -> memref<128x64xf32, #tpu.memory_space<hbm>>
    %dma_start3A_404 = arith.constant 0 : i32
    %dma_start3A_405 = arith.constant 0 : i32
    %dma_start3A_406 = tpu.memref_slice %arg7[%dma_start3A_395, %dma_start3A_404, %dma_start3A_405] : memref<2x128x64xf32, #tpu.memory_space<vmem>> -> memref<1x128x64xf32, #tpu.memory_space<vmem>>
    %dma_start3A_407 = tpu.memref_squeeze %dma_start3A_406 : memref<1x128x64xf32, #tpu.memory_space<vmem>> -> memref<128x64xf32, #tpu.memory_space<vmem>>
    tpu.enqueue_dma source(%dma_start3A_407 : memref<128x64xf32, #tpu.memory_space<vmem>>) target(%dma_start3A_403 : memref<128x64xf32, #tpu.memory_space<hbm>>) target_semaphore(%arg12 : memref<!tpu.dma_semaphore, #tpu.memory_space<semaphore_mem>>)
    %dma_wait3A_408 = arith.constant 199 : i32
    %dma_wait3A_409 = arith.constant 3 : i32
    %dma_wait3A_410 = arith.constant 0 : i32
    %dma_wait3A_411 = arith.constant 0 : i32
    %dma_wait3A_412 = tpu.memref_slice %arg6[%dma_wait3A_409, %dma_wait3A_410, %dma_wait3A_411] : memref<4x128x128xf32, #tpu.memory_space<vmem>> -> memref<1x128x128xf32, #tpu.memory_space<vmem>>
    %dma_wait3A_413 = tpu.memref_squeeze %dma_wait3A_412 : memref<1x128x128xf32, #tpu.memory_space<vmem>> -> memref<128x128xf32, #tpu.memory_space<vmem>>
    %dma_wait3A_414 = arith.constant 0 : i32
    %dma_wait3A_415 = tpu.memref_slice %arg5[%dma_wait3A_408, %dma_wait3A_414] : memref<200x128xi32, #tpu.memory_space<vmem>> -> memref<1x128xi32, #tpu.memory_space<vmem>>
    %dma_wait3A_416 = tpu.memref_squeeze %dma_wait3A_415 : memref<1x128xi32, #tpu.memory_space<vmem>> -> memref<128xi32, #tpu.memory_space<vmem>>
    %dma_wait3A_417 = arith.constant 0 : i32
    %dma_wait3A_418 = arith.constant 0 : i32
    %dma_wait3A_419 = tpu.memref_slice %arg3[%dma_wait3A_417, %dma_wait3A_418] : memref<1000000x128xf32, #tpu.memory_space<hbm>> -> memref<1000000x128xf32, #tpu.memory_space<hbm>>
    tpu.wait_indirect_dma semaphore(%arg11 : memref<!tpu.dma_semaphore, #tpu.memory_space<semaphore_mem>>) src(%dma_wait3A_419 : memref<1000000x128xf32, #tpu.memory_space<hbm>>) dst(%dma_wait3A_413 : memref<128x128xf32, #tpu.memory_space<vmem>>)
    %add3A_420 = arith.constant 25216 : i32
    %add3A_421 = arith.addi %mul3A_2, %add3A_420 : i32
    %dma_wait3A_422 = arith.constant 1 : i32
    %dma_wait3A_423 = arith.constant 0 : i32
    %dma_wait3A_424 = arith.constant 0 : i32
    %dma_wait3A_425 = tpu.memref_slice %arg7[%dma_wait3A_422, %dma_wait3A_423, %dma_wait3A_424] : memref<2x128x64xf32, #tpu.memory_space<vmem>> -> memref<1x128x64xf32, #tpu.memory_space<vmem>>
    %dma_wait3A_426 = tpu.memref_squeeze %dma_wait3A_425 : memref<1x128x64xf32, #tpu.memory_space<vmem>> -> memref<128x64xf32, #tpu.memory_space<vmem>>
    %dma_wait3A_427 = arith.constant 0 : i32
    %dma_wait3A_428 = tpu.memref_slice %arg4[%add3A_421, %dma_wait3A_427] : memref<819200x64xf32, #tpu.memory_space<hbm>> -> memref<128x64xf32, #tpu.memory_space<hbm>>
    %dma_wait3A_429 = arith.constant 0 : i32
    %dma_wait3A_430 = tpu.memref_slice %arg4[%add3A_421, %dma_wait3A_429] : memref<819200x64xf32, #tpu.memory_space<hbm>> -> memref<128x64xf32, #tpu.memory_space<hbm>>
    %dma_wait3A_431 = arith.constant 0 : i32
    %dma_wait3A_432 = arith.constant 0 : i32
    %dma_wait3A_433 = tpu.memref_slice %arg7[%dma_wait3A_422, %dma_wait3A_431, %dma_wait3A_432] : memref<2x128x64xf32, #tpu.memory_space<vmem>> -> memref<1x128x64xf32, #tpu.memory_space<vmem>>
    %dma_wait3A_434 = tpu.memref_squeeze %dma_wait3A_433 : memref<1x128x64xf32, #tpu.memory_space<vmem>> -> memref<128x64xf32, #tpu.memory_space<vmem>>
    tpu.wait_dma2 semaphore(%arg13 : memref<!tpu.dma_semaphore, #tpu.memory_space<semaphore_mem>>) src(%dma_wait3A_434 : memref<128x64xf32, #tpu.memory_space<vmem>>) dst(%dma_wait3A_430 : memref<128x64xf32, #tpu.memory_space<hbm>>)
    %scan3A_435 = arith.constant 0 : i32
    %scan3A_436 = arith.constant 0 : i32
    %scan3A_437 = arith.constant 32 : i32
    %scan3A_438 = arith.addi %scan3A_436, %scan3A_437 : i32
    %scan3A_439 = arith.constant 1 : i32
    scf.for %scan3A_486 = %scan3A_436 to %scan3A_438 step %scan3A_439  : i32 {
      %mul3A_487 = arith.constant 4 : i32
      %mul3A_488 = arith.muli %scan3A_486, %mul3A_487 : i32
      %add3A_489 = arith.constant 0 : i32
      %add3A_490 = arith.addi %mul3A_488, %add3A_489 : i32
      %get3A = arith.constant 3 : i32
      %get3A_491 = arith.index_cast %get3A : i32 to index
      %get3A_492 = arith.index_cast %add3A_490 : i32 to index
      %get3A_493 = arith.constant 0 : index
      %get3A_494 = tpu.vector_load %arg6[%get3A_491, %get3A_492, %get3A_493] {strides = array<i32>} : memref<4x128x128xf32, #tpu.memory_space<vmem>>, vector<16xf32>,
      %mul3A_495 = arith.constant 8.000000e+00 : f32
      %mul3A_496 = vector.broadcast %mul3A_495 : f32 to vector<16xf32>
      %mul3A_497 = arith.mulf %get3A_494, %mul3A_496 : vector<16xf32>
      %add3A_498 = arith.constant 0 : i32
      %add3A_499 = arith.addi %mul3A_488, %add3A_498 : i32
      %get3A_500 = arith.constant 3 : i32
      %get3A_501 = arith.index_cast %get3A_500 : i32 to index
      %get3A_502 = arith.index_cast %add3A_499 : i32 to index
      %get3A_503 = arith.constant 16 : index
      %get3A_504 = tpu.vector_load %arg6[%get3A_501, %get3A_502, %get3A_503] {strides = array<i32>} : memref<4x128x128xf32, #tpu.memory_space<vmem>>, vector<16xf32>,
      %mul3A_505 = arith.constant 8.000000e+00 : f32
      %mul3A_506 = vector.broadcast %mul3A_505 : f32 to vector<16xf32>
      %mul3A_507 = arith.mulf %get3A_504, %mul3A_506 : vector<16xf32>
      %add3A_508 = arith.constant 0 : i32
      %add3A_509 = arith.addi %mul3A_488, %add3A_508 : i32
      %get3A_510 = arith.constant 3 : i32
      %get3A_511 = arith.index_cast %get3A_510 : i32 to index
      %get3A_512 = arith.index_cast %add3A_509 : i32 to index
      %get3A_513 = arith.constant 32 : index
      %get3A_514 = tpu.vector_load %arg6[%get3A_511, %get3A_512, %get3A_513] {strides = array<i32>} : memref<4x128x128xf32, #tpu.memory_space<vmem>>, vector<16xf32>,
      %mul3A_515 = arith.constant 8.000000e+00 : f32
      %mul3A_516 = vector.broadcast %mul3A_515 : f32 to vector<16xf32>
      %mul3A_517 = arith.mulf %get3A_514, %mul3A_516 : vector<16xf32>
      %add3A_518 = arith.constant 0 : i32
      %add3A_519 = arith.addi %mul3A_488, %add3A_518 : i32
      %get3A_520 = arith.constant 3 : i32
      %get3A_521 = arith.index_cast %get3A_520 : i32 to index
      %get3A_522 = arith.index_cast %add3A_519 : i32 to index
      %get3A_523 = arith.constant 48 : index
      %get3A_524 = tpu.vector_load %arg6[%get3A_521, %get3A_522, %get3A_523] {strides = array<i32>} : memref<4x128x128xf32, #tpu.memory_space<vmem>>, vector<16xf32>,
      %mul3A_525 = arith.constant 8.000000e+00 : f32
      %mul3A_526 = vector.broadcast %mul3A_525 : f32 to vector<16xf32>
      %mul3A_527 = arith.mulf %get3A_524, %mul3A_526 : vector<16xf32>
      %add3A_528 = arith.constant 1 : i32
      %add3A_529 = arith.addi %mul3A_488, %add3A_528 : i32
      %get3A_530 = arith.constant 3 : i32
      %get3A_531 = arith.index_cast %get3A_530 : i32 to index
      %get3A_532 = arith.index_cast %add3A_529 : i32 to index
      %get3A_533 = arith.constant 0 : index
      %get3A_534 = tpu.vector_load %arg6[%get3A_531, %get3A_532, %get3A_533] {strides = array<i32>} : memref<4x128x128xf32, #tpu.memory_space<vmem>>, vector<16xf32>,
      %mul3A_535 = arith.constant 8.000000e+00 : f32
      %mul3A_536 = vector.broadcast %mul3A_535 : f32 to vector<16xf32>
      %mul3A_537 = arith.mulf %get3A_534, %mul3A_536 : vector<16xf32>
      %add3A_538 = arith.constant 1 : i32
      %add3A_539 = arith.addi %mul3A_488, %add3A_538 : i32
      %get3A_540 = arith.constant 3 : i32
      %get3A_541 = arith.index_cast %get3A_540 : i32 to index
      %get3A_542 = arith.index_cast %add3A_539 : i32 to index
      %get3A_543 = arith.constant 16 : index
      %get3A_544 = tpu.vector_load %arg6[%get3A_541, %get3A_542, %get3A_543] {strides = array<i32>} : memref<4x128x128xf32, #tpu.memory_space<vmem>>, vector<16xf32>,
      %mul3A_545 = arith.constant 8.000000e+00 : f32
      %mul3A_546 = vector.broadcast %mul3A_545 : f32 to vector<16xf32>
      %mul3A_547 = arith.mulf %get3A_544, %mul3A_546 : vector<16xf32>
      %add3A_548 = arith.constant 1 : i32
      %add3A_549 = arith.addi %mul3A_488, %add3A_548 : i32
      %get3A_550 = arith.constant 3 : i32
      %get3A_551 = arith.index_cast %get3A_550 : i32 to index
      %get3A_552 = arith.index_cast %add3A_549 : i32 to index
      %get3A_553 = arith.constant 32 : index
      %get3A_554 = tpu.vector_load %arg6[%get3A_551, %get3A_552, %get3A_553] {strides = array<i32>} : memref<4x128x128xf32, #tpu.memory_space<vmem>>, vector<16xf32>,
      %mul3A_555 = arith.constant 8.000000e+00 : f32
      %mul3A_556 = vector.broadcast %mul3A_555 : f32 to vector<16xf32>
      %mul3A_557 = arith.mulf %get3A_554, %mul3A_556 : vector<16xf32>
      %add3A_558 = arith.constant 1 : i32
      %add3A_559 = arith.addi %mul3A_488, %add3A_558 : i32
      %get3A_560 = arith.constant 3 : i32
      %get3A_561 = arith.index_cast %get3A_560 : i32 to index
      %get3A_562 = arith.index_cast %add3A_559 : i32 to index
      %get3A_563 = arith.constant 48 : index
      %get3A_564 = tpu.vector_load %arg6[%get3A_561, %get3A_562, %get3A_563] {strides = array<i32>} : memref<4x128x128xf32, #tpu.memory_space<vmem>>, vector<16xf32>,
      %mul3A_565 = arith.constant 8.000000e+00 : f32
      %mul3A_566 = vector.broadcast %mul3A_565 : f32 to vector<16xf32>
      %mul3A_567 = arith.mulf %get3A_564, %mul3A_566 : vector<16xf32>
      %add3A_568 = arith.constant 2 : i32
      %add3A_569 = arith.addi %mul3A_488, %add3A_568 : i32
      %get3A_570 = arith.constant 3 : i32
      %get3A_571 = arith.index_cast %get3A_570 : i32 to index
      %get3A_572 = arith.index_cast %add3A_569 : i32 to index
      %get3A_573 = arith.constant 0 : index
      %get3A_574 = tpu.vector_load %arg6[%get3A_571, %get3A_572, %get3A_573] {strides = array<i32>} : memref<4x128x128xf32, #tpu.memory_space<vmem>>, vector<16xf32>,
      %mul3A_575 = arith.constant 8.000000e+00 : f32
      %mul3A_576 = vector.broadcast %mul3A_575 : f32 to vector<16xf32>
      %mul3A_577 = arith.mulf %get3A_574, %mul3A_576 : vector<16xf32>
      %add3A_578 = arith.constant 2 : i32
      %add3A_579 = arith.addi %mul3A_488, %add3A_578 : i32
      %get3A_580 = arith.constant 3 : i32
      %get3A_581 = arith.index_cast %get3A_580 : i32 to index
      %get3A_582 = arith.index_cast %add3A_579 : i32 to index
      %get3A_583 = arith.constant 16 : index
      %get3A_584 = tpu.vector_load %arg6[%get3A_581, %get3A_582, %get3A_583] {strides = array<i32>} : memref<4x128x128xf32, #tpu.memory_space<vmem>>, vector<16xf32>,
      %mul3A_585 = arith.constant 8.000000e+00 : f32
      %mul3A_586 = vector.broadcast %mul3A_585 : f32 to vector<16xf32>
      %mul3A_587 = arith.mulf %get3A_584, %mul3A_586 : vector<16xf32>
      %add3A_588 = arith.constant 2 : i32
      %add3A_589 = arith.addi %mul3A_488, %add3A_588 : i32
      %get3A_590 = arith.constant 3 : i32
      %get3A_591 = arith.index_cast %get3A_590 : i32 to index
      %get3A_592 = arith.index_cast %add3A_589 : i32 to index
      %get3A_593 = arith.constant 32 : index
      %get3A_594 = tpu.vector_load %arg6[%get3A_591, %get3A_592, %get3A_593] {strides = array<i32>} : memref<4x128x128xf32, #tpu.memory_space<vmem>>, vector<16xf32>,
      %mul3A_595 = arith.constant 8.000000e+00 : f32
      %mul3A_596 = vector.broadcast %mul3A_595 : f32 to vector<16xf32>
      %mul3A_597 = arith.mulf %get3A_594, %mul3A_596 : vector<16xf32>
      %add3A_598 = arith.constant 2 : i32
      %add3A_599 = arith.addi %mul3A_488, %add3A_598 : i32
      %get3A_600 = arith.constant 3 : i32
      %get3A_601 = arith.index_cast %get3A_600 : i32 to index
      %get3A_602 = arith.index_cast %add3A_599 : i32 to index
      %get3A_603 = arith.constant 48 : index
      %get3A_604 = tpu.vector_load %arg6[%get3A_601, %get3A_602, %get3A_603] {strides = array<i32>} : memref<4x128x128xf32, #tpu.memory_space<vmem>>, vector<16xf32>,
      %mul3A_605 = arith.constant 8.000000e+00 : f32
      %mul3A_606 = vector.broadcast %mul3A_605 : f32 to vector<16xf32>
      %mul3A_607 = arith.mulf %get3A_604, %mul3A_606 : vector<16xf32>
      %add3A_608 = arith.constant 3 : i32
      %add3A_609 = arith.addi %mul3A_488, %add3A_608 : i32
      %get3A_610 = arith.constant 3 : i32
      %get3A_611 = arith.index_cast %get3A_610 : i32 to index
      %get3A_612 = arith.index_cast %add3A_609 : i32 to index
      %get3A_613 = arith.constant 0 : index
      %get3A_614 = tpu.vector_load %arg6[%get3A_611, %get3A_612, %get3A_613] {strides = array<i32>} : memref<4x128x128xf32, #tpu.memory_space<vmem>>, vector<16xf32>,
      %mul3A_615 = arith.constant 8.000000e+00 : f32
      %mul3A_616 = vector.broadcast %mul3A_615 : f32 to vector<16xf32>
      %mul3A_617 = arith.mulf %get3A_614, %mul3A_616 : vector<16xf32>
      %add3A_618 = arith.constant 3 : i32
      %add3A_619 = arith.addi %mul3A_488, %add3A_618 : i32
      %get3A_620 = arith.constant 3 : i32
      %get3A_621 = arith.index_cast %get3A_620 : i32 to index
      %get3A_622 = arith.index_cast %add3A_619 : i32 to index
      %get3A_623 = arith.constant 16 : index
      %get3A_624 = tpu.vector_load %arg6[%get3A_621, %get3A_622, %get3A_623] {strides = array<i32>} : memref<4x128x128xf32, #tpu.memory_space<vmem>>, vector<16xf32>,
      %mul3A_625 = arith.constant 8.000000e+00 : f32
      %mul3A_626 = vector.broadcast %mul3A_625 : f32 to vector<16xf32>
      %mul3A_627 = arith.mulf %get3A_624, %mul3A_626 : vector<16xf32>
      %add3A_628 = arith.constant 3 : i32
      %add3A_629 = arith.addi %mul3A_488, %add3A_628 : i32
      %get3A_630 = arith.constant 3 : i32
      %get3A_631 = arith.index_cast %get3A_630 : i32 to index
      %get3A_632 = arith.index_cast %add3A_629 : i32 to index
      %get3A_633 = arith.constant 32 : index
      %get3A_634 = tpu.vector_load %arg6[%get3A_631, %get3A_632, %get3A_633] {strides = array<i32>} : memref<4x128x128xf32, #tpu.memory_space<vmem>>, vector<16xf32>,
      %mul3A_635 = arith.constant 8.000000e+00 : f32
      %mul3A_636 = vector.broadcast %mul3A_635 : f32 to vector<16xf32>
      %mul3A_637 = arith.mulf %get3A_634, %mul3A_636 : vector<16xf32>
      %add3A_638 = arith.constant 3 : i32
      %add3A_639 = arith.addi %mul3A_488, %add3A_638 : i32
      %get3A_640 = arith.constant 3 : i32
      %get3A_641 = arith.index_cast %get3A_640 : i32 to index
      %get3A_642 = arith.index_cast %add3A_639 : i32 to index
      %get3A_643 = arith.constant 48 : index
      %get3A_644 = tpu.vector_load %arg6[%get3A_641, %get3A_642, %get3A_643] {strides = array<i32>} : memref<4x128x128xf32, #tpu.memory_space<vmem>>, vector<16xf32>,
      %mul3A_645 = arith.constant 8.000000e+00 : f32
      %mul3A_646 = vector.broadcast %mul3A_645 : f32 to vector<16xf32>
      %mul3A_647 = arith.mulf %get3A_644, %mul3A_646 : vector<16xf32>
      %add3A_648 = arith.constant 0 : i32
      %add3A_649 = arith.addi %mul3A_488, %add3A_648 : i32
      %swap3A = arith.constant 1 : i32
      %swap3A_650 = arith.index_cast %swap3A : i32 to index
      %swap3A_651 = arith.index_cast %add3A_649 : i32 to index
      %swap3A_652 = arith.constant 0 : index
      %swap3A_653 = tpu.vector_load %arg7[%swap3A_650, %swap3A_651, %swap3A_652] {strides = array<i32>} : memref<2x128x64xf32, #tpu.memory_space<vmem>>, vector<16xf32>,
      tpu.vector_store %arg7[%swap3A_650, %swap3A_651, %swap3A_652], %mul3A_497 {strides = array<i32>} : memref<2x128x64xf32, #tpu.memory_space<vmem>>, vector<16xf32>,
      %add3A_654 = arith.constant 0 : i32
      %add3A_655 = arith.addi %mul3A_488, %add3A_654 : i32
      %swap3A_656 = arith.constant 1 : i32
      %swap3A_657 = arith.index_cast %swap3A_656 : i32 to index
      %swap3A_658 = arith.index_cast %add3A_655 : i32 to index
      %swap3A_659 = arith.constant 16 : index
      %swap3A_660 = tpu.vector_load %arg7[%swap3A_657, %swap3A_658, %swap3A_659] {strides = array<i32>} : memref<2x128x64xf32, #tpu.memory_space<vmem>>, vector<16xf32>,
      tpu.vector_store %arg7[%swap3A_657, %swap3A_658, %swap3A_659], %mul3A_507 {strides = array<i32>} : memref<2x128x64xf32, #tpu.memory_space<vmem>>, vector<16xf32>,
      %add3A_661 = arith.constant 0 : i32
      %add3A_662 = arith.addi %mul3A_488, %add3A_661 : i32
      %swap3A_663 = arith.constant 1 : i32
      %swap3A_664 = arith.index_cast %swap3A_663 : i32 to index
      %swap3A_665 = arith.index_cast %add3A_662 : i32 to index
      %swap3A_666 = arith.constant 32 : index
      %swap3A_667 = tpu.vector_load %arg7[%swap3A_664, %swap3A_665, %swap3A_666] {strides = array<i32>} : memref<2x128x64xf32, #tpu.memory_space<vmem>>, vector<16xf32>,
      tpu.vector_store %arg7[%swap3A_664, %swap3A_665, %swap3A_666], %mul3A_517 {strides = array<i32>} : memref<2x128x64xf32, #tpu.memory_space<vmem>>, vector<16xf32>,
      %add3A_668 = arith.constant 0 : i32
      %add3A_669 = arith.addi %mul3A_488, %add3A_668 : i32
      %swap3A_670 = arith.constant 1 : i32
      %swap3A_671 = arith.index_cast %swap3A_670 : i32 to index
      %swap3A_672 = arith.index_cast %add3A_669 : i32 to index
      %swap3A_673 = arith.constant 48 : index
      %swap3A_674 = tpu.vector_load %arg7[%swap3A_671, %swap3A_672, %swap3A_673] {strides = array<i32>} : memref<2x128x64xf32, #tpu.memory_space<vmem>>, vector<16xf32>,
      tpu.vector_store %arg7[%swap3A_671, %swap3A_672, %swap3A_673], %mul3A_527 {strides = array<i32>} : memref<2x128x64xf32, #tpu.memory_space<vmem>>, vector<16xf32>,
      %add3A_675 = arith.constant 1 : i32
      %add3A_676 = arith.addi %mul3A_488, %add3A_675 : i32
      %swap3A_677 = arith.constant 1 : i32
      %swap3A_678 = arith.index_cast %swap3A_677 : i32 to index
      %swap3A_679 = arith.index_cast %add3A_676 : i32 to index
      %swap3A_680 = arith.constant 0 : index
      %swap3A_681 = tpu.vector_load %arg7[%swap3A_678, %swap3A_679, %swap3A_680] {strides = array<i32>} : memref<2x128x64xf32, #tpu.memory_space<vmem>>, vector<16xf32>,
      tpu.vector_store %arg7[%swap3A_678, %swap3A_679, %swap3A_680], %mul3A_537 {strides = array<i32>} : memref<2x128x64xf32, #tpu.memory_space<vmem>>, vector<16xf32>,
      %add3A_682 = arith.constant 1 : i32
      %add3A_683 = arith.addi %mul3A_488, %add3A_682 : i32
      %swap3A_684 = arith.constant 1 : i32
      %swap3A_685 = arith.index_cast %swap3A_684 : i32 to index
      %swap3A_686 = arith.index_cast %add3A_683 : i32 to index
      %swap3A_687 = arith.constant 16 : index
      %swap3A_688 = tpu.vector_load %arg7[%swap3A_685, %swap3A_686, %swap3A_687] {strides = array<i32>} : memref<2x128x64xf32, #tpu.memory_space<vmem>>, vector<16xf32>,
      tpu.vector_store %arg7[%swap3A_685, %swap3A_686, %swap3A_687], %mul3A_547 {strides = array<i32>} : memref<2x128x64xf32, #tpu.memory_space<vmem>>, vector<16xf32>,
      %add3A_689 = arith.constant 1 : i32
      %add3A_690 = arith.addi %mul3A_488, %add3A_689 : i32
      %swap3A_691 = arith.constant 1 : i32
      %swap3A_692 = arith.index_cast %swap3A_691 : i32 to index
      %swap3A_693 = arith.index_cast %add3A_690 : i32 to index
      %swap3A_694 = arith.constant 32 : index
      %swap3A_695 = tpu.vector_load %arg7[%swap3A_692, %swap3A_693, %swap3A_694] {strides = array<i32>} : memref<2x128x64xf32, #tpu.memory_space<vmem>>, vector<16xf32>,
      tpu.vector_store %arg7[%swap3A_692, %swap3A_693, %swap3A_694], %mul3A_557 {strides = array<i32>} : memref<2x128x64xf32, #tpu.memory_space<vmem>>, vector<16xf32>,
      %add3A_696 = arith.constant 1 : i32
      %add3A_697 = arith.addi %mul3A_488, %add3A_696 : i32
      %swap3A_698 = arith.constant 1 : i32
      %swap3A_699 = arith.index_cast %swap3A_698 : i32 to index
      %swap3A_700 = arith.index_cast %add3A_697 : i32 to index
      %swap3A_701 = arith.constant 48 : index
      %swap3A_702 = tpu.vector_load %arg7[%swap3A_699, %swap3A_700, %swap3A_701] {strides = array<i32>} : memref<2x128x64xf32, #tpu.memory_space<vmem>>, vector<16xf32>,
      tpu.vector_store %arg7[%swap3A_699, %swap3A_700, %swap3A_701], %mul3A_567 {strides = array<i32>} : memref<2x128x64xf32, #tpu.memory_space<vmem>>, vector<16xf32>,
      %add3A_703 = arith.constant 2 : i32
      %add3A_704 = arith.addi %mul3A_488, %add3A_703 : i32
      %swap3A_705 = arith.constant 1 : i32
      %swap3A_706 = arith.index_cast %swap3A_705 : i32 to index
      %swap3A_707 = arith.index_cast %add3A_704 : i32 to index
      %swap3A_708 = arith.constant 0 : index
      %swap3A_709 = tpu.vector_load %arg7[%swap3A_706, %swap3A_707, %swap3A_708] {strides = array<i32>} : memref<2x128x64xf32, #tpu.memory_space<vmem>>, vector<16xf32>,
      tpu.vector_store %arg7[%swap3A_706, %swap3A_707, %swap3A_708], %mul3A_577 {strides = array<i32>} : memref<2x128x64xf32, #tpu.memory_space<vmem>>, vector<16xf32>,
      %add3A_710 = arith.constant 2 : i32
      %add3A_711 = arith.addi %mul3A_488, %add3A_710 : i32
      %swap3A_712 = arith.constant 1 : i32
      %swap3A_713 = arith.index_cast %swap3A_712 : i32 to index
      %swap3A_714 = arith.index_cast %add3A_711 : i32 to index
      %swap3A_715 = arith.constant 16 : index
      %swap3A_716 = tpu.vector_load %arg7[%swap3A_713, %swap3A_714, %swap3A_715] {strides = array<i32>} : memref<2x128x64xf32, #tpu.memory_space<vmem>>, vector<16xf32>,
      tpu.vector_store %arg7[%swap3A_713, %swap3A_714, %swap3A_715], %mul3A_587 {strides = array<i32>} : memref<2x128x64xf32, #tpu.memory_space<vmem>>, vector<16xf32>,
      %add3A_717 = arith.constant 2 : i32
      %add3A_718 = arith.addi %mul3A_488, %add3A_717 : i32
      %swap3A_719 = arith.constant 1 : i32
      %swap3A_720 = arith.index_cast %swap3A_719 : i32 to index
      %swap3A_721 = arith.index_cast %add3A_718 : i32 to index
      %swap3A_722 = arith.constant 32 : index
      %swap3A_723 = tpu.vector_load %arg7[%swap3A_720, %swap3A_721, %swap3A_722] {strides = array<i32>} : memref<2x128x64xf32, #tpu.memory_space<vmem>>, vector<16xf32>,
      tpu.vector_store %arg7[%swap3A_720, %swap3A_721, %swap3A_722], %mul3A_597 {strides = array<i32>} : memref<2x128x64xf32, #tpu.memory_space<vmem>>, vector<16xf32>,
      %add3A_724 = arith.constant 2 : i32
      %add3A_725 = arith.addi %mul3A_488, %add3A_724 : i32
      %swap3A_726 = arith.constant 1 : i32
      %swap3A_727 = arith.index_cast %swap3A_726 : i32 to index
      %swap3A_728 = arith.index_cast %add3A_725 : i32 to index
      %swap3A_729 = arith.constant 48 : index
      %swap3A_730 = tpu.vector_load %arg7[%swap3A_727, %swap3A_728, %swap3A_729] {strides = array<i32>} : memref<2x128x64xf32, #tpu.memory_space<vmem>>, vector<16xf32>,
      tpu.vector_store %arg7[%swap3A_727, %swap3A_728, %swap3A_729], %mul3A_607 {strides = array<i32>} : memref<2x128x64xf32, #tpu.memory_space<vmem>>, vector<16xf32>,
      %add3A_731 = arith.constant 3 : i32
      %add3A_732 = arith.addi %mul3A_488, %add3A_731 : i32
      %swap3A_733 = arith.constant 1 : i32
      %swap3A_734 = arith.index_cast %swap3A_733 : i32 to index
      %swap3A_735 = arith.index_cast %add3A_732 : i32 to index
      %swap3A_736 = arith.constant 0 : index
      %swap3A_737 = tpu.vector_load %arg7[%swap3A_734, %swap3A_735, %swap3A_736] {strides = array<i32>} : memref<2x128x64xf32, #tpu.memory_space<vmem>>, vector<16xf32>,
      tpu.vector_store %arg7[%swap3A_734, %swap3A_735, %swap3A_736], %mul3A_617 {strides = array<i32>} : memref<2x128x64xf32, #tpu.memory_space<vmem>>, vector<16xf32>,
      %add3A_738 = arith.constant 3 : i32
      %add3A_739 = arith.addi %mul3A_488, %add3A_738 : i32
      %swap3A_740 = arith.constant 1 : i32
      %swap3A_741 = arith.index_cast %swap3A_740 : i32 to index
      %swap3A_742 = arith.index_cast %add3A_739 : i32 to index
      %swap3A_743 = arith.constant 16 : index
      %swap3A_744 = tpu.vector_load %arg7[%swap3A_741, %swap3A_742, %swap3A_743] {strides = array<i32>} : memref<2x128x64xf32, #tpu.memory_space<vmem>>, vector<16xf32>,
      tpu.vector_store %arg7[%swap3A_741, %swap3A_742, %swap3A_743], %mul3A_627 {strides = array<i32>} : memref<2x128x64xf32, #tpu.memory_space<vmem>>, vector<16xf32>,
      %add3A_745 = arith.constant 3 : i32
      %add3A_746 = arith.addi %mul3A_488, %add3A_745 : i32
      %swap3A_747 = arith.constant 1 : i32
      %swap3A_748 = arith.index_cast %swap3A_747 : i32 to index
      %swap3A_749 = arith.index_cast %add3A_746 : i32 to index
      %swap3A_750 = arith.constant 32 : index
      %swap3A_751 = tpu.vector_load %arg7[%swap3A_748, %swap3A_749, %swap3A_750] {strides = array<i32>} : memref<2x128x64xf32, #tpu.memory_space<vmem>>, vector<16xf32>,
      tpu.vector_store %arg7[%swap3A_748, %swap3A_749, %swap3A_750], %mul3A_637 {strides = array<i32>} : memref<2x128x64xf32, #tpu.memory_space<vmem>>, vector<16xf32>,
      %add3A_752 = arith.constant 3 : i32
      %add3A_753 = arith.addi %mul3A_488, %add3A_752 : i32
      %swap3A_754 = arith.constant 1 : i32
      %swap3A_755 = arith.index_cast %swap3A_754 : i32 to index
      %swap3A_756 = arith.index_cast %add3A_753 : i32 to index
      %swap3A_757 = arith.constant 48 : index
      %swap3A_758 = tpu.vector_load %arg7[%swap3A_755, %swap3A_756, %swap3A_757] {strides = array<i32>} : memref<2x128x64xf32, #tpu.memory_space<vmem>>, vector<16xf32>,
      tpu.vector_store %arg7[%swap3A_755, %swap3A_756, %swap3A_757], %mul3A_647 {strides = array<i32>} : memref<2x128x64xf32, #tpu.memory_space<vmem>>, vector<16xf32>,
    }
    %scan3A_440 = arith.constant 32 : i32
    %add3A_441 = arith.constant 25472 : i32
    %add3A_442 = arith.addi %mul3A_2, %add3A_441 : i32
    %dma_start3A_443 = arith.constant 1 : i32
    %dma_start3A_444 = arith.constant 0 : i32
    %dma_start3A_445 = arith.constant 0 : i32
    %dma_start3A_446 = tpu.memref_slice %arg7[%dma_start3A_443, %dma_start3A_444, %dma_start3A_445] : memref<2x128x64xf32, #tpu.memory_space<vmem>> -> memref<1x128x64xf32, #tpu.memory_space<vmem>>
    %dma_start3A_447 = tpu.memref_squeeze %dma_start3A_446 : memref<1x128x64xf32, #tpu.memory_space<vmem>> -> memref<128x64xf32, #tpu.memory_space<vmem>>
    %dma_start3A_448 = arith.constant 0 : i32
    %dma_start3A_449 = tpu.memref_slice %arg4[%add3A_442, %dma_start3A_448] : memref<819200x64xf32, #tpu.memory_space<hbm>> -> memref<128x64xf32, #tpu.memory_space<hbm>>
    %dma_start3A_450 = arith.constant 0 : i32
    %dma_start3A_451 = tpu.memref_slice %arg4[%add3A_442, %dma_start3A_450] : memref<819200x64xf32, #tpu.memory_space<hbm>> -> memref<128x64xf32, #tpu.memory_space<hbm>>
    %dma_start3A_452 = arith.constant 0 : i32
    %dma_start3A_453 = arith.constant 0 : i32
    %dma_start3A_454 = tpu.memref_slice %arg7[%dma_start3A_443, %dma_start3A_452, %dma_start3A_453] : memref<2x128x64xf32, #tpu.memory_space<vmem>> -> memref<1x128x64xf32, #tpu.memory_space<vmem>>
    %dma_start3A_455 = tpu.memref_squeeze %dma_start3A_454 : memref<1x128x64xf32, #tpu.memory_space<vmem>> -> memref<128x64xf32, #tpu.memory_space<vmem>>
    tpu.enqueue_dma source(%dma_start3A_455 : memref<128x64xf32, #tpu.memory_space<vmem>>) target(%dma_start3A_451 : memref<128x64xf32, #tpu.memory_space<hbm>>) target_semaphore(%arg13 : memref<!tpu.dma_semaphore, #tpu.memory_space<semaphore_mem>>)
    %add3A_456 = arith.constant 25344 : i32
    %add3A_457 = arith.addi %mul3A_2, %add3A_456 : i32
    %dma_wait3A_458 = arith.constant 0 : i32
    %dma_wait3A_459 = arith.constant 0 : i32
    %dma_wait3A_460 = arith.constant 0 : i32
    %dma_wait3A_461 = tpu.memref_slice %arg7[%dma_wait3A_458, %dma_wait3A_459, %dma_wait3A_460] : memref<2x128x64xf32, #tpu.memory_space<vmem>> -> memref<1x128x64xf32, #tpu.memory_space<vmem>>
    %dma_wait3A_462 = tpu.memref_squeeze %dma_wait3A_461 : memref<1x128x64xf32, #tpu.memory_space<vmem>> -> memref<128x64xf32, #tpu.memory_space<vmem>>
    %dma_wait3A_463 = arith.constant 0 : i32
    %dma_wait3A_464 = tpu.memref_slice %arg4[%add3A_457, %dma_wait3A_463] : memref<819200x64xf32, #tpu.memory_space<hbm>> -> memref<128x64xf32, #tpu.memory_space<hbm>>
    %dma_wait3A_465 = arith.constant 0 : i32
    %dma_wait3A_466 = tpu.memref_slice %arg4[%add3A_457, %dma_wait3A_465] : memref<819200x64xf32, #tpu.memory_space<hbm>> -> memref<128x64xf32, #tpu.memory_space<hbm>>
    %dma_wait3A_467 = arith.constant 0 : i32
    %dma_wait3A_468 = arith.constant 0 : i32
    %dma_wait3A_469 = tpu.memref_slice %arg7[%dma_wait3A_458, %dma_wait3A_467, %dma_wait3A_468] : memref<2x128x64xf32, #tpu.memory_space<vmem>> -> memref<1x128x64xf32, #tpu.memory_space<vmem>>
    %dma_wait3A_470 = tpu.memref_squeeze %dma_wait3A_469 : memref<1x128x64xf32, #tpu.memory_space<vmem>> -> memref<128x64xf32, #tpu.memory_space<vmem>>
    tpu.wait_dma2 semaphore(%arg12 : memref<!tpu.dma_semaphore, #tpu.memory_space<semaphore_mem>>) src(%dma_wait3A_470 : memref<128x64xf32, #tpu.memory_space<vmem>>) dst(%dma_wait3A_466 : memref<128x64xf32, #tpu.memory_space<hbm>>)
    %add3A_471 = arith.constant 25472 : i32
    %add3A_472 = arith.addi %mul3A_2, %add3A_471 : i32
    %dma_wait3A_473 = arith.constant 1 : i32
    %dma_wait3A_474 = arith.constant 0 : i32
    %dma_wait3A_475 = arith.constant 0 : i32
    %dma_wait3A_476 = tpu.memref_slice %arg7[%dma_wait3A_473, %dma_wait3A_474, %dma_wait3A_475] : memref<2x128x64xf32, #tpu.memory_space<vmem>> -> memref<1x128x64xf32, #tpu.memory_space<vmem>>
    %dma_wait3A_477 = tpu.memref_squeeze %dma_wait3A_476 : memref<1x128x64xf32, #tpu.memory_space<vmem>> -> memref<128x64xf32, #tpu.memory_space<vmem>>
    %dma_wait3A_478 = arith.constant 0 : i32
    %dma_wait3A_479 = tpu.memref_slice %arg4[%add3A_472, %dma_wait3A_478] : memref<819200x64xf32, #tpu.memory_space<hbm>> -> memref<128x64xf32, #tpu.memory_space<hbm>>
    %dma_wait3A_480 = arith.constant 0 : i32
    %dma_wait3A_481 = tpu.memref_slice %arg4[%add3A_472, %dma_wait3A_480] : memref<819200x64xf32, #tpu.memory_space<hbm>> -> memref<128x64xf32, #tpu.memory_space<hbm>>
    %dma_wait3A_482 = arith.constant 0 : i32
    %dma_wait3A_483 = arith.constant 0 : i32
    %dma_wait3A_484 = tpu.memref_slice %arg7[%dma_wait3A_473, %dma_wait3A_482, %dma_wait3A_483] : memref<2x128x64xf32, #tpu.memory_space<vmem>> -> memref<1x128x64xf32, #tpu.memory_space<vmem>>
    %dma_wait3A_485 = tpu.memref_squeeze %dma_wait3A_484 : memref<1x128x64xf32, #tpu.memory_space<vmem>> -> memref<128x64xf32, #tpu.memory_space<vmem>>
    tpu.wait_dma2 semaphore(%arg13 : memref<!tpu.dma_semaphore, #tpu.memory_space<semaphore_mem>>) src(%dma_wait3A_485 : memref<128x64xf32, #tpu.memory_space<vmem>>) dst(%dma_wait3A_481 : memref<128x64xf32, #tpu.memory_space<hbm>>)
    return
  }
}

</mosaic_0001>

<sc_bundles>
// kernel: kernel.3.cloned.1.call-start
scs
__scs_entry_jumppad:
0x0: {  	(pc) =	sbr.rel $0x88, $3  }
0x1: {  	(tag) =	ssettag $0x0;
	lr =	simm.s32 $0x1  }
0x2: {  	[smem:$0x3F9F] =	sst lr;
	_ =	strace $0xD0000000  }
0x3: {  	_ = 	snop  }
0x4: {  	_ = 	snop  }
0x5: {  	_ = 	snop  }
0x6: {  	_ = 	snop  }
0x7: {  	_ = 	snop  }
__scs_overlays_trampoline_lowered:
0x8: {  	[smem:$0x3FAE] =	sst s0  }
0x9: {  	[smem:$0x3FAF] =	sst s1  }
0xa: {  	[smem:$0x3FB0] =	sst s2  }
0xb: {  	[smem:$0x3FB1] =	sst s3  }
0xc: {  	[smem:$0x3FB2] =	sst s4  }
0xd: {  	[smem:$0x3FB3] =	sst s5  }
0xe: {  	[smem:$0x3FB4] =	sst s6  }
0xf: {  	[smem:$0x3FB5] =	sst s7  }
0x10: {  	[smem:$0x3FB6] =	sst s8  }
0x11: {  	[smem:$0x3FB7] =	sst s9;
	s0 =	simm.s32 @!p0 $0x0  }
0x12: {  	s1 =	sld [smem:$0x3F9D];
	s0 =	simm.s32 @p0 $0x1  }
0x13: {  	[smem:$0x3FB8] =	sst s0;
	s0 =	simm.s32 @!p1 $0x0  }
0x14: {  	s2 =	sld [smem:$0x3F9C];
	s0 =	simm.s32 @p1 $0x1  }
0x15: {  	[smem:$0x3FB9] =	sst s0;
	s0 =	simm.s32 @!p2 $0x0  }
0x16: {  	s3 =	sld [smem:$0x3FDB];
	s0 =	simm.s32 @p2 $0x1  }
0x17: {  	s4 =	simm.s32 $0x1BF5;
	[smem:$0x3FBB] =	sst s0  }
0x18: {  	s0 =	sld [smem:$0x3F9E];
	_ =	swait.ge [sflag:s4], $0x0  }
0x19: {  	s7 =	sld [smem:$0x3F9F]  }
0x1a: {  	s8 =	sadd.s32 $0xFFFFE003, lr  }
0x1b: {  	s9 =	sadd.s32 $0xFFFFFEF7, lr;
	s5 =	simm.s32 $0xFFFFFFFF;
	p2 =	slt.u32 s8, $0xFFFFF086  }
0x1c: {  	p1 =	slt.u32 s9, $0xF7A;
	s5 =	simm.s32 @!p2 $0x0  }
0x1d: {  	s5 =	simm.s32 @p1 $0x1;
	p0 =	seq.s32 s7, s2  }
0x1e: {  	s7 =	smul.u32 @!p0 $0xF7A, s2;
	p2 =	seq.s32 @!p0 s5, $0x0  }
0x1f: {  	s9 =	smul.u32 $0xF7A, s1;
	s8 =	simm.s32 @!p0 $0x1BF5;
	p2 =	por !p2, p0  }
0x20: {  	[sflag:s8] =	ssyncset.s32 @!p0 $0xFFFFF086;
	s6 =	sadd.s32 @!p0 s3, s7;
	s7 =	simm.s32 @!p0 $0x108  }
0x21: {  	s3 =	sadd.s32 s3, s9;
	s6 =	sadd.s32 @!p0 $0x88, s6;
	s7 =	simm.s32 @p2 $0x1082  }
0x22: {  	[simem:s7], [sflag:s8] =	dma.local @!p0 [hbm:s6], $0xF7A  }
0x23: {  	s9 =	sor.u32 $0xD0000000, s2;
	s6 =	simm.s32 $0x108;
	_ =	swait.ge @!p0 [sflag:s8], $0x0  }
0x24: {  	s3 =	sadd.s32 $0x88, s3;
	s6 =	simm.s32 @!p1 $0x1082;
	[sflag:s4] =	ssyncset.s32 $0xFFFFF086  }
0x25: {  	[simem:s6], [sflag:s4] =	dma.local [hbm:s3], $0xF7A  }
0x26: {  	[smem:$0x3F9F] =	sst s1;
	(tag) =	ssettag s2;
	_ =	strace s9  }
0x27: {  	s1 =	sld [smem:$0x3FAF]  }
0x28: {  	s2 =	sld [smem:$0x3FB0]  }
0x29: {  	s4 =	sld [smem:$0x3FB2]  }
0x2a: {  	p0 =	seq.s32 s5, $0x0;
	s5 =	sld [smem:$0x3FB3]  }
0x2b: {  	s6 =	sld [smem:$0x3FB4]  }
0x2c: {  	s7 =	sld [smem:$0x3FB5]  }
0x2d: {  	s3 =	simm.s32 $0x108;
	s8 =	sld [smem:$0x3FB6]  }
0x2e: {  	s3 =	simm.s32 @!p0 $0x1082;
	s9 =	sld [smem:$0x3FB7]  }
0x2f: {  	lr =	sadd.s32 s0, s3;
	s0 =	sld [smem:$0x3FAE]  }
0x30: {  	s3 =	sld [smem:$0x3FB1]  }
0x31: {  	[smem:$0x3FBA] =	sst s10  }
0x32: {  	s10 =	sld [smem:$0x3FB8];
	_ =	sdelay $0x3  }
0x33: {  	p0 =	seq.s32 s10, $0x1;
	s10 =	sld [smem:$0x3FBA];
	_ =	sdelay $0x3  }
0x34: {  	[smem:$0x3FBA] =	sst s10  }
0x35: {  	s10 =	sld [smem:$0x3FB9];
	_ =	sdelay $0x3  }
0x36: {  	p1 =	seq.s32 s10, $0x1;
	s10 =	sld [smem:$0x3FBA];
	_ =	sdelay $0x3  }
0x37: {  	[smem:$0x3FBA] =	sst s10  }
0x38: {  	s10 =	sld [smem:$0x3FBB]  }
0x39: {  	_ = 	snop;
	(pc) =	sbr.ind lr, $3  }
0x3a: {  	_ = 	snop  }
0x3b: {  	_ = 	snop  }
0x3c: {  	p2 =	seq.s32 s10, $0x1;
	s10 =	sld [smem:$0x3FBA]  }
0x3d: {  	_ =	shalt  }
0x3e: {  	_ =	shalt  }
0x3f: {  	_ =	shalt  }
0x40: {  	_ =	shalt  }
0x41: {  	_ =	shalt  }
0x42: {  	_ =	shalt  }
0x43: {  	_ =	shalt  }
0x44: {  	_ =	shalt  }
0x45: {  	_ =	shalt  }
0x46: {  	_ =	shalt  }
0x47: {  	_ =	shalt  }
0x48: {  	_ =	shalt  }
0x49: {  	_ =	shalt  }
0x4a: {  	_ =	shalt  }
0x4b: {  	_ =	shalt  }
0x4c: {  	_ =	shalt  }
0x4d: {  	_ =	shalt  }
0x4e: {  	_ =	shalt  }
0x4f: {  	_ =	shalt  }
0x50: {  	_ =	shalt  }
0x51: {  	_ =	shalt  }
0x52: {  	_ =	shalt  }
0x53: {  	_ =	shalt  }
0x54: {  	_ =	shalt  }
0x55: {  	_ =	shalt  }
0x56: {  	_ =	shalt  }
0x57: {  	_ =	shalt  }
0x58: {  	_ =	shalt  }
0x59: {  	_ =	shalt  }
0x5a: {  	_ =	shalt  }
0x5b: {  	_ =	shalt  }
0x5c: {  	_ =	shalt  }
0x5d: {  	_ =	shalt  }
0x5e: {  	_ =	shalt  }
0x5f: {  	_ =	shalt  }
0x60: {  	_ =	shalt  }
0x61: {  	_ =	shalt  }
0x62: {  	_ =	shalt  }
0x63: {  	_ =	shalt  }
0x64: {  	_ =	shalt  }
0x65: {  	_ =	shalt  }
0x66: {  	_ =	shalt  }
0x67: {  	_ =	shalt  }
0x68: {  	_ =	shalt  }
0x69: {  	_ =	shalt  }
0x6a: {  	_ =	shalt  }
0x6b: {  	_ =	shalt  }
0x6c: {  	_ =	shalt  }
0x6d: {  	_ =	shalt  }
0x6e: {  	_ =	shalt  }
0x6f: {  	_ =	shalt  }
0x70: {  	_ =	shalt  }
0x71: {  	_ =	shalt  }
0x72: {  	_ =	shalt  }
0x73: {  	_ =	shalt  }
0x74: {  	_ =	shalt  }
0x75: {  	_ =	shalt  }
0x76: {  	_ =	shalt  }
0x77: {  	_ =	shalt  }
0x78: {  	_ =	shalt  }
0x79: {  	_ =	shalt  }
0x7a: {  	_ =	shalt  }
0x7b: {  	_ =	shalt  }
0x7c: {  	_ =	shalt  }
0x7d: {  	_ =	shalt  }
0x7e: {  	_ =	shalt  }
0x7f: {  	_ =	shalt  }
0x80: {  	_ =	shalt  }
0x81: {  	_ =	shalt  }
0x82: {  	_ =	shalt  }
0x83: {  	_ =	shalt  }
0x84: {  	_ =	shalt  }
0x85: {  	_ =	shalt  }
0x86: {  	_ =	shalt  }
0x87: {  	_ =	shalt  }
.Lfunc_end0:
.L_simem_size_0:
called_computation.1_lowered:
.L_overlay_start_0:
0x88: {  	s2 =	sld [smem:$0x3FD9]  }
0x89: {  	s3 =	sld [smem:$0x3FFE];
	_ =	sdelay $0x1  }
0x8a: {  	s1 =	srdreg.scid  }
0x8b: {  	s0 =	sand.u32 $0x1, s1  }
0x8c: {  	s17 =	sshll.u32 s0, $0xA;
	s2 =	sadd.s32 s3, s2  }
0x8d: {  	s2 =	sadd.s32 s2, s17  }
0x8e: {  	[smem:$0x3FC6] =	sst s2  }
0x8f: {  	_ = 	snop  }
0x90: {  	s2 =	sld [smem:$0x3FD0];
	(tm) =	ssettm $0x1  }
0x91: {  	s18 =	sld [smem:$0x3FFB];
	_ =	sdelay $0x3  }
0x92: {  	_ =	strace s18  }
0x93: {  	s3 =	sld [smem:$0x3FFC];
	_ =	sdelay $0x3  }
0x94: {  	_ =	strace s3  }
0x95: {  	s3 =	sld [smem:$0x3FFD];
	_ =	sdelay $0x3  }
0x96: {  	_ =	strace s3  }
0x97: {  	_ =	strace $0x8FFFFFFF  }
0x98: {  	s19 =	sld [smem:$0x3FDB];
	_ =	sdelay $0x1  }
0x99: {  	s4 =	simm.s32 $_scs_section_size  }
0x9a: {  	s5 =	simm.s32 $_size__tile_overlayer_lowered;
	s6 =	simm.s32 $_tile_overlayer_lowered  }
0x9b: {  	s22 =	simm.s32 $0x1BFF;
	s21 =	sshll.u32 s6, $0x1;
	s3 =	sadd.s32 s4, s19  }
0x9c: {  	s7 =	simm.s32 $0x0;
	s20 =	sshll.u32 s5, $0x1;
	s5 =	sadd.s32 s21, s3  }
0x9d: {  	[timem:s7], [sflag:s22] =	dma.local [hbm:s5], s20  }
0x9e: {  	_ =	swait.ge [sflag:s22], s20  }
0x9f: {  	s4 =	ssub.s32 $0x0, s20;
	[sflag:s22] =	ssyncset.done $0x0  }
0xa0: {  	[sflag:s22] =	ssyncadd.s32 s4;
	_ =	sdelay $0x1  }
0xa1: {  	s23 =	simm.s32 $0x1B8B  }
0xa2: {  	_ =	swait.ge [sflag:s23], $0x1  }
0xa3: {  	[sflag:s23] =	ssyncset.done $0x0  }
0xa4: {  	s25 =	simm.s32 $0x1B8E;
	s24 =	sld [smem:$0x3FFE];
	[sflag:s23] =	ssyncadd.s32 $0xFFFFFFFF  }
0xa5: {  	s26 =	simm.s32 $execute0_lowered;
	[smem:$0x3FD2] =	sst s25  }
0xa6: {  	s5 =	sshll.u32 s26, $0x1;
	_ =	strace $0x80000046;
	[dreg:$0x1] =	wrdreg $0xFFFFFFFF  }
0xa7: {  	s28 =	simm.s32 $_size_execute0_lowered;
	s3 =	sadd.s32 s3, s5;
	[dreg:$0x0] =	wrdreg $0x0  }
0xa8: {  	s5 =	sshll.u32 s28, $0x1;
	[dreg:$0x2] =	wrdreg s3  }
0xa9: {  	[dreg:$0x3] =	wrdreg s5  }
0xaa: {  	[dreg:$0x4] =	wrdreg $0xC0  }
0xab: {  	_ =	task [dreg:s7], $0x5FFFF  }
0xac: {  	[dreg:$0x1] =	wrdreg $0xFFFFFFFF  }
0xad: {  	[dreg:$0x0] =	wrdreg $0x60  }
0xae: {  	[dreg:$0x2] =	wrdreg s2  }
0xaf: {  	[dreg:$0x3] =	wrdreg s24  }
0xb0: {  	[dreg:$0x4] =	wrdreg $0x9  }
0xb1: {  	_ =	task.clear_ibuf [dreg:s7], $0x5FFFF;
	_ =	strace $0x90000046  }
0xb2: {  	s29 =	simm.s32 $0x9;
	_ =	strace $0x80000048  }
0xb3: {  	_ =	swait.ge [sflag:s29], $0x1  }
0xb4: {  	[sflag:s29] =	ssyncadd.s32 $0xFFFFFFFF  }
0xb5: {  	_ =	strace $0x90000048  }
0xb6: {  	_ =	sfence  }
0xb7: {  	s30 =	sld [smem:$0x0];
	_ =	sdelay $0x2  }
0xb8: {  	s31 =	sshll.u32 s1, $0xD;
	s1 =	sshrl.u32 s1, $0x2  }
0xb9: {  	s3 =	sand.u32 $0x4000, s31;
	s1 =	sadd.s32 s1, s30  }
0xba: {  	s0 =	sor.u32 s3, s0;
	s1 =	sshll.u32 s1, $0x11  }
0xbb: {  	s0 =	sor.u32 s1, s0  }
0xbc: {  	s0 =	sadd.s32 $0x8F2B, s0  }
0xbd: {  	[sflag:s0] =	ssyncadd.remote.s32 $0x1  }
0xbe: {  	_ =	sfence.sel $0xFFFF  }
0xbf: {  	[dreg:$0x0] =	wrdreg $0xFFFFFFFF;
	(pc) =	sbr.abs _section_cstart, $3  }
0xc0: {  	[dreg:$0x1] =	wrdreg $0xFFFFFFFF  }
0xc1: {  	_ =	task.clear_ibuf [dreg:s7], $0x2FFFF;
	_ =	strace $0x9FFFFFFF  }
0xc2: {  	(tm) =	ssettm $0x7FFFFFFF  }
0xc3: {  	_ =	shalt  }
tec
execute0_lowered:
.L_overlay_start_1:
0x0: {  	(tag) =	ssettag $0x1  }
0x1: {  	s0 =	rddreg [dreg:$0x0];
	s1 =	srdreg.scid  }
0x2: {  	s2 =	stileid.u32;
	s4 =	rddreg [dreg:$0x1];
	s19 =	simm.s32 $0x7  }
0x3: {  	s28 =	simm.s32 $0x1;
	s1 =	sand.u32 $0x1, s1;
	s3 =	sshll.u32 s2, $0x1  }
0x4: {  	s30 =	simm.s32 $0x16400;
	s31 =	simm.s32 $0x2;
	s6 =	sor.u32 s1, s3  }
0x5: {  	s29 =	simm.s32 $0x6;
	s2 =	simm.s32 $0x0;
	s7 =	smul.u32 $0x6400, s6  }
0x6: {  	[smem:$0x7FF] =	sst s2;
	s1 =	ssub.s32 $0x2, s1;
	s5 =	smul.u32 $0x64000, s6  }
0x7: {  	s3 =	sadd.s32 $0xF42E00, s4;
	s8 =	sshrl.u32 s1, $0x1;
	s6 =	smul.u32 $0x320000, s6  }
0x8: {  	s4 =	sadd.s32 $0xA00, s4;
	_ =	strace $0x80000047;
	s1 =	ssub.s32 s1, s8  }
0x9: {  	s9 =	sshrl.u32 s7, $0x3;
	s5 =	sadd.s32 s4, s5;
	s23 =	sshrl.u32 s6, $0x3  }
0xa: {  	s11 =	sor.u32 $0x80, s7;
	s12 =	sor.u32 $0x100, s7;
	s0 =	sadd.s32 s0, s9  }
0xb: {  	s13 =	sor.u32 $0x180, s7;
	s20 =	sadd.s32 $0x800, s5;
	[dreg:$0x3] =	wrdreg s0  }
0xc: {  	s18 =	smax.u32 s1, $0x1;
	s21 =	sadd.s32 $0x1000, s5;
	[dreg:$0x4] =	wrdreg s20  }
0xd: {  	s1 =	simm.s32 $0x4;
	s22 =	sadd.s32 $0x1800, s5;
	[dreg:$0x5] =	wrdreg s21  }
0xe: {  	s7 =	simm.s32 $0x0;
	[dreg:$0x6] =	wrdreg s22;
	s0 =	sadd.s32 s4, s23  }
0xf: {  	s20 =	simm.s32 $0x80;
	s21 =	simm.s32 $0x6400;
	s24 =	sadd.s32 $0x62000, s0  }
0x10: {  	s22 =	simm.s32 $0xA400;
	s25 =	sadd.s32 $0x62800, s0;
	[dreg:$0x7] =	wrdreg s24  }
0x11: {  	s23 =	simm.s32 $0x3;
	s26 =	sadd.s32 $0x63000, s0;
	[dreg:$0x8] =	wrdreg s25  }
0x12: {  	s17 =	sadd.s32 $0x63800, s0;
	s0 =	simm.s32 $0x1A400;
	[dreg:$0x9] =	wrdreg s26  }
0x13: {  	s24 =	simm.s32 $0xE400;
	s26 =	simm.s32 $0x12400;
	s25 =	simm.s32 $0x5  }
.LBB2_1:
0x14: {  	s8 =	rddreg [dreg:$0x3]  }
0x15: {  	[tilespmem:s2], [sflag:$0x7] =	stream.linear.gather [hbm4b:s8+s2], $0x6400, $0x38;
	[tilespmem:$0x1E400] =	vst v63  }
0x16: {  	_ =	swait.ge [sflag:s19], $0x6400  }
0x17: {  	[sflag:s19] =	ssyncset.done $0x0  }
0x18: {  	[sflag:s19] =	ssyncadd.s32 $0xFFFF9C00  }
0x19: {  	[tilespmem:s21], [sflag:$0x1] =	stream.indirect.gather [hbm4b:s3+s20], $0x80, s2, s20, $0xb8;
	[tilespmem:$0x1E400] =	vst v63  }
0x1a: {  	_ = 	snop  }
0x1b: {  	[tilespmem:s22], [sflag:$0x2] =	stream.indirect.gather [hbm4b:s3+s20], $0x80, s20, s20, $0xb8;
	[tilespmem:$0x1E400] =	vst v63  }
0x1c: {  	s15 =	simm.s32 $0x100  }
0x1d: {  	[tilespmem:s24], [sflag:$0x3] =	stream.indirect.gather [hbm4b:s3+s20], $0x80, s15, s20, $0xb8;
	[tilespmem:$0x1E400] =	vst v63  }
0x1e: {  	s16 =	simm.s32 $0x180  }
0x1f: {  	[tilespmem:s26], [sflag:$0x4] =	stream.indirect.gather [hbm4b:s3+s20], $0x80, s16, s20, $0xb8;
	[tilespmem:$0x1E400] =	vst v63  }
0x20: {  	_ =	swait.ge [sflag:s28], $0x4000  }
0x21: {  	[sflag:s28] =	ssyncset.done $0x0  }
0x22: {  	s8 =	simm.s32 $0x0;
	[sflag:s28] =	ssyncadd.s32 $0xFFFFC000  }
0x23: {  	v0 =	vld [tilespmem:s8+$0x65B0]  }
0x24: {  	v1 =	vld [tilespmem:s8+$0x6400]  }
0x25: {  	v2 =	vld [tilespmem:s8+$0x6410]  }
0x26: {  	v3 =	vld [tilespmem:s8+$0x6420]  }
0x27: {  	v4 =	vld [tilespmem:s8+$0x6430]  }
0x28: {  	v5 =	vld [tilespmem:s8+$0x6480];
	v0 =	vmul.f32 $8.000000000e+00, v0  }
0x29: {  	v6 =	vld [tilespmem:s8+$0x6490];
	v1 =	vmul.f32 $8.000000000e+00, v1  }
0x2a: {  	v7 =	vld [tilespmem:s8+$0x64A0];
	[tilespmem:s8+$0x165B0] =	vst v0;
	v0 =	vmul.f32 $8.000000000e+00, v2  }
0x2b: {  	v8 =	vld [tilespmem:s8+$0x64B0];
	[tilespmem:s8+$0x16400] =	vst v1;
	v1 =	vmul.f32 $8.000000000e+00, v3  }
0x2c: {  	v9 =	vld [tilespmem:s8+$0x6500];
	v2 =	vmul.f32 $8.000000000e+00, v4;
	[tilespmem:s8+$0x16410] =	vst v0  }
0x2d: {  	v10 =	vld [tilespmem:s8+$0x6510];
	v3 =	vmul.f32 $8.000000000e+00, v5;
	[tilespmem:s8+$0x16420] =	vst v1  }
0x2e: {  	v4 =	vmul.f32 $8.000000000e+00, v6;
	v0 =	vld [tilespmem:s8+$0x6520];
	[tilespmem:s8+$0x16430] =	vst v2  }
0x2f: {  	v5 =	vmul.f32 $8.000000000e+00, v7;
	v1 =	vld [tilespmem:s8+$0x6530];
	[tilespmem:s8+$0x16480] =	vst v3  }
0x30: {  	v7 =	vmul.f32 $8.000000000e+00, v8;
	v2 =	vld [tilespmem:s8+$0x6580];
	[tilespmem:s8+$0x16490] =	vst v4  }
0x31: {  	v3 =	vld [tilespmem:s8+$0x6590];
	[tilespmem:s8+$0x164A0] =	vst v5;
	v5 =	vmul.f32 $8.000000000e+00, v9  }
0x32: {  	s9 =	simm.s32 $0x200;
	s10 =	simm.s32 $0x1000;
	v6 =	vmul.f32 $8.000000000e+00, v10;
	v4 =	vld [tilespmem:s8+$0x65A0];
	[tilespmem:s8+$0x164B0] =	vst v7  }
.LBB2_2:
0x33: {  	p0 =	sne.s32 s10, $0xF800;
	v7 =	vld [tilespmem:s9+$0x65B0];
	v0 =	vmul.f32 $8.000000000e+00, v0;
	[tilespmem:s8+$0x16500] =	vst v5  }
0x34: {  	v5 =	vld [tilespmem:s9+$0x6400];
	v1 =	vmul.f32 $8.000000000e+00, v1;
	[tilespmem:s8+$0x16510] =	vst v6  }
0x35: {  	v6 =	vld [tilespmem:s9+$0x6410];
	v2 =	vmul.f32 $8.000000000e+00, v2;
	[tilespmem:s8+$0x16520] =	vst v0  }
0x36: {  	v0 =	vld [tilespmem:s9+$0x6420];
	v3 =	vmul.f32 $8.000000000e+00, v3;
	[tilespmem:s8+$0x16530] =	vst v1  }
0x37: {  	v1 =	vld [tilespmem:s9+$0x6430];
	v4 =	vmul.f32 $8.000000000e+00, v4;
	[tilespmem:s8+$0x16580] =	vst v2  }
0x38: {  	v2 =	vld [tilespmem:s9+$0x6480];
	v7 =	vmul.f32 $8.000000000e+00, v7;
	[tilespmem:s8+$0x16590] =	vst v3  }
0x39: {  	v3 =	vmul.f32 $8.000000000e+00, v5;
	v5 =	vld [tilespmem:s9+$0x6490];
	[tilespmem:s8+$0x165A0] =	vst v4;
	s8 =	smov.u32 s9  }
0x3a: {  	v4 =	vmul.f32 $8.000000000e+00, v6;
	v6 =	vld [tilespmem:s8+$0x64A0];
	[tilespmem:s8+$0x165B0] =	vst v7  }
0x3b: {  	v0 =	vmul.f32 $8.000000000e+00, v0;
	v7 =	vld [tilespmem:s8+$0x64B0];
	[tilespmem:s8+$0x16400] =	vst v3  }
0x3c: {  	v1 =	vmul.f32 $8.000000000e+00, v1;
	v3 =	vld [tilespmem:s8+$0x6500];
	[tilespmem:s8+$0x16410] =	vst v4  }
0x3d: {  	v2 =	vmul.f32 $8.000000000e+00, v2;
	v4 =	vld [tilespmem:s8+$0x6510];
	[tilespmem:s8+$0x16420] =	vst v0  }
.Ltmp0:
0x3e: {  	v5 =	vmul.f32 $8.000000000e+00, v5;
	v0 =	vld [tilespmem:s8+$0x6520];
	[tilespmem:s8+$0x16430] =	vst v1;
	(pc) =	sbr.rel @p0 .LBB2_2-.Ltmp0, $4  }
0x3f: {  	v6 =	vmul.f32 $8.000000000e+00, v6;
	v1 =	vld [tilespmem:s8+$0x6530];
	[tilespmem:s8+$0x16480] =	vst v2  }
0x40: {  	v7 =	vmul.f32 $8.000000000e+00, v7;
	v2 =	vld [tilespmem:s8+$0x6580];
	[tilespmem:s8+$0x16490] =	vst v5  }
0x41: {  	v5 =	vmul.f32 $8.000000000e+00, v3;
	v3 =	vld [tilespmem:s8+$0x6590];
	[tilespmem:s8+$0x164A0] =	vst v6  }
0x42: {  	s9 =	sshra.s32 s10, $0x2;
	s10 =	sadd.s32 $0x800, s10;
	v6 =	vmul.f32 $8.000000000e+00, v4;
	v4 =	vld [tilespmem:s8+$0x65A0];
	[tilespmem:s8+$0x164B0] =	vst v7  }
0x43: {  	v7 =	vld [tilespmem:s9+$0x65B0];
	[tilespmem:s8+$0x16500] =	vst v5;
	v0 =	vmul.f32 $8.000000000e+00, v0  }
0x44: {  	v5 =	vld [tilespmem:s9+$0x6400];
	[tilespmem:s8+$0x16510] =	vst v6;
	v1 =	vmul.f32 $8.000000000e+00, v1  }
0x45: {  	v6 =	vld [tilespmem:s9+$0x6410];
	[tilespmem:s8+$0x16520] =	vst v0;
	v2 =	vmul.f32 $8.000000000e+00, v2  }
0x46: {  	v0 =	vld [tilespmem:s9+$0x6420];
	[tilespmem:s8+$0x16530] =	vst v1;
	v3 =	vmul.f32 $8.000000000e+00, v3  }
0x47: {  	v1 =	vld [tilespmem:s9+$0x6430];
	[tilespmem:s8+$0x16580] =	vst v2;
	v4 =	vmul.f32 $8.000000000e+00, v4  }
0x48: {  	v2 =	vld [tilespmem:s9+$0x6480];
	[tilespmem:s8+$0x16590] =	vst v3;
	v7 =	vmul.f32 $8.000000000e+00, v7  }
0x49: {  	v3 =	vld [tilespmem:s9+$0x6490];
	[tilespmem:s8+$0x165A0] =	vst v4;
	v5 =	vmul.f32 $8.000000000e+00, v5  }
0x4a: {  	v4 =	vld [tilespmem:s9+$0x64A0];
	[tilespmem:s9+$0x165B0] =	vst v7;
	v6 =	vmul.f32 $8.000000000e+00, v6  }
0x4b: {  	v7 =	vld [tilespmem:s9+$0x64B0];
	[tilespmem:s9+$0x16400] =	vst v5;
	v0 =	vmul.f32 $8.000000000e+00, v0  }
0x4c: {  	v5 =	vld [tilespmem:s9+$0x6500];
	[tilespmem:s9+$0x16410] =	vst v6;
	v1 =	vmul.f32 $8.000000000e+00, v1  }
0x4d: {  	v6 =	vld [tilespmem:s9+$0x6510];
	[tilespmem:s9+$0x16420] =	vst v0;
	v2 =	vmul.f32 $8.000000000e+00, v2  }
0x4e: {  	v0 =	vld [tilespmem:s9+$0x6520];
	[tilespmem:s9+$0x16430] =	vst v1;
	v3 =	vmul.f32 $8.000000000e+00, v3  }
0x4f: {  	v1 =	vld [tilespmem:s9+$0x6530];
	[tilespmem:s9+$0x16480] =	vst v2;
	v4 =	vmul.f32 $8.000000000e+00, v4  }
0x50: {  	v2 =	vld [tilespmem:s9+$0x6580];
	v7 =	vmul.f32 $8.000000000e+00, v7;
	[tilespmem:s9+$0x16490] =	vst v3  }
0x51: {  	v3 =	vld [tilespmem:s9+$0x6590];
	[tilespmem:s9+$0x164A0] =	vst v4;
	v4 =	vmul.f32 $8.000000000e+00, v5  }
0x52: {  	v5 =	vld [tilespmem:s9+$0x65A0];
	v6 =	vmul.f32 $8.000000000e+00, v6;
	[tilespmem:s9+$0x164B0] =	vst v7  }
0x53: {  	v0 =	vmul.f32 $8.000000000e+00, v0;
	[tilespmem:s9+$0x16500] =	vst v4  }
0x54: {  	v1 =	vmul.f32 $8.000000000e+00, v1;
	[tilespmem:s9+$0x16510] =	vst v6  }
0x55: {  	v2 =	vmul.f32 $8.000000000e+00, v2;
	[tilespmem:s9+$0x16520] =	vst v0  }
0x56: {  	v0 =	vmul.f32 $8.000000000e+00, v3;
	[tilespmem:s9+$0x16530] =	vst v1  }
0x57: {  	v1 =	vmul.f32 $8.000000000e+00, v5;
	[tilespmem:s9+$0x16580] =	vst v2  }
0x58: {  	[tilespmem:s9+$0x16590] =	vst v0  }
0x59: {  	s15 =	simm.s32 $0x200;
	[tilespmem:s9+$0x165A0] =	vst v1  }
0x5a: {  	[tilespmem:s21], [sflag:$0x1] =	stream.indirect.gather [hbm4b:s3+s20], $0x80, s15, s20, $0xb8;
	[tilespmem:$0x1E400] =	vst v63  }
0x5b: {  	s16 =	simm.s32 $0x0  }
0x5c: {  	[hbm4b:s5+s16] =	stream.linear.scatter [tilespmem:s30], [sflag:$0x5], $0x4000, $0x38;
	[tilespmem:$0x1E400] =	vst v63  }
0x5d: {  	_ =	swait.ge [sflag:s31], $0x4000  }
0x5e: {  	[sflag:s31] =	ssyncset.done $0x0  }
0x5f: {  	s8 =	simm.s32 $0x0;
	[sflag:s31] =	ssyncadd.s32 $0xFFFFC000  }
0x60: {  	v0 =	vld [tilespmem:s8+$0xA5B0]  }
0x61: {  	v1 =	vld [tilespmem:s8+$0xA400]  }
0x62: {  	v2 =	vld [tilespmem:s8+$0xA410]  }
0x63: {  	v3 =	vld [tilespmem:s8+$0xA420]  }
0x64: {  	v4 =	vld [tilespmem:s8+$0xA430]  }
0x65: {  	v5 =	vld [tilespmem:s8+$0xA480];
	v0 =	vmul.f32 $8.000000000e+00, v0  }
0x66: {  	v6 =	vld [tilespmem:s8+$0xA490];
	v1 =	vmul.f32 $8.000000000e+00, v1  }
0x67: {  	v7 =	vld [tilespmem:s8+$0xA4A0];
	[tilespmem:s8+$0x1A5B0] =	vst v0;
	v0 =	vmul.f32 $8.000000000e+00, v2  }
0x68: {  	v8 =	vld [tilespmem:s8+$0xA4B0];
	[tilespmem:s8+$0x1A400] =	vst v1;
	v1 =	vmul.f32 $8.000000000e+00, v3  }
0x69: {  	v9 =	vld [tilespmem:s8+$0xA500];
	v2 =	vmul.f32 $8.000000000e+00, v4;
	[tilespmem:s8+$0x1A410] =	vst v0  }
0x6a: {  	v10 =	vld [tilespmem:s8+$0xA510];
	v3 =	vmul.f32 $8.000000000e+00, v5;
	[tilespmem:s8+$0x1A420] =	vst v1  }
0x6b: {  	v4 =	vmul.f32 $8.000000000e+00, v6;
	v0 =	vld [tilespmem:s8+$0xA520];
	[tilespmem:s8+$0x1A430] =	vst v2  }
0x6c: {  	v5 =	vmul.f32 $8.000000000e+00, v7;
	v1 =	vld [tilespmem:s8+$0xA530];
	[tilespmem:s8+$0x1A480] =	vst v3  }
0x6d: {  	v7 =	vmul.f32 $8.000000000e+00, v8;
	v2 =	vld [tilespmem:s8+$0xA580];
	[tilespmem:s8+$0x1A490] =	vst v4  }
0x6e: {  	v3 =	vld [tilespmem:s8+$0xA590];
	[tilespmem:s8+$0x1A4A0] =	vst v5;
	v5 =	vmul.f32 $8.000000000e+00, v9  }
0x6f: {  	s10 =	simm.s32 $0x1000;
	s9 =	simm.s32 $0x200;
	v6 =	vmul.f32 $8.000000000e+00, v10;
	v4 =	vld [tilespmem:s8+$0xA5A0];
	[tilespmem:s8+$0x1A4B0] =	vst v7  }
.LBB2_4:
0x70: {  	p0 =	sne.s32 s10, $0xF800;
	v7 =	vld [tilespmem:s9+$0xA5B0];
	v0 =	vmul.f32 $8.000000000e+00, v0;
	[tilespmem:s8+$0x1A500] =	vst v5  }
0x71: {  	v5 =	vld [tilespmem:s9+$0xA400];
	v1 =	vmul.f32 $8.000000000e+00, v1;
	[tilespmem:s8+$0x1A510] =	vst v6  }
0x72: {  	v6 =	vld [tilespmem:s9+$0xA410];
	v2 =	vmul.f32 $8.000000000e+00, v2;
	[tilespmem:s8+$0x1A520] =	vst v0  }
0x73: {  	v0 =	vld [tilespmem:s9+$0xA420];
	v3 =	vmul.f32 $8.000000000e+00, v3;
	[tilespmem:s8+$0x1A530] =	vst v1  }
0x74: {  	v1 =	vld [tilespmem:s9+$0xA430];
	v4 =	vmul.f32 $8.000000000e+00, v4;
	[tilespmem:s8+$0x1A580] =	vst v2  }
0x75: {  	v2 =	vld [tilespmem:s9+$0xA480];
	v7 =	vmul.f32 $8.000000000e+00, v7;
	[tilespmem:s8+$0x1A590] =	vst v3  }
0x76: {  	v3 =	vmul.f32 $8.000000000e+00, v5;
	v5 =	vld [tilespmem:s9+$0xA490];
	[tilespmem:s8+$0x1A5A0] =	vst v4;
	s8 =	smov.u32 s9  }
0x77: {  	v4 =	vmul.f32 $8.000000000e+00, v6;
	v6 =	vld [tilespmem:s8+$0xA4A0];
	[tilespmem:s8+$0x1A5B0] =	vst v7  }
0x78: {  	v0 =	vmul.f32 $8.000000000e+00, v0;
	v7 =	vld [tilespmem:s8+$0xA4B0];
	[tilespmem:s8+$0x1A400] =	vst v3  }
0x79: {  	v1 =	vmul.f32 $8.000000000e+00, v1;
	v3 =	vld [tilespmem:s8+$0xA500];
	[tilespmem:s8+$0x1A410] =	vst v4  }
0x7a: {  	v2 =	vmul.f32 $8.000000000e+00, v2;
	v4 =	vld [tilespmem:s8+$0xA510];
	[tilespmem:s8+$0x1A420] =	vst v0  }
.Ltmp1:
0x7b: {  	v5 =	vmul.f32 $8.000000000e+00, v5;
	v0 =	vld [tilespmem:s8+$0xA520];
	[tilespmem:s8+$0x1A430] =	vst v1;
	(pc) =	sbr.rel @p0 .LBB2_4-.Ltmp1, $4  }
0x7c: {  	v6 =	vmul.f32 $8.000000000e+00, v6;
	v1 =	vld [tilespmem:s8+$0xA530];
	[tilespmem:s8+$0x1A480] =	vst v2  }
0x7d: {  	v7 =	vmul.f32 $8.000000000e+00, v7;
	v2 =	vld [tilespmem:s8+$0xA580];
	[tilespmem:s8+$0x1A490] =	vst v5  }
0x7e: {  	v5 =	vmul.f32 $8.000000000e+00, v3;
	v3 =	vld [tilespmem:s8+$0xA590];
	[tilespmem:s8+$0x1A4A0] =	vst v6  }
0x7f: {  	s9 =	sshra.s32 s10, $0x2;
	s10 =	sadd.s32 $0x800, s10;
	v6 =	vmul.f32 $8.000000000e+00, v4;
	v4 =	vld [tilespmem:s8+$0xA5A0];
	[tilespmem:s8+$0x1A4B0] =	vst v7  }
0x80: {  	v7 =	vld [tilespmem:s9+$0xA5B0];
	[tilespmem:s8+$0x1A500] =	vst v5;
	v0 =	vmul.f32 $8.000000000e+00, v0  }
0x81: {  	v5 =	vld [tilespmem:s9+$0xA400];
	[tilespmem:s8+$0x1A510] =	vst v6;
	v1 =	vmul.f32 $8.000000000e+00, v1  }
0x82: {  	v6 =	vld [tilespmem:s9+$0xA410];
	[tilespmem:s8+$0x1A520] =	vst v0;
	v2 =	vmul.f32 $8.000000000e+00, v2  }
0x83: {  	v0 =	vld [tilespmem:s9+$0xA420];
	[tilespmem:s8+$0x1A530] =	vst v1;
	v3 =	vmul.f32 $8.000000000e+00, v3  }
0x84: {  	v1 =	vld [tilespmem:s9+$0xA430];
	[tilespmem:s8+$0x1A580] =	vst v2;
	v4 =	vmul.f32 $8.000000000e+00, v4  }
0x85: {  	v2 =	vld [tilespmem:s9+$0xA480];
	[tilespmem:s8+$0x1A590] =	vst v3;
	v7 =	vmul.f32 $8.000000000e+00, v7  }
0x86: {  	v3 =	vld [tilespmem:s9+$0xA490];
	[tilespmem:s8+$0x1A5A0] =	vst v4;
	v5 =	vmul.f32 $8.000000000e+00, v5  }
0x87: {  	v4 =	vld [tilespmem:s9+$0xA4A0];
	[tilespmem:s9+$0x1A5B0] =	vst v7;
	v6 =	vmul.f32 $8.000000000e+00, v6  }
0x88: {  	v7 =	vld [tilespmem:s9+$0xA4B0];
	[tilespmem:s9+$0x1A400] =	vst v5;
	v0 =	vmul.f32 $8.000000000e+00, v0  }
0x89: {  	v5 =	vld [tilespmem:s9+$0xA500];
	[tilespmem:s9+$0x1A410] =	vst v6;
	v1 =	vmul.f32 $8.000000000e+00, v1  }
0x8a: {  	v6 =	vld [tilespmem:s9+$0xA510];
	[tilespmem:s9+$0x1A420] =	vst v0;
	v2 =	vmul.f32 $8.000000000e+00, v2  }
0x8b: {  	v0 =	vld [tilespmem:s9+$0xA520];
	[tilespmem:s9+$0x1A430] =	vst v1;
	v3 =	vmul.f32 $8.000000000e+00, v3  }
0x8c: {  	v1 =	vld [tilespmem:s9+$0xA530];
	[tilespmem:s9+$0x1A480] =	vst v2;
	v4 =	vmul.f32 $8.000000000e+00, v4  }
0x8d: {  	v2 =	vld [tilespmem:s9+$0xA580];
	v7 =	vmul.f32 $8.000000000e+00, v7;
	[tilespmem:s9+$0x1A490] =	vst v3  }
0x8e: {  	v3 =	vld [tilespmem:s9+$0xA590];
	[tilespmem:s9+$0x1A4A0] =	vst v4;
	v4 =	vmul.f32 $8.000000000e+00, v5  }
0x8f: {  	v5 =	vld [tilespmem:s9+$0xA5A0];
	v6 =	vmul.f32 $8.000000000e+00, v6;
	[tilespmem:s9+$0x1A4B0] =	vst v7  }
0x90: {  	v0 =	vmul.f32 $8.000000000e+00, v0;
	[tilespmem:s9+$0x1A500] =	vst v4  }
0x91: {  	v1 =	vmul.f32 $8.000000000e+00, v1;
	[tilespmem:s9+$0x1A510] =	vst v6  }
0x92: {  	v2 =	vmul.f32 $8.000000000e+00, v2;
	[tilespmem:s9+$0x1A520] =	vst v0  }
0x93: {  	v0 =	vmul.f32 $8.000000000e+00, v3;
	[tilespmem:s9+$0x1A530] =	vst v1  }
0x94: {  	v1 =	vmul.f32 $8.000000000e+00, v5;
	[tilespmem:s9+$0x1A580] =	vst v2  }
0x95: {  	[tilespmem:s9+$0x1A590] =	vst v0  }
0x96: {  	s14 =	simm.s32 $0x280;
	[tilespmem:s9+$0x1A5A0] =	vst v1  }
0x97: {  	[tilespmem:s22], [sflag:$0x2] =	stream.indirect.gather [hbm4b:s3+s20], $0x80, s14, s20, $0xb8;
	[tilespmem:$0x1E400] =	vst v63  }
0x98: {  	s15 =	simm.s32 $0x0;
	s16 =	rddreg [dreg:$0x4]  }
0x99: {  	[hbm4b:s16+s15] =	stream.linear.scatter [tilespmem:s0], [sflag:$0x6], $0x4000, $0x38;
	[tilespmem:$0x1E400] =	vst v63  }
0x9a: {  	_ =	swait.ge [sflag:s23], $0x4000  }
0x9b: {  	[sflag:s23] =	ssyncset.done $0x0  }
0x9c: {  	[sflag:s23] =	ssyncadd.s32 $0xFFFFC000  }
0x9d: {  	_ =	swait.ge [sflag:s25], $0x4000  }
0x9e: {  	[sflag:s25] =	ssyncset.done $0x0  }
0x9f: {  	s8 =	simm.s32 $0x0;
	[sflag:s25] =	ssyncadd.s32 $0xFFFFC000  }
0xa0: {  	v0 =	vld [tilespmem:s8+$0xE5B0]  }
0xa1: {  	v1 =	vld [tilespmem:s8+$0xE400]  }
0xa2: {  	v2 =	vld [tilespmem:s8+$0xE410]  }
0xa3: {  	v3 =	vld [tilespmem:s8+$0xE420]  }
0xa4: {  	v4 =	vld [tilespmem:s8+$0xE430]  }
0xa5: {  	v5 =	vld [tilespmem:s8+$0xE480];
	v0 =	vmul.f32 $8.000000000e+00, v0  }
0xa6: {  	v6 =	vld [tilespmem:s8+$0xE490];
	v1 =	vmul.f32 $8.000000000e+00, v1  }
0xa7: {  	v7 =	vld [tilespmem:s8+$0xE4A0];
	[tilespmem:s8+$0x165B0] =	vst v0;
	v0 =	vmul.f32 $8.000000000e+00, v2  }
0xa8: {  	v8 =	vld [tilespmem:s8+$0xE4B0];
	[tilespmem:s8+$0x16400] =	vst v1;
	v1 =	vmul.f32 $8.000000000e+00, v3  }
0xa9: {  	v9 =	vld [tilespmem:s8+$0xE500];
	v2 =	vmul.f32 $8.000000000e+00, v4;
	[tilespmem:s8+$0x16410] =	vst v0  }
0xaa: {  	v10 =	vld [tilespmem:s8+$0xE510];
	v3 =	vmul.f32 $8.000000000e+00, v5;
	[tilespmem:s8+$0x16420] =	vst v1  }
0xab: {  	v4 =	vmul.f32 $8.000000000e+00, v6;
	v0 =	vld [tilespmem:s8+$0xE520];
	[tilespmem:s8+$0x16430] =	vst v2  }
0xac: {  	v5 =	vmul.f32 $8.000000000e+00, v7;
	v1 =	vld [tilespmem:s8+$0xE530];
	[tilespmem:s8+$0x16480] =	vst v3  }
0xad: {  	v7 =	vmul.f32 $8.000000000e+00, v8;
	v2 =	vld [tilespmem:s8+$0xE580];
	[tilespmem:s8+$0x16490] =	vst v4  }
0xae: {  	v3 =	vld [tilespmem:s8+$0xE590];
	[tilespmem:s8+$0x164A0] =	vst v5;
	v5 =	vmul.f32 $8.000000000e+00, v9  }
0xaf: {  	s10 =	simm.s32 $0x1000;
	s9 =	simm.s32 $0x200;
	v6 =	vmul.f32 $8.000000000e+00, v10;
	v4 =	vld [tilespmem:s8+$0xE5A0];
	[tilespmem:s8+$0x164B0] =	vst v7  }
.LBB2_6:
0xb0: {  	p0 =	sne.s32 s10, $0xF800;
	v7 =	vld [tilespmem:s9+$0xE5B0];
	v0 =	vmul.f32 $8.000000000e+00, v0;
	[tilespmem:s8+$0x16500] =	vst v5  }
0xb1: {  	v5 =	vld [tilespmem:s9+$0xE400];
	v1 =	vmul.f32 $8.000000000e+00, v1;
	[tilespmem:s8+$0x16510] =	vst v6  }
0xb2: {  	v6 =	vld [tilespmem:s9+$0xE410];
	v2 =	vmul.f32 $8.000000000e+00, v2;
	[tilespmem:s8+$0x16520] =	vst v0  }
0xb3: {  	v0 =	vld [tilespmem:s9+$0xE420];
	v3 =	vmul.f32 $8.000000000e+00, v3;
	[tilespmem:s8+$0x16530] =	vst v1  }
0xb4: {  	v1 =	vld [tilespmem:s9+$0xE430];
	v4 =	vmul.f32 $8.000000000e+00, v4;
	[tilespmem:s8+$0x16580] =	vst v2  }
0xb5: {  	v2 =	vld [tilespmem:s9+$0xE480];
	v7 =	vmul.f32 $8.000000000e+00, v7;
	[tilespmem:s8+$0x16590] =	vst v3  }
0xb6: {  	v3 =	vmul.f32 $8.000000000e+00, v5;
	v5 =	vld [tilespmem:s9+$0xE490];
	[tilespmem:s8+$0x165A0] =	vst v4;
	s8 =	smov.u32 s9  }
0xb7: {  	v4 =	vmul.f32 $8.000000000e+00, v6;
	v6 =	vld [tilespmem:s8+$0xE4A0];
	[tilespmem:s8+$0x165B0] =	vst v7  }
0xb8: {  	v0 =	vmul.f32 $8.000000000e+00, v0;
	v7 =	vld [tilespmem:s8+$0xE4B0];
	[tilespmem:s8+$0x16400] =	vst v3  }
0xb9: {  	v1 =	vmul.f32 $8.000000000e+00, v1;
	v3 =	vld [tilespmem:s8+$0xE500];
	[tilespmem:s8+$0x16410] =	vst v4  }
0xba: {  	v2 =	vmul.f32 $8.000000000e+00, v2;
	v4 =	vld [tilespmem:s8+$0xE510];
	[tilespmem:s8+$0x16420] =	vst v0  }
.Ltmp2:
0xbb: {  	v5 =	vmul.f32 $8.000000000e+00, v5;
	v0 =	vld [tilespmem:s8+$0xE520];
	[tilespmem:s8+$0x16430] =	vst v1;
	(pc) =	sbr.rel @p0 .LBB2_6-.Ltmp2, $4  }
0xbc: {  	v6 =	vmul.f32 $8.000000000e+00, v6;
	v1 =	vld [tilespmem:s8+$0xE530];
	[tilespmem:s8+$0x16480] =	vst v2  }
0xbd: {  	v7 =	vmul.f32 $8.000000000e+00, v7;
	v2 =	vld [tilespmem:s8+$0xE580];
	[tilespmem:s8+$0x16490] =	vst v5  }
0xbe: {  	v5 =	vmul.f32 $8.000000000e+00, v3;
	v3 =	vld [tilespmem:s8+$0xE590];
	[tilespmem:s8+$0x164A0] =	vst v6  }
0xbf: {  	s9 =	sshra.s32 s10, $0x2;
	s10 =	sadd.s32 $0x800, s10;
	v6 =	vmul.f32 $8.000000000e+00, v4;
	v4 =	vld [tilespmem:s8+$0xE5A0];
	[tilespmem:s8+$0x164B0] =	vst v7  }
0xc0: {  	v7 =	vld [tilespmem:s9+$0xE5B0];
	[tilespmem:s8+$0x16500] =	vst v5;
	v0 =	vmul.f32 $8.000000000e+00, v0  }
0xc1: {  	v5 =	vld [tilespmem:s9+$0xE400];
	[tilespmem:s8+$0x16510] =	vst v6;
	v1 =	vmul.f32 $8.000000000e+00, v1  }
0xc2: {  	v6 =	vld [tilespmem:s9+$0xE410];
	[tilespmem:s8+$0x16520] =	vst v0;
	v2 =	vmul.f32 $8.000000000e+00, v2  }
0xc3: {  	v0 =	vld [tilespmem:s9+$0xE420];
	[tilespmem:s8+$0x16530] =	vst v1;
	v3 =	vmul.f32 $8.000000000e+00, v3  }
0xc4: {  	v1 =	vld [tilespmem:s9+$0xE430];
	[tilespmem:s8+$0x16580] =	vst v2;
	v4 =	vmul.f32 $8.000000000e+00, v4  }
0xc5: {  	v2 =	vld [tilespmem:s9+$0xE480];
	[tilespmem:s8+$0x16590] =	vst v3;
	v7 =	vmul.f32 $8.000000000e+00, v7  }
0xc6: {  	v3 =	vld [tilespmem:s9+$0xE490];
	[tilespmem:s8+$0x165A0] =	vst v4;
	v5 =	vmul.f32 $8.000000000e+00, v5  }
0xc7: {  	v4 =	vld [tilespmem:s9+$0xE4A0];
	[tilespmem:s9+$0x165B0] =	vst v7;
	v6 =	vmul.f32 $8.000000000e+00, v6  }
0xc8: {  	v7 =	vld [tilespmem:s9+$0xE4B0];
	[tilespmem:s9+$0x16400] =	vst v5;
	v0 =	vmul.f32 $8.000000000e+00, v0  }
0xc9: {  	v5 =	vld [tilespmem:s9+$0xE500];
	[tilespmem:s9+$0x16410] =	vst v6;
	v1 =	vmul.f32 $8.000000000e+00, v1  }
0xca: {  	v6 =	vld [tilespmem:s9+$0xE510];
	[tilespmem:s9+$0x16420] =	vst v0;
	v2 =	vmul.f32 $8.000000000e+00, v2  }
0xcb: {  	v0 =	vld [tilespmem:s9+$0xE520];
	[tilespmem:s9+$0x16430] =	vst v1;
	v3 =	vmul.f32 $8.000000000e+00, v3  }
0xcc: {  	v1 =	vld [tilespmem:s9+$0xE530];
	[tilespmem:s9+$0x16480] =	vst v2;
	v4 =	vmul.f32 $8.000000000e+00, v4  }
0xcd: {  	v2 =	vld [tilespmem:s9+$0xE580];
	v7 =	vmul.f32 $8.000000000e+00, v7;
	[tilespmem:s9+$0x16490] =	vst v3  }
0xce: {  	v3 =	vld [tilespmem:s9+$0xE590];
	[tilespmem:s9+$0x164A0] =	vst v4;
	v4 =	vmul.f32 $8.000000000e+00, v5  }
0xcf: {  	v5 =	vld [tilespmem:s9+$0xE5A0];
	v6 =	vmul.f32 $8.000000000e+00, v6;
	[tilespmem:s9+$0x164B0] =	vst v7  }
0xd0: {  	v0 =	vmul.f32 $8.000000000e+00, v0;
	[tilespmem:s9+$0x16500] =	vst v4  }
0xd1: {  	v1 =	vmul.f32 $8.000000000e+00, v1;
	[tilespmem:s9+$0x16510] =	vst v6  }
0xd2: {  	v2 =	vmul.f32 $8.000000000e+00, v2;
	[tilespmem:s9+$0x16520] =	vst v0  }
0xd3: {  	v0 =	vmul.f32 $8.000000000e+00, v3;
	[tilespmem:s9+$0x16530] =	vst v1  }
0xd4: {  	v1 =	vmul.f32 $8.000000000e+00, v5;
	[tilespmem:s9+$0x16580] =	vst v2  }
0xd5: {  	[tilespmem:s9+$0x16590] =	vst v0  }
0xd6: {  	s14 =	simm.s32 $0x300;
	[tilespmem:s9+$0x165A0] =	vst v1  }
0xd7: {  	[tilespmem:s24], [sflag:$0x3] =	stream.indirect.gather [hbm4b:s3+s20], $0x80, s14, s20, $0xb8;
	[tilespmem:$0x1E400] =	vst v63  }
0xd8: {  	s15 =	simm.s32 $0x0;
	s16 =	rddreg [dreg:$0x5]  }
0xd9: {  	[hbm4b:s16+s15] =	stream.linear.scatter [tilespmem:s30], [sflag:$0x5], $0x4000, $0x38;
	[tilespmem:$0x1E400] =	vst v63  }
0xda: {  	_ =	swait.ge [sflag:s1], $0x4000  }
0xdb: {  	[sflag:s1] =	ssyncset.done $0x0  }
0xdc: {  	[sflag:s1] =	ssyncadd.s32 $0xFFFFC000  }
0xdd: {  	_ =	swait.ge [sflag:s29], $0x4000  }
0xde: {  	[sflag:s29] =	ssyncset.done $0x0  }
0xdf: {  	s8 =	simm.s32 $0x0;
	[sflag:s29] =	ssyncadd.s32 $0xFFFFC000  }
0xe0: {  	v0 =	vld [tilespmem:s8+$0x125B0]  }
0xe1: {  	v1 =	vld [tilespmem:s8+$0x12400]  }
0xe2: {  	v2 =	vld [tilespmem:s8+$0x12410]  }
0xe3: {  	v3 =	vld [tilespmem:s8+$0x12420]  }
0xe4: {  	v4 =	vld [tilespmem:s8+$0x12430]  }
0xe5: {  	v5 =	vld [tilespmem:s8+$0x12480];
	v0 =	vmul.f32 $8.000000000e+00, v0  }
0xe6: {  	v6 =	vld [tilespmem:s8+$0x12490];
	v1 =	vmul.f32 $8.000000000e+00, v1  }
0xe7: {  	v7 =	vld [tilespmem:s8+$0x124A0];
	[tilespmem:s8+$0x1A5B0] =	vst v0;
	v0 =	vmul.f32 $8.000000000e+00, v2  }
0xe8: {  	v8 =	vld [tilespmem:s8+$0x124B0];
	[tilespmem:s8+$0x1A400] =	vst v1;
	v1 =	vmul.f32 $8.000000000e+00, v3  }
0xe9: {  	v9 =	vld [tilespmem:s8+$0x12500];
	v2 =	vmul.f32 $8.000000000e+00, v4;
	[tilespmem:s8+$0x1A410] =	vst v0  }
0xea: {  	v10 =	vld [tilespmem:s8+$0x12510];
	v3 =	vmul.f32 $8.000000000e+00, v5;
	[tilespmem:s8+$0x1A420] =	vst v1  }
0xeb: {  	v4 =	vmul.f32 $8.000000000e+00, v6;
	v0 =	vld [tilespmem:s8+$0x12520];
	[tilespmem:s8+$0x1A430] =	vst v2  }
0xec: {  	v5 =	vmul.f32 $8.000000000e+00, v7;
	v1 =	vld [tilespmem:s8+$0x12530];
	[tilespmem:s8+$0x1A480] =	vst v3  }
0xed: {  	v7 =	vmul.f32 $8.000000000e+00, v8;
	v2 =	vld [tilespmem:s8+$0x12580];
	[tilespmem:s8+$0x1A490] =	vst v4  }
0xee: {  	v3 =	vld [tilespmem:s8+$0x12590];
	[tilespmem:s8+$0x1A4A0] =	vst v5;
	v5 =	vmul.f32 $8.000000000e+00, v9  }
0xef: {  	s10 =	simm.s32 $0x1000;
	s9 =	simm.s32 $0x200;
	v6 =	vmul.f32 $8.000000000e+00, v10;
	v4 =	vld [tilespmem:s8+$0x125A0];
	[tilespmem:s8+$0x1A4B0] =	vst v7  }
.LBB2_8:
0xf0: {  	p0 =	sne.s32 s10, $0xF800;
	v7 =	vld [tilespmem:s9+$0x125B0];
	v0 =	vmul.f32 $8.000000000e+00, v0;
	[tilespmem:s8+$0x1A500] =	vst v5  }
0xf1: {  	v5 =	vld [tilespmem:s9+$0x12400];
	v1 =	vmul.f32 $8.000000000e+00, v1;
	[tilespmem:s8+$0x1A510] =	vst v6  }
0xf2: {  	v6 =	vld [tilespmem:s9+$0x12410];
	v2 =	vmul.f32 $8.000000000e+00, v2;
	[tilespmem:s8+$0x1A520] =	vst v0  }
0xf3: {  	v0 =	vld [tilespmem:s9+$0x12420];
	v3 =	vmul.f32 $8.000000000e+00, v3;
	[tilespmem:s8+$0x1A530] =	vst v1  }
0xf4: {  	v1 =	vld [tilespmem:s9+$0x12430];
	v4 =	vmul.f32 $8.000000000e+00, v4;
	[tilespmem:s8+$0x1A580] =	vst v2  }
0xf5: {  	v2 =	vld [tilespmem:s9+$0x12480];
	v7 =	vmul.f32 $8.000000000e+00, v7;
	[tilespmem:s8+$0x1A590] =	vst v3  }
0xf6: {  	v3 =	vmul.f32 $8.000000000e+00, v5;
	v5 =	vld [tilespmem:s9+$0x12490];
	[tilespmem:s8+$0x1A5A0] =	vst v4;
	s8 =	smov.u32 s9  }
0xf7: {  	v4 =	vmul.f32 $8.000000000e+00, v6;
	v6 =	vld [tilespmem:s8+$0x124A0];
	[tilespmem:s8+$0x1A5B0] =	vst v7  }
0xf8: {  	v0 =	vmul.f32 $8.000000000e+00, v0;
	v7 =	vld [tilespmem:s8+$0x124B0];
	[tilespmem:s8+$0x1A400] =	vst v3  }
0xf9: {  	v1 =	vmul.f32 $8.000000000e+00, v1;
	v3 =	vld [tilespmem:s8+$0x12500];
	[tilespmem:s8+$0x1A410] =	vst v4  }
0xfa: {  	v2 =	vmul.f32 $8.000000000e+00, v2;
	v4 =	vld [tilespmem:s8+$0x12510];
	[tilespmem:s8+$0x1A420] =	vst v0  }
.Ltmp3:
0xfb: {  	v5 =	vmul.f32 $8.000000000e+00, v5;
	v0 =	vld [tilespmem:s8+$0x12520];
	[tilespmem:s8+$0x1A430] =	vst v1;
	(pc) =	sbr.rel @p0 .LBB2_8-.Ltmp3, $4  }
0xfc: {  	v6 =	vmul.f32 $8.000000000e+00, v6;
	v1 =	vld [tilespmem:s8+$0x12530];
	[tilespmem:s8+$0x1A480] =	vst v2  }
0xfd: {  	v7 =	vmul.f32 $8.000000000e+00, v7;
	v2 =	vld [tilespmem:s8+$0x12580];
	[tilespmem:s8+$0x1A490] =	vst v5  }
0xfe: {  	v5 =	vmul.f32 $8.000000000e+00, v3;
	v3 =	vld [tilespmem:s8+$0x12590];
	[tilespmem:s8+$0x1A4A0] =	vst v6  }
0xff: {  	s9 =	sshra.s32 s10, $0x2;
	s10 =	sadd.s32 $0x800, s10;
	v6 =	vmul.f32 $8.000000000e+00, v4;
	v4 =	vld [tilespmem:s8+$0x125A0];
	[tilespmem:s8+$0x1A4B0] =	vst v7  }
0x100: {  	v7 =	vld [tilespmem:s9+$0x125B0];
	[tilespmem:s8+$0x1A500] =	vst v5;
	v0 =	vmul.f32 $8.000000000e+00, v0  }
0x101: {  	v5 =	vld [tilespmem:s9+$0x12400];
	[tilespmem:s8+$0x1A510] =	vst v6;
	v1 =	vmul.f32 $8.000000000e+00, v1  }
0x102: {  	v6 =	vld [tilespmem:s9+$0x12410];
	[tilespmem:s8+$0x1A520] =	vst v0;
	v2 =	vmul.f32 $8.000000000e+00, v2  }
0x103: {  	v0 =	vld [tilespmem:s9+$0x12420];
	[tilespmem:s8+$0x1A530] =	vst v1;
	v3 =	vmul.f32 $8.000000000e+00, v3  }
0x104: {  	v1 =	vld [tilespmem:s9+$0x12430];
	[tilespmem:s8+$0x1A580] =	vst v2;
	v4 =	vmul.f32 $8.000000000e+00, v4  }
0x105: {  	v2 =	vld [tilespmem:s9+$0x12480];
	[tilespmem:s8+$0x1A590] =	vst v3;
	v7 =	vmul.f32 $8.000000000e+00, v7  }
0x106: {  	v3 =	vld [tilespmem:s9+$0x12490];
	[tilespmem:s8+$0x1A5A0] =	vst v4;
	v5 =	vmul.f32 $8.000000000e+00, v5  }
0x107: {  	v4 =	vld [tilespmem:s9+$0x124A0];
	[tilespmem:s9+$0x1A5B0] =	vst v7;
	v6 =	vmul.f32 $8.000000000e+00, v6  }
0x108: {  	v53 =	vld [tilespmem:s9+$0x124B0];
	[tilespmem:s9+$0x1A400] =	vst v5;
	v0 =	vmul.f32 $8.000000000e+00, v0  }
0x109: {  	v54 =	vld [tilespmem:s9+$0x12500];
	[tilespmem:s9+$0x1A410] =	vst v6;
	v1 =	vmul.f32 $8.000000000e+00, v1  }
0x10a: {  	v55 =	vld [tilespmem:s9+$0x12510];
	[tilespmem:s9+$0x1A420] =	vst v0;
	v2 =	vmul.f32 $8.000000000e+00, v2  }
0x10b: {  	v56 =	vld [tilespmem:s9+$0x12520];
	[tilespmem:s9+$0x1A430] =	vst v1;
	v3 =	vmul.f32 $8.000000000e+00, v3  }
0x10c: {  	v57 =	vld [tilespmem:s9+$0x12530];
	[tilespmem:s9+$0x1A480] =	vst v2;
	v4 =	vmul.f32 $8.000000000e+00, v4  }
0x10d: {  	v58 =	vld [tilespmem:s9+$0x12580];
	v7 =	vmul.f32 $8.000000000e+00, v53;
	[tilespmem:s9+$0x1A490] =	vst v3  }
0x10e: {  	v59 =	vld [tilespmem:s9+$0x12590];
	v60 =	vmul.f32 $8.000000000e+00, v54;
	[tilespmem:s9+$0x1A4A0] =	vst v4  }
0x10f: {  	v61 =	vld [tilespmem:s9+$0x125A0];
	v6 =	vmul.f32 $8.000000000e+00, v55;
	[tilespmem:s9+$0x1A4B0] =	vst v7  }
0x110: {  	v0 =	vmul.f32 $8.000000000e+00, v56;
	[tilespmem:s9+$0x1A500] =	vst v60  }
0x111: {  	v1 =	vmul.f32 $8.000000000e+00, v57;
	[tilespmem:s9+$0x1A510] =	vst v6  }
0x112: {  	v2 =	vmul.f32 $8.000000000e+00, v58;
	[tilespmem:s9+$0x1A520] =	vst v0  }
0x113: {  	v62 =	vmul.f32 $8.000000000e+00, v59;
	[tilespmem:s9+$0x1A530] =	vst v1  }
0x114: {  	v63 =	vmul.f32 $8.000000000e+00, v61;
	[tilespmem:s9+$0x1A580] =	vst v2  }
0x115: {  	[tilespmem:s9+$0x1A590] =	vst v62  }
0x116: {  	s15 =	simm.s32 $0x380;
	[tilespmem:s9+$0x1A5A0] =	vst v63  }
0x117: {  	[tilespmem:s26], [sflag:$0x4] =	stream.indirect.gather [hbm4b:s3+s20], $0x80, s15, s20, $0xb8;
	[tilespmem:$0x1E400] =	vst v63  }
0x118: {  	s16 =	rddreg [dreg:$0x6];
	s8 =	simm.s32 $0x1  }
0x119: {  	[hbm4b:s16+s2] =	stream.linear.scatter [tilespmem:s0], [sflag:$0x6], $0x4000, $0x38;
	[tilespmem:$0x1E400] =	vst v63  }
.LBB2_10:
0x11a: {  	_ =	swait.ge [sflag:s28], $0x4000  }
0x11b: {  	[sflag:s28] =	ssyncset.done $0x0  }
0x11c: {  	[sflag:s28] =	ssyncadd.s32 $0xFFFFC000  }
0x11d: {  	_ =	swait.ge [sflag:s25], $0x4000  }
0x11e: {  	[sflag:s25] =	ssyncset.done $0x0  }
0x11f: {  	s9 =	simm.s32 $0x0;
	[sflag:s25] =	ssyncadd.s32 $0xFFFFC000  }
0x120: {  	v0 =	vld [tilespmem:s9+$0x65B0]  }
0x121: {  	v1 =	vld [tilespmem:s9+$0x6400]  }
0x122: {  	v2 =	vld [tilespmem:s9+$0x6410]  }
0x123: {  	v3 =	vld [tilespmem:s9+$0x6420]  }
0x124: {  	v4 =	vld [tilespmem:s9+$0x6430]  }
0x125: {  	v5 =	vld [tilespmem:s9+$0x6480];
	v0 =	vmul.f32 $8.000000000e+00, v0  }
0x126: {  	v6 =	vld [tilespmem:s9+$0x6490];
	v1 =	vmul.f32 $8.000000000e+00, v1  }
0x127: {  	v7 =	vld [tilespmem:s9+$0x64A0];
	[tilespmem:s9+$0x165B0] =	vst v0;
	v0 =	vmul.f32 $8.000000000e+00, v2  }
0x128: {  	v8 =	vld [tilespmem:s9+$0x64B0];
	[tilespmem:s9+$0x16400] =	vst v1;
	v1 =	vmul.f32 $8.000000000e+00, v3  }
0x129: {  	v9 =	vld [tilespmem:s9+$0x6500];
	v2 =	vmul.f32 $8.000000000e+00, v4;
	[tilespmem:s9+$0x16410] =	vst v0  }
0x12a: {  	v10 =	vld [tilespmem:s9+$0x6510];
	v3 =	vmul.f32 $8.000000000e+00, v5;
	[tilespmem:s9+$0x16420] =	vst v1  }
0x12b: {  	v4 =	vmul.f32 $8.000000000e+00, v6;
	v0 =	vld [tilespmem:s9+$0x6520];
	[tilespmem:s9+$0x16430] =	vst v2  }
0x12c: {  	v5 =	vmul.f32 $8.000000000e+00, v7;
	v1 =	vld [tilespmem:s9+$0x6530];
	[tilespmem:s9+$0x16480] =	vst v3  }
0x12d: {  	v7 =	vmul.f32 $8.000000000e+00, v8;
	v2 =	vld [tilespmem:s9+$0x6580];
	[tilespmem:s9+$0x16490] =	vst v4  }
0x12e: {  	v3 =	vld [tilespmem:s9+$0x6590];
	[tilespmem:s9+$0x164A0] =	vst v5;
	v5 =	vmul.f32 $8.000000000e+00, v9  }
0x12f: {  	s14 =	simm.s32 $0x200;
	s10 =	simm.s32 $0x1000;
	v6 =	vmul.f32 $8.000000000e+00, v10;
	v4 =	vld [tilespmem:s9+$0x65A0];
	[tilespmem:s9+$0x164B0] =	vst v7  }
.LBB2_11:
0x130: {  	p0 =	sne.s32 s10, $0xF800;
	v7 =	vld [tilespmem:s14+$0x65B0];
	v0 =	vmul.f32 $8.000000000e+00, v0;
	[tilespmem:s9+$0x16500] =	vst v5  }
0x131: {  	v5 =	vld [tilespmem:s14+$0x6400];
	v1 =	vmul.f32 $8.000000000e+00, v1;
	[tilespmem:s9+$0x16510] =	vst v6  }
0x132: {  	v6 =	vld [tilespmem:s14+$0x6410];
	v2 =	vmul.f32 $8.000000000e+00, v2;
	[tilespmem:s9+$0x16520] =	vst v0  }
0x133: {  	v0 =	vld [tilespmem:s14+$0x6420];
	v3 =	vmul.f32 $8.000000000e+00, v3;
	[tilespmem:s9+$0x16530] =	vst v1  }
0x134: {  	v1 =	vld [tilespmem:s14+$0x6430];
	v4 =	vmul.f32 $8.000000000e+00, v4;
	[tilespmem:s9+$0x16580] =	vst v2  }
0x135: {  	v2 =	vld [tilespmem:s14+$0x6480];
	v7 =	vmul.f32 $8.000000000e+00, v7;
	[tilespmem:s9+$0x16590] =	vst v3  }
0x136: {  	v3 =	vmul.f32 $8.000000000e+00, v5;
	v5 =	vld [tilespmem:s14+$0x6490];
	[tilespmem:s9+$0x165A0] =	vst v4;
	s9 =	smov.u32 s14  }
0x137: {  	v4 =	vmul.f32 $8.000000000e+00, v6;
	v6 =	vld [tilespmem:s9+$0x64A0];
	[tilespmem:s9+$0x165B0] =	vst v7  }
0x138: {  	v0 =	vmul.f32 $8.000000000e+00, v0;
	v7 =	vld [tilespmem:s9+$0x64B0];
	[tilespmem:s9+$0x16400] =	vst v3  }
0x139: {  	v1 =	vmul.f32 $8.000000000e+00, v1;
	v3 =	vld [tilespmem:s9+$0x6500];
	[tilespmem:s9+$0x16410] =	vst v4  }
0x13a: {  	v2 =	vmul.f32 $8.000000000e+00, v2;
	v4 =	vld [tilespmem:s9+$0x6510];
	[tilespmem:s9+$0x16420] =	vst v0  }
.Ltmp4:
0x13b: {  	v5 =	vmul.f32 $8.000000000e+00, v5;
	v0 =	vld [tilespmem:s9+$0x6520];
	[tilespmem:s9+$0x16430] =	vst v1;
	(pc) =	sbr.rel @p0 .LBB2_11-.Ltmp4, $4  }
0x13c: {  	v6 =	vmul.f32 $8.000000000e+00, v6;
	v1 =	vld [tilespmem:s9+$0x6530];
	[tilespmem:s9+$0x16480] =	vst v2  }
0x13d: {  	v7 =	vmul.f32 $8.000000000e+00, v7;
	v2 =	vld [tilespmem:s9+$0x6580];
	[tilespmem:s9+$0x16490] =	vst v5  }
0x13e: {  	v5 =	vmul.f32 $8.000000000e+00, v3;
	v3 =	vld [tilespmem:s9+$0x6590];
	[tilespmem:s9+$0x164A0] =	vst v6  }
0x13f: {  	s14 =	sshra.s32 s10, $0x2;
	s10 =	sadd.s32 $0x800, s10;
	v6 =	vmul.f32 $8.000000000e+00, v4;
	v4 =	vld [tilespmem:s9+$0x65A0];
	[tilespmem:s9+$0x164B0] =	vst v7  }
0x140: {  	v7 =	vld [tilespmem:s14+$0x65B0];
	[tilespmem:s9+$0x16500] =	vst v5;
	v0 =	vmul.f32 $8.000000000e+00, v0  }
0x141: {  	v5 =	vld [tilespmem:s14+$0x6400];
	[tilespmem:s9+$0x16510] =	vst v6;
	v1 =	vmul.f32 $8.000000000e+00, v1  }
0x142: {  	v6 =	vld [tilespmem:s14+$0x6410];
	[tilespmem:s9+$0x16520] =	vst v0;
	v2 =	vmul.f32 $8.000000000e+00, v2  }
0x143: {  	v0 =	vld [tilespmem:s14+$0x6420];
	[tilespmem:s9+$0x16530] =	vst v1;
	v3 =	vmul.f32 $8.000000000e+00, v3  }
0x144: {  	v1 =	vld [tilespmem:s14+$0x6430];
	[tilespmem:s9+$0x16580] =	vst v2;
	v4 =	vmul.f32 $8.000000000e+00, v4  }
0x145: {  	v2 =	vld [tilespmem:s14+$0x6480];
	[tilespmem:s9+$0x16590] =	vst v3;
	v7 =	vmul.f32 $8.000000000e+00, v7  }
0x146: {  	v3 =	vld [tilespmem:s14+$0x6490];
	[tilespmem:s9+$0x165A0] =	vst v4;
	v5 =	vmul.f32 $8.000000000e+00, v5  }
0x147: {  	v4 =	vld [tilespmem:s14+$0x64A0];
	[tilespmem:s14+$0x165B0] =	vst v7;
	v6 =	vmul.f32 $8.000000000e+00, v6  }
0x148: {  	v7 =	vld [tilespmem:s14+$0x64B0];
	[tilespmem:s14+$0x16400] =	vst v5;
	v0 =	vmul.f32 $8.000000000e+00, v0  }
0x149: {  	v5 =	vld [tilespmem:s14+$0x6500];
	[tilespmem:s14+$0x16410] =	vst v6;
	v1 =	vmul.f32 $8.000000000e+00, v1  }
0x14a: {  	v6 =	vld [tilespmem:s14+$0x6510];
	[tilespmem:s14+$0x16420] =	vst v0;
	v2 =	vmul.f32 $8.000000000e+00, v2  }
0x14b: {  	v0 =	vld [tilespmem:s14+$0x6520];
	[tilespmem:s14+$0x16430] =	vst v1;
	v3 =	vmul.f32 $8.000000000e+00, v3  }
0x14c: {  	v1 =	vld [tilespmem:s14+$0x6530];
	[tilespmem:s14+$0x16480] =	vst v2;
	v4 =	vmul.f32 $8.000000000e+00, v4  }
0x14d: {  	v2 =	vld [tilespmem:s14+$0x6580];
	v7 =	vmul.f32 $8.000000000e+00, v7;
	[tilespmem:s14+$0x16490] =	vst v3  }
0x14e: {  	v3 =	vld [tilespmem:s14+$0x6590];
	[tilespmem:s14+$0x164A0] =	vst v4;
	v4 =	vmul.f32 $8.000000000e+00, v5  }
0x14f: {  	v5 =	vld [tilespmem:s14+$0x65A0];
	v6 =	vmul.f32 $8.000000000e+00, v6;
	[tilespmem:s14+$0x164B0] =	vst v7  }
0x150: {  	v0 =	vmul.f32 $8.000000000e+00, v0;
	[tilespmem:s14+$0x16500] =	vst v4  }
0x151: {  	v1 =	vmul.f32 $8.000000000e+00, v1;
	[tilespmem:s14+$0x16510] =	vst v6  }
0x152: {  	v2 =	vmul.f32 $8.000000000e+00, v2;
	[tilespmem:s14+$0x16520] =	vst v0  }
0x153: {  	v0 =	vmul.f32 $8.000000000e+00, v3;
	[tilespmem:s14+$0x16530] =	vst v1  }
0x154: {  	s9 =	sshll.u32 s8, $0x9;
	v1 =	vmul.f32 $8.000000000e+00, v5;
	[tilespmem:s14+$0x16580] =	vst v2  }
0x155: {  	s16 =	sshll.u32 s8, $0x10;
	s10 =	sand.u32 $0x3FFFFE00, s9;
	[tilespmem:s14+$0x16590] =	vst v0  }
0x156: {  	s15 =	sadd.s32 $0x200, s10;
	[tilespmem:s14+$0x165A0] =	vst v1;
	s14 =	sadd.s32 s6, s16  }
0x157: {  	[tilespmem:s21], [sflag:$0x1] =	stream.indirect.gather [hbm4b:s3+s20], $0x80, s15, s20, $0xb8;
	[tilespmem:$0x1E400] =	vst v63  }
0x158: {  	s14 =	sshrl.u32 s14, $0x3  }
0x159: {  	s15 =	simm.s32 $0x0;
	s14 =	sadd.s32 s4, s14  }
0x15a: {  	[hbm4b:s14+s15] =	stream.linear.scatter [tilespmem:s30], [sflag:$0x5], $0x4000, $0x38;
	[tilespmem:$0x1E400] =	vst v63  }
0x15b: {  	_ =	swait.ge [sflag:s31], $0x4000  }
0x15c: {  	[sflag:s31] =	ssyncset.done $0x0  }
0x15d: {  	[sflag:s31] =	ssyncadd.s32 $0xFFFFC000  }
0x15e: {  	_ =	swait.ge [sflag:s29], $0x4000  }
0x15f: {  	[sflag:s29] =	ssyncset.done $0x0  }
0x160: {  	s14 =	simm.s32 $0x0;
	[sflag:s29] =	ssyncadd.s32 $0xFFFFC000  }
0x161: {  	v0 =	vld [tilespmem:s14+$0xA5B0]  }
0x162: {  	v1 =	vld [tilespmem:s14+$0xA400]  }
0x163: {  	v2 =	vld [tilespmem:s14+$0xA410]  }
0x164: {  	v3 =	vld [tilespmem:s14+$0xA420]  }
0x165: {  	v4 =	vld [tilespmem:s14+$0xA430]  }
0x166: {  	v5 =	vld [tilespmem:s14+$0xA480];
	v0 =	vmul.f32 $8.000000000e+00, v0  }
0x167: {  	v6 =	vld [tilespmem:s14+$0xA490];
	v1 =	vmul.f32 $8.000000000e+00, v1  }
0x168: {  	v7 =	vld [tilespmem:s14+$0xA4A0];
	[tilespmem:s14+$0x1A5B0] =	vst v0;
	v0 =	vmul.f32 $8.000000000e+00, v2  }
0x169: {  	v8 =	vld [tilespmem:s14+$0xA4B0];
	[tilespmem:s14+$0x1A400] =	vst v1;
	v1 =	vmul.f32 $8.000000000e+00, v3  }
0x16a: {  	v9 =	vld [tilespmem:s14+$0xA500];
	v2 =	vmul.f32 $8.000000000e+00, v4;
	[tilespmem:s14+$0x1A410] =	vst v0  }
0x16b: {  	v10 =	vld [tilespmem:s14+$0xA510];
	v3 =	vmul.f32 $8.000000000e+00, v5;
	[tilespmem:s14+$0x1A420] =	vst v1  }
0x16c: {  	v4 =	vmul.f32 $8.000000000e+00, v6;
	v0 =	vld [tilespmem:s14+$0xA520];
	[tilespmem:s14+$0x1A430] =	vst v2  }
0x16d: {  	v5 =	vmul.f32 $8.000000000e+00, v7;
	v1 =	vld [tilespmem:s14+$0xA530];
	[tilespmem:s14+$0x1A480] =	vst v3  }
0x16e: {  	v7 =	vmul.f32 $8.000000000e+00, v8;
	v2 =	vld [tilespmem:s14+$0xA580];
	[tilespmem:s14+$0x1A490] =	vst v4  }
0x16f: {  	v3 =	vld [tilespmem:s14+$0xA590];
	[tilespmem:s14+$0x1A4A0] =	vst v5;
	v5 =	vmul.f32 $8.000000000e+00, v9  }
0x170: {  	s16 =	simm.s32 $0x1000;
	s15 =	simm.s32 $0x200;
	v6 =	vmul.f32 $8.000000000e+00, v10;
	v4 =	vld [tilespmem:s14+$0xA5A0];
	[tilespmem:s14+$0x1A4B0] =	vst v7  }
.LBB2_13:
0x171: {  	p0 =	sne.s32 s16, $0xF800;
	v7 =	vld [tilespmem:s15+$0xA5B0];
	v0 =	vmul.f32 $8.000000000e+00, v0;
	[tilespmem:s14+$0x1A500] =	vst v5  }
0x172: {  	v5 =	vld [tilespmem:s15+$0xA400];
	v1 =	vmul.f32 $8.000000000e+00, v1;
	[tilespmem:s14+$0x1A510] =	vst v6  }
0x173: {  	v6 =	vld [tilespmem:s15+$0xA410];
	v2 =	vmul.f32 $8.000000000e+00, v2;
	[tilespmem:s14+$0x1A520] =	vst v0  }
0x174: {  	v0 =	vld [tilespmem:s15+$0xA420];
	v3 =	vmul.f32 $8.000000000e+00, v3;
	[tilespmem:s14+$0x1A530] =	vst v1  }
0x175: {  	v1 =	vld [tilespmem:s15+$0xA430];
	v4 =	vmul.f32 $8.000000000e+00, v4;
	[tilespmem:s14+$0x1A580] =	vst v2  }
0x176: {  	v2 =	vld [tilespmem:s15+$0xA480];
	v7 =	vmul.f32 $8.000000000e+00, v7;
	[tilespmem:s14+$0x1A590] =	vst v3  }
0x177: {  	v3 =	vmul.f32 $8.000000000e+00, v5;
	v5 =	vld [tilespmem:s15+$0xA490];
	[tilespmem:s14+$0x1A5A0] =	vst v4;
	s14 =	smov.u32 s15  }
0x178: {  	v4 =	vmul.f32 $8.000000000e+00, v6;
	v6 =	vld [tilespmem:s14+$0xA4A0];
	[tilespmem:s14+$0x1A5B0] =	vst v7  }
0x179: {  	v0 =	vmul.f32 $8.000000000e+00, v0;
	v7 =	vld [tilespmem:s14+$0xA4B0];
	[tilespmem:s14+$0x1A400] =	vst v3  }
0x17a: {  	v1 =	vmul.f32 $8.000000000e+00, v1;
	v3 =	vld [tilespmem:s14+$0xA500];
	[tilespmem:s14+$0x1A410] =	vst v4  }
0x17b: {  	v2 =	vmul.f32 $8.000000000e+00, v2;
	v4 =	vld [tilespmem:s14+$0xA510];
	[tilespmem:s14+$0x1A420] =	vst v0  }
.Ltmp5:
0x17c: {  	v5 =	vmul.f32 $8.000000000e+00, v5;
	v0 =	vld [tilespmem:s14+$0xA520];
	[tilespmem:s14+$0x1A430] =	vst v1;
	(pc) =	sbr.rel @p0 .LBB2_13-.Ltmp5, $4  }
0x17d: {  	v6 =	vmul.f32 $8.000000000e+00, v6;
	v1 =	vld [tilespmem:s14+$0xA530];
	[tilespmem:s14+$0x1A480] =	vst v2  }
0x17e: {  	v7 =	vmul.f32 $8.000000000e+00, v7;
	v2 =	vld [tilespmem:s14+$0xA580];
	[tilespmem:s14+$0x1A490] =	vst v5  }
0x17f: {  	v5 =	vmul.f32 $8.000000000e+00, v3;
	v3 =	vld [tilespmem:s14+$0xA590];
	[tilespmem:s14+$0x1A4A0] =	vst v6  }
0x180: {  	s15 =	sshra.s32 s16, $0x2;
	s16 =	sadd.s32 $0x800, s16;
	v6 =	vmul.f32 $8.000000000e+00, v4;
	v4 =	vld [tilespmem:s14+$0xA5A0];
	[tilespmem:s14+$0x1A4B0] =	vst v7  }
0x181: {  	v7 =	vld [tilespmem:s15+$0xA5B0];
	[tilespmem:s14+$0x1A500] =	vst v5;
	v0 =	vmul.f32 $8.000000000e+00, v0  }
0x182: {  	v5 =	vld [tilespmem:s15+$0xA400];
	[tilespmem:s14+$0x1A510] =	vst v6;
	v1 =	vmul.f32 $8.000000000e+00, v1  }
0x183: {  	v6 =	vld [tilespmem:s15+$0xA410];
	[tilespmem:s14+$0x1A520] =	vst v0;
	v2 =	vmul.f32 $8.000000000e+00, v2  }
0x184: {  	v0 =	vld [tilespmem:s15+$0xA420];
	[tilespmem:s14+$0x1A530] =	vst v1;
	v3 =	vmul.f32 $8.000000000e+00, v3  }
0x185: {  	v1 =	vld [tilespmem:s15+$0xA430];
	[tilespmem:s14+$0x1A580] =	vst v2;
	v4 =	vmul.f32 $8.000000000e+00, v4  }
0x186: {  	v2 =	vld [tilespmem:s15+$0xA480];
	[tilespmem:s14+$0x1A590] =	vst v3;
	v7 =	vmul.f32 $8.000000000e+00, v7  }
0x187: {  	v3 =	vld [tilespmem:s15+$0xA490];
	[tilespmem:s14+$0x1A5A0] =	vst v4;
	v5 =	vmul.f32 $8.000000000e+00, v5  }
0x188: {  	v4 =	vld [tilespmem:s15+$0xA4A0];
	[tilespmem:s15+$0x1A5B0] =	vst v7;
	v6 =	vmul.f32 $8.000000000e+00, v6  }
0x189: {  	v7 =	vld [tilespmem:s15+$0xA4B0];
	[tilespmem:s15+$0x1A400] =	vst v5;
	v0 =	vmul.f32 $8.000000000e+00, v0  }
0x18a: {  	v5 =	vld [tilespmem:s15+$0xA500];
	[tilespmem:s15+$0x1A410] =	vst v6;
	v1 =	vmul.f32 $8.000000000e+00, v1  }
0x18b: {  	v6 =	vld [tilespmem:s15+$0xA510];
	[tilespmem:s15+$0x1A420] =	vst v0;
	v2 =	vmul.f32 $8.000000000e+00, v2  }
0x18c: {  	v0 =	vld [tilespmem:s15+$0xA520];
	[tilespmem:s15+$0x1A430] =	vst v1;
	v3 =	vmul.f32 $8.000000000e+00, v3  }
0x18d: {  	v1 =	vld [tilespmem:s15+$0xA530];
	[tilespmem:s15+$0x1A480] =	vst v2;
	v4 =	vmul.f32 $8.000000000e+00, v4  }
0x18e: {  	v2 =	vld [tilespmem:s15+$0xA580];
	v7 =	vmul.f32 $8.000000000e+00, v7;
	[tilespmem:s15+$0x1A490] =	vst v3  }
0x18f: {  	v3 =	vld [tilespmem:s15+$0xA590];
	[tilespmem:s15+$0x1A4A0] =	vst v4;
	v4 =	vmul.f32 $8.000000000e+00, v5  }
0x190: {  	v5 =	vld [tilespmem:s15+$0xA5A0];
	v6 =	vmul.f32 $8.000000000e+00, v6;
	[tilespmem:s15+$0x1A4B0] =	vst v7  }
0x191: {  	v0 =	vmul.f32 $8.000000000e+00, v0;
	[tilespmem:s15+$0x1A500] =	vst v4  }
0x192: {  	v1 =	vmul.f32 $8.000000000e+00, v1;
	[tilespmem:s15+$0x1A510] =	vst v6  }
0x193: {  	v2 =	vmul.f32 $8.000000000e+00, v2;
	[tilespmem:s15+$0x1A520] =	vst v0  }
0x194: {  	v0 =	vmul.f32 $8.000000000e+00, v3;
	[tilespmem:s15+$0x1A530] =	vst v1  }
0x195: {  	v1 =	vmul.f32 $8.000000000e+00, v5;
	[tilespmem:s15+$0x1A580] =	vst v2  }
0x196: {  	[tilespmem:s15+$0x1A590] =	vst v0  }
0x197: {  	s16 =	sadd.s32 $0x280, s10;
	[tilespmem:s15+$0x1A5A0] =	vst v1;
	s15 =	sadd.s32 s9, s11  }
0x198: {  	[tilespmem:s22], [sflag:$0x2] =	stream.indirect.gather [hbm4b:s3+s20], $0x80, s16, s20, $0xb8;
	[tilespmem:$0x1E400] =	vst v63  }
0x199: {  	s14 =	sshll.u32 s15, $0x4  }
0x19a: {  	s16 =	simm.s32 $0x0;
	s14 =	sadd.s32 s4, s14  }
0x19b: {  	[hbm4b:s14+s16] =	stream.linear.scatter [tilespmem:s0], [sflag:$0x6], $0x4000, $0x38;
	[tilespmem:$0x1E400] =	vst v63  }
0x19c: {  	_ =	swait.ge [sflag:s23], $0x4000  }
0x19d: {  	[sflag:s23] =	ssyncset.done $0x0  }
0x19e: {  	[sflag:s23] =	ssyncadd.s32 $0xFFFFC000  }
0x19f: {  	_ =	swait.ge [sflag:s25], $0x4000  }
0x1a0: {  	[sflag:s25] =	ssyncset.done $0x0  }
0x1a1: {  	s14 =	simm.s32 $0x0;
	[sflag:s25] =	ssyncadd.s32 $0xFFFFC000  }
0x1a2: {  	v0 =	vld [tilespmem:s14+$0xE5B0]  }
0x1a3: {  	v1 =	vld [tilespmem:s14+$0xE400]  }
0x1a4: {  	v2 =	vld [tilespmem:s14+$0xE410]  }
0x1a5: {  	v3 =	vld [tilespmem:s14+$0xE420]  }
0x1a6: {  	v4 =	vld [tilespmem:s14+$0xE430]  }
0x1a7: {  	v5 =	vld [tilespmem:s14+$0xE480];
	v0 =	vmul.f32 $8.000000000e+00, v0  }
0x1a8: {  	v6 =	vld [tilespmem:s14+$0xE490];
	v1 =	vmul.f32 $8.000000000e+00, v1  }
0x1a9: {  	v7 =	vld [tilespmem:s14+$0xE4A0];
	[tilespmem:s14+$0x165B0] =	vst v0;
	v0 =	vmul.f32 $8.000000000e+00, v2  }
0x1aa: {  	v8 =	vld [tilespmem:s14+$0xE4B0];
	[tilespmem:s14+$0x16400] =	vst v1;
	v1 =	vmul.f32 $8.000000000e+00, v3  }
0x1ab: {  	v9 =	vld [tilespmem:s14+$0xE500];
	v2 =	vmul.f32 $8.000000000e+00, v4;
	[tilespmem:s14+$0x16410] =	vst v0  }
0x1ac: {  	v10 =	vld [tilespmem:s14+$0xE510];
	v3 =	vmul.f32 $8.000000000e+00, v5;
	[tilespmem:s14+$0x16420] =	vst v1  }
0x1ad: {  	v4 =	vmul.f32 $8.000000000e+00, v6;
	v0 =	vld [tilespmem:s14+$0xE520];
	[tilespmem:s14+$0x16430] =	vst v2  }
0x1ae: {  	v5 =	vmul.f32 $8.000000000e+00, v7;
	v1 =	vld [tilespmem:s14+$0xE530];
	[tilespmem:s14+$0x16480] =	vst v3  }
0x1af: {  	v7 =	vmul.f32 $8.000000000e+00, v8;
	v2 =	vld [tilespmem:s14+$0xE580];
	[tilespmem:s14+$0x16490] =	vst v4  }
0x1b0: {  	v3 =	vld [tilespmem:s14+$0xE590];
	[tilespmem:s14+$0x164A0] =	vst v5;
	v5 =	vmul.f32 $8.000000000e+00, v9  }
0x1b1: {  	s15 =	simm.s32 $0x200;
	s16 =	simm.s32 $0x1000;
	v6 =	vmul.f32 $8.000000000e+00, v10;
	v4 =	vld [tilespmem:s14+$0xE5A0];
	[tilespmem:s14+$0x164B0] =	vst v7  }
.LBB2_15:
0x1b2: {  	p0 =	sne.s32 s16, $0xF800;
	v7 =	vld [tilespmem:s15+$0xE5B0];
	v0 =	vmul.f32 $8.000000000e+00, v0;
	[tilespmem:s14+$0x16500] =	vst v5  }
0x1b3: {  	v5 =	vld [tilespmem:s15+$0xE400];
	v1 =	vmul.f32 $8.000000000e+00, v1;
	[tilespmem:s14+$0x16510] =	vst v6  }
0x1b4: {  	v6 =	vld [tilespmem:s15+$0xE410];
	v2 =	vmul.f32 $8.000000000e+00, v2;
	[tilespmem:s14+$0x16520] =	vst v0  }
0x1b5: {  	v0 =	vld [tilespmem:s15+$0xE420];
	v3 =	vmul.f32 $8.000000000e+00, v3;
	[tilespmem:s14+$0x16530] =	vst v1  }
0x1b6: {  	v1 =	vld [tilespmem:s15+$0xE430];
	v4 =	vmul.f32 $8.000000000e+00, v4;
	[tilespmem:s14+$0x16580] =	vst v2  }
0x1b7: {  	v2 =	vld [tilespmem:s15+$0xE480];
	v7 =	vmul.f32 $8.000000000e+00, v7;
	[tilespmem:s14+$0x16590] =	vst v3  }
0x1b8: {  	v3 =	vmul.f32 $8.000000000e+00, v5;
	v5 =	vld [tilespmem:s15+$0xE490];
	[tilespmem:s14+$0x165A0] =	vst v4;
	s14 =	smov.u32 s15  }
0x1b9: {  	v4 =	vmul.f32 $8.000000000e+00, v6;
	v6 =	vld [tilespmem:s14+$0xE4A0];
	[tilespmem:s14+$0x165B0] =	vst v7  }
0x1ba: {  	v0 =	vmul.f32 $8.000000000e+00, v0;
	v7 =	vld [tilespmem:s14+$0xE4B0];
	[tilespmem:s14+$0x16400] =	vst v3  }
0x1bb: {  	v1 =	vmul.f32 $8.000000000e+00, v1;
	v3 =	vld [tilespmem:s14+$0xE500];
	[tilespmem:s14+$0x16410] =	vst v4  }
0x1bc: {  	v2 =	vmul.f32 $8.000000000e+00, v2;
	v4 =	vld [tilespmem:s14+$0xE510];
	[tilespmem:s14+$0x16420] =	vst v0  }
.Ltmp6:
0x1bd: {  	v5 =	vmul.f32 $8.000000000e+00, v5;
	v0 =	vld [tilespmem:s14+$0xE520];
	[tilespmem:s14+$0x16430] =	vst v1;
	(pc) =	sbr.rel @p0 .LBB2_15-.Ltmp6, $4  }
0x1be: {  	v6 =	vmul.f32 $8.000000000e+00, v6;
	v1 =	vld [tilespmem:s14+$0xE530];
	[tilespmem:s14+$0x16480] =	vst v2  }
0x1bf: {  	v7 =	vmul.f32 $8.000000000e+00, v7;
	v2 =	vld [tilespmem:s14+$0xE580];
	[tilespmem:s14+$0x16490] =	vst v5  }
0x1c0: {  	v5 =	vmul.f32 $8.000000000e+00, v3;
	v3 =	vld [tilespmem:s14+$0xE590];
	[tilespmem:s14+$0x164A0] =	vst v6  }
0x1c1: {  	s15 =	sshra.s32 s16, $0x2;
	s16 =	sadd.s32 $0x800, s16;
	v6 =	vmul.f32 $8.000000000e+00, v4;
	v4 =	vld [tilespmem:s14+$0xE5A0];
	[tilespmem:s14+$0x164B0] =	vst v7  }
0x1c2: {  	v7 =	vld [tilespmem:s15+$0xE5B0];
	[tilespmem:s14+$0x16500] =	vst v5;
	v0 =	vmul.f32 $8.000000000e+00, v0  }
0x1c3: {  	v5 =	vld [tilespmem:s15+$0xE400];
	[tilespmem:s14+$0x16510] =	vst v6;
	v1 =	vmul.f32 $8.000000000e+00, v1  }
0x1c4: {  	v6 =	vld [tilespmem:s15+$0xE410];
	[tilespmem:s14+$0x16520] =	vst v0;
	v2 =	vmul.f32 $8.000000000e+00, v2  }
0x1c5: {  	v0 =	vld [tilespmem:s15+$0xE420];
	[tilespmem:s14+$0x16530] =	vst v1;
	v3 =	vmul.f32 $8.000000000e+00, v3  }
0x1c6: {  	v1 =	vld [tilespmem:s15+$0xE430];
	[tilespmem:s14+$0x16580] =	vst v2;
	v4 =	vmul.f32 $8.000000000e+00, v4  }
0x1c7: {  	v2 =	vld [tilespmem:s15+$0xE480];
	[tilespmem:s14+$0x16590] =	vst v3;
	v7 =	vmul.f32 $8.000000000e+00, v7  }
0x1c8: {  	v3 =	vld [tilespmem:s15+$0xE490];
	[tilespmem:s14+$0x165A0] =	vst v4;
	v5 =	vmul.f32 $8.000000000e+00, v5  }
0x1c9: {  	v4 =	vld [tilespmem:s15+$0xE4A0];
	[tilespmem:s15+$0x165B0] =	vst v7;
	v6 =	vmul.f32 $8.000000000e+00, v6  }
0x1ca: {  	v7 =	vld [tilespmem:s15+$0xE4B0];
	[tilespmem:s15+$0x16400] =	vst v5;
	v0 =	vmul.f32 $8.000000000e+00, v0  }
0x1cb: {  	v5 =	vld [tilespmem:s15+$0xE500];
	[tilespmem:s15+$0x16410] =	vst v6;
	v1 =	vmul.f32 $8.000000000e+00, v1  }
0x1cc: {  	v6 =	vld [tilespmem:s15+$0xE510];
	[tilespmem:s15+$0x16420] =	vst v0;
	v2 =	vmul.f32 $8.000000000e+00, v2  }
0x1cd: {  	v0 =	vld [tilespmem:s15+$0xE520];
	[tilespmem:s15+$0x16430] =	vst v1;
	v3 =	vmul.f32 $8.000000000e+00, v3  }
0x1ce: {  	v1 =	vld [tilespmem:s15+$0xE530];
	[tilespmem:s15+$0x16480] =	vst v2;
	v4 =	vmul.f32 $8.000000000e+00, v4  }
0x1cf: {  	v2 =	vld [tilespmem:s15+$0xE580];
	v7 =	vmul.f32 $8.000000000e+00, v7;
	[tilespmem:s15+$0x16490] =	vst v3  }
0x1d0: {  	v3 =	vld [tilespmem:s15+$0xE590];
	[tilespmem:s15+$0x164A0] =	vst v4;
	v4 =	vmul.f32 $8.000000000e+00, v5  }
0x1d1: {  	v5 =	vld [tilespmem:s15+$0xE5A0];
	v6 =	vmul.f32 $8.000000000e+00, v6;
	[tilespmem:s15+$0x164B0] =	vst v7  }
0x1d2: {  	v0 =	vmul.f32 $8.000000000e+00, v0;
	[tilespmem:s15+$0x16500] =	vst v4  }
0x1d3: {  	v1 =	vmul.f32 $8.000000000e+00, v1;
	[tilespmem:s15+$0x16510] =	vst v6  }
0x1d4: {  	v2 =	vmul.f32 $8.000000000e+00, v2;
	[tilespmem:s15+$0x16520] =	vst v0  }
0x1d5: {  	v0 =	vmul.f32 $8.000000000e+00, v3;
	[tilespmem:s15+$0x16530] =	vst v1  }
0x1d6: {  	v1 =	vmul.f32 $8.000000000e+00, v5;
	[tilespmem:s15+$0x16580] =	vst v2  }
0x1d7: {  	[tilespmem:s15+$0x16590] =	vst v0  }
0x1d8: {  	s16 =	sadd.s32 $0x300, s10;
	[tilespmem:s15+$0x165A0] =	vst v1;
	s15 =	sadd.s32 s9, s12  }
0x1d9: {  	[tilespmem:s24], [sflag:$0x3] =	stream.indirect.gather [hbm4b:s3+s20], $0x80, s16, s20, $0xb8;
	[tilespmem:$0x1E400] =	vst v63  }
0x1da: {  	s14 =	sshll.u32 s15, $0x4  }
0x1db: {  	s16 =	simm.s32 $0x0;
	s14 =	sadd.s32 s4, s14  }
0x1dc: {  	[hbm4b:s14+s16] =	stream.linear.scatter [tilespmem:s30], [sflag:$0x5], $0x4000, $0x38;
	[tilespmem:$0x1E400] =	vst v63  }
0x1dd: {  	_ =	swait.ge [sflag:s1], $0x4000  }
0x1de: {  	[sflag:s1] =	ssyncset.done $0x0  }
0x1df: {  	[sflag:s1] =	ssyncadd.s32 $0xFFFFC000  }
0x1e0: {  	_ =	swait.ge [sflag:s29], $0x4000  }
0x1e1: {  	[sflag:s29] =	ssyncset.done $0x0  }
0x1e2: {  	s14 =	simm.s32 $0x0;
	[sflag:s29] =	ssyncadd.s32 $0xFFFFC000  }
0x1e3: {  	v0 =	vld [tilespmem:s14+$0x125B0]  }
0x1e4: {  	v1 =	vld [tilespmem:s14+$0x12400]  }
0x1e5: {  	v2 =	vld [tilespmem:s14+$0x12410]  }
0x1e6: {  	v3 =	vld [tilespmem:s14+$0x12420]  }
0x1e7: {  	v4 =	vld [tilespmem:s14+$0x12430]  }
0x1e8: {  	v5 =	vld [tilespmem:s14+$0x12480];
	v0 =	vmul.f32 $8.000000000e+00, v0  }
0x1e9: {  	v6 =	vld [tilespmem:s14+$0x12490];
	v1 =	vmul.f32 $8.000000000e+00, v1  }
0x1ea: {  	v7 =	vld [tilespmem:s14+$0x124A0];
	[tilespmem:s14+$0x1A5B0] =	vst v0;
	v0 =	vmul.f32 $8.000000000e+00, v2  }
0x1eb: {  	v8 =	vld [tilespmem:s14+$0x124B0];
	[tilespmem:s14+$0x1A400] =	vst v1;
	v1 =	vmul.f32 $8.000000000e+00, v3  }
0x1ec: {  	v9 =	vld [tilespmem:s14+$0x12500];
	v2 =	vmul.f32 $8.000000000e+00, v4;
	[tilespmem:s14+$0x1A410] =	vst v0  }
0x1ed: {  	v10 =	vld [tilespmem:s14+$0x12510];
	v3 =	vmul.f32 $8.000000000e+00, v5;
	[tilespmem:s14+$0x1A420] =	vst v1  }
0x1ee: {  	v4 =	vmul.f32 $8.000000000e+00, v6;
	v0 =	vld [tilespmem:s14+$0x12520];
	[tilespmem:s14+$0x1A430] =	vst v2  }
0x1ef: {  	v5 =	vmul.f32 $8.000000000e+00, v7;
	v1 =	vld [tilespmem:s14+$0x12530];
	[tilespmem:s14+$0x1A480] =	vst v3  }
0x1f0: {  	v7 =	vmul.f32 $8.000000000e+00, v8;
	v2 =	vld [tilespmem:s14+$0x12580];
	[tilespmem:s14+$0x1A490] =	vst v4  }
0x1f1: {  	v3 =	vld [tilespmem:s14+$0x12590];
	[tilespmem:s14+$0x1A4A0] =	vst v5;
	v5 =	vmul.f32 $8.000000000e+00, v9  }
0x1f2: {  	s15 =	simm.s32 $0x200;
	s16 =	simm.s32 $0x1000;
	v6 =	vmul.f32 $8.000000000e+00, v10;
	v4 =	vld [tilespmem:s14+$0x125A0];
	[tilespmem:s14+$0x1A4B0] =	vst v7  }
.LBB2_17:
0x1f3: {  	p0 =	sne.s32 s16, $0xF800;
	v7 =	vld [tilespmem:s15+$0x125B0];
	v0 =	vmul.f32 $8.000000000e+00, v0;
	[tilespmem:s14+$0x1A500] =	vst v5  }
0x1f4: {  	v5 =	vld [tilespmem:s15+$0x12400];
	v1 =	vmul.f32 $8.000000000e+00, v1;
	[tilespmem:s14+$0x1A510] =	vst v6  }
0x1f5: {  	v6 =	vld [tilespmem:s15+$0x12410];
	v2 =	vmul.f32 $8.000000000e+00, v2;
	[tilespmem:s14+$0x1A520] =	vst v0  }
0x1f6: {  	v0 =	vld [tilespmem:s15+$0x12420];
	v3 =	vmul.f32 $8.000000000e+00, v3;
	[tilespmem:s14+$0x1A530] =	vst v1  }
0x1f7: {  	v1 =	vld [tilespmem:s15+$0x12430];
	v4 =	vmul.f32 $8.000000000e+00, v4;
	[tilespmem:s14+$0x1A580] =	vst v2  }
0x1f8: {  	v2 =	vld [tilespmem:s15+$0x12480];
	v7 =	vmul.f32 $8.000000000e+00, v7;
	[tilespmem:s14+$0x1A590] =	vst v3  }
0x1f9: {  	v3 =	vmul.f32 $8.000000000e+00, v5;
	v5 =	vld [tilespmem:s15+$0x12490];
	[tilespmem:s14+$0x1A5A0] =	vst v4;
	s14 =	smov.u32 s15  }
0x1fa: {  	v4 =	vmul.f32 $8.000000000e+00, v6;
	v6 =	vld [tilespmem:s14+$0x124A0];
	[tilespmem:s14+$0x1A5B0] =	vst v7  }
0x1fb: {  	v0 =	vmul.f32 $8.000000000e+00, v0;
	v7 =	vld [tilespmem:s14+$0x124B0];
	[tilespmem:s14+$0x1A400] =	vst v3  }
0x1fc: {  	v1 =	vmul.f32 $8.000000000e+00, v1;
	v3 =	vld [tilespmem:s14+$0x12500];
	[tilespmem:s14+$0x1A410] =	vst v4  }
0x1fd: {  	v2 =	vmul.f32 $8.000000000e+00, v2;
	v4 =	vld [tilespmem:s14+$0x12510];
	[tilespmem:s14+$0x1A420] =	vst v0  }
.Ltmp7:
0x1fe: {  	v5 =	vmul.f32 $8.000000000e+00, v5;
	v0 =	vld [tilespmem:s14+$0x12520];
	[tilespmem:s14+$0x1A430] =	vst v1;
	(pc) =	sbr.rel @p0 .LBB2_17-.Ltmp7, $4  }
0x1ff: {  	v6 =	vmul.f32 $8.000000000e+00, v6;
	v1 =	vld [tilespmem:s14+$0x12530];
	[tilespmem:s14+$0x1A480] =	vst v2  }
0x200: {  	v7 =	vmul.f32 $8.000000000e+00, v7;
	v2 =	vld [tilespmem:s14+$0x12580];
	[tilespmem:s14+$0x1A490] =	vst v5  }
0x201: {  	v5 =	vmul.f32 $8.000000000e+00, v3;
	v3 =	vld [tilespmem:s14+$0x12590];
	[tilespmem:s14+$0x1A4A0] =	vst v6  }
0x202: {  	s15 =	sshra.s32 s16, $0x2;
	s16 =	sadd.s32 $0x800, s16;
	v6 =	vmul.f32 $8.000000000e+00, v4;
	v4 =	vld [tilespmem:s14+$0x125A0];
	[tilespmem:s14+$0x1A4B0] =	vst v7  }
0x203: {  	v7 =	vld [tilespmem:s15+$0x125B0];
	[tilespmem:s14+$0x1A500] =	vst v5;
	v0 =	vmul.f32 $8.000000000e+00, v0  }
0x204: {  	v5 =	vld [tilespmem:s15+$0x12400];
	[tilespmem:s14+$0x1A510] =	vst v6;
	v1 =	vmul.f32 $8.000000000e+00, v1  }
0x205: {  	v6 =	vld [tilespmem:s15+$0x12410];
	[tilespmem:s14+$0x1A520] =	vst v0;
	v2 =	vmul.f32 $8.000000000e+00, v2  }
0x206: {  	v0 =	vld [tilespmem:s15+$0x12420];
	[tilespmem:s14+$0x1A530] =	vst v1;
	v3 =	vmul.f32 $8.000000000e+00, v3  }
0x207: {  	v1 =	vld [tilespmem:s15+$0x12430];
	[tilespmem:s14+$0x1A580] =	vst v2;
	v4 =	vmul.f32 $8.000000000e+00, v4  }
0x208: {  	v2 =	vld [tilespmem:s15+$0x12480];
	[tilespmem:s14+$0x1A590] =	vst v3;
	v7 =	vmul.f32 $8.000000000e+00, v7  }
0x209: {  	v3 =	vld [tilespmem:s15+$0x12490];
	[tilespmem:s14+$0x1A5A0] =	vst v4;
	v5 =	vmul.f32 $8.000000000e+00, v5  }
0x20a: {  	v4 =	vld [tilespmem:s15+$0x124A0];
	[tilespmem:s15+$0x1A5B0] =	vst v7;
	v6 =	vmul.f32 $8.000000000e+00, v6  }
0x20b: {  	v53 =	vld [tilespmem:s15+$0x124B0];
	[tilespmem:s15+$0x1A400] =	vst v5;
	v0 =	vmul.f32 $8.000000000e+00, v0  }
0x20c: {  	v54 =	vld [tilespmem:s15+$0x12500];
	[tilespmem:s15+$0x1A410] =	vst v6;
	v1 =	vmul.f32 $8.000000000e+00, v1  }
0x20d: {  	v55 =	vld [tilespmem:s15+$0x12510];
	[tilespmem:s15+$0x1A420] =	vst v0;
	v2 =	vmul.f32 $8.000000000e+00, v2  }
0x20e: {  	v56 =	vld [tilespmem:s15+$0x12520];
	[tilespmem:s15+$0x1A430] =	vst v1;
	v3 =	vmul.f32 $8.000000000e+00, v3  }
0x20f: {  	v57 =	vld [tilespmem:s15+$0x12530];
	[tilespmem:s15+$0x1A480] =	vst v2;
	v4 =	vmul.f32 $8.000000000e+00, v4  }
0x210: {  	v58 =	vld [tilespmem:s15+$0x12580];
	v7 =	vmul.f32 $8.000000000e+00, v53;
	[tilespmem:s15+$0x1A490] =	vst v3  }
0x211: {  	v59 =	vld [tilespmem:s15+$0x12590];
	v60 =	vmul.f32 $8.000000000e+00, v54;
	[tilespmem:s15+$0x1A4A0] =	vst v4  }
0x212: {  	v61 =	vld [tilespmem:s15+$0x125A0];
	v6 =	vmul.f32 $8.000000000e+00, v55;
	[tilespmem:s15+$0x1A4B0] =	vst v7  }
0x213: {  	v0 =	vmul.f32 $8.000000000e+00, v56;
	[tilespmem:s15+$0x1A500] =	vst v60  }
0x214: {  	v1 =	vmul.f32 $8.000000000e+00, v57;
	[tilespmem:s15+$0x1A510] =	vst v6  }
0x215: {  	v2 =	vmul.f32 $8.000000000e+00, v58;
	[tilespmem:s15+$0x1A520] =	vst v0  }
0x216: {  	s8 =	sadd.s32 $0x1, s8;
	v62 =	vmul.f32 $8.000000000e+00, v59;
	[tilespmem:s15+$0x1A530] =	vst v1  }
0x217: {  	p0 =	sne.s32 s8, $0x31;
	v63 =	vmul.f32 $8.000000000e+00, v61;
	[tilespmem:s15+$0x1A580] =	vst v2  }
.Ltmp8:
0x218: {  	s9 =	sadd.s32 s9, s13;
	[tilespmem:s15+$0x1A590] =	vst v62;
	(pc) =	sbr.rel @p0 .LBB2_10-.Ltmp8, $4  }
0x219: {  	s10 =	sadd.s32 $0x380, s10;
	s9 =	sshll.u32 s9, $0x4;
	[tilespmem:s15+$0x1A5A0] =	vst v63  }
0x21a: {  	[tilespmem:s26], [sflag:$0x4] =	stream.indirect.gather [hbm4b:s3+s20], $0x80, s10, s20, $0xb8;
	[tilespmem:$0x1E400] =	vst v63  }
0x21b: {  	s9 =	sadd.s32 s4, s9  }
0x21c: {  	[hbm4b:s9+s2] =	stream.linear.scatter [tilespmem:s0], [sflag:$0x6], $0x4000, $0x38;
	[tilespmem:$0x1E400] =	vst v63  }
0x21d: {  	_ =	swait.ge [sflag:s28], $0x4000  }
0x21e: {  	[sflag:s28] =	ssyncset.done $0x0  }
0x21f: {  	[sflag:s28] =	ssyncadd.s32 $0xFFFFC000  }
0x220: {  	_ =	swait.ge [sflag:s25], $0x4000  }
0x221: {  	[sflag:s25] =	ssyncset.done $0x0  }
0x222: {  	s8 =	simm.s32 $0x0;
	[sflag:s25] =	ssyncadd.s32 $0xFFFFC000  }
0x223: {  	v0 =	vld [tilespmem:s8+$0x65B0]  }
0x224: {  	v1 =	vld [tilespmem:s8+$0x6400]  }
0x225: {  	v2 =	vld [tilespmem:s8+$0x6410]  }
0x226: {  	v3 =	vld [tilespmem:s8+$0x6420]  }
0x227: {  	v4 =	vld [tilespmem:s8+$0x6430]  }
0x228: {  	v5 =	vld [tilespmem:s8+$0x6480];
	v0 =	vmul.f32 $8.000000000e+00, v0  }
0x229: {  	v6 =	vld [tilespmem:s8+$0x6490];
	v1 =	vmul.f32 $8.000000000e+00, v1  }
0x22a: {  	v7 =	vld [tilespmem:s8+$0x64A0];
	[tilespmem:s8+$0x165B0] =	vst v0;
	v0 =	vmul.f32 $8.000000000e+00, v2  }
0x22b: {  	v8 =	vld [tilespmem:s8+$0x64B0];
	[tilespmem:s8+$0x16400] =	vst v1;
	v1 =	vmul.f32 $8.000000000e+00, v3  }
0x22c: {  	v9 =	vld [tilespmem:s8+$0x6500];
	v2 =	vmul.f32 $8.000000000e+00, v4;
	[tilespmem:s8+$0x16410] =	vst v0  }
0x22d: {  	v10 =	vld [tilespmem:s8+$0x6510];
	v3 =	vmul.f32 $8.000000000e+00, v5;
	[tilespmem:s8+$0x16420] =	vst v1  }
0x22e: {  	v4 =	vmul.f32 $8.000000000e+00, v6;
	v0 =	vld [tilespmem:s8+$0x6520];
	[tilespmem:s8+$0x16430] =	vst v2  }
0x22f: {  	v5 =	vmul.f32 $8.000000000e+00, v7;
	v1 =	vld [tilespmem:s8+$0x6530];
	[tilespmem:s8+$0x16480] =	vst v3  }
0x230: {  	v7 =	vmul.f32 $8.000000000e+00, v8;
	v2 =	vld [tilespmem:s8+$0x6580];
	[tilespmem:s8+$0x16490] =	vst v4  }
0x231: {  	v3 =	vld [tilespmem:s8+$0x6590];
	[tilespmem:s8+$0x164A0] =	vst v5;
	v5 =	vmul.f32 $8.000000000e+00, v9  }
0x232: {  	s9 =	simm.s32 $0x200;
	s10 =	simm.s32 $0x1000;
	v6 =	vmul.f32 $8.000000000e+00, v10;
	v4 =	vld [tilespmem:s8+$0x65A0];
	[tilespmem:s8+$0x164B0] =	vst v7  }
.LBB2_20:
0x233: {  	p0 =	sne.s32 s10, $0xF800;
	v7 =	vld [tilespmem:s9+$0x65B0];
	v0 =	vmul.f32 $8.000000000e+00, v0;
	[tilespmem:s8+$0x16500] =	vst v5  }
0x234: {  	v5 =	vld [tilespmem:s9+$0x6400];
	v1 =	vmul.f32 $8.000000000e+00, v1;
	[tilespmem:s8+$0x16510] =	vst v6  }
0x235: {  	v6 =	vld [tilespmem:s9+$0x6410];
	v2 =	vmul.f32 $8.000000000e+00, v2;
	[tilespmem:s8+$0x16520] =	vst v0  }
0x236: {  	v0 =	vld [tilespmem:s9+$0x6420];
	v3 =	vmul.f32 $8.000000000e+00, v3;
	[tilespmem:s8+$0x16530] =	vst v1  }
0x237: {  	v1 =	vld [tilespmem:s9+$0x6430];
	v4 =	vmul.f32 $8.000000000e+00, v4;
	[tilespmem:s8+$0x16580] =	vst v2  }
0x238: {  	v2 =	vld [tilespmem:s9+$0x6480];
	v7 =	vmul.f32 $8.000000000e+00, v7;
	[tilespmem:s8+$0x16590] =	vst v3  }
0x239: {  	v3 =	vmul.f32 $8.000000000e+00, v5;
	v5 =	vld [tilespmem:s9+$0x6490];
	[tilespmem:s8+$0x165A0] =	vst v4;
	s8 =	smov.u32 s9  }
0x23a: {  	v4 =	vmul.f32 $8.000000000e+00, v6;
	v6 =	vld [tilespmem:s8+$0x64A0];
	[tilespmem:s8+$0x165B0] =	vst v7  }
0x23b: {  	v0 =	vmul.f32 $8.000000000e+00, v0;
	v7 =	vld [tilespmem:s8+$0x64B0];
	[tilespmem:s8+$0x16400] =	vst v3  }
0x23c: {  	v1 =	vmul.f32 $8.000000000e+00, v1;
	v3 =	vld [tilespmem:s8+$0x6500];
	[tilespmem:s8+$0x16410] =	vst v4  }
0x23d: {  	v2 =	vmul.f32 $8.000000000e+00, v2;
	v4 =	vld [tilespmem:s8+$0x6510];
	[tilespmem:s8+$0x16420] =	vst v0  }
.Ltmp9:
0x23e: {  	v5 =	vmul.f32 $8.000000000e+00, v5;
	v0 =	vld [tilespmem:s8+$0x6520];
	[tilespmem:s8+$0x16430] =	vst v1;
	(pc) =	sbr.rel @p0 .LBB2_20-.Ltmp9, $4  }
0x23f: {  	v6 =	vmul.f32 $8.000000000e+00, v6;
	v1 =	vld [tilespmem:s8+$0x6530];
	[tilespmem:s8+$0x16480] =	vst v2  }
0x240: {  	v7 =	vmul.f32 $8.000000000e+00, v7;
	v2 =	vld [tilespmem:s8+$0x6580];
	[tilespmem:s8+$0x16490] =	vst v5  }
0x241: {  	v5 =	vmul.f32 $8.000000000e+00, v3;
	v3 =	vld [tilespmem:s8+$0x6590];
	[tilespmem:s8+$0x164A0] =	vst v6  }
0x242: {  	s9 =	sshra.s32 s10, $0x2;
	s10 =	sadd.s32 $0x800, s10;
	v6 =	vmul.f32 $8.000000000e+00, v4;
	v4 =	vld [tilespmem:s8+$0x65A0];
	[tilespmem:s8+$0x164B0] =	vst v7  }
0x243: {  	v7 =	vld [tilespmem:s9+$0x65B0];
	[tilespmem:s8+$0x16500] =	vst v5;
	v0 =	vmul.f32 $8.000000000e+00, v0  }
0x244: {  	v5 =	vld [tilespmem:s9+$0x6400];
	[tilespmem:s8+$0x16510] =	vst v6;
	v1 =	vmul.f32 $8.000000000e+00, v1  }
0x245: {  	v6 =	vld [tilespmem:s9+$0x6410];
	[tilespmem:s8+$0x16520] =	vst v0;
	v2 =	vmul.f32 $8.000000000e+00, v2  }
0x246: {  	v0 =	vld [tilespmem:s9+$0x6420];
	[tilespmem:s8+$0x16530] =	vst v1;
	v3 =	vmul.f32 $8.000000000e+00, v3  }
0x247: {  	v1 =	vld [tilespmem:s9+$0x6430];
	[tilespmem:s8+$0x16580] =	vst v2;
	v4 =	vmul.f32 $8.000000000e+00, v4  }
0x248: {  	v2 =	vld [tilespmem:s9+$0x6480];
	[tilespmem:s8+$0x16590] =	vst v3;
	v7 =	vmul.f32 $8.000000000e+00, v7  }
0x249: {  	v3 =	vld [tilespmem:s9+$0x6490];
	[tilespmem:s8+$0x165A0] =	vst v4;
	v5 =	vmul.f32 $8.000000000e+00, v5  }
0x24a: {  	v4 =	vld [tilespmem:s9+$0x64A0];
	[tilespmem:s9+$0x165B0] =	vst v7;
	v6 =	vmul.f32 $8.000000000e+00, v6  }
0x24b: {  	v7 =	vld [tilespmem:s9+$0x64B0];
	[tilespmem:s9+$0x16400] =	vst v5;
	v0 =	vmul.f32 $8.000000000e+00, v0  }
0x24c: {  	v5 =	vld [tilespmem:s9+$0x6500];
	[tilespmem:s9+$0x16410] =	vst v6;
	v1 =	vmul.f32 $8.000000000e+00, v1  }
0x24d: {  	v6 =	vld [tilespmem:s9+$0x6510];
	[tilespmem:s9+$0x16420] =	vst v0;
	v2 =	vmul.f32 $8.000000000e+00, v2  }
0x24e: {  	v0 =	vld [tilespmem:s9+$0x6520];
	[tilespmem:s9+$0x16430] =	vst v1;
	v3 =	vmul.f32 $8.000000000e+00, v3  }
0x24f: {  	v1 =	vld [tilespmem:s9+$0x6530];
	[tilespmem:s9+$0x16480] =	vst v2;
	v4 =	vmul.f32 $8.000000000e+00, v4  }
0x250: {  	v2 =	vld [tilespmem:s9+$0x6580];
	v7 =	vmul.f32 $8.000000000e+00, v7;
	[tilespmem:s9+$0x16490] =	vst v3  }
0x251: {  	v3 =	vld [tilespmem:s9+$0x6590];
	[tilespmem:s9+$0x164A0] =	vst v4;
	v4 =	vmul.f32 $8.000000000e+00, v5  }
0x252: {  	v5 =	vld [tilespmem:s9+$0x65A0];
	v6 =	vmul.f32 $8.000000000e+00, v6;
	[tilespmem:s9+$0x164B0] =	vst v7  }
0x253: {  	v0 =	vmul.f32 $8.000000000e+00, v0;
	[tilespmem:s9+$0x16500] =	vst v4  }
0x254: {  	v1 =	vmul.f32 $8.000000000e+00, v1;
	[tilespmem:s9+$0x16510] =	vst v6  }
0x255: {  	v2 =	vmul.f32 $8.000000000e+00, v2;
	[tilespmem:s9+$0x16520] =	vst v0  }
0x256: {  	v0 =	vmul.f32 $8.000000000e+00, v3;
	[tilespmem:s9+$0x16530] =	vst v1  }
0x257: {  	v1 =	vmul.f32 $8.000000000e+00, v5;
	[tilespmem:s9+$0x16580] =	vst v2  }
0x258: {  	[tilespmem:s9+$0x16590] =	vst v0  }
0x259: {  	s15 =	simm.s32 $0x0;
	s16 =	rddreg [dreg:$0x7];
	[tilespmem:s9+$0x165A0] =	vst v1  }
0x25a: {  	[hbm4b:s16+s15] =	stream.linear.scatter [tilespmem:s30], [sflag:$0x5], $0x4000, $0x38;
	[tilespmem:$0x1E400] =	vst v63  }
0x25b: {  	_ =	swait.ge [sflag:s31], $0x4000  }
0x25c: {  	[sflag:s31] =	ssyncset.done $0x0  }
0x25d: {  	[sflag:s31] =	ssyncadd.s32 $0xFFFFC000  }
0x25e: {  	_ =	swait.ge [sflag:s29], $0x4000  }
0x25f: {  	[sflag:s29] =	ssyncset.done $0x0  }
0x260: {  	s8 =	simm.s32 $0x0;
	[sflag:s29] =	ssyncadd.s32 $0xFFFFC000  }
0x261: {  	v0 =	vld [tilespmem:s8+$0xA5B0]  }
0x262: {  	v1 =	vld [tilespmem:s8+$0xA400]  }
0x263: {  	v2 =	vld [tilespmem:s8+$0xA410]  }
0x264: {  	v3 =	vld [tilespmem:s8+$0xA420]  }
0x265: {  	v4 =	vld [tilespmem:s8+$0xA430]  }
0x266: {  	v5 =	vld [tilespmem:s8+$0xA480];
	v0 =	vmul.f32 $8.000000000e+00, v0  }
0x267: {  	v6 =	vld [tilespmem:s8+$0xA490];
	v1 =	vmul.f32 $8.000000000e+00, v1  }
0x268: {  	v7 =	vld [tilespmem:s8+$0xA4A0];
	[tilespmem:s8+$0x1A5B0] =	vst v0;
	v0 =	vmul.f32 $8.000000000e+00, v2  }
0x269: {  	v8 =	vld [tilespmem:s8+$0xA4B0];
	[tilespmem:s8+$0x1A400] =	vst v1;
	v1 =	vmul.f32 $8.000000000e+00, v3  }
0x26a: {  	v9 =	vld [tilespmem:s8+$0xA500];
	v2 =	vmul.f32 $8.000000000e+00, v4;
	[tilespmem:s8+$0x1A410] =	vst v0  }
0x26b: {  	v10 =	vld [tilespmem:s8+$0xA510];
	v3 =	vmul.f32 $8.000000000e+00, v5;
	[tilespmem:s8+$0x1A420] =	vst v1  }
0x26c: {  	v4 =	vmul.f32 $8.000000000e+00, v6;
	v0 =	vld [tilespmem:s8+$0xA520];
	[tilespmem:s8+$0x1A430] =	vst v2  }
0x26d: {  	v5 =	vmul.f32 $8.000000000e+00, v7;
	v1 =	vld [tilespmem:s8+$0xA530];
	[tilespmem:s8+$0x1A480] =	vst v3  }
0x26e: {  	v7 =	vmul.f32 $8.000000000e+00, v8;
	v2 =	vld [tilespmem:s8+$0xA580];
	[tilespmem:s8+$0x1A490] =	vst v4  }
0x26f: {  	v3 =	vld [tilespmem:s8+$0xA590];
	[tilespmem:s8+$0x1A4A0] =	vst v5;
	v5 =	vmul.f32 $8.000000000e+00, v9  }
0x270: {  	s10 =	simm.s32 $0x1000;
	s9 =	simm.s32 $0x200;
	v6 =	vmul.f32 $8.000000000e+00, v10;
	v4 =	vld [tilespmem:s8+$0xA5A0];
	[tilespmem:s8+$0x1A4B0] =	vst v7  }
.LBB2_22:
0x271: {  	p0 =	sne.s32 s10, $0xF800;
	v7 =	vld [tilespmem:s9+$0xA5B0];
	v0 =	vmul.f32 $8.000000000e+00, v0;
	[tilespmem:s8+$0x1A500] =	vst v5  }
0x272: {  	v5 =	vld [tilespmem:s9+$0xA400];
	v1 =	vmul.f32 $8.000000000e+00, v1;
	[tilespmem:s8+$0x1A510] =	vst v6  }
0x273: {  	v6 =	vld [tilespmem:s9+$0xA410];
	v2 =	vmul.f32 $8.000000000e+00, v2;
	[tilespmem:s8+$0x1A520] =	vst v0  }
0x274: {  	v0 =	vld [tilespmem:s9+$0xA420];
	v3 =	vmul.f32 $8.000000000e+00, v3;
	[tilespmem:s8+$0x1A530] =	vst v1  }
0x275: {  	v1 =	vld [tilespmem:s9+$0xA430];
	v4 =	vmul.f32 $8.000000000e+00, v4;
	[tilespmem:s8+$0x1A580] =	vst v2  }
0x276: {  	v2 =	vld [tilespmem:s9+$0xA480];
	v7 =	vmul.f32 $8.000000000e+00, v7;
	[tilespmem:s8+$0x1A590] =	vst v3  }
0x277: {  	v3 =	vmul.f32 $8.000000000e+00, v5;
	v5 =	vld [tilespmem:s9+$0xA490];
	[tilespmem:s8+$0x1A5A0] =	vst v4;
	s8 =	smov.u32 s9  }
0x278: {  	v4 =	vmul.f32 $8.000000000e+00, v6;
	v6 =	vld [tilespmem:s8+$0xA4A0];
	[tilespmem:s8+$0x1A5B0] =	vst v7  }
0x279: {  	v0 =	vmul.f32 $8.000000000e+00, v0;
	v7 =	vld [tilespmem:s8+$0xA4B0];
	[tilespmem:s8+$0x1A400] =	vst v3  }
0x27a: {  	v1 =	vmul.f32 $8.000000000e+00, v1;
	v3 =	vld [tilespmem:s8+$0xA500];
	[tilespmem:s8+$0x1A410] =	vst v4  }
0x27b: {  	v2 =	vmul.f32 $8.000000000e+00, v2;
	v4 =	vld [tilespmem:s8+$0xA510];
	[tilespmem:s8+$0x1A420] =	vst v0  }
.Ltmp10:
0x27c: {  	v5 =	vmul.f32 $8.000000000e+00, v5;
	v0 =	vld [tilespmem:s8+$0xA520];
	[tilespmem:s8+$0x1A430] =	vst v1;
	(pc) =	sbr.rel @p0 .LBB2_22-.Ltmp10, $4  }
0x27d: {  	v6 =	vmul.f32 $8.000000000e+00, v6;
	v1 =	vld [tilespmem:s8+$0xA530];
	[tilespmem:s8+$0x1A480] =	vst v2  }
0x27e: {  	v7 =	vmul.f32 $8.000000000e+00, v7;
	v2 =	vld [tilespmem:s8+$0xA580];
	[tilespmem:s8+$0x1A490] =	vst v5  }
0x27f: {  	v5 =	vmul.f32 $8.000000000e+00, v3;
	v3 =	vld [tilespmem:s8+$0xA590];
	[tilespmem:s8+$0x1A4A0] =	vst v6  }
0x280: {  	s9 =	sshra.s32 s10, $0x2;
	s10 =	sadd.s32 $0x800, s10;
	v6 =	vmul.f32 $8.000000000e+00, v4;
	v4 =	vld [tilespmem:s8+$0xA5A0];
	[tilespmem:s8+$0x1A4B0] =	vst v7  }
0x281: {  	v7 =	vld [tilespmem:s9+$0xA5B0];
	[tilespmem:s8+$0x1A500] =	vst v5;
	v0 =	vmul.f32 $8.000000000e+00, v0  }
0x282: {  	v5 =	vld [tilespmem:s9+$0xA400];
	[tilespmem:s8+$0x1A510] =	vst v6;
	v1 =	vmul.f32 $8.000000000e+00, v1  }
0x283: {  	v6 =	vld [tilespmem:s9+$0xA410];
	[tilespmem:s8+$0x1A520] =	vst v0;
	v2 =	vmul.f32 $8.000000000e+00, v2  }
0x284: {  	v0 =	vld [tilespmem:s9+$0xA420];
	[tilespmem:s8+$0x1A530] =	vst v1;
	v3 =	vmul.f32 $8.000000000e+00, v3  }
0x285: {  	v1 =	vld [tilespmem:s9+$0xA430];
	[tilespmem:s8+$0x1A580] =	vst v2;
	v4 =	vmul.f32 $8.000000000e+00, v4  }
0x286: {  	v2 =	vld [tilespmem:s9+$0xA480];
	[tilespmem:s8+$0x1A590] =	vst v3;
	v7 =	vmul.f32 $8.000000000e+00, v7  }
0x287: {  	v3 =	vld [tilespmem:s9+$0xA490];
	[tilespmem:s8+$0x1A5A0] =	vst v4;
	v5 =	vmul.f32 $8.000000000e+00, v5  }
0x288: {  	v4 =	vld [tilespmem:s9+$0xA4A0];
	[tilespmem:s9+$0x1A5B0] =	vst v7;
	v6 =	vmul.f32 $8.000000000e+00, v6  }
0x289: {  	v7 =	vld [tilespmem:s9+$0xA4B0];
	[tilespmem:s9+$0x1A400] =	vst v5;
	v0 =	vmul.f32 $8.000000000e+00, v0  }
0x28a: {  	v5 =	vld [tilespmem:s9+$0xA500];
	[tilespmem:s9+$0x1A410] =	vst v6;
	v1 =	vmul.f32 $8.000000000e+00, v1  }
0x28b: {  	v6 =	vld [tilespmem:s9+$0xA510];
	[tilespmem:s9+$0x1A420] =	vst v0;
	v2 =	vmul.f32 $8.000000000e+00, v2  }
0x28c: {  	v0 =	vld [tilespmem:s9+$0xA520];
	[tilespmem:s9+$0x1A430] =	vst v1;
	v3 =	vmul.f32 $8.000000000e+00, v3  }
0x28d: {  	v1 =	vld [tilespmem:s9+$0xA530];
	[tilespmem:s9+$0x1A480] =	vst v2;
	v4 =	vmul.f32 $8.000000000e+00, v4  }
0x28e: {  	v2 =	vld [tilespmem:s9+$0xA580];
	v7 =	vmul.f32 $8.000000000e+00, v7;
	[tilespmem:s9+$0x1A490] =	vst v3  }
0x28f: {  	v3 =	vld [tilespmem:s9+$0xA590];
	[tilespmem:s9+$0x1A4A0] =	vst v4;
	v4 =	vmul.f32 $8.000000000e+00, v5  }
0x290: {  	v5 =	vld [tilespmem:s9+$0xA5A0];
	v6 =	vmul.f32 $8.000000000e+00, v6;
	[tilespmem:s9+$0x1A4B0] =	vst v7  }
0x291: {  	v0 =	vmul.f32 $8.000000000e+00, v0;
	[tilespmem:s9+$0x1A500] =	vst v4  }
0x292: {  	v1 =	vmul.f32 $8.000000000e+00, v1;
	[tilespmem:s9+$0x1A510] =	vst v6  }
0x293: {  	v2 =	vmul.f32 $8.000000000e+00, v2;
	[tilespmem:s9+$0x1A520] =	vst v0  }
0x294: {  	v0 =	vmul.f32 $8.000000000e+00, v3;
	[tilespmem:s9+$0x1A530] =	vst v1  }
0x295: {  	v1 =	vmul.f32 $8.000000000e+00, v5;
	[tilespmem:s9+$0x1A580] =	vst v2  }
0x296: {  	[tilespmem:s9+$0x1A590] =	vst v0  }
0x297: {  	s15 =	simm.s32 $0x0;
	s16 =	rddreg [dreg:$0x8];
	[tilespmem:s9+$0x1A5A0] =	vst v1  }
0x298: {  	[hbm4b:s16+s15] =	stream.linear.scatter [tilespmem:s0], [sflag:$0x6], $0x4000, $0x38;
	[tilespmem:$0x1E400] =	vst v63  }
0x299: {  	_ =	swait.ge [sflag:s23], $0x4000  }
0x29a: {  	[sflag:s23] =	ssyncset.done $0x0  }
0x29b: {  	[sflag:s23] =	ssyncadd.s32 $0xFFFFC000  }
0x29c: {  	_ =	swait.ge [sflag:s25], $0x4000  }
0x29d: {  	[sflag:s25] =	ssyncset.done $0x0  }
0x29e: {  	s8 =	simm.s32 $0x0;
	[sflag:s25] =	ssyncadd.s32 $0xFFFFC000  }
0x29f: {  	v0 =	vld [tilespmem:s8+$0xE5B0]  }
0x2a0: {  	v1 =	vld [tilespmem:s8+$0xE400]  }
0x2a1: {  	v2 =	vld [tilespmem:s8+$0xE410]  }
0x2a2: {  	v3 =	vld [tilespmem:s8+$0xE420]  }
0x2a3: {  	v4 =	vld [tilespmem:s8+$0xE430]  }
0x2a4: {  	v5 =	vld [tilespmem:s8+$0xE480];
	v0 =	vmul.f32 $8.000000000e+00, v0  }
0x2a5: {  	v6 =	vld [tilespmem:s8+$0xE490];
	v1 =	vmul.f32 $8.000000000e+00, v1  }
0x2a6: {  	v7 =	vld [tilespmem:s8+$0xE4A0];
	[tilespmem:s8+$0x165B0] =	vst v0;
	v0 =	vmul.f32 $8.000000000e+00, v2  }
0x2a7: {  	v8 =	vld [tilespmem:s8+$0xE4B0];
	[tilespmem:s8+$0x16400] =	vst v1;
	v1 =	vmul.f32 $8.000000000e+00, v3  }
0x2a8: {  	v9 =	vld [tilespmem:s8+$0xE500];
	v2 =	vmul.f32 $8.000000000e+00, v4;
	[tilespmem:s8+$0x16410] =	vst v0  }
0x2a9: {  	v10 =	vld [tilespmem:s8+$0xE510];
	v3 =	vmul.f32 $8.000000000e+00, v5;
	[tilespmem:s8+$0x16420] =	vst v1  }
0x2aa: {  	v4 =	vmul.f32 $8.000000000e+00, v6;
	v0 =	vld [tilespmem:s8+$0xE520];
	[tilespmem:s8+$0x16430] =	vst v2  }
0x2ab: {  	v5 =	vmul.f32 $8.000000000e+00, v7;
	v1 =	vld [tilespmem:s8+$0xE530];
	[tilespmem:s8+$0x16480] =	vst v3  }
0x2ac: {  	v7 =	vmul.f32 $8.000000000e+00, v8;
	v2 =	vld [tilespmem:s8+$0xE580];
	[tilespmem:s8+$0x16490] =	vst v4  }
0x2ad: {  	v3 =	vld [tilespmem:s8+$0xE590];
	[tilespmem:s8+$0x164A0] =	vst v5;
	v5 =	vmul.f32 $8.000000000e+00, v9  }
0x2ae: {  	s10 =	simm.s32 $0x1000;
	s9 =	simm.s32 $0x200;
	v6 =	vmul.f32 $8.000000000e+00, v10;
	v4 =	vld [tilespmem:s8+$0xE5A0];
	[tilespmem:s8+$0x164B0] =	vst v7  }
.LBB2_24:
0x2af: {  	p0 =	sne.s32 s10, $0xF800;
	v7 =	vld [tilespmem:s9+$0xE5B0];
	v0 =	vmul.f32 $8.000000000e+00, v0;
	[tilespmem:s8+$0x16500] =	vst v5  }
0x2b0: {  	v5 =	vld [tilespmem:s9+$0xE400];
	v1 =	vmul.f32 $8.000000000e+00, v1;
	[tilespmem:s8+$0x16510] =	vst v6  }
0x2b1: {  	v6 =	vld [tilespmem:s9+$0xE410];
	v2 =	vmul.f32 $8.000000000e+00, v2;
	[tilespmem:s8+$0x16520] =	vst v0  }
0x2b2: {  	v0 =	vld [tilespmem:s9+$0xE420];
	v3 =	vmul.f32 $8.000000000e+00, v3;
	[tilespmem:s8+$0x16530] =	vst v1  }
0x2b3: {  	v1 =	vld [tilespmem:s9+$0xE430];
	v4 =	vmul.f32 $8.000000000e+00, v4;
	[tilespmem:s8+$0x16580] =	vst v2  }
0x2b4: {  	v2 =	vld [tilespmem:s9+$0xE480];
	v7 =	vmul.f32 $8.000000000e+00, v7;
	[tilespmem:s8+$0x16590] =	vst v3  }
0x2b5: {  	v3 =	vmul.f32 $8.000000000e+00, v5;
	v5 =	vld [tilespmem:s9+$0xE490];
	[tilespmem:s8+$0x165A0] =	vst v4;
	s8 =	smov.u32 s9  }
0x2b6: {  	v4 =	vmul.f32 $8.000000000e+00, v6;
	v6 =	vld [tilespmem:s8+$0xE4A0];
	[tilespmem:s8+$0x165B0] =	vst v7  }
0x2b7: {  	v0 =	vmul.f32 $8.000000000e+00, v0;
	v7 =	vld [tilespmem:s8+$0xE4B0];
	[tilespmem:s8+$0x16400] =	vst v3  }
0x2b8: {  	v1 =	vmul.f32 $8.000000000e+00, v1;
	v3 =	vld [tilespmem:s8+$0xE500];
	[tilespmem:s8+$0x16410] =	vst v4  }
0x2b9: {  	v2 =	vmul.f32 $8.000000000e+00, v2;
	v4 =	vld [tilespmem:s8+$0xE510];
	[tilespmem:s8+$0x16420] =	vst v0  }
.Ltmp11:
0x2ba: {  	v5 =	vmul.f32 $8.000000000e+00, v5;
	v0 =	vld [tilespmem:s8+$0xE520];
	[tilespmem:s8+$0x16430] =	vst v1;
	(pc) =	sbr.rel @p0 .LBB2_24-.Ltmp11, $4  }
0x2bb: {  	v6 =	vmul.f32 $8.000000000e+00, v6;
	v1 =	vld [tilespmem:s8+$0xE530];
	[tilespmem:s8+$0x16480] =	vst v2  }
0x2bc: {  	v7 =	vmul.f32 $8.000000000e+00, v7;
	v2 =	vld [tilespmem:s8+$0xE580];
	[tilespmem:s8+$0x16490] =	vst v5  }
0x2bd: {  	v5 =	vmul.f32 $8.000000000e+00, v3;
	v3 =	vld [tilespmem:s8+$0xE590];
	[tilespmem:s8+$0x164A0] =	vst v6  }
0x2be: {  	s9 =	sshra.s32 s10, $0x2;
	s10 =	sadd.s32 $0x800, s10;
	v6 =	vmul.f32 $8.000000000e+00, v4;
	v4 =	vld [tilespmem:s8+$0xE5A0];
	[tilespmem:s8+$0x164B0] =	vst v7  }
0x2bf: {  	v7 =	vld [tilespmem:s9+$0xE5B0];
	[tilespmem:s8+$0x16500] =	vst v5;
	v0 =	vmul.f32 $8.000000000e+00, v0  }
0x2c0: {  	v5 =	vld [tilespmem:s9+$0xE400];
	[tilespmem:s8+$0x16510] =	vst v6;
	v1 =	vmul.f32 $8.000000000e+00, v1  }
0x2c1: {  	v6 =	vld [tilespmem:s9+$0xE410];
	[tilespmem:s8+$0x16520] =	vst v0;
	v2 =	vmul.f32 $8.000000000e+00, v2  }
0x2c2: {  	v0 =	vld [tilespmem:s9+$0xE420];
	[tilespmem:s8+$0x16530] =	vst v1;
	v3 =	vmul.f32 $8.000000000e+00, v3  }
0x2c3: {  	v1 =	vld [tilespmem:s9+$0xE430];
	[tilespmem:s8+$0x16580] =	vst v2;
	v4 =	vmul.f32 $8.000000000e+00, v4  }
0x2c4: {  	v2 =	vld [tilespmem:s9+$0xE480];
	[tilespmem:s8+$0x16590] =	vst v3;
	v7 =	vmul.f32 $8.000000000e+00, v7  }
0x2c5: {  	v3 =	vld [tilespmem:s9+$0xE490];
	[tilespmem:s8+$0x165A0] =	vst v4;
	v5 =	vmul.f32 $8.000000000e+00, v5  }
0x2c6: {  	v4 =	vld [tilespmem:s9+$0xE4A0];
	[tilespmem:s9+$0x165B0] =	vst v7;
	v6 =	vmul.f32 $8.000000000e+00, v6  }
0x2c7: {  	v7 =	vld [tilespmem:s9+$0xE4B0];
	[tilespmem:s9+$0x16400] =	vst v5;
	v0 =	vmul.f32 $8.000000000e+00, v0  }
0x2c8: {  	v5 =	vld [tilespmem:s9+$0xE500];
	[tilespmem:s9+$0x16410] =	vst v6;
	v1 =	vmul.f32 $8.000000000e+00, v1  }
0x2c9: {  	v6 =	vld [tilespmem:s9+$0xE510];
	[tilespmem:s9+$0x16420] =	vst v0;
	v2 =	vmul.f32 $8.000000000e+00, v2  }
0x2ca: {  	v0 =	vld [tilespmem:s9+$0xE520];
	[tilespmem:s9+$0x16430] =	vst v1;
	v3 =	vmul.f32 $8.000000000e+00, v3  }
0x2cb: {  	v1 =	vld [tilespmem:s9+$0xE530];
	[tilespmem:s9+$0x16480] =	vst v2;
	v4 =	vmul.f32 $8.000000000e+00, v4  }
0x2cc: {  	v2 =	vld [tilespmem:s9+$0xE580];
	v7 =	vmul.f32 $8.000000000e+00, v7;
	[tilespmem:s9+$0x16490] =	vst v3  }
0x2cd: {  	v3 =	vld [tilespmem:s9+$0xE590];
	[tilespmem:s9+$0x164A0] =	vst v4;
	v4 =	vmul.f32 $8.000000000e+00, v5  }
0x2ce: {  	v5 =	vld [tilespmem:s9+$0xE5A0];
	v6 =	vmul.f32 $8.000000000e+00, v6;
	[tilespmem:s9+$0x164B0] =	vst v7  }
0x2cf: {  	v0 =	vmul.f32 $8.000000000e+00, v0;
	[tilespmem:s9+$0x16500] =	vst v4  }
0x2d0: {  	v1 =	vmul.f32 $8.000000000e+00, v1;
	[tilespmem:s9+$0x16510] =	vst v6  }
0x2d1: {  	v2 =	vmul.f32 $8.000000000e+00, v2;
	[tilespmem:s9+$0x16520] =	vst v0  }
0x2d2: {  	v0 =	vmul.f32 $8.000000000e+00, v3;
	[tilespmem:s9+$0x16530] =	vst v1  }
0x2d3: {  	v1 =	vmul.f32 $8.000000000e+00, v5;
	[tilespmem:s9+$0x16580] =	vst v2  }
0x2d4: {  	[tilespmem:s9+$0x16590] =	vst v0  }
0x2d5: {  	s15 =	simm.s32 $0x0;
	s16 =	rddreg [dreg:$0x9];
	[tilespmem:s9+$0x165A0] =	vst v1  }
0x2d6: {  	[hbm4b:s16+s15] =	stream.linear.scatter [tilespmem:s30], [sflag:$0x5], $0x4000, $0x38;
	[tilespmem:$0x1E400] =	vst v63  }
0x2d7: {  	_ =	swait.ge [sflag:s1], $0x4000  }
0x2d8: {  	[sflag:s1] =	ssyncset.done $0x0  }
0x2d9: {  	[sflag:s1] =	ssyncadd.s32 $0xFFFFC000  }
0x2da: {  	_ =	swait.ge [sflag:s29], $0x4000  }
0x2db: {  	[sflag:s29] =	ssyncset.done $0x0  }
0x2dc: {  	s8 =	simm.s32 $0x0;
	[sflag:s29] =	ssyncadd.s32 $0xFFFFC000  }
0x2dd: {  	v0 =	vld [tilespmem:s8+$0x125B0]  }
0x2de: {  	v1 =	vld [tilespmem:s8+$0x12400]  }
0x2df: {  	v2 =	vld [tilespmem:s8+$0x12410]  }
0x2e0: {  	v3 =	vld [tilespmem:s8+$0x12420]  }
0x2e1: {  	v4 =	vld [tilespmem:s8+$0x12430]  }
0x2e2: {  	v5 =	vld [tilespmem:s8+$0x12480];
	v0 =	vmul.f32 $8.000000000e+00, v0  }
0x2e3: {  	v6 =	vld [tilespmem:s8+$0x12490];
	v1 =	vmul.f32 $8.000000000e+00, v1  }
0x2e4: {  	v7 =	vld [tilespmem:s8+$0x124A0];
	[tilespmem:s8+$0x1A5B0] =	vst v0;
	v0 =	vmul.f32 $8.000000000e+00, v2  }
0x2e5: {  	v8 =	vld [tilespmem:s8+$0x124B0];
	[tilespmem:s8+$0x1A400] =	vst v1;
	v1 =	vmul.f32 $8.000000000e+00, v3  }
0x2e6: {  	v9 =	vld [tilespmem:s8+$0x12500];
	v2 =	vmul.f32 $8.000000000e+00, v4;
	[tilespmem:s8+$0x1A410] =	vst v0  }
0x2e7: {  	v10 =	vld [tilespmem:s8+$0x12510];
	v3 =	vmul.f32 $8.000000000e+00, v5;
	[tilespmem:s8+$0x1A420] =	vst v1  }
0x2e8: {  	v4 =	vmul.f32 $8.000000000e+00, v6;
	v0 =	vld [tilespmem:s8+$0x12520];
	[tilespmem:s8+$0x1A430] =	vst v2  }
0x2e9: {  	v5 =	vmul.f32 $8.000000000e+00, v7;
	v1 =	vld [tilespmem:s8+$0x12530];
	[tilespmem:s8+$0x1A480] =	vst v3  }
0x2ea: {  	v7 =	vmul.f32 $8.000000000e+00, v8;
	v2 =	vld [tilespmem:s8+$0x12580];
	[tilespmem:s8+$0x1A490] =	vst v4  }
0x2eb: {  	v3 =	vld [tilespmem:s8+$0x12590];
	[tilespmem:s8+$0x1A4A0] =	vst v5;
	v5 =	vmul.f32 $8.000000000e+00, v9  }
0x2ec: {  	s10 =	simm.s32 $0x1000;
	s9 =	simm.s32 $0x200;
	v6 =	vmul.f32 $8.000000000e+00, v10;
	v4 =	vld [tilespmem:s8+$0x125A0];
	[tilespmem:s8+$0x1A4B0] =	vst v7  }
.LBB2_26:
0x2ed: {  	p0 =	sne.s32 s10, $0xF800;
	v7 =	vld [tilespmem:s9+$0x125B0];
	v0 =	vmul.f32 $8.000000000e+00, v0;
	[tilespmem:s8+$0x1A500] =	vst v5  }
0x2ee: {  	v5 =	vld [tilespmem:s9+$0x12400];
	v1 =	vmul.f32 $8.000000000e+00, v1;
	[tilespmem:s8+$0x1A510] =	vst v6  }
0x2ef: {  	v6 =	vld [tilespmem:s9+$0x12410];
	v2 =	vmul.f32 $8.000000000e+00, v2;
	[tilespmem:s8+$0x1A520] =	vst v0  }
0x2f0: {  	v0 =	vld [tilespmem:s9+$0x12420];
	v3 =	vmul.f32 $8.000000000e+00, v3;
	[tilespmem:s8+$0x1A530] =	vst v1  }
0x2f1: {  	v1 =	vld [tilespmem:s9+$0x12430];
	v4 =	vmul.f32 $8.000000000e+00, v4;
	[tilespmem:s8+$0x1A580] =	vst v2  }
0x2f2: {  	v2 =	vld [tilespmem:s9+$0x12480];
	v7 =	vmul.f32 $8.000000000e+00, v7;
	[tilespmem:s8+$0x1A590] =	vst v3  }
0x2f3: {  	v3 =	vmul.f32 $8.000000000e+00, v5;
	v5 =	vld [tilespmem:s9+$0x12490];
	[tilespmem:s8+$0x1A5A0] =	vst v4;
	s8 =	smov.u32 s9  }
0x2f4: {  	v4 =	vmul.f32 $8.000000000e+00, v6;
	v6 =	vld [tilespmem:s8+$0x124A0];
	[tilespmem:s8+$0x1A5B0] =	vst v7  }
0x2f5: {  	v0 =	vmul.f32 $8.000000000e+00, v0;
	v7 =	vld [tilespmem:s8+$0x124B0];
	[tilespmem:s8+$0x1A400] =	vst v3  }
0x2f6: {  	v1 =	vmul.f32 $8.000000000e+00, v1;
	v3 =	vld [tilespmem:s8+$0x12500];
	[tilespmem:s8+$0x1A410] =	vst v4  }
0x2f7: {  	v2 =	vmul.f32 $8.000000000e+00, v2;
	v4 =	vld [tilespmem:s8+$0x12510];
	[tilespmem:s8+$0x1A420] =	vst v0  }
.Ltmp12:
0x2f8: {  	v5 =	vmul.f32 $8.000000000e+00, v5;
	v0 =	vld [tilespmem:s8+$0x12520];
	[tilespmem:s8+$0x1A430] =	vst v1;
	(pc) =	sbr.rel @p0 .LBB2_26-.Ltmp12, $4  }
0x2f9: {  	v6 =	vmul.f32 $8.000000000e+00, v6;
	v1 =	vld [tilespmem:s8+$0x12530];
	[tilespmem:s8+$0x1A480] =	vst v2  }
0x2fa: {  	v7 =	vmul.f32 $8.000000000e+00, v7;
	v2 =	vld [tilespmem:s8+$0x12580];
	[tilespmem:s8+$0x1A490] =	vst v5  }
0x2fb: {  	v5 =	vmul.f32 $8.000000000e+00, v3;
	v3 =	vld [tilespmem:s8+$0x12590];
	[tilespmem:s8+$0x1A4A0] =	vst v6  }
0x2fc: {  	s9 =	sshra.s32 s10, $0x2;
	s10 =	sadd.s32 $0x800, s10;
	v6 =	vmul.f32 $8.000000000e+00, v4;
	v4 =	vld [tilespmem:s8+$0x125A0];
	[tilespmem:s8+$0x1A4B0] =	vst v7  }
0x2fd: {  	v7 =	vld [tilespmem:s9+$0x125B0];
	[tilespmem:s8+$0x1A500] =	vst v5;
	v0 =	vmul.f32 $8.000000000e+00, v0  }
0x2fe: {  	v5 =	vld [tilespmem:s9+$0x12400];
	[tilespmem:s8+$0x1A510] =	vst v6;
	v1 =	vmul.f32 $8.000000000e+00, v1  }
0x2ff: {  	v6 =	vld [tilespmem:s9+$0x12410];
	[tilespmem:s8+$0x1A520] =	vst v0;
	v2 =	vmul.f32 $8.000000000e+00, v2  }
0x300: {  	v0 =	vld [tilespmem:s9+$0x12420];
	[tilespmem:s8+$0x1A530] =	vst v1;
	v3 =	vmul.f32 $8.000000000e+00, v3  }
0x301: {  	v1 =	vld [tilespmem:s9+$0x12430];
	[tilespmem:s8+$0x1A580] =	vst v2;
	v4 =	vmul.f32 $8.000000000e+00, v4  }
0x302: {  	v2 =	vld [tilespmem:s9+$0x12480];
	[tilespmem:s8+$0x1A590] =	vst v3;
	v7 =	vmul.f32 $8.000000000e+00, v7  }
0x303: {  	v3 =	vld [tilespmem:s9+$0x12490];
	[tilespmem:s8+$0x1A5A0] =	vst v4;
	v5 =	vmul.f32 $8.000000000e+00, v5  }
0x304: {  	v4 =	vld [tilespmem:s9+$0x124A0];
	[tilespmem:s9+$0x1A5B0] =	vst v7;
	v6 =	vmul.f32 $8.000000000e+00, v6  }
0x305: {  	v53 =	vld [tilespmem:s9+$0x124B0];
	[tilespmem:s9+$0x1A400] =	vst v5;
	v0 =	vmul.f32 $8.000000000e+00, v0  }
0x306: {  	v54 =	vld [tilespmem:s9+$0x12500];
	[tilespmem:s9+$0x1A410] =	vst v6;
	v1 =	vmul.f32 $8.000000000e+00, v1  }
0x307: {  	v55 =	vld [tilespmem:s9+$0x12510];
	[tilespmem:s9+$0x1A420] =	vst v0;
	v2 =	vmul.f32 $8.000000000e+00, v2  }
0x308: {  	v56 =	vld [tilespmem:s9+$0x12520];
	[tilespmem:s9+$0x1A430] =	vst v1;
	v3 =	vmul.f32 $8.000000000e+00, v3  }
0x309: {  	v57 =	vld [tilespmem:s9+$0x12530];
	[tilespmem:s9+$0x1A480] =	vst v2;
	v4 =	vmul.f32 $8.000000000e+00, v4  }
0x30a: {  	v58 =	vld [tilespmem:s9+$0x12580];
	v7 =	vmul.f32 $8.000000000e+00, v53;
	[tilespmem:s9+$0x1A490] =	vst v3  }
0x30b: {  	v59 =	vld [tilespmem:s9+$0x12590];
	v60 =	vmul.f32 $8.000000000e+00, v54;
	[tilespmem:s9+$0x1A4A0] =	vst v4  }
0x30c: {  	v61 =	vld [tilespmem:s9+$0x125A0];
	v6 =	vmul.f32 $8.000000000e+00, v55;
	[tilespmem:s9+$0x1A4B0] =	vst v7  }
0x30d: {  	v0 =	vmul.f32 $8.000000000e+00, v56;
	[tilespmem:s9+$0x1A500] =	vst v60  }
0x30e: {  	v1 =	vmul.f32 $8.000000000e+00, v57;
	[tilespmem:s9+$0x1A510] =	vst v6  }
0x30f: {  	v2 =	vmul.f32 $8.000000000e+00, v58;
	[tilespmem:s9+$0x1A520] =	vst v0  }
0x310: {  	v62 =	vmul.f32 $8.000000000e+00, v59;
	[tilespmem:s9+$0x1A530] =	vst v1  }
0x311: {  	v63 =	vmul.f32 $8.000000000e+00, v61;
	[tilespmem:s9+$0x1A580] =	vst v2  }
0x312: {  	[tilespmem:s9+$0x1A590] =	vst v62  }
0x313: {  	s7 =	sadd.s32 $0x1, s7;
	[tilespmem:s9+$0x1A5A0] =	vst v63  }
0x314: {  	[hbm4b:s17+s2] =	stream.linear.scatter [tilespmem:s0], [sflag:$0x6], $0x4000, $0x38;
	[tilespmem:$0x1E400] =	vst v63  }
0x315: {  	p0 =	sne.s32 s7, s18;
	_ =	swait.ge [sflag:s25], $0x4000  }
.Ltmp13:
0x316: {  	[sflag:s25] =	ssyncset.done $0x0;
	(pc) =	sbr.rel @p0 .LBB2_1-.Ltmp13, $4  }
0x317: {  	[sflag:s25] =	ssyncadd.s32 $0xFFFFC000  }
0x318: {  	_ =	swait.ge [sflag:s29], $0x4000  }
0x319: {  	[sflag:s29] =	ssyncset.done $0x0  }
0x31a: {  	[sflag:s29] =	ssyncadd.s32 $0xFFFFC000  }
0x31b: {  	_ =	sfence.sel $0x180000  }
0x31c: {  	[bflag:$0x0] =	sbarrier.arrive $0xFFFF  }
0x31d: {  	_ =	strace $0x90000047  }
0x31e: {  	s0 =	stileid.u32;
	[bflag:$0x2] =	sbarrier.arrive $0xFFFF  }
0x31f: {  	p0 =	sne.s32 s0, $0x0;
	s0 =	rddreg [dreg:$0x2]  }
0x320: {  	s0 =	sadd.s32 @!p0 $0x100000, s0  }
0x321: {  	[sflag:s0] =	ssyncadd.tile.s32 @!p0 $0x1;
	_ =	shalt  }
.Lfunc_end2:
_tile_overlayer_lowered:
.L_overlay_start_2:
0x322: {  	(tag) =	ssettag $0x2  }
0x323: {  	s0 =	rddreg [dreg:$0x0];
	s2 =	stileid.u32  }
0x324: {  	s1 =	rddreg [dreg:$0x1];
	p0 =	sne.s32 s2, $0x0  }
0x325: {  	s3 =	rddreg [dreg:$0x2];
	[bflag:$0x3] =	sbarrier.arrive $0xFFFF;
	s2 =	simm.s32 @!p0 $0x1C07  }
0x326: {  	[timem:s3], [sflag:s2] =	dma.local @!p0 [hbm:s0], s1  }
0x327: {  	s0 =	simm.s32 @!p0 $0x7  }
0x328: {  	_ =	swait.ge @!p0 [sflag:s0], s1  }
0x329: {  	s1 =	ssub.s32 @!p0 $0x0, s1;
	[sflag:s0] =	ssyncset.done @!p0 $0x0  }
0x32a: {  	[sflag:s0] =	ssyncadd.s32 @!p0 s1  }
0x32b: {  	[bflag:$0x3] =	sbarrier.arrive $0xFFFF  }
0x32c: {  	_ =	shalt  }

// kernel: sparse-core-data-format-call.cloned.1.call-start
scs
called_computation_lowered:
.L_overlay_start_0:
0x0: {  	s2 =	sld [smem:$0x3FD9]  }
0x1: {  	s3 =	sld [smem:$0x3FFE];
	_ =	sdelay $0x1  }
0x2: {  	s1 =	srdreg.scid  }
0x3: {  	s0 =	sand.u32 $0x1, s1  }
0x4: {  	s18 =	sshll.u32 s0, $0xA;
	s2 =	sadd.s32 s3, s2  }
0x5: {  	s2 =	sadd.s32 s2, s18  }
0x6: {  	[smem:$0x3FC6] =	sst s2  }
0x7: {  	_ = 	snop  }
0x8: {  	s2 =	sld [smem:$0x3FD0];
	(tm) =	ssettm $0x1  }
0x9: {  	s19 =	sld [smem:$0x3FFB];
	_ =	sdelay $0x3  }
0xa: {  	_ =	strace s19  }
0xb: {  	s3 =	sld [smem:$0x3FFC];
	_ =	sdelay $0x3  }
0xc: {  	_ =	strace s3  }
0xd: {  	s3 =	sld [smem:$0x3FFD];
	_ =	sdelay $0x3  }
0xe: {  	_ =	strace s3  }
0xf: {  	_ =	strace $0x8FFFFFFF  }
0x10: {  	s20 =	sld [smem:$0x3FDB];
	_ =	sdelay $0x1  }
0x11: {  	s4 =	simm.s32 $_scs_section_size  }
0x12: {  	s5 =	simm.s32 $_size__tile_overlayer_lowered;
	s6 =	simm.s32 $_tile_overlayer_lowered  }
0x13: {  	s23 =	simm.s32 $0x1BFF;
	s22 =	sshll.u32 s6, $0x1;
	s3 =	sadd.s32 s4, s20  }
0x14: {  	s7 =	simm.s32 $0x0;
	s21 =	sshll.u32 s5, $0x1;
	s5 =	sadd.s32 s22, s3  }
0x15: {  	[timem:s7], [sflag:s23] =	dma.local [hbm:s5], s21  }
0x16: {  	_ =	swait.ge [sflag:s23], s21  }
0x17: {  	s4 =	ssub.s32 $0x0, s21;
	[sflag:s23] =	ssyncset.done $0x0  }
0x18: {  	[sflag:s23] =	ssyncadd.s32 s4;
	_ =	sdelay $0x1  }
0x19: {  	s24 =	simm.s32 $0x1B8B  }
0x1a: {  	_ =	swait.ge [sflag:s24], $0x1  }
0x1b: {  	[sflag:s24] =	ssyncset.done $0x0  }
0x1c: {  	s26 =	simm.s32 $0x1B8E;
	s25 =	sld [smem:$0x3FFE];
	[sflag:s24] =	ssyncadd.s32 $0xFFFFFFFF  }
0x1d: {  	s27 =	simm.s32 $execute0_lowered;
	[smem:$0x3FD2] =	sst s26  }
0x1e: {  	s5 =	sshll.u32 s27, $0x1;
	_ =	strace $0x80000049;
	[dreg:$0x1] =	wrdreg $0xFFFFFFFF  }
0x1f: {  	s28 =	simm.s32 $_size_execute0_lowered;
	s3 =	sadd.s32 s3, s5;
	[dreg:$0x0] =	wrdreg $0x0  }
0x20: {  	s5 =	sshll.u32 s28, $0x1;
	[dreg:$0x2] =	wrdreg s3  }
0x21: {  	[dreg:$0x3] =	wrdreg s5  }
0x22: {  	[dreg:$0x4] =	wrdreg $0xC0  }
0x23: {  	_ =	task [dreg:s7], $0x5FFFF  }
0x24: {  	[dreg:$0x1] =	wrdreg $0xFFFFFFFF  }
0x25: {  	[dreg:$0x0] =	wrdreg $0x60  }
0x26: {  	[dreg:$0x2] =	wrdreg s25  }
0x27: {  	[dreg:$0x3] =	wrdreg s2  }
0x28: {  	[dreg:$0x4] =	wrdreg $0x9  }
0x29: {  	_ =	task.clear_ibuf [dreg:s7], $0x5FFFF;
	_ =	strace $0x90000049  }
0x2a: {  	s29 =	simm.s32 $0x9;
	_ =	strace $0x8000004B  }
0x2b: {  	_ =	swait.ge [sflag:s29], $0x1  }
0x2c: {  	[sflag:s29] =	ssyncadd.s32 $0xFFFFFFFF  }
0x2d: {  	_ =	strace $0x9000004B  }
0x2e: {  	_ =	sfence  }
0x2f: {  	s30 =	sld [smem:$0x0];
	_ =	sdelay $0x2  }
0x30: {  	s31 =	sshll.u32 s1, $0xD;
	s1 =	sshrl.u32 s1, $0x2  }
0x31: {  	s3 =	sand.u32 $0x4000, s31;
	s1 =	sadd.s32 s1, s30  }
0x32: {  	s0 =	sor.u32 s3, s0;
	s1 =	sshll.u32 s1, $0x11  }
0x33: {  	s0 =	sor.u32 s1, s0  }
0x34: {  	s0 =	sadd.s32 $0x8F2B, s0  }
0x35: {  	[sflag:s0] =	ssyncadd.remote.s32 $0x1  }
0x36: {  	_ =	sfence.sel $0xFFFF  }
0x37: {  	[dreg:$0x0] =	wrdreg $0xFFFFFFFF;
	(pc) =	sbr.abs _section_cstart, $3  }
0x38: {  	[dreg:$0x1] =	wrdreg $0xFFFFFFFF  }
0x39: {  	_ =	task.clear_ibuf [dreg:s7], $0x2FFFF;
	_ =	strace $0x9FFFFFFF  }
0x3a: {  	(tm) =	ssettm $0x7FFFFFFF  }
0x3b: {  	_ =	shalt  }
tec
execute0_lowered:
.L_overlay_start_1:
0x0: {  	(tag) =	ssettag $0x1  }
0x1: {  	s0 =	srdreg.scid  }
0x2: {  	s1 =	sshll.u32 s0, $0x4  }
0x3: {  	s0 =	stileid.u32;
	s1 =	sand.u32 $0x10, s1  }
0x4: {  	s1 =	sor.u32 s0, s1  }
0x5: {  	s6 =	rddreg [dreg:$0x0];
	s4 =	simm.s32 $0x1;
	s2 =	sshll.u32 s1, $0x7  }
0x6: {  	s7 =	simm.s32 $0x2;
	s12 =	simm.s32 $0x0;
	s1 =	ssub.s32 $0x1000, s2  }
0x7: {  	s8 =	simm.s32 $0x8000;
	s13 =	simm.s32 $0x0;
	s3 =	sand.u32 $0xF80, s1  }
0x8: {  	s9 =	simm.s32 $0x0;
	s5 =	sshrl.u32 s1, $0xC;
	p0 =	sne.s32 s3, $0x0  }
.Ltmp0:
0x9: {  	s1 =	rddreg [dreg:$0x2];
	s4 =	simm.s32 @!p0 $0x0;
	(pc) =	sbr.rel .LBB1_1-.Ltmp0, $4  }
0xa: {  	s11 =	simm.s32 $0x0;
	s3 =	rddreg [dreg:$0x1];
	s5 =	sadd.s32 s4, s5  }
0xb: {  	_ =	strace $0x8000004A;
	s4 =	simm.s32 $0x1;
	s5 =	smul.u32 $0xC8, s5  }
0xc: {  	s6 =	sadd.s32 $0xA00, s6;
	s10 =	smov.u32 s2;
	[sflag:s4] =	ssyncpa.u1 $0x0  }
0xd: {  	p0 =	por $0x0, $0x0;
	[sflag:s7] =	ssyncpa.u1 $0x0;
	s7 =	sor.u32 $0x1, s5  }
.LBB1_4:
0xe: {  	s16 =	sshll.u32 s13, $0x3;
	s17 =	sand.u32 $0x78, s13  }
0xf: {  	s30 =	sand.u32 $0x7E00, s13;
	s12 =	sshll.u32 s12, $0xF;
	s16 =	sand.u32 $0xC00, s16  }
0x10: {  	[tilespmem:s15+$0x810 ss:$0x81] =	vst.msk $0xffff, v2;
	s31 =	sand.u32 $0x7, s13;
	s16 =	sor.u32 s17, s16;
	s17 =	sadd.s32 s3, s30  }
0x11: {  	[tilespmem:s15+$0x1020 ss:$0x81] =	vst.msk $0xffff, v0;
	s13 =	sshll.u32 s31, $0x12;
	s12 =	sadd.s32 s12, s17;
	s16 =	sshrl.u32 s16, $0x3  }
0x12: {  	[tilespmem:s15+$0x0 ss:$0x81] =	vst.msk $0xffff, v1;
	s13 =	sor.u32 $0x400, s13;
	s12 =	sadd.s32 s16, s12  }
0x13: {  	[hbm4b:s12+s13] =	stream.strided.scatter [tilespmem:s14], [sflag:$0x2], $0x2000, s8, s13, $0x20;
	[tilespmem:$0x8080] =	vst v63  }
.LBB1_5:
0x14: {  	s14 =	sadd.s32 $0x1, s9  }
0x15: {  	s12 =	sadd.s32 $0x1000, s10;
	s16 =	smov.u32 s10;
	p2 =	sgt.s32 s14, $0xC7  }
0x16: {  	s16 =	smov.u32 @p2 s12  }
0x17: {  	s14 =	simm.s32 @p2 $0x0;
	p2 =	sgt.s32 s16, $0xFFF  }
0x18: {  	s16 =	smov.u32 @p2 s2;
	p2 =	sne.s32 s11, s7  }
.Ltmp1:
0x19: {  	p1 =	slt.u32 s11, $0x2;
	(pc) =	sbr.rel @!p2 .LBB1_6-.Ltmp1, $4  }
0x1a: {  	s15 =	simm.s32 @!p1 $0x2  }
0x1b: {  	s13 =	smov.u32 s10;
	p0 =	por !p0, !p0;
	_ =	swait.ge @!p1 [sflag:s15], $0x2000  }
0x1c: {  	s12 =	smov.u32 s9;
	[sflag:s15] =	ssyncset.done @!p1 $0x0;
	s9 =	smov.u32 s14  }
0x1d: {  	s11 =	sadd.s32 $0x1, s11;
	[sflag:s15] =	ssyncadd.s32 @!p1 $0xFFFFE000;
	s10 =	smov.u32 s16  }
.LBB1_1:
0x1e: {  	p1 =	sge.u32 s11, s5  }
0x1f: {  	s14 =	sand.u32 @!p1 $0x1FFFFFF, s9  }
0x20: {  	s15 =	smulhi.u32 @!p1 $0x147AE15, s14;
	_ =	sdelay $0x1  }
0x21: {  	s15 =	smul.u32 @!p1 $0xC8, s15  }
0x22: {  	s16 =	sxor.u32 @!p1 $0xFFFFFFFF, s11;
	s17 =	smul.u32 @!p1 $0xC80, s10  }
0x23: {  	s31 =	sadd.s32 $0xFFFFFFFF, s11;
	s16 =	sshll.u32 @!p1 s16, $0xD;
	s14 =	ssub.s32 @!p1 s14, s15  }
0x24: {  	s15 =	sand.u32 @!p1 $0x2000, s16;
	s16 =	sadd.s32 @!p1 s6, s17;
	s14 =	sshll.u32 @!p1 s14, $0x4  }
0x25: {  	s17 =	simm.s32 @!p1 $0x6400;
	s14 =	sadd.s32 @!p1 s14, s16;
	s16 =	simm.s32 @!p1 $0x40  }
0x26: {  	[tilespmem:s15], [sflag:$0x1] =	stream.strided.gather @!p1 [hbm4b:s14+s16], $0x2000, s17, s16, $0x38;
	[tilespmem:$0x8080] =	vst v63  }
0x27: {  	p1 =	sge.u32 s31, s5  }
.Ltmp2:
0x28: {  	_ = 	snop;
	(pc) =	sbr.rel @p1 .LBB1_5-.Ltmp2, $1  }
0x29: {  	_ =	sdelay $0x3  }
0x2a: {  	s14 =	simm.s32 $0x1  }
0x2b: {  	_ =	swait.ge [sflag:s4], $0x2000;
	s14 =	simm.s32 @!p0 $0x0  }
0x2c: {  	[sflag:s4] =	ssyncset.done $0x0;
	s15 =	sshll.u32 s14, $0xD  }
0x2d: {  	[sflag:s4] =	ssyncadd.s32 $0xFFFFE000;
	s18 =	sor.u32 $0x20, s15  }
0x2e: {  	s14 =	smul.u32 $0x8100, s14;
	v3 =	vld [tilespmem:s18+$0x10]  }
0x2f: {  	s30 =	sand.u32 $0x1, s11;
	v2 =	vld [tilespmem:s18+$0xFFFFFFF0]  }
0x30: {  	s15 =	smul.u32 $0x8100, s30;
	s14 =	sshrl.u32 s14, $0x2;
	v0 =	vld [tilespmem:s18+$0x0]  }
0x31: {  	v1 =	vld [tilespmem:s18+$0xFFFFFFE0];
	s16 =	sor.u32 $0x4000, s14  }
0x32: {  	s31 =	sshrl.u32 s15, $0x2;
	s15 =	sadd.s32 $0x0, s16  }
0x33: {  	s17 =	simm.s32 $0x4;
	s18 =	sadd.s32 $0x40, s18;
	s14 =	sor.u32 $0x4000, s31;
	[tilespmem:s15+$0x1830 ss:$0x81] =	vst.msk $0xffff, v3  }
.LBB1_3:
0x34: {  	v3 =	vld [tilespmem:s18+$0x10];
	p1 =	sne.s32 s17, $0x1FC;
	[tilespmem:s15+$0x810 ss:$0x81] =	vst.msk $0xffff, v2;
	s19 =	smov.u32 s17;
	s17 =	sadd.s32 $0x4, s17  }
.Ltmp3:
0x35: {  	v2 =	vld [tilespmem:s18+$0xFFFFFFF0];
	[tilespmem:s15+$0x1020 ss:$0x81] =	vst.msk $0xffff, v0;
	(pc) =	sbr.rel @p1 .LBB1_3-.Ltmp3, $4  }
0x36: {  	v0 =	vld [tilespmem:s18+$0x0];
	[tilespmem:s15+$0x0 ss:$0x81] =	vst.msk $0xffff, v1  }
0x37: {  	s15 =	sshra.s32 s19, $0x2;
	v1 =	vld [tilespmem:s18+$0xFFFFFFE0]  }
0x38: {  	s15 =	sadd.s32 s15, s16  }
0x39: {  	s18 =	sadd.s32 $0x40, s18;
	[tilespmem:s15+$0x1830 ss:$0x81] =	vst.msk $0xffff, v3  }
.Ltmp4:
0x3a: {  	_ = 	snop;
	(pc) =	sbr.rel .LBB1_4-.Ltmp4, $1  }
0x3b: {  	_ =	sdelay $0x3  }
.LBB1_6:
0x3c: {  	_ =	sfence.sel $0x180000  }
0x3d: {  	s2 =	simm.s32 $0x1;
	[bflag:$0x0] =	sbarrier.arrive $0xFFFF  }
0x3e: {  	s31 =	simm.s32 $0x2;
	[sflag:s2] =	ssyncpa.u1 $0x1  }
0x3f: {  	[sflag:s31] =	ssyncpa.u1 $0x1  }
0x40: {  	p0 =	sne.s32 s0, $0x0;
	_ =	strace $0x9000004A  }
0x41: {  	s0 =	sadd.s32 @!p0 $0x100000, s1;
	[bflag:$0x2] =	sbarrier.arrive $0xFFFF  }
0x42: {  	[sflag:s0] =	ssyncadd.tile.s32 @!p0 $0x1;
	_ =	shalt  }
.Lfunc_end1:
_tile_overlayer_lowered:
.L_overlay_start_2:
0x43: {  	(tag) =	ssettag $0x2  }
0x44: {  	s0 =	rddreg [dreg:$0x0];
	s2 =	stileid.u32  }
0x45: {  	s1 =	rddreg [dreg:$0x1];
	p0 =	sne.s32 s2, $0x0  }
0x46: {  	s3 =	rddreg [dreg:$0x2];
	[bflag:$0x3] =	sbarrier.arrive $0xFFFF;
	s2 =	simm.s32 @!p0 $0x1C01  }
0x47: {  	[timem:s3], [sflag:s2] =	dma.local @!p0 [hbm:s0], s1  }
0x48: {  	s0 =	simm.s32 @!p0 $0x1  }
0x49: {  	_ =	swait.ge @!p0 [sflag:s0], s1  }
0x4a: {  	s1 =	ssub.s32 @!p0 $0x0, s1;
	[sflag:s0] =	ssyncset.done @!p0 $0x0  }
0x4b: {  	[sflag:s0] =	ssyncadd.s32 @!p0 s1  }
0x4c: {  	[bflag:$0x3] =	sbarrier.arrive $0xFFFF  }
0x4d: {  	_ =	shalt  }

</sc_bundles>
